<compile_context>
chip_gen: v7x
topology: tpu7x:2x2x1
jax: 0.10.2.dev20260603
libtpu: 0.0.44.dev20260713+nightly
codegen_flags: <defaults>
</compile_context>

<pallas_src>
import functools

import jax
import jax.numpy as jnp
import numpy as np
from jax import lax
from jax.experimental import pallas as pl
from jax.experimental.pallas import tpu as pltpu
from jax.experimental.pallas import tpu_sc as plsc

_N = 10000
_E = 320000
_D = 128
_NC = 2
_NS = 16
_CH = 128
_EROWS = _E // _CH
_NROWS = _EROWS // (_NC * _NS)
_XTRA = _EROWS - _NROWS * _NC * _NS
_RPT = 624
_DGR = 1280
_DGRPT = _DGR // _NS

_TAPS = {0: [(0, 1), (-1, 3)], 1: [(1, 0), (0, 2)]}


def _sc_deg_body(dst_hbm, zeros_hbm, out_hbm, table, obuf, didx_all, didx3):
    c = lax.axis_index("c")
    s = lax.axis_index("s")
    r0 = s * _DGRPT
    pltpu.sync_copy(zeros_hbm.at[pl.ds(r0, _DGRPT)], table.at[pl.ds(r0, _DGRPT)])
    pltpu.sync_copy(zeros_hbm.at[pl.ds(0, _CH)], obuf)
    wid = c * _NS + s
    base = wid * _NROWS + jnp.minimum(wid, _XTRA)
    pltpu.sync_copy(dst_hbm.at[pl.ds(base, _NROWS)],
                    didx_all.at[pl.ds(0, _NROWS)])

    @pl.when(wid < _XTRA)
    def _():
        pltpu.sync_copy(dst_hbm.at[pl.ds(base + _NROWS, 1)],
                        didx_all.at[pl.ds(_NROWS, 1)])

    plsc.subcore_barrier()
    ones16 = jnp.full((16,), 1.0, jnp.float32)
    zeros16 = jnp.zeros((16,), jnp.float32)
    iota16 = lax.iota(jnp.int32, 16)

    def _deg_chunk(j):
        for g in range(8):
            v = didx_all[j, 0, pl.ds(g * 16, 16)]
            rows = iota16 + (g * 16)
            cols = (v & 7) * 16
            plsc.store_scatter(obuf, [rows, cols], ones16)
            didx3[pl.ds(g * 16, 16)] = lax.shift_right_logical(v, 3)
        pltpu.sync_copy(obuf, table.at[didx3], add=True)
        for g in range(8):
            v = didx_all[j, 0, pl.ds(g * 16, 16)]
            rows = iota16 + (g * 16)
            cols = (v & 7) * 16
            plsc.store_scatter(obuf, [rows, cols], zeros16)

    @pl.loop(0, _NROWS)
    def _chunk(j):
        _deg_chunk(j)

    @pl.when(wid < _XTRA)
    def _():
        _deg_chunk(_NROWS)

    plsc.subcore_barrier()
    pltpu.sync_copy(table.at[pl.ds(r0, _DGRPT)], out_hbm.at[c, pl.ds(r0, _DGRPT)])


def _sc_scatter_body(g_hbm, zeros_hbm, src_hbm, dst_hbm, out_hbm,
                     accum, gbufa, gbufb, sidx_all, didxa, didxb,
                     sema, semb, semia, semib):
    c = lax.axis_index("c")
    s = lax.axis_index("s")
    r0 = s * _RPT
    rtail = _NS * _RPT

    @pl.when(c == 0)
    def _():
        pltpu.sync_copy(g_hbm.at[pl.ds(r0, _RPT)], accum.at[pl.ds(r0, _RPT)])

        @pl.when(s == _NS - 1)
        def _():
            pltpu.sync_copy(g_hbm.at[pl.ds(rtail, _N - rtail)],
                            accum.at[pl.ds(rtail, _N - rtail)])

    @pl.when(c != 0)
    def _():
        pltpu.sync_copy(zeros_hbm.at[pl.ds(r0, _RPT)], accum.at[pl.ds(r0, _RPT)])

        @pl.when(s == _NS - 1)
        def _():
            pltpu.sync_copy(zeros_hbm.at[pl.ds(rtail, _N - rtail)],
                            accum.at[pl.ds(rtail, _N - rtail)])

    plsc.subcore_barrier()
    wid = c * _NS + s
    base = wid * _NROWS + jnp.minimum(wid, _XTRA)
    ebase = base * _CH
    pltpu.sync_copy(src_hbm.at[pl.ds(base, _NROWS)],
                    sidx_all.at[pl.ds(0, _NROWS)])

    @pl.when(wid < _XTRA)
    def _():
        pltpu.sync_copy(src_hbm.at[pl.ds(base + _NROWS, 1)],
                        sidx_all.at[pl.ds(_NROWS, 1)])

    pltpu.async_copy(dst_hbm.at[pl.ds(ebase, _CH)], didxa, semia)
    pltpu.async_copy(g_hbm.at[sidx_all.at[0, 0]], gbufa, sema)

    @pl.loop(0, _NROWS // 2)
    def _pair(j):
        e1 = ebase + (2 * j + 1) * _CH
        pltpu.async_copy(dst_hbm.at[pl.ds(e1, _CH)], didxb, semib)
        pltpu.async_copy(g_hbm.at[sidx_all.at[2 * j + 1, 0]], gbufb, semb)
        pltpu.make_async_copy(g_hbm.at[sidx_all.at[0, 0]], gbufa, sema).wait()
        pltpu.make_async_copy(dst_hbm.at[pl.ds(ebase, _CH)], didxa,
                              semia).wait()
        pltpu.sync_copy(gbufa, accum.at[didxa], add=True)

        @pl.when(j < _NROWS // 2 - 1)
        def _():
            e2 = ebase + (2 * j + 2) * _CH
            pltpu.async_copy(dst_hbm.at[pl.ds(e2, _CH)], didxa, semia)
            pltpu.async_copy(g_hbm.at[sidx_all.at[2 * j + 2, 0]], gbufa, sema)

        pltpu.make_async_copy(g_hbm.at[sidx_all.at[0, 0]], gbufb, semb).wait()
        pltpu.make_async_copy(dst_hbm.at[pl.ds(ebase, _CH)], didxb,
                              semib).wait()
        pltpu.sync_copy(gbufb, accum.at[didxb], add=True)

    @pl.when(wid < _XTRA)
    def _():
        pltpu.sync_copy(dst_hbm.at[pl.ds(ebase + _NROWS * _CH, _CH)], didxa)
        pltpu.async_copy(g_hbm.at[sidx_all.at[_NROWS, 0]], gbufa, sema).wait()
        pltpu.sync_copy(gbufa, accum.at[didxa], add=True)

    plsc.subcore_barrier()
    pltpu.sync_copy(accum.at[pl.ds(r0, _RPT)], out_hbm.at[c, pl.ds(r0, _RPT)])

    @pl.when(s == _NS - 1)
    def _():
        pltpu.sync_copy(accum.at[pl.ds(rtail, _N - rtail)],
                        out_hbm.at[c, pl.ds(rtail, _N - rtail)])


def _sc_perm_body(o1_hbm, didx_hbm, bidx_hbm, zeros_hbm, out_hbm,
                  buf, zbuf, idxv, bidxv):
    c = lax.axis_index("c")
    s = lax.axis_index("s")
    wid = c * _NS + s
    pltpu.sync_copy(o1_hbm.at[pl.ds(wid * 128, 128)], buf)
    pltpu.sync_copy(didx_hbm.at[pl.ds(wid * 128, 128)], idxv)
    pltpu.sync_copy(zeros_hbm.at[pl.ds(0, 72)], zbuf)
    pltpu.sync_copy(bidx_hbm.at[pl.ds(wid * 72, 72)], bidxv)
    pltpu.sync_copy(buf, out_hbm.at[idxv])
    pltpu.sync_copy(zbuf, out_hbm.at[bidxv])


@functools.cache
def _get_sc_kernels():
    mesh = plsc.VectorSubcoreMesh(core_axis_name="c", subcore_axis_name="s",
                                  num_cores=_NC, num_subcores=_NS)
    sc_deg = pl.kernel(
        _sc_deg_body,
        out_type=jax.ShapeDtypeStruct((_NC, _DGR, _D), jnp.float32),
        mesh=mesh,
        compiler_params=pltpu.CompilerParams(needs_layout_passes=False),
        scratch_types=[
            pltpu.VMEM_SHARED((_DGR, _D), jnp.float32),
            pltpu.VMEM((_CH, _D), jnp.float32),
            pltpu.VMEM((_NROWS + 1, 1, _CH), jnp.int32),
            pltpu.VMEM((_CH,), jnp.int32),
        ],
    )
    sc_scatter = pl.kernel(
        _sc_scatter_body,
        out_type=jax.ShapeDtypeStruct((_NC, _N, _D), jnp.float32),
        mesh=mesh,
        scratch_types=[
            pltpu.VMEM_SHARED((_N, _D), jnp.float32),
            pltpu.VMEM((_CH, _D), jnp.float32),
            pltpu.VMEM((_CH, _D), jnp.float32),
            pltpu.VMEM((_NROWS + 1, 1, _CH), jnp.int32),
            pltpu.VMEM((_CH,), jnp.int32),
            pltpu.VMEM((_CH,), jnp.int32),
            pltpu.SemaphoreType.DMA,
            pltpu.SemaphoreType.DMA,
            pltpu.SemaphoreType.DMA,
            pltpu.SemaphoreType.DMA,
        ],
    )
    sc_perm = pl.kernel(
        _sc_perm_body,
        out_type=jax.ShapeDtypeStruct((6400, 256), jnp.float32),
        mesh=mesh,
        scratch_types=[
            pltpu.VMEM((128, 256), jnp.float32),
            pltpu.VMEM((72, 256), jnp.float32),
            pltpu.VMEM((128,), jnp.int32),
            pltpu.VMEM((72,), jnp.int32),
        ],
    )
    return sc_deg, sc_scatter, sc_perm



def _dinv_body(dp_ref, e_ref, o_ref):
    cnt = jnp.dot(dp_ref[0] + dp_ref[1], e_ref[...],
                  preferred_element_type=jnp.float32)
    o_ref[...] = lax.rsqrt(cnt + 1.0)


_tc_dinv = pl.pallas_call(
    _dinv_body,
    out_shape=jax.ShapeDtypeStruct((_DGR, 8), jnp.float32),
)


def _m1a_body(x_ref, w_ref, o_ref):
    o_ref[...] = jnp.dot(x_ref[...], w_ref[...],
                         preferred_element_type=jnp.float32)


_tc_m1a = pl.pallas_call(
    _m1a_body,
    grid=(5,),
    in_specs=[
        pl.BlockSpec((2000, _D), lambda i: (i, 0)),
        pl.BlockSpec((_D, _D), lambda i: (0, 0)),
    ],
    out_specs=pl.BlockSpec((2000, _D), lambda i: (i, 0)),
    out_shape=jax.ShapeDtypeStruct((_N, _D), jnp.float32),
)


def _scale_body(y_ref, dv_ref, o_ref):
    o_ref[...] = y_ref[...] * dv_ref[...]


_tc_scale = pl.pallas_call(
    _scale_body,
    grid=(5,),
    in_specs=[
        pl.BlockSpec((2000, _D), lambda i: (i, 0)),
        pl.BlockSpec((2000, 1), lambda i: (i, 0)),
    ],
    out_specs=pl.BlockSpec((2000, _D), lambda i: (i, 0)),
    out_shape=jax.ShapeDtypeStruct((_N, _D), jnp.float32),
)


def _m_body(p_ref, dv_ref, b_ref, w_ref, o_ref):
    a = jnp.maximum((p_ref[0] + p_ref[1]) * dv_ref[...] + b_ref[...], 0.0)
    o_ref[...] = jnp.dot(a, w_ref[...],
                         preferred_element_type=jnp.float32) * dv_ref[...]


_tc_m = pl.pallas_call(
    _m_body,
    grid=(5,),
    in_specs=[
        pl.BlockSpec((2, 2000, _D), lambda i: (0, i, 0)),
        pl.BlockSpec((2000, 1), lambda i: (i, 0)),
        pl.BlockSpec((1, _D), lambda i: (0, 0)),
        pl.BlockSpec((_D, _D), lambda i: (0, 0)),
    ],
    out_specs=pl.BlockSpec((2000, _D), lambda i: (i, 0)),
    out_shape=jax.ShapeDtypeStruct((_N, _D), jnp.float32),
)


def _f_body(p_ref, dv_ref, b3_ref, bi_ref, wl_ref, bl_ref, wdr_ref, bdr_ref,
            b1_ref, bc1_ref, lat_ref, o1_ref, xp_ref):
    h3 = jnp.maximum((p_ref[0] + p_ref[1]) * dv_ref[...] + b3_ref[...], 0.0)
    oh = (lax.broadcasted_iota(jnp.int32, (64, _N), 0) == bi_ref[...]
          ).astype(jnp.float32)
    cnts = jnp.sum(oh, axis=1, keepdims=True)
    pooled = jnp.dot(oh, h3, preferred_element_type=jnp.float32) \
        / jnp.maximum(cnts, 1.0)
    latent = jnp.dot(pooled, wl_ref[...],
                     preferred_element_type=jnp.float32) + bl_ref[...]
    lat_ref[...] = latent
    hdt = jnp.dot(latent, wdr_ref[...],
                  preferred_element_type=jnp.float32) + bdr_ref[...]
    xp_ref[...] = jnp.zeros((64, 6, 6, 6, 64), jnp.float32)
    for d in range(4):
        for h in range(4):
            for w in range(4):
                c0 = (d * 16 + h * 4 + w) * 64
                xp_ref[:, 1 + d, 1 + h, 1 + w, :] = hdt[:, c0:c0 + 64]
    ci = 0
    for rd in (0, 1):
        for rh in (0, 1):
            acc = None
            for (dd, td) in _TAPS[rd]:
                for (dh, th) in _TAPS[rh]:
                    A = xp_ref[:, 1 + dd:5 + dd, 1 + dh:5 + dh, :, :] \
                        .reshape(1024, 384)
                    t = jnp.dot(A, b1_ref[ci],
                                preferred_element_type=jnp.float32)
                    acc = t if acc is None else acc + t
                    ci += 1
            o1_ref[rd * 2 + rh] = jnp.maximum(acc + bc1_ref[...], 0.0)


_tc_f = pl.pallas_call(
    _f_body,
    out_shape=(
        jax.ShapeDtypeStruct((64, 256), jnp.float32),
        jax.ShapeDtypeStruct((4, 1024, 256), jnp.float32),
    ),
    scratch_shapes=[pltpu.VMEM((64, 6, 6, 6, 64), jnp.float32)],
    compiler_params=pltpu.CompilerParams(vmem_limit_bytes=110 * 1024 * 1024),
)


def _c2_body(x_ref, b_ref, bias_ref, o_ref):
    for rd in range(2):
        acc = None
        for tdi, (dd, td) in enumerate(_TAPS[rd]):
            c = rd * 2 + tdi
            A = x_ref[:, 1 + dd:9 + dd, :, :].reshape(512, 2560)
            t = jnp.dot(A, b_ref[c], preferred_element_type=jnp.float32)
            acc = t if acc is None else acc + t
        v = acc + bias_ref[...]
        o_ref[rd] = jnp.maximum(v, 0.0) + jnp.log(1.0 + jnp.exp(-jnp.abs(v)))


_tc_c2 = pl.pallas_call(
    _c2_body,
    out_shape=jax.ShapeDtypeStruct((2, 512, 256), jnp.float32),
    compiler_params=pltpu.CompilerParams(vmem_limit_bytes=120 * 1024 * 1024),
)



def _band(I):
    m = np.zeros((4, I + 2, 2 * I), np.float32)
    for t in range(4):
        for p in range(1, I + 1):
            o = 2 * (p - 1) + t - 1
            if 0 <= o < 2 * I:
                m[t, p, o] = 1.0
    return m


_S1 = _band(4)
_S2 = _band(8)
_SS2I = np.einsum("upo,vqr->uvpqor", _S2, _S2[:, 1:9, :]).reshape(16, 80, 256)
_E16 = np.zeros((128, 8), np.float32)
for _k in range(8):
    _E16[_k * 16, _k] = 1.0


def _perm_indices():
    di = np.zeros((4096,), np.int32)
    for rd in range(2):
        for rh in range(2):
            p = rd * 2 + rh
            for b in range(64):
                for i in range(4):
                    for j in range(4):
                        di[p * 1024 + b * 16 + i * 4 + j] = (
                            b * 100 + (2 * i + rd + 1) * 10 + (2 * j + rh + 1))
    interior = set(di.tolist())
    bi = np.array([r for r in range(6400) if r not in interior], np.int32)
    return di, bi


_PDIDX, _PBIDX = _perm_indices()


def kernel(x, edge_index, batch_index, W1, b1, W2, b2, W3, b3, Wl, bl,
           Wd, bd, wdc1, bdc1, wdc2, bdc2):
    src3 = edge_index[0].reshape(_EROWS, 1, _CH)
    dst1 = edge_index[1]
    dst3 = dst1.reshape(_EROWS, 1, _CH)
    zeros_g = jnp.zeros((_N, _D), jnp.float32)
    _sc_deg, _sc_scatter, _sc_perm = _get_sc_kernels()

    Wdr = Wd.reshape(256, 64, 64).transpose(0, 2, 1).reshape(256, 4096)
    bdr = bd.reshape(64, 64).T.reshape(4096)
    W1stack = jnp.stack([wdc1[:, :, td, th, :]
                         for rd in (0, 1) for rh in (0, 1)
                         for (dd, td) in _TAPS[rd]
                         for (dh, th) in _TAPS[rh]])
    B1 = jnp.einsum("xcdt,tpo->xpcod", W1stack, _S1).reshape(16, 384, 256)
    W2stack = jnp.stack([wdc2[:, 0, td, :, :].reshape(32, 16)
                         for rd in (0, 1) for (dd, td) in _TAPS[rd]])
    B2 = jnp.einsum("xck,kqr->xqcr", W2stack,
                    jnp.asarray(_SS2I)).reshape(4, 2560, 256)

    y1 = _tc_m1a(x, W1)
    degp = _sc_deg(dst3, zeros_g)
    dinv8 = _tc_dinv(degp, jnp.asarray(_E16))
    dinv = dinv8.reshape(_DGR * 8)[:_N][:, None]

    g1 = _tc_scale(y1, dinv)
    s1 = _sc_scatter(g1, zeros_g, src3, dst1)
    g2 = _tc_m(s1, dinv, b1[None, :], W2)
    s2 = _sc_scatter(g2, zeros_g, src3, dst1)
    g3 = _tc_m(s2, dinv, b2[None, :], W3)
    s3 = _sc_scatter(g3, zeros_g, src3, dst1)

    latent, o1 = _tc_f(s3, dinv, b3[None, :], batch_index[None, :],
                       Wl, bl[None, :], Wdr, bdr[None, :], B1,
                       jnp.tile(bdc1, 8)[None, :])
    x2p = _sc_perm(o1.reshape(4096, 256), jnp.asarray(_PDIDX),
                   jnp.asarray(_PBIDX), jnp.zeros((72, 256), jnp.float32))
    o2 = _tc_c2(x2p.reshape(64, 10, 10, 256), B2, bdc2[None, :])
    voxels = (o2.reshape(2, 64, 8, 16, 16)
              .transpose(1, 2, 0, 3, 4).reshape(64, 16, 16, 16))[:, None]
    return voxels, latent

# --- scband reference (transcript-rebuilt; emitter-appended) ---
"""Pipeline reference for scband-graph-to-voxel-net-22497038697246 (READ-ONLY COPY).

The authoritative reference and input builder live on the scoring server;
editing this copy changes nothing except your own understanding.
"""

import jax, jax.numpy as jnp
import numpy as np

N = 10000
E = 320000
D = 128
H = 128
L = 256
GRID = 16
INIT = 4
B = 64


def gcn_conv(x, src, dst, W, b, n):
    h = x @ W
    deg = jnp.zeros((n,), jnp.float32).at[dst].add(1.0)
    dinv = jnp.where(deg > 0, jax.lax.rsqrt(jnp.maximum(deg, 1e-12)), 0.0)
    norm = dinv[src] * dinv[dst]
    msg = h[src] * norm[:, None]
    out = jnp.zeros_like(h).at[dst].add(msg)
    return out + b


def conv_transpose3d(x, w, b):
    # torch ConvTranspose3d(k=4, s=2, p=1) == dilated conv: lhs_dilation=2, pad=k-1-p=2, flipped kernel
    w2 = jnp.flip(jnp.transpose(w, (1, 0, 2, 3, 4)), axis=(2, 3, 4))
    out = jax.lax.conv_general_dilated(x, w2, window_strides=(1, 1, 1), padding=[(2, 2)] * 3, lhs_dilation=(2, 2, 2), dimension_numbers=('NCDHW', 'OIDHW', 'NCDHW'))
    return out + b[None, :, None, None, None]


def setup_inputs(seed: int = 0):
    key = jax.random.key(seed)
    ks = jax.random.split(key, 12)
    x = jax.random.normal(ks[0], (N, D), jnp.float32)
    edge_index = jax.random.randint(ks[1], (2, E), 0, N, dtype=jnp.int32)
    batch_index = jnp.sort(jax.random.randint(ks[2], (N,), 0, B, dtype=jnp.int32))
    s = 0.05
    W1 = jax.random.normal(ks[3], (D, H), jnp.float32) * s
    b1 = jnp.zeros((H,), jnp.float32)
    W2 = jax.random.normal(ks[4], (H, H), jnp.float32) * s
    b2 = jnp.zeros((H,), jnp.float32)
    W3 = jax.random.normal(ks[5], (H, H), jnp.float32) * s
    b3 = jnp.zeros((H,), jnp.float32)
    Wl = jax.random.normal(ks[6], (H, L), jnp.float32) * s
    bl = jnp.zeros((L,), jnp.float32)
    Wd = jax.random.normal(ks[7], (L, 64 * INIT ** 3), jnp.float32) * s
    bd = jnp.zeros((64 * INIT ** 3,), jnp.float32)
    wdc1 = jax.random.normal(ks[8], (64, 32, 4, 4, 4), jnp.float32) * s
    bdc1 = jnp.zeros((32,), jnp.float32)
    wdc2 = jax.random.normal(ks[9], (32, 1, 4, 4, 4), jnp.float32) * s
    bdc2 = jnp.zeros((1,), jnp.float32)
    return {"x": x, "edge_index": edge_index, "batch_index": batch_index, "W1": W1, "b1": b1, "W2": W2, "b2": b2, "W3": W3, "b3": b3, "Wl": Wl, "bl": bl, "Wd": Wd, "bd": bd, "wdc1": wdc1, "bdc1": bdc1, "wdc2": wdc2, "bdc2": bdc2}


def reference(x, edge_index, batch_index, W1, b1, W2, b2, W3, b3, Wl, bl, Wd, bd, wdc1, bdc1, wdc2, bdc2):
    n = x.shape[0]
    loops = jnp.arange(n, dtype=edge_index.dtype)
    src = jnp.concatenate([edge_index[0], loops])
    dst = jnp.concatenate([edge_index[1], loops])
    h = jax.nn.relu(gcn_conv(x, src, dst, W1, b1, n))
    h = jax.nn.relu(gcn_conv(h, src, dst, W2, b2, n))
    h = jax.nn.relu(gcn_conv(h, src, dst, W3, b3, n))
    sums = jax.ops.segment_sum(h, batch_index, num_segments=B)
    cnts = jax.ops.segment_sum(jnp.ones((n,), jnp.float32), batch_index, num_segments=B)
    pooled = sums / jnp.maximum(cnts, 1.0)[:, None]
    latent = pooled @ Wl + bl
    hd = latent @ Wd + bd
    hd = hd.reshape(-1, 64, INIT, INIT, INIT)
    hd = jax.nn.relu(conv_transpose3d(hd, wdc1, bdc1))
    voxels = jax.nn.softplus(conv_transpose3d(hd, wdc2, bdc2))
    return (voxels, latent)

if __name__ == "__main__":
    import jax
    _d = setup_inputs()
    print(jax.jit(kernel)(*tuple(_d.values())))

</pallas_src>

<mosaic_0001>
#map = affine_map<(d0, d1) -> (0, 0)>
#map1 = affine_map<(d0, d1) -> (0, 0, 0)>
#map2 = affine_map<(d0, d1) -> (0)>
module attributes {stable_mosaic.version = 14 : i64} {
  func.func @_sc_scatter_body(%arg0: i32, %arg1: i32, %arg2: memref<10000x128xf32, #tpu.memory_space<hbm>>, %arg3: memref<10000x128xf32, #tpu.memory_space<hbm>>, %arg4: memref<2500x1x128xi32, #tpu.memory_space<hbm>>, %arg5: memref<320000xi32, #tpu.memory_space<hbm>>, %arg6: memref<2x10000x128xf32, #tpu.memory_space<hbm>>, %arg7: memref<10000x128xf32, #tpu.memory_space<vmem_shared>>, %arg8: memref<128x128xf32, #tpu.memory_space<vmem>>, %arg9: memref<128x128xf32, #tpu.memory_space<vmem>>, %arg10: memref<79x1x128xi32, #tpu.memory_space<vmem>>, %arg11: memref<128xi32, #tpu.memory_space<vmem>>, %arg12: memref<128xi32, #tpu.memory_space<vmem>>, %arg13: memref<!tpu.dma_semaphore, #tpu.memory_space<semaphore_mem>>, %arg14: memref<!tpu.dma_semaphore, #tpu.memory_space<semaphore_mem>>, %arg15: memref<!tpu.dma_semaphore, #tpu.memory_space<semaphore_mem>>, %arg16: memref<!tpu.dma_semaphore, #tpu.memory_space<semaphore_mem>>) attributes {dimension_semantics = [#tpu.dimension_semantics<core_parallel>, #tpu.dimension_semantics<subcore_parallel>], iteration_bounds = array<i64: 2, 16>, scalar_prefetch = 0 : i64, scratch_operands = 10 : i64, tpu.core_type = #tpu.core_type<sc_vector_subcore>, window_params = [{transform_indices = #map}, {transform_indices = #map}, {transform_indices = #map1}, {transform_indices = #map2}, {transform_indices = #map1}]} {
    %mul3A = arith.constant 624 : i32
    %mul3A_0 = arith.muli %arg1, %mul3A : i32
    %eq3A = arith.constant 0 : i32
    %eq3A_1 = arith.cmpi eq, %arg0, %eq3A : i32
    %convert_element_type3A = arith.extui %eq3A_1 : i1 to i32
    %cond3A = arith.constant 0 : i32
    %cond3A_2 = arith.cmpi ne, %convert_element_type3A, %cond3A : i32
    scf.if %cond3A_2 {
      "tpu.region"() ({
        %run_scoped3A = tpu.sem_alloc : memref<!tpu.dma_semaphore, #tpu.memory_space<semaphore_mem>>
        %dma_start3A_48 = arith.constant 0 : i32
        %dma_start3A_49 = tpu.memref_slice %arg7[%mul3A_0, %dma_start3A_48] : memref<10000x128xf32, #tpu.memory_space<vmem_shared>> -> memref<624x128xf32, #tpu.memory_space<vmem_shared>>
        %dma_start3A_50 = arith.constant 0 : i32
        %dma_start3A_51 = tpu.memref_slice %arg2[%mul3A_0, %dma_start3A_50] : memref<10000x128xf32, #tpu.memory_space<hbm>> -> memref<624x128xf32, #tpu.memory_space<hbm>>
        tpu.enqueue_dma source(%dma_start3A_51 : memref<624x128xf32, #tpu.memory_space<hbm>>) target(%dma_start3A_49 : memref<624x128xf32, #tpu.memory_space<vmem_shared>>) target_semaphore(%run_scoped3A : memref<!tpu.dma_semaphore, #tpu.memory_space<semaphore_mem>>)
        %dma_wait3A = arith.constant 0 : i32
        %dma_wait3A_52 = tpu.memref_slice %arg7[%mul3A_0, %dma_wait3A] : memref<10000x128xf32, #tpu.memory_space<vmem_shared>> -> memref<624x128xf32, #tpu.memory_space<vmem_shared>>
        %dma_wait3A_53 = arith.constant 0 : i32
        %dma_wait3A_54 = tpu.memref_slice %arg2[%mul3A_0, %dma_wait3A_53] : memref<10000x128xf32, #tpu.memory_space<hbm>> -> memref<624x128xf32, #tpu.memory_space<hbm>>
        tpu.wait_dma2 semaphore(%run_scoped3A : memref<!tpu.dma_semaphore, #tpu.memory_space<semaphore_mem>>) src(%dma_wait3A_54 : memref<624x128xf32, #tpu.memory_space<hbm>>) dst(%dma_wait3A_52 : memref<624x128xf32, #tpu.memory_space<vmem_shared>>)
        tpu.yield
      }) : () -> ()
      %eq3A_43 = arith.constant 15 : i32
      %eq3A_44 = arith.cmpi eq, %arg1, %eq3A_43 : i32
      %convert_element_type3A_45 = arith.extui %eq3A_44 : i1 to i32
      %cond3A_46 = arith.constant 0 : i32
      %cond3A_47 = arith.cmpi ne, %convert_element_type3A_45, %cond3A_46 : i32
      scf.if %cond3A_47 {
        "tpu.region"() ({
          %run_scoped3A = tpu.sem_alloc : memref<!tpu.dma_semaphore, #tpu.memory_space<semaphore_mem>>
          %dma_start3A_48 = arith.constant 9984 : i32
          %dma_start3A_49 = arith.constant 0 : i32
          %dma_start3A_50 = tpu.memref_slice %arg7[%dma_start3A_48, %dma_start3A_49] : memref<10000x128xf32, #tpu.memory_space<vmem_shared>> -> memref<16x128xf32, #tpu.memory_space<vmem_shared>>
          %dma_start3A_51 = arith.constant 9984 : i32
          %dma_start3A_52 = arith.constant 0 : i32
          %dma_start3A_53 = tpu.memref_slice %arg2[%dma_start3A_51, %dma_start3A_52] : memref<10000x128xf32, #tpu.memory_space<hbm>> -> memref<16x128xf32, #tpu.memory_space<hbm>>
          tpu.enqueue_dma source(%dma_start3A_53 : memref<16x128xf32, #tpu.memory_space<hbm>>) target(%dma_start3A_50 : memref<16x128xf32, #tpu.memory_space<vmem_shared>>) target_semaphore(%run_scoped3A : memref<!tpu.dma_semaphore, #tpu.memory_space<semaphore_mem>>)
          %dma_wait3A = arith.constant 9984 : i32
          %dma_wait3A_54 = arith.constant 0 : i32
          %dma_wait3A_55 = tpu.memref_slice %arg7[%dma_wait3A, %dma_wait3A_54] : memref<10000x128xf32, #tpu.memory_space<vmem_shared>> -> memref<16x128xf32, #tpu.memory_space<vmem_shared>>
          %dma_wait3A_56 = arith.constant 9984 : i32
          %dma_wait3A_57 = arith.constant 0 : i32
          %dma_wait3A_58 = tpu.memref_slice %arg2[%dma_wait3A_56, %dma_wait3A_57] : memref<10000x128xf32, #tpu.memory_space<hbm>> -> memref<16x128xf32, #tpu.memory_space<hbm>>
          tpu.wait_dma2 semaphore(%run_scoped3A : memref<!tpu.dma_semaphore, #tpu.memory_space<semaphore_mem>>) src(%dma_wait3A_58 : memref<16x128xf32, #tpu.memory_space<hbm>>) dst(%dma_wait3A_55 : memref<16x128xf32, #tpu.memory_space<vmem_shared>>)
          tpu.yield
        }) : () -> ()
      } else {
      }
    } else {
    }
    %ne3A = arith.constant 0 : i32
    %ne3A_3 = arith.cmpi ne, %arg0, %ne3A : i32
    %convert_element_type3A_4 = arith.extui %ne3A_3 : i1 to i32
    %cond3A_5 = arith.constant 0 : i32
    %cond3A_6 = arith.cmpi ne, %convert_element_type3A_4, %cond3A_5 : i32
    scf.if %cond3A_6 {
      "tpu.region"() ({
        %run_scoped3A = tpu.sem_alloc : memref<!tpu.dma_semaphore, #tpu.memory_space<semaphore_mem>>
        %dma_start3A_48 = arith.constant 0 : i32
        %dma_start3A_49 = tpu.memref_slice %arg7[%mul3A_0, %dma_start3A_48] : memref<10000x128xf32, #tpu.memory_space<vmem_shared>> -> memref<624x128xf32, #tpu.memory_space<vmem_shared>>
        %dma_start3A_50 = arith.constant 0 : i32
        %dma_start3A_51 = tpu.memref_slice %arg3[%mul3A_0, %dma_start3A_50] : memref<10000x128xf32, #tpu.memory_space<hbm>> -> memref<624x128xf32, #tpu.memory_space<hbm>>
        tpu.enqueue_dma source(%dma_start3A_51 : memref<624x128xf32, #tpu.memory_space<hbm>>) target(%dma_start3A_49 : memref<624x128xf32, #tpu.memory_space<vmem_shared>>) target_semaphore(%run_scoped3A : memref<!tpu.dma_semaphore, #tpu.memory_space<semaphore_mem>>)
        %dma_wait3A = arith.constant 0 : i32
        %dma_wait3A_52 = tpu.memref_slice %arg7[%mul3A_0, %dma_wait3A] : memref<10000x128xf32, #tpu.memory_space<vmem_shared>> -> memref<624x128xf32, #tpu.memory_space<vmem_shared>>
        %dma_wait3A_53 = arith.constant 0 : i32
        %dma_wait3A_54 = tpu.memref_slice %arg3[%mul3A_0, %dma_wait3A_53] : memref<10000x128xf32, #tpu.memory_space<hbm>> -> memref<624x128xf32, #tpu.memory_space<hbm>>
        tpu.wait_dma2 semaphore(%run_scoped3A : memref<!tpu.dma_semaphore, #tpu.memory_space<semaphore_mem>>) src(%dma_wait3A_54 : memref<624x128xf32, #tpu.memory_space<hbm>>) dst(%dma_wait3A_52 : memref<624x128xf32, #tpu.memory_space<vmem_shared>>)
        tpu.yield
      }) : () -> ()
      %eq3A_43 = arith.constant 15 : i32
      %eq3A_44 = arith.cmpi eq, %arg1, %eq3A_43 : i32
      %convert_element_type3A_45 = arith.extui %eq3A_44 : i1 to i32
      %cond3A_46 = arith.constant 0 : i32
      %cond3A_47 = arith.cmpi ne, %convert_element_type3A_45, %cond3A_46 : i32
      scf.if %cond3A_47 {
        "tpu.region"() ({
          %run_scoped3A = tpu.sem_alloc : memref<!tpu.dma_semaphore, #tpu.memory_space<semaphore_mem>>
          %dma_start3A_48 = arith.constant 9984 : i32
          %dma_start3A_49 = arith.constant 0 : i32
          %dma_start3A_50 = tpu.memref_slice %arg7[%dma_start3A_48, %dma_start3A_49] : memref<10000x128xf32, #tpu.memory_space<vmem_shared>> -> memref<16x128xf32, #tpu.memory_space<vmem_shared>>
          %dma_start3A_51 = arith.constant 9984 : i32
          %dma_start3A_52 = arith.constant 0 : i32
          %dma_start3A_53 = tpu.memref_slice %arg3[%dma_start3A_51, %dma_start3A_52] : memref<10000x128xf32, #tpu.memory_space<hbm>> -> memref<16x128xf32, #tpu.memory_space<hbm>>
          tpu.enqueue_dma source(%dma_start3A_53 : memref<16x128xf32, #tpu.memory_space<hbm>>) target(%dma_start3A_50 : memref<16x128xf32, #tpu.memory_space<vmem_shared>>) target_semaphore(%run_scoped3A : memref<!tpu.dma_semaphore, #tpu.memory_space<semaphore_mem>>)
          %dma_wait3A = arith.constant 9984 : i32
          %dma_wait3A_54 = arith.constant 0 : i32
          %dma_wait3A_55 = tpu.memref_slice %arg7[%dma_wait3A, %dma_wait3A_54] : memref<10000x128xf32, #tpu.memory_space<vmem_shared>> -> memref<16x128xf32, #tpu.memory_space<vmem_shared>>
          %dma_wait3A_56 = arith.constant 9984 : i32
          %dma_wait3A_57 = arith.constant 0 : i32
          %dma_wait3A_58 = tpu.memref_slice %arg3[%dma_wait3A_56, %dma_wait3A_57] : memref<10000x128xf32, #tpu.memory_space<hbm>> -> memref<16x128xf32, #tpu.memory_space<hbm>>
          tpu.wait_dma2 semaphore(%run_scoped3A : memref<!tpu.dma_semaphore, #tpu.memory_space<semaphore_mem>>) src(%dma_wait3A_58 : memref<16x128xf32, #tpu.memory_space<hbm>>) dst(%dma_wait3A_55 : memref<16x128xf32, #tpu.memory_space<vmem_shared>>)
          tpu.yield
        }) : () -> ()
      } else {
      }
    } else {
    }
    %barrier3A = arith.constant 0 : index
    tpu.barrier barrier_id(%barrier3A)
    %mul3A_7 = arith.constant 16 : i32
    %mul3A_8 = arith.muli %arg0, %mul3A_7 : i32
    %add3A = arith.addi %mul3A_8, %arg1 : i32
    %mul3A_9 = arith.constant 78 : i32
    %mul3A_10 = arith.muli %add3A, %mul3A_9 : i32
    %min3A = arith.constant 4 : i32
    %min3A_11 = arith.minsi %add3A, %min3A : i32
    %add3A_12 = arith.addi %mul3A_10, %min3A_11 : i32
    %mul3A_13 = arith.constant 128 : i32
    %mul3A_14 = arith.muli %add3A_12, %mul3A_13 : i32
    "tpu.region"() ({
      %run_scoped3A = tpu.sem_alloc : memref<!tpu.dma_semaphore, #tpu.memory_space<semaphore_mem>>
      %dma_start3A_43 = arith.constant 0 : i32
      %dma_start3A_44 = arith.constant 0 : i32
      %dma_start3A_45 = arith.constant 0 : i32
      %dma_start3A_46 = tpu.memref_slice %arg10[%dma_start3A_43, %dma_start3A_44, %dma_start3A_45] : memref<79x1x128xi32, #tpu.memory_space<vmem>> -> memref<78x1x128xi32, #tpu.memory_space<vmem>>
      %dma_start3A_47 = arith.constant 0 : i32
      %dma_start3A_48 = arith.constant 0 : i32
      %dma_start3A_49 = tpu.memref_slice %arg4[%add3A_12, %dma_start3A_47, %dma_start3A_48] : memref<2500x1x128xi32, #tpu.memory_space<hbm>> -> memref<78x1x128xi32, #tpu.memory_space<hbm>>
      %dma_start3A_50 = arith.constant 0 : i32
      %dma_start3A_51 = arith.constant 0 : i32
      %dma_start3A_52 = arith.constant 0 : i32
      %dma_start3A_53 = tpu.memref_slice %arg10[%dma_start3A_50, %dma_start3A_51, %dma_start3A_52] : memref<79x1x128xi32, #tpu.memory_space<vmem>> -> memref<78x1x128xi32, #tpu.memory_space<vmem>>
      %dma_start3A_54 = arith.constant 0 : i32
      %dma_start3A_55 = arith.constant 0 : i32
      %dma_start3A_56 = tpu.memref_slice %arg4[%add3A_12, %dma_start3A_54, %dma_start3A_55] : memref<2500x1x128xi32, #tpu.memory_space<hbm>> -> memref<78x1x128xi32, #tpu.memory_space<hbm>>
      tpu.enqueue_dma source(%dma_start3A_56 : memref<78x1x128xi32, #tpu.memory_space<hbm>>) target(%dma_start3A_53 : memref<78x1x128xi32, #tpu.memory_space<vmem>>) target_semaphore(%run_scoped3A : memref<!tpu.dma_semaphore, #tpu.memory_space<semaphore_mem>>)
      %dma_wait3A = arith.constant 0 : i32
      %dma_wait3A_57 = arith.constant 0 : i32
      %dma_wait3A_58 = arith.constant 0 : i32
      %dma_wait3A_59 = tpu.memref_slice %arg10[%dma_wait3A, %dma_wait3A_57, %dma_wait3A_58] : memref<79x1x128xi32, #tpu.memory_space<vmem>> -> memref<78x1x128xi32, #tpu.memory_space<vmem>>
      %dma_wait3A_60 = arith.constant 0 : i32
      %dma_wait3A_61 = arith.constant 0 : i32
      %dma_wait3A_62 = tpu.memref_slice %arg4[%add3A_12, %dma_wait3A_60, %dma_wait3A_61] : memref<2500x1x128xi32, #tpu.memory_space<hbm>> -> memref<78x1x128xi32, #tpu.memory_space<hbm>>
      %dma_wait3A_63 = arith.constant 0 : i32
      %dma_wait3A_64 = arith.constant 0 : i32
      %dma_wait3A_65 = arith.constant 0 : i32
      %dma_wait3A_66 = tpu.memref_slice %arg10[%dma_wait3A_63, %dma_wait3A_64, %dma_wait3A_65] : memref<79x1x128xi32, #tpu.memory_space<vmem>> -> memref<78x1x128xi32, #tpu.memory_space<vmem>>
      %dma_wait3A_67 = arith.constant 0 : i32
      %dma_wait3A_68 = arith.constant 0 : i32
      %dma_wait3A_69 = tpu.memref_slice %arg4[%add3A_12, %dma_wait3A_67, %dma_wait3A_68] : memref<2500x1x128xi32, #tpu.memory_space<hbm>> -> memref<78x1x128xi32, #tpu.memory_space<hbm>>
      tpu.wait_dma2 semaphore(%run_scoped3A : memref<!tpu.dma_semaphore, #tpu.memory_space<semaphore_mem>>) src(%dma_wait3A_69 : memref<78x1x128xi32, #tpu.memory_space<hbm>>) dst(%dma_wait3A_66 : memref<78x1x128xi32, #tpu.memory_space<vmem>>)
      tpu.yield
    }) : () -> ()
    %lt3A = arith.constant 4 : i32
    %lt3A_15 = arith.cmpi slt, %add3A, %lt3A : i32
    %convert_element_type3A_16 = arith.extui %lt3A_15 : i1 to i32
    %cond3A_17 = arith.constant 0 : i32
    %cond3A_18 = arith.cmpi ne, %convert_element_type3A_16, %cond3A_17 : i32
    scf.if %cond3A_18 {
      %add3A_43 = arith.constant 78 : i32
      %add3A_44 = arith.addi %add3A_12, %add3A_43 : i32
      "tpu.region"() ({
        %run_scoped3A = tpu.sem_alloc : memref<!tpu.dma_semaphore, #tpu.memory_space<semaphore_mem>>
        %dma_start3A_45 = arith.constant 78 : i32
        %dma_start3A_46 = arith.constant 0 : i32
        %dma_start3A_47 = arith.constant 0 : i32
        %dma_start3A_48 = tpu.memref_slice %arg10[%dma_start3A_45, %dma_start3A_46, %dma_start3A_47] : memref<79x1x128xi32, #tpu.memory_space<vmem>> -> memref<1x1x128xi32, #tpu.memory_space<vmem>>
        %dma_start3A_49 = arith.constant 0 : i32
        %dma_start3A_50 = arith.constant 0 : i32
        %dma_start3A_51 = tpu.memref_slice %arg4[%add3A_44, %dma_start3A_49, %dma_start3A_50] : memref<2500x1x128xi32, #tpu.memory_space<hbm>> -> memref<1x1x128xi32, #tpu.memory_space<hbm>>
        %dma_start3A_52 = arith.constant 78 : i32
        %dma_start3A_53 = arith.constant 0 : i32
        %dma_start3A_54 = arith.constant 0 : i32
        %dma_start3A_55 = tpu.memref_slice %arg10[%dma_start3A_52, %dma_start3A_53, %dma_start3A_54] : memref<79x1x128xi32, #tpu.memory_space<vmem>> -> memref<1x1x128xi32, #tpu.memory_space<vmem>>
        %dma_start3A_56 = arith.constant 0 : i32
        %dma_start3A_57 = arith.constant 0 : i32
        %dma_start3A_58 = tpu.memref_slice %arg4[%add3A_44, %dma_start3A_56, %dma_start3A_57] : memref<2500x1x128xi32, #tpu.memory_space<hbm>> -> memref<1x1x128xi32, #tpu.memory_space<hbm>>
        tpu.enqueue_dma source(%dma_start3A_58 : memref<1x1x128xi32, #tpu.memory_space<hbm>>) target(%dma_start3A_55 : memref<1x1x128xi32, #tpu.memory_space<vmem>>) target_semaphore(%run_scoped3A : memref<!tpu.dma_semaphore, #tpu.memory_space<semaphore_mem>>)
        %dma_wait3A = arith.constant 78 : i32
        %dma_wait3A_59 = arith.constant 0 : i32
        %dma_wait3A_60 = arith.constant 0 : i32
        %dma_wait3A_61 = tpu.memref_slice %arg10[%dma_wait3A, %dma_wait3A_59, %dma_wait3A_60] : memref<79x1x128xi32, #tpu.memory_space<vmem>> -> memref<1x1x128xi32, #tpu.memory_space<vmem>>
        %dma_wait3A_62 = arith.constant 0 : i32
        %dma_wait3A_63 = arith.constant 0 : i32
        %dma_wait3A_64 = tpu.memref_slice %arg4[%add3A_44, %dma_wait3A_62, %dma_wait3A_63] : memref<2500x1x128xi32, #tpu.memory_space<hbm>> -> memref<1x1x128xi32, #tpu.memory_space<hbm>>
        %dma_wait3A_65 = arith.constant 78 : i32
        %dma_wait3A_66 = arith.constant 0 : i32
        %dma_wait3A_67 = arith.constant 0 : i32
        %dma_wait3A_68 = tpu.memref_slice %arg10[%dma_wait3A_65, %dma_wait3A_66, %dma_wait3A_67] : memref<79x1x128xi32, #tpu.memory_space<vmem>> -> memref<1x1x128xi32, #tpu.memory_space<vmem>>
        %dma_wait3A_69 = arith.constant 0 : i32
        %dma_wait3A_70 = arith.constant 0 : i32
        %dma_wait3A_71 = tpu.memref_slice %arg4[%add3A_44, %dma_wait3A_69, %dma_wait3A_70] : memref<2500x1x128xi32, #tpu.memory_space<hbm>> -> memref<1x1x128xi32, #tpu.memory_space<hbm>>
        tpu.wait_dma2 semaphore(%run_scoped3A : memref<!tpu.dma_semaphore, #tpu.memory_space<semaphore_mem>>) src(%dma_wait3A_71 : memref<1x1x128xi32, #tpu.memory_space<hbm>>) dst(%dma_wait3A_68 : memref<1x1x128xi32, #tpu.memory_space<vmem>>)
        tpu.yield
      }) : () -> ()
    } else {
    }
    %dma_start3A = tpu.memref_slice %arg5[%mul3A_14] : memref<320000xi32, #tpu.memory_space<hbm>> -> memref<128xi32, #tpu.memory_space<hbm>>
    %dma_start3A_19 = tpu.memref_slice %arg5[%mul3A_14] : memref<320000xi32, #tpu.memory_space<hbm>> -> memref<128xi32, #tpu.memory_space<hbm>>
    tpu.enqueue_dma source(%dma_start3A_19 : memref<128xi32, #tpu.memory_space<hbm>>) target(%arg11 : memref<128xi32, #tpu.memory_space<vmem>>) target_semaphore(%arg15 : memref<!tpu.dma_semaphore, #tpu.memory_space<semaphore_mem>>)
    %dma_start3A_20 = arith.constant 0 : i32
    %dma_start3A_21 = arith.constant 0 : i32
    %dma_start3A_22 = arith.constant 0 : i32
    %dma_start3A_23 = tpu.memref_slice %arg10[%dma_start3A_20, %dma_start3A_21, %dma_start3A_22] : memref<79x1x128xi32, #tpu.memory_space<vmem>> -> memref<1x1x128xi32, #tpu.memory_space<vmem>>
    %dma_start3A_24 = tpu.memref_squeeze %dma_start3A_23 : memref<1x1x128xi32, #tpu.memory_space<vmem>> -> memref<128xi32, #tpu.memory_space<vmem>>
    %dma_start3A_25 = arith.constant 0 : i32
    %dma_start3A_26 = arith.constant 0 : i32
    %dma_start3A_27 = tpu.memref_slice %arg2[%dma_start3A_25, %dma_start3A_26] : memref<10000x128xf32, #tpu.memory_space<hbm>> -> memref<10000x128xf32, #tpu.memory_space<hbm>>
    tpu.enqueue_indirect_dma source(%dma_start3A_27 : memref<10000x128xf32, #tpu.memory_space<hbm>>) target(%arg8 : memref<128x128xf32, #tpu.memory_space<vmem>>) offsets(%dma_start3A_24 : memref<128xi32, #tpu.memory_space<vmem>>) semaphore(%arg13 : memref<!tpu.dma_semaphore, #tpu.memory_space<semaphore_mem>>)
    %scan3A = arith.constant 0 : i32
    %scan3A_28 = arith.constant 39 : i32
    %scan3A_29 = arith.addi %scan3A, %scan3A_28 : i32
    %scan3A_30 = arith.constant 1 : i32
    scf.for %scan3A_43 = %scan3A to %scan3A_29 step %scan3A_30  : i32 {
      %mul3A_44 = arith.constant 1 : i32
      %mul3A_45 = arith.muli %scan3A_43, %mul3A_44 : i32
      %add3A_46 = arith.constant 0 : i32
      %add3A_47 = arith.addi %add3A_46, %mul3A_45 : i32
      %mul3A_48 = arith.constant 2 : i32
      %mul3A_49 = arith.muli %mul3A_48, %add3A_47 : i32
      %add3A_50 = arith.constant 1 : i32
      %add3A_51 = arith.addi %mul3A_49, %add3A_50 : i32
      %mul3A_52 = arith.constant 128 : i32
      %mul3A_53 = arith.muli %add3A_51, %mul3A_52 : i32
      %add3A_54 = arith.addi %mul3A_14, %mul3A_53 : i32
      %dma_start3A_55 = tpu.memref_slice %arg5[%add3A_54] : memref<320000xi32, #tpu.memory_space<hbm>> -> memref<128xi32, #tpu.memory_space<hbm>>
      %dma_start3A_56 = tpu.memref_slice %arg5[%add3A_54] : memref<320000xi32, #tpu.memory_space<hbm>> -> memref<128xi32, #tpu.memory_space<hbm>>
      tpu.enqueue_dma source(%dma_start3A_56 : memref<128xi32, #tpu.memory_space<hbm>>) target(%arg12 : memref<128xi32, #tpu.memory_space<vmem>>) target_semaphore(%arg16 : memref<!tpu.dma_semaphore, #tpu.memory_space<semaphore_mem>>)
      %mul3A_57 = arith.constant 2 : i32
      %mul3A_58 = arith.muli %mul3A_57, %add3A_47 : i32
      %add3A_59 = arith.constant 1 : i32
      %add3A_60 = arith.addi %mul3A_58, %add3A_59 : i32
      %dma_start3A_61 = arith.constant 0 : i32
      %dma_start3A_62 = arith.constant 0 : i32
      %dma_start3A_63 = tpu.memref_slice %arg10[%add3A_60, %dma_start3A_61, %dma_start3A_62] : memref<79x1x128xi32, #tpu.memory_space<vmem>> -> memref<1x1x128xi32, #tpu.memory_space<vmem>>
      %dma_start3A_64 = tpu.memref_squeeze %dma_start3A_63 : memref<1x1x128xi32, #tpu.memory_space<vmem>> -> memref<128xi32, #tpu.memory_space<vmem>>
      %dma_start3A_65 = arith.constant 0 : i32
      %dma_start3A_66 = arith.constant 0 : i32
      %dma_start3A_67 = tpu.memref_slice %arg2[%dma_start3A_65, %dma_start3A_66] : memref<10000x128xf32, #tpu.memory_space<hbm>> -> memref<10000x128xf32, #tpu.memory_space<hbm>>
      tpu.enqueue_indirect_dma source(%dma_start3A_67 : memref<10000x128xf32, #tpu.memory_space<hbm>>) target(%arg9 : memref<128x128xf32, #tpu.memory_space<vmem>>) offsets(%dma_start3A_64 : memref<128xi32, #tpu.memory_space<vmem>>) semaphore(%arg14 : memref<!tpu.dma_semaphore, #tpu.memory_space<semaphore_mem>>)
      %dma_wait3A = arith.constant 0 : i32
      %dma_wait3A_68 = arith.constant 0 : i32
      %dma_wait3A_69 = arith.constant 0 : i32
      %dma_wait3A_70 = tpu.memref_slice %arg10[%dma_wait3A, %dma_wait3A_68, %dma_wait3A_69] : memref<79x1x128xi32, #tpu.memory_space<vmem>> -> memref<1x1x128xi32, #tpu.memory_space<vmem>>
      %dma_wait3A_71 = tpu.memref_squeeze %dma_wait3A_70 : memref<1x1x128xi32, #tpu.memory_space<vmem>> -> memref<128xi32, #tpu.memory_space<vmem>>
      %dma_wait3A_72 = arith.constant 0 : i32
      %dma_wait3A_73 = arith.constant 0 : i32
      %dma_wait3A_74 = tpu.memref_slice %arg2[%dma_wait3A_72, %dma_wait3A_73] : memref<10000x128xf32, #tpu.memory_space<hbm>> -> memref<10000x128xf32, #tpu.memory_space<hbm>>
      tpu.wait_indirect_dma semaphore(%arg13 : memref<!tpu.dma_semaphore, #tpu.memory_space<semaphore_mem>>) src(%dma_wait3A_74 : memref<10000x128xf32, #tpu.memory_space<hbm>>) dst(%arg8 : memref<128x128xf32, #tpu.memory_space<vmem>>)
      %dma_wait3A_75 = tpu.memref_slice %arg5[%mul3A_14] : memref<320000xi32, #tpu.memory_space<hbm>> -> memref<128xi32, #tpu.memory_space<hbm>>
      %dma_wait3A_76 = tpu.memref_slice %arg5[%mul3A_14] : memref<320000xi32, #tpu.memory_space<hbm>> -> memref<128xi32, #tpu.memory_space<hbm>>
      tpu.wait_dma2 semaphore(%arg15 : memref<!tpu.dma_semaphore, #tpu.memory_space<semaphore_mem>>) src(%dma_wait3A_76 : memref<128xi32, #tpu.memory_space<hbm>>) dst(%arg11 : memref<128xi32, #tpu.memory_space<vmem>>)
      "tpu.region"() ({
        %run_scoped3A = tpu.sem_alloc : memref<!tpu.dma_semaphore, #tpu.memory_space<semaphore_mem>>
        %dma_start3A_92 = arith.constant 0 : i32
        %dma_start3A_93 = arith.constant 0 : i32
        %dma_start3A_94 = tpu.memref_slice %arg7[%dma_start3A_92, %dma_start3A_93] : memref<10000x128xf32, #tpu.memory_space<vmem_shared>> -> memref<10000x128xf32, #tpu.memory_space<vmem_shared>>
        tpu.enqueue_indirect_dma source(%arg8 : memref<128x128xf32, #tpu.memory_space<vmem>>) target(%dma_start3A_94 : memref<10000x128xf32, #tpu.memory_space<vmem_shared>>) offsets(%arg11 : memref<128xi32, #tpu.memory_space<vmem>>) semaphore(%run_scoped3A : memref<!tpu.dma_semaphore, #tpu.memory_space<semaphore_mem>>) {add = true}
        %dma_wait3A_95 = arith.constant 0 : i32
        %dma_wait3A_96 = arith.constant 0 : i32
        %dma_wait3A_97 = tpu.memref_slice %arg7[%dma_wait3A_95, %dma_wait3A_96] : memref<10000x128xf32, #tpu.memory_space<vmem_shared>> -> memref<10000x128xf32, #tpu.memory_space<vmem_shared>>
        tpu.wait_indirect_dma semaphore(%run_scoped3A : memref<!tpu.dma_semaphore, #tpu.memory_space<semaphore_mem>>) src(%arg8 : memref<128x128xf32, #tpu.memory_space<vmem>>) dst(%dma_wait3A_97 : memref<10000x128xf32, #tpu.memory_space<vmem_shared>>)
        tpu.yield
      }) : () -> ()
      %lt3A_77 = arith.constant 38 : i32
      %lt3A_78 = arith.cmpi slt, %add3A_47, %lt3A_77 : i32
      %convert_element_type3A_79 = arith.extui %lt3A_78 : i1 to i32
      %cond3A_80 = arith.constant 0 : i32
      %cond3A_81 = arith.cmpi ne, %convert_element_type3A_79, %cond3A_80 : i32
      scf.if %cond3A_81 {
        %mul3A_92 = arith.constant 2 : i32
        %mul3A_93 = arith.muli %mul3A_92, %add3A_47 : i32
        %add3A_94 = arith.constant 2 : i32
        %add3A_95 = arith.addi %mul3A_93, %add3A_94 : i32
        %mul3A_96 = arith.constant 128 : i32
        %mul3A_97 = arith.muli %add3A_95, %mul3A_96 : i32
        %add3A_98 = arith.addi %mul3A_14, %mul3A_97 : i32
        %dma_start3A_99 = tpu.memref_slice %arg5[%add3A_98] : memref<320000xi32, #tpu.memory_space<hbm>> -> memref<128xi32, #tpu.memory_space<hbm>>
        %dma_start3A_100 = tpu.memref_slice %arg5[%add3A_98] : memref<320000xi32, #tpu.memory_space<hbm>> -> memref<128xi32, #tpu.memory_space<hbm>>
        tpu.enqueue_dma source(%dma_start3A_100 : memref<128xi32, #tpu.memory_space<hbm>>) target(%arg11 : memref<128xi32, #tpu.memory_space<vmem>>) target_semaphore(%arg15 : memref<!tpu.dma_semaphore, #tpu.memory_space<semaphore_mem>>)
        %mul3A_101 = arith.constant 2 : i32
        %mul3A_102 = arith.muli %mul3A_101, %add3A_47 : i32
        %add3A_103 = arith.constant 2 : i32
        %add3A_104 = arith.addi %mul3A_102, %add3A_103 : i32
        %dma_start3A_105 = arith.constant 0 : i32
        %dma_start3A_106 = arith.constant 0 : i32
        %dma_start3A_107 = tpu.memref_slice %arg10[%add3A_104, %dma_start3A_105, %dma_start3A_106] : memref<79x1x128xi32, #tpu.memory_space<vmem>> -> memref<1x1x128xi32, #tpu.memory_space<vmem>>
        %dma_start3A_108 = tpu.memref_squeeze %dma_start3A_107 : memref<1x1x128xi32, #tpu.memory_space<vmem>> -> memref<128xi32, #tpu.memory_space<vmem>>
        %dma_start3A_109 = arith.constant 0 : i32
        %dma_start3A_110 = arith.constant 0 : i32
        %dma_start3A_111 = tpu.memref_slice %arg2[%dma_start3A_109, %dma_start3A_110] : memref<10000x128xf32, #tpu.memory_space<hbm>> -> memref<10000x128xf32, #tpu.memory_space<hbm>>
        tpu.enqueue_indirect_dma source(%dma_start3A_111 : memref<10000x128xf32, #tpu.memory_space<hbm>>) target(%arg8 : memref<128x128xf32, #tpu.memory_space<vmem>>) offsets(%dma_start3A_108 : memref<128xi32, #tpu.memory_space<vmem>>) semaphore(%arg13 : memref<!tpu.dma_semaphore, #tpu.memory_space<semaphore_mem>>)
      } else {
      }
      %dma_wait3A_82 = arith.constant 0 : i32
      %dma_wait3A_83 = arith.constant 0 : i32
      %dma_wait3A_84 = arith.constant 0 : i32
      %dma_wait3A_85 = tpu.memref_slice %arg10[%dma_wait3A_82, %dma_wait3A_83, %dma_wait3A_84] : memref<79x1x128xi32, #tpu.memory_space<vmem>> -> memref<1x1x128xi32, #tpu.memory_space<vmem>>
      %dma_wait3A_86 = tpu.memref_squeeze %dma_wait3A_85 : memref<1x1x128xi32, #tpu.memory_space<vmem>> -> memref<128xi32, #tpu.memory_space<vmem>>
      %dma_wait3A_87 = arith.constant 0 : i32
      %dma_wait3A_88 = arith.constant 0 : i32
      %dma_wait3A_89 = tpu.memref_slice %arg2[%dma_wait3A_87, %dma_wait3A_88] : memref<10000x128xf32, #tpu.memory_space<hbm>> -> memref<10000x128xf32, #tpu.memory_space<hbm>>
      tpu.wait_indirect_dma semaphore(%arg14 : memref<!tpu.dma_semaphore, #tpu.memory_space<semaphore_mem>>) src(%dma_wait3A_89 : memref<10000x128xf32, #tpu.memory_space<hbm>>) dst(%arg9 : memref<128x128xf32, #tpu.memory_space<vmem>>)
      %dma_wait3A_90 = tpu.memref_slice %arg5[%mul3A_14] : memref<320000xi32, #tpu.memory_space<hbm>> -> memref<128xi32, #tpu.memory_space<hbm>>
      %dma_wait3A_91 = tpu.memref_slice %arg5[%mul3A_14] : memref<320000xi32, #tpu.memory_space<hbm>> -> memref<128xi32, #tpu.memory_space<hbm>>
      tpu.wait_dma2 semaphore(%arg16 : memref<!tpu.dma_semaphore, #tpu.memory_space<semaphore_mem>>) src(%dma_wait3A_91 : memref<128xi32, #tpu.memory_space<hbm>>) dst(%arg12 : memref<128xi32, #tpu.memory_space<vmem>>)
      "tpu.region"() ({
        %run_scoped3A = tpu.sem_alloc : memref<!tpu.dma_semaphore, #tpu.memory_space<semaphore_mem>>
        %dma_start3A_92 = arith.constant 0 : i32
        %dma_start3A_93 = arith.constant 0 : i32
        %dma_start3A_94 = tpu.memref_slice %arg7[%dma_start3A_92, %dma_start3A_93] : memref<10000x128xf32, #tpu.memory_space<vmem_shared>> -> memref<10000x128xf32, #tpu.memory_space<vmem_shared>>
        tpu.enqueue_indirect_dma source(%arg9 : memref<128x128xf32, #tpu.memory_space<vmem>>) target(%dma_start3A_94 : memref<10000x128xf32, #tpu.memory_space<vmem_shared>>) offsets(%arg12 : memref<128xi32, #tpu.memory_space<vmem>>) semaphore(%run_scoped3A : memref<!tpu.dma_semaphore, #tpu.memory_space<semaphore_mem>>) {add = true}
        %dma_wait3A_95 = arith.constant 0 : i32
        %dma_wait3A_96 = arith.constant 0 : i32
        %dma_wait3A_97 = tpu.memref_slice %arg7[%dma_wait3A_95, %dma_wait3A_96] : memref<10000x128xf32, #tpu.memory_space<vmem_shared>> -> memref<10000x128xf32, #tpu.memory_space<vmem_shared>>
        tpu.wait_indirect_dma semaphore(%run_scoped3A : memref<!tpu.dma_semaphore, #tpu.memory_space<semaphore_mem>>) src(%arg9 : memref<128x128xf32, #tpu.memory_space<vmem>>) dst(%dma_wait3A_97 : memref<10000x128xf32, #tpu.memory_space<vmem_shared>>)
        tpu.yield
      }) : () -> ()
    }
    %scan3A_31 = arith.constant 39 : i32
    %lt3A_32 = arith.constant 4 : i32
    %lt3A_33 = arith.cmpi slt, %add3A, %lt3A_32 : i32
    %convert_element_type3A_34 = arith.extui %lt3A_33 : i1 to i32
    %cond3A_35 = arith.constant 0 : i32
    %cond3A_36 = arith.cmpi ne, %convert_element_type3A_34, %cond3A_35 : i32
    scf.if %cond3A_36 {
      %add3A_43 = arith.constant 9984 : i32
      %add3A_44 = arith.addi %mul3A_14, %add3A_43 : i32
      "tpu.region"() ({
        %run_scoped3A = tpu.sem_alloc : memref<!tpu.dma_semaphore, #tpu.memory_space<semaphore_mem>>
        %dma_start3A_60 = tpu.memref_slice %arg5[%add3A_44] : memref<320000xi32, #tpu.memory_space<hbm>> -> memref<128xi32, #tpu.memory_space<hbm>>
        %dma_start3A_61 = tpu.memref_slice %arg5[%add3A_44] : memref<320000xi32, #tpu.memory_space<hbm>> -> memref<128xi32, #tpu.memory_space<hbm>>
        tpu.enqueue_dma source(%dma_start3A_61 : memref<128xi32, #tpu.memory_space<hbm>>) target(%arg11 : memref<128xi32, #tpu.memory_space<vmem>>) target_semaphore(%run_scoped3A : memref<!tpu.dma_semaphore, #tpu.memory_space<semaphore_mem>>)
        %dma_wait3A_62 = tpu.memref_slice %arg5[%add3A_44] : memref<320000xi32, #tpu.memory_space<hbm>> -> memref<128xi32, #tpu.memory_space<hbm>>
        %dma_wait3A_63 = tpu.memref_slice %arg5[%add3A_44] : memref<320000xi32, #tpu.memory_space<hbm>> -> memref<128xi32, #tpu.memory_space<hbm>>
        tpu.wait_dma2 semaphore(%run_scoped3A : memref<!tpu.dma_semaphore, #tpu.memory_space<semaphore_mem>>) src(%dma_wait3A_63 : memref<128xi32, #tpu.memory_space<hbm>>) dst(%arg11 : memref<128xi32, #tpu.memory_space<vmem>>)
        tpu.yield
      }) : () -> ()
      %dma_start3A_45 = arith.constant 78 : i32
      %dma_start3A_46 = arith.constant 0 : i32
      %dma_start3A_47 = arith.constant 0 : i32
      %dma_start3A_48 = tpu.memref_slice %arg10[%dma_start3A_45, %dma_start3A_46, %dma_start3A_47] : memref<79x1x128xi32, #tpu.memory_space<vmem>> -> memref<1x1x128xi32, #tpu.memory_space<vmem>>
      %dma_start3A_49 = tpu.memref_squeeze %dma_start3A_48 : memref<1x1x128xi32, #tpu.memory_space<vmem>> -> memref<128xi32, #tpu.memory_space<vmem>>
      %dma_start3A_50 = arith.constant 0 : i32
      %dma_start3A_51 = arith.constant 0 : i32
      %dma_start3A_52 = tpu.memref_slice %arg2[%dma_start3A_50, %dma_start3A_51] : memref<10000x128xf32, #tpu.memory_space<hbm>> -> memref<10000x128xf32, #tpu.memory_space<hbm>>
      tpu.enqueue_indirect_dma source(%dma_start3A_52 : memref<10000x128xf32, #tpu.memory_space<hbm>>) target(%arg8 : memref<128x128xf32, #tpu.memory_space<vmem>>) offsets(%dma_start3A_49 : memref<128xi32, #tpu.memory_space<vmem>>) semaphore(%arg13 : memref<!tpu.dma_semaphore, #tpu.memory_space<semaphore_mem>>)
      %dma_wait3A = arith.constant 78 : i32
      %dma_wait3A_53 = arith.constant 0 : i32
      %dma_wait3A_54 = arith.constant 0 : i32
      %dma_wait3A_55 = tpu.memref_slice %arg10[%dma_wait3A, %dma_wait3A_53, %dma_wait3A_54] : memref<79x1x128xi32, #tpu.memory_space<vmem>> -> memref<1x1x128xi32, #tpu.memory_space<vmem>>
      %dma_wait3A_56 = tpu.memref_squeeze %dma_wait3A_55 : memref<1x1x128xi32, #tpu.memory_space<vmem>> -> memref<128xi32, #tpu.memory_space<vmem>>
      %dma_wait3A_57 = arith.constant 0 : i32
      %dma_wait3A_58 = arith.constant 0 : i32
      %dma_wait3A_59 = tpu.memref_slice %arg2[%dma_wait3A_57, %dma_wait3A_58] : memref<10000x128xf32, #tpu.memory_space<hbm>> -> memref<10000x128xf32, #tpu.memory_space<hbm>>
      tpu.wait_indirect_dma semaphore(%arg13 : memref<!tpu.dma_semaphore, #tpu.memory_space<semaphore_mem>>) src(%dma_wait3A_59 : memref<10000x128xf32, #tpu.memory_space<hbm>>) dst(%arg8 : memref<128x128xf32, #tpu.memory_space<vmem>>)
      "tpu.region"() ({
        %run_scoped3A = tpu.sem_alloc : memref<!tpu.dma_semaphore, #tpu.memory_space<semaphore_mem>>
        %dma_start3A_60 = arith.constant 0 : i32
        %dma_start3A_61 = arith.constant 0 : i32
        %dma_start3A_62 = tpu.memref_slice %arg7[%dma_start3A_60, %dma_start3A_61] : memref<10000x128xf32, #tpu.memory_space<vmem_shared>> -> memref<10000x128xf32, #tpu.memory_space<vmem_shared>>
        tpu.enqueue_indirect_dma source(%arg8 : memref<128x128xf32, #tpu.memory_space<vmem>>) target(%dma_start3A_62 : memref<10000x128xf32, #tpu.memory_space<vmem_shared>>) offsets(%arg11 : memref<128xi32, #tpu.memory_space<vmem>>) semaphore(%run_scoped3A : memref<!tpu.dma_semaphore, #tpu.memory_space<semaphore_mem>>) {add = true}
        %dma_wait3A_63 = arith.constant 0 : i32
        %dma_wait3A_64 = arith.constant 0 : i32
        %dma_wait3A_65 = tpu.memref_slice %arg7[%dma_wait3A_63, %dma_wait3A_64] : memref<10000x128xf32, #tpu.memory_space<vmem_shared>> -> memref<10000x128xf32, #tpu.memory_space<vmem_shared>>
        tpu.wait_indirect_dma semaphore(%run_scoped3A : memref<!tpu.dma_semaphore, #tpu.memory_space<semaphore_mem>>) src(%arg8 : memref<128x128xf32, #tpu.memory_space<vmem>>) dst(%dma_wait3A_65 : memref<10000x128xf32, #tpu.memory_space<vmem_shared>>)
        tpu.yield
      }) : () -> ()
    } else {
    }
    %barrier3A_37 = arith.constant 0 : index
    tpu.barrier barrier_id(%barrier3A_37)
    "tpu.region"() ({
      %run_scoped3A = tpu.sem_alloc : memref<!tpu.dma_semaphore, #tpu.memory_space<semaphore_mem>>
      %dma_start3A_43 = arith.constant 0 : i32
      %dma_start3A_44 = tpu.memref_slice %arg6[%arg0, %mul3A_0, %dma_start3A_43] : memref<2x10000x128xf32, #tpu.memory_space<hbm>> -> memref<1x624x128xf32, #tpu.memory_space<hbm>>
      %dma_start3A_45 = tpu.memref_squeeze %dma_start3A_44 : memref<1x624x128xf32, #tpu.memory_space<hbm>> -> memref<624x128xf32, #tpu.memory_space<hbm>>
      %dma_start3A_46 = arith.constant 0 : i32
      %dma_start3A_47 = tpu.memref_slice %arg7[%mul3A_0, %dma_start3A_46] : memref<10000x128xf32, #tpu.memory_space<vmem_shared>> -> memref<624x128xf32, #tpu.memory_space<vmem_shared>>
      tpu.enqueue_dma source(%dma_start3A_47 : memref<624x128xf32, #tpu.memory_space<vmem_shared>>) target(%dma_start3A_45 : memref<624x128xf32, #tpu.memory_space<hbm>>) target_semaphore(%run_scoped3A : memref<!tpu.dma_semaphore, #tpu.memory_space<semaphore_mem>>)
      %dma_wait3A = arith.constant 0 : i32
      %dma_wait3A_48 = tpu.memref_slice %arg6[%arg0, %mul3A_0, %dma_wait3A] : memref<2x10000x128xf32, #tpu.memory_space<hbm>> -> memref<1x624x128xf32, #tpu.memory_space<hbm>>
      %dma_wait3A_49 = tpu.memref_squeeze %dma_wait3A_48 : memref<1x624x128xf32, #tpu.memory_space<hbm>> -> memref<624x128xf32, #tpu.memory_space<hbm>>
      %dma_wait3A_50 = arith.constant 0 : i32
      %dma_wait3A_51 = tpu.memref_slice %arg7[%mul3A_0, %dma_wait3A_50] : memref<10000x128xf32, #tpu.memory_space<vmem_shared>> -> memref<624x128xf32, #tpu.memory_space<vmem_shared>>
      tpu.wait_dma2 semaphore(%run_scoped3A : memref<!tpu.dma_semaphore, #tpu.memory_space<semaphore_mem>>) src(%dma_wait3A_51 : memref<624x128xf32, #tpu.memory_space<vmem_shared>>) dst(%dma_wait3A_49 : memref<624x128xf32, #tpu.memory_space<hbm>>)
      tpu.yield
    }) : () -> ()
    %eq3A_38 = arith.constant 15 : i32
    %eq3A_39 = arith.cmpi eq, %arg1, %eq3A_38 : i32
    %convert_element_type3A_40 = arith.extui %eq3A_39 : i1 to i32
    %cond3A_41 = arith.constant 0 : i32
    %cond3A_42 = arith.cmpi ne, %convert_element_type3A_40, %cond3A_41 : i32
    scf.if %cond3A_42 {
      "tpu.region"() ({
        %run_scoped3A = tpu.sem_alloc : memref<!tpu.dma_semaphore, #tpu.memory_space<semaphore_mem>>
        %dma_start3A_43 = arith.constant 9984 : i32
        %dma_start3A_44 = arith.constant 0 : i32
        %dma_start3A_45 = tpu.memref_slice %arg6[%arg0, %dma_start3A_43, %dma_start3A_44] : memref<2x10000x128xf32, #tpu.memory_space<hbm>> -> memref<1x16x128xf32, #tpu.memory_space<hbm>>
        %dma_start3A_46 = tpu.memref_squeeze %dma_start3A_45 : memref<1x16x128xf32, #tpu.memory_space<hbm>> -> memref<16x128xf32, #tpu.memory_space<hbm>>
        %dma_start3A_47 = arith.constant 9984 : i32
        %dma_start3A_48 = arith.constant 0 : i32
        %dma_start3A_49 = tpu.memref_slice %arg7[%dma_start3A_47, %dma_start3A_48] : memref<10000x128xf32, #tpu.memory_space<vmem_shared>> -> memref<16x128xf32, #tpu.memory_space<vmem_shared>>
        tpu.enqueue_dma source(%dma_start3A_49 : memref<16x128xf32, #tpu.memory_space<vmem_shared>>) target(%dma_start3A_46 : memref<16x128xf32, #tpu.memory_space<hbm>>) target_semaphore(%run_scoped3A : memref<!tpu.dma_semaphore, #tpu.memory_space<semaphore_mem>>)
        %dma_wait3A = arith.constant 9984 : i32
        %dma_wait3A_50 = arith.constant 0 : i32
        %dma_wait3A_51 = tpu.memref_slice %arg6[%arg0, %dma_wait3A, %dma_wait3A_50] : memref<2x10000x128xf32, #tpu.memory_space<hbm>> -> memref<1x16x128xf32, #tpu.memory_space<hbm>>
        %dma_wait3A_52 = tpu.memref_squeeze %dma_wait3A_51 : memref<1x16x128xf32, #tpu.memory_space<hbm>> -> memref<16x128xf32, #tpu.memory_space<hbm>>
        %dma_wait3A_53 = arith.constant 9984 : i32
        %dma_wait3A_54 = arith.constant 0 : i32
        %dma_wait3A_55 = tpu.memref_slice %arg7[%dma_wait3A_53, %dma_wait3A_54] : memref<10000x128xf32, #tpu.memory_space<vmem_shared>> -> memref<16x128xf32, #tpu.memory_space<vmem_shared>>
        tpu.wait_dma2 semaphore(%run_scoped3A : memref<!tpu.dma_semaphore, #tpu.memory_space<semaphore_mem>>) src(%dma_wait3A_55 : memref<16x128xf32, #tpu.memory_space<vmem_shared>>) dst(%dma_wait3A_52 : memref<16x128xf32, #tpu.memory_space<hbm>>)
        tpu.yield
      }) : () -> ()
    } else {
    }
    return
  }
}

#map = affine_map<(d0, d1) -> (0, 0, 0)>
#map1 = affine_map<(d0, d1) -> (0, 0)>
module attributes {stable_mosaic.version = 14 : i64} {
  func.func @_sc_deg_body(%arg0: i32, %arg1: i32, %arg2: memref<2500x1x128xi32, #tpu.memory_space<hbm>>, %arg3: memref<10000x128xf32, #tpu.memory_space<hbm>>, %arg4: memref<2x1280x128xf32, #tpu.memory_space<hbm>>, %arg5: memref<1280x128xf32, #tpu.memory_space<vmem_shared>>, %arg6: memref<128x128xf32, #tpu.memory_space<vmem>>, %arg7: memref<79x1x128xi32, #tpu.memory_space<vmem>>, %arg8: memref<128xi32, #tpu.memory_space<vmem>>) attributes {dimension_semantics = [#tpu.dimension_semantics<core_parallel>, #tpu.dimension_semantics<subcore_parallel>], iteration_bounds = array<i64: 2, 16>, scalar_prefetch = 0 : i64, scratch_operands = 4 : i64, tpu.core_type = #tpu.core_type<sc_vector_subcore>, window_params = [{transform_indices = #map}, {transform_indices = #map1}, {transform_indices = #map}]} {
    %mul3A = arith.constant 80 : i32
    %mul3A_0 = arith.muli %arg1, %mul3A : i32
    "tpu.region"() ({
      %run_scoped3A = tpu.sem_alloc : memref<!tpu.dma_semaphore, #tpu.memory_space<semaphore_mem>>
      %dma_start3A = arith.constant 0 : i32
      %dma_start3A_22 = tpu.memref_slice %arg5[%mul3A_0, %dma_start3A] : memref<1280x128xf32, #tpu.memory_space<vmem_shared>> -> memref<80x128xf32, #tpu.memory_space<vmem_shared>>
      %dma_start3A_23 = arith.constant 0 : i32
      %dma_start3A_24 = tpu.memref_slice %arg3[%mul3A_0, %dma_start3A_23] : memref<10000x128xf32, #tpu.memory_space<hbm>> -> memref<80x128xf32, #tpu.memory_space<hbm>>
      tpu.enqueue_dma source(%dma_start3A_24 : memref<80x128xf32, #tpu.memory_space<hbm>>) target(%dma_start3A_22 : memref<80x128xf32, #tpu.memory_space<vmem_shared>>) target_semaphore(%run_scoped3A : memref<!tpu.dma_semaphore, #tpu.memory_space<semaphore_mem>>)
      %dma_wait3A = arith.constant 0 : i32
      %dma_wait3A_25 = tpu.memref_slice %arg5[%mul3A_0, %dma_wait3A] : memref<1280x128xf32, #tpu.memory_space<vmem_shared>> -> memref<80x128xf32, #tpu.memory_space<vmem_shared>>
      %dma_wait3A_26 = arith.constant 0 : i32
      %dma_wait3A_27 = tpu.memref_slice %arg3[%mul3A_0, %dma_wait3A_26] : memref<10000x128xf32, #tpu.memory_space<hbm>> -> memref<80x128xf32, #tpu.memory_space<hbm>>
      tpu.wait_dma2 semaphore(%run_scoped3A : memref<!tpu.dma_semaphore, #tpu.memory_space<semaphore_mem>>) src(%dma_wait3A_27 : memref<80x128xf32, #tpu.memory_space<hbm>>) dst(%dma_wait3A_25 : memref<80x128xf32, #tpu.memory_space<vmem_shared>>)
      tpu.yield
    }) : () -> ()
    "tpu.region"() ({
      %run_scoped3A = tpu.sem_alloc : memref<!tpu.dma_semaphore, #tpu.memory_space<semaphore_mem>>
      %dma_start3A = arith.constant 0 : i32
      %dma_start3A_22 = arith.constant 0 : i32
      %dma_start3A_23 = tpu.memref_slice %arg3[%dma_start3A, %dma_start3A_22] : memref<10000x128xf32, #tpu.memory_space<hbm>> -> memref<128x128xf32, #tpu.memory_space<hbm>>
      %dma_start3A_24 = arith.constant 0 : i32
      %dma_start3A_25 = arith.constant 0 : i32
      %dma_start3A_26 = tpu.memref_slice %arg3[%dma_start3A_24, %dma_start3A_25] : memref<10000x128xf32, #tpu.memory_space<hbm>> -> memref<128x128xf32, #tpu.memory_space<hbm>>
      tpu.enqueue_dma source(%dma_start3A_26 : memref<128x128xf32, #tpu.memory_space<hbm>>) target(%arg6 : memref<128x128xf32, #tpu.memory_space<vmem>>) target_semaphore(%run_scoped3A : memref<!tpu.dma_semaphore, #tpu.memory_space<semaphore_mem>>)
      %dma_wait3A = arith.constant 0 : i32
      %dma_wait3A_27 = arith.constant 0 : i32
      %dma_wait3A_28 = tpu.memref_slice %arg3[%dma_wait3A, %dma_wait3A_27] : memref<10000x128xf32, #tpu.memory_space<hbm>> -> memref<128x128xf32, #tpu.memory_space<hbm>>
      %dma_wait3A_29 = arith.constant 0 : i32
      %dma_wait3A_30 = arith.constant 0 : i32
      %dma_wait3A_31 = tpu.memref_slice %arg3[%dma_wait3A_29, %dma_wait3A_30] : memref<10000x128xf32, #tpu.memory_space<hbm>> -> memref<128x128xf32, #tpu.memory_space<hbm>>
      tpu.wait_dma2 semaphore(%run_scoped3A : memref<!tpu.dma_semaphore, #tpu.memory_space<semaphore_mem>>) src(%dma_wait3A_31 : memref<128x128xf32, #tpu.memory_space<hbm>>) dst(%arg6 : memref<128x128xf32, #tpu.memory_space<vmem>>)
      tpu.yield
    }) : () -> ()
    %mul3A_1 = arith.constant 16 : i32
    %mul3A_2 = arith.muli %arg0, %mul3A_1 : i32
    %add3A = arith.addi %mul3A_2, %arg1 : i32
    %mul3A_3 = arith.constant 78 : i32
    %mul3A_4 = arith.muli %add3A, %mul3A_3 : i32
    %min3A = arith.constant 4 : i32
    %min3A_5 = arith.minsi %add3A, %min3A : i32
    %add3A_6 = arith.addi %mul3A_4, %min3A_5 : i32
    "tpu.region"() ({
      %run_scoped3A = tpu.sem_alloc : memref<!tpu.dma_semaphore, #tpu.memory_space<semaphore_mem>>
      %dma_start3A = arith.constant 0 : i32
      %dma_start3A_22 = arith.constant 0 : i32
      %dma_start3A_23 = arith.constant 0 : i32
      %dma_start3A_24 = tpu.memref_slice %arg7[%dma_start3A, %dma_start3A_22, %dma_start3A_23] : memref<79x1x128xi32, #tpu.memory_space<vmem>> -> memref<78x1x128xi32, #tpu.memory_space<vmem>>
      %dma_start3A_25 = arith.constant 0 : i32
      %dma_start3A_26 = arith.constant 0 : i32
      %dma_start3A_27 = tpu.memref_slice %arg2[%add3A_6, %dma_start3A_25, %dma_start3A_26] : memref<2500x1x128xi32, #tpu.memory_space<hbm>> -> memref<78x1x128xi32, #tpu.memory_space<hbm>>
      %dma_start3A_28 = arith.constant 0 : i32
      %dma_start3A_29 = arith.constant 0 : i32
      %dma_start3A_30 = arith.constant 0 : i32
      %dma_start3A_31 = tpu.memref_slice %arg7[%dma_start3A_28, %dma_start3A_29, %dma_start3A_30] : memref<79x1x128xi32, #tpu.memory_space<vmem>> -> memref<78x1x128xi32, #tpu.memory_space<vmem>>
      %dma_start3A_32 = arith.constant 0 : i32
      %dma_start3A_33 = arith.constant 0 : i32
      %dma_start3A_34 = tpu.memref_slice %arg2[%add3A_6, %dma_start3A_32, %dma_start3A_33] : memref<2500x1x128xi32, #tpu.memory_space<hbm>> -> memref<78x1x128xi32, #tpu.memory_space<hbm>>
      tpu.enqueue_dma source(%dma_start3A_34 : memref<78x1x128xi32, #tpu.memory_space<hbm>>) target(%dma_start3A_31 : memref<78x1x128xi32, #tpu.memory_space<vmem>>) target_semaphore(%run_scoped3A : memref<!tpu.dma_semaphore, #tpu.memory_space<semaphore_mem>>)
      %dma_wait3A = arith.constant 0 : i32
      %dma_wait3A_35 = arith.constant 0 : i32
      %dma_wait3A_36 = arith.constant 0 : i32
      %dma_wait3A_37 = tpu.memref_slice %arg7[%dma_wait3A, %dma_wait3A_35, %dma_wait3A_36] : memref<79x1x128xi32, #tpu.memory_space<vmem>> -> memref<78x1x128xi32, #tpu.memory_space<vmem>>
      %dma_wait3A_38 = arith.constant 0 : i32
      %dma_wait3A_39 = arith.constant 0 : i32
      %dma_wait3A_40 = tpu.memref_slice %arg2[%add3A_6, %dma_wait3A_38, %dma_wait3A_39] : memref<2500x1x128xi32, #tpu.memory_space<hbm>> -> memref<78x1x128xi32, #tpu.memory_space<hbm>>
      %dma_wait3A_41 = arith.constant 0 : i32
      %dma_wait3A_42 = arith.constant 0 : i32
      %dma_wait3A_43 = arith.constant 0 : i32
      %dma_wait3A_44 = tpu.memref_slice %arg7[%dma_wait3A_41, %dma_wait3A_42, %dma_wait3A_43] : memref<79x1x128xi32, #tpu.memory_space<vmem>> -> memref<78x1x128xi32, #tpu.memory_space<vmem>>
      %dma_wait3A_45 = arith.constant 0 : i32
      %dma_wait3A_46 = arith.constant 0 : i32
      %dma_wait3A_47 = tpu.memref_slice %arg2[%add3A_6, %dma_wait3A_45, %dma_wait3A_46] : memref<2500x1x128xi32, #tpu.memory_space<hbm>> -> memref<78x1x128xi32, #tpu.memory_space<hbm>>
      tpu.wait_dma2 semaphore(%run_scoped3A : memref<!tpu.dma_semaphore, #tpu.memory_space<semaphore_mem>>) src(%dma_wait3A_47 : memref<78x1x128xi32, #tpu.memory_space<hbm>>) dst(%dma_wait3A_44 : memref<78x1x128xi32, #tpu.memory_space<vmem>>)
      tpu.yield
    }) : () -> ()
    %lt3A = arith.constant 4 : i32
    %lt3A_7 = arith.cmpi slt, %add3A, %lt3A : i32
    %convert_element_type3A = arith.extui %lt3A_7 : i1 to i32
    %cond3A = arith.constant 0 : i32
    %cond3A_8 = arith.cmpi ne, %convert_element_type3A, %cond3A : i32
    scf.if %cond3A_8 {
      %add3A_22 = arith.constant 78 : i32
      %add3A_23 = arith.addi %add3A_6, %add3A_22 : i32
      "tpu.region"() ({
        %run_scoped3A = tpu.sem_alloc : memref<!tpu.dma_semaphore, #tpu.memory_space<semaphore_mem>>
        %dma_start3A = arith.constant 78 : i32
        %dma_start3A_24 = arith.constant 0 : i32
        %dma_start3A_25 = arith.constant 0 : i32
        %dma_start3A_26 = tpu.memref_slice %arg7[%dma_start3A, %dma_start3A_24, %dma_start3A_25] : memref<79x1x128xi32, #tpu.memory_space<vmem>> -> memref<1x1x128xi32, #tpu.memory_space<vmem>>
        %dma_start3A_27 = arith.constant 0 : i32
        %dma_start3A_28 = arith.constant 0 : i32
        %dma_start3A_29 = tpu.memref_slice %arg2[%add3A_23, %dma_start3A_27, %dma_start3A_28] : memref<2500x1x128xi32, #tpu.memory_space<hbm>> -> memref<1x1x128xi32, #tpu.memory_space<hbm>>
        %dma_start3A_30 = arith.constant 78 : i32
        %dma_start3A_31 = arith.constant 0 : i32
        %dma_start3A_32 = arith.constant 0 : i32
        %dma_start3A_33 = tpu.memref_slice %arg7[%dma_start3A_30, %dma_start3A_31, %dma_start3A_32] : memref<79x1x128xi32, #tpu.memory_space<vmem>> -> memref<1x1x128xi32, #tpu.memory_space<vmem>>
        %dma_start3A_34 = arith.constant 0 : i32
        %dma_start3A_35 = arith.constant 0 : i32
        %dma_start3A_36 = tpu.memref_slice %arg2[%add3A_23, %dma_start3A_34, %dma_start3A_35] : memref<2500x1x128xi32, #tpu.memory_space<hbm>> -> memref<1x1x128xi32, #tpu.memory_space<hbm>>
        tpu.enqueue_dma source(%dma_start3A_36 : memref<1x1x128xi32, #tpu.memory_space<hbm>>) target(%dma_start3A_33 : memref<1x1x128xi32, #tpu.memory_space<vmem>>) target_semaphore(%run_scoped3A : memref<!tpu.dma_semaphore, #tpu.memory_space<semaphore_mem>>)
        %dma_wait3A = arith.constant 78 : i32
        %dma_wait3A_37 = arith.constant 0 : i32
        %dma_wait3A_38 = arith.constant 0 : i32
        %dma_wait3A_39 = tpu.memref_slice %arg7[%dma_wait3A, %dma_wait3A_37, %dma_wait3A_38] : memref<79x1x128xi32, #tpu.memory_space<vmem>> -> memref<1x1x128xi32, #tpu.memory_space<vmem>>
        %dma_wait3A_40 = arith.constant 0 : i32
        %dma_wait3A_41 = arith.constant 0 : i32
        %dma_wait3A_42 = tpu.memref_slice %arg2[%add3A_23, %dma_wait3A_40, %dma_wait3A_41] : memref<2500x1x128xi32, #tpu.memory_space<hbm>> -> memref<1x1x128xi32, #tpu.memory_space<hbm>>
        %dma_wait3A_43 = arith.constant 78 : i32
        %dma_wait3A_44 = arith.constant 0 : i32
        %dma_wait3A_45 = arith.constant 0 : i32
        %dma_wait3A_46 = tpu.memref_slice %arg7[%dma_wait3A_43, %dma_wait3A_44, %dma_wait3A_45] : memref<79x1x128xi32, #tpu.memory_space<vmem>> -> memref<1x1x128xi32, #tpu.memory_space<vmem>>
        %dma_wait3A_47 = arith.constant 0 : i32
        %dma_wait3A_48 = arith.constant 0 : i32
        %dma_wait3A_49 = tpu.memref_slice %arg2[%add3A_23, %dma_wait3A_47, %dma_wait3A_48] : memref<2500x1x128xi32, #tpu.memory_space<hbm>> -> memref<1x1x128xi32, #tpu.memory_space<hbm>>
        tpu.wait_dma2 semaphore(%run_scoped3A : memref<!tpu.dma_semaphore, #tpu.memory_space<semaphore_mem>>) src(%dma_wait3A_49 : memref<1x1x128xi32, #tpu.memory_space<hbm>>) dst(%dma_wait3A_46 : memref<1x1x128xi32, #tpu.memory_space<vmem>>)
        tpu.yield
      }) : () -> ()
    } else {
    }
    %barrier3A = arith.constant 0 : index
    tpu.barrier barrier_id(%barrier3A)
    %broadcast_in_dim3A = arith.constant 1.000000e+00 : f32
    %broadcast_in_dim3A_9 = vector.broadcast %broadcast_in_dim3A : f32 to vector<16xf32>
    %broadcast_in_dim3A_10 = arith.constant 0.000000e+00 : f32
    %broadcast_in_dim3A_11 = vector.broadcast %broadcast_in_dim3A_10 : f32 to vector<16xf32>
    %iota3A = tpu.iota {dimensions = array<i32: 0>} : vector<16xi32>
    %scan3A = arith.constant 0 : i32
    %scan3A_12 = arith.constant 78 : i32
    %scan3A_13 = arith.addi %scan3A, %scan3A_12 : i32
    %scan3A_14 = arith.constant 1 : i32
    scf.for %scan3A_22 = %scan3A to %scan3A_13 step %scan3A_14  : i32 {
      %mul3A_23 = arith.constant 1 : i32
      %mul3A_24 = arith.muli %scan3A_22, %mul3A_23 : i32
      %add3A_25 = arith.constant 0 : i32
      %add3A_26 = arith.addi %add3A_25, %mul3A_24 : i32
      %get3A = arith.constant 0 : i32
      %get3A_27 = arith.index_cast %add3A_26 : i32 to index
      %get3A_28 = arith.index_cast %get3A : i32 to index
      %get3A_29 = arith.constant 0 : index
      %get3A_30 = tpu.vector_load %arg7[%get3A_27, %get3A_28, %get3A_29] {strides = array<i32>} : memref<79x1x128xi32, #tpu.memory_space<vmem>>, vector<16xi32>,
      %add3A_31 = arith.constant 0 : i32
      %add3A_32 = vector.broadcast %add3A_31 : i32 to vector<16xi32>
      %add3A_33 = arith.addi %iota3A, %add3A_32 : vector<16xi32>
      %and3A = arith.constant 7 : i32
      %and3A_34 = vector.broadcast %and3A : i32 to vector<16xi32>
      %and3A_35 = arith.andi %get3A_30, %and3A_34 : vector<16xi32>
      %mul3A_36 = arith.constant 16 : i32
      %mul3A_37 = vector.broadcast %mul3A_36 : i32 to vector<16xi32>
      %mul3A_38 = arith.muli %and3A_35, %mul3A_37 : vector<16xi32>
      tpu.vector_store_idx %arg6[%add3A_33, %mul3A_38], %broadcast_in_dim3A_9 : memref<128x128xf32, #tpu.memory_space<vmem>>[vector<16xi32>, vector<16xi32>], vector<16xf32>,
      %shift_right_logical3A = arith.constant 3 : i32
      %shift_right_logical3A_39 = vector.broadcast %shift_right_logical3A : i32 to vector<16xi32>
      %shift_right_logical3A_40 = arith.shrui %get3A_30, %shift_right_logical3A_39 : vector<16xi32>
      %swap3A = arith.constant 0 : index
      %swap3A_41 = tpu.vector_load %arg8[%swap3A] {strides = array<i32>} : memref<128xi32, #tpu.memory_space<vmem>>, vector<16xi32>,
      tpu.vector_store %arg8[%swap3A], %shift_right_logical3A_40 {strides = array<i32>} : memref<128xi32, #tpu.memory_space<vmem>>, vector<16xi32>,
      %get3A_42 = arith.constant 0 : i32
      %get3A_43 = arith.index_cast %add3A_26 : i32 to index
      %get3A_44 = arith.index_cast %get3A_42 : i32 to index
      %get3A_45 = arith.constant 16 : index
      %get3A_46 = tpu.vector_load %arg7[%get3A_43, %get3A_44, %get3A_45] {strides = array<i32>} : memref<79x1x128xi32, #tpu.memory_space<vmem>>, vector<16xi32>,
      %add3A_47 = arith.constant 16 : i32
      %add3A_48 = vector.broadcast %add3A_47 : i32 to vector<16xi32>
      %add3A_49 = arith.addi %iota3A, %add3A_48 : vector<16xi32>
      %and3A_50 = arith.constant 7 : i32
      %and3A_51 = vector.broadcast %and3A_50 : i32 to vector<16xi32>
      %and3A_52 = arith.andi %get3A_46, %and3A_51 : vector<16xi32>
      %mul3A_53 = arith.constant 16 : i32
      %mul3A_54 = vector.broadcast %mul3A_53 : i32 to vector<16xi32>
      %mul3A_55 = arith.muli %and3A_52, %mul3A_54 : vector<16xi32>
      tpu.vector_store_idx %arg6[%add3A_49, %mul3A_55], %broadcast_in_dim3A_9 : memref<128x128xf32, #tpu.memory_space<vmem>>[vector<16xi32>, vector<16xi32>], vector<16xf32>,
      %shift_right_logical3A_56 = arith.constant 3 : i32
      %shift_right_logical3A_57 = vector.broadcast %shift_right_logical3A_56 : i32 to vector<16xi32>
      %shift_right_logical3A_58 = arith.shrui %get3A_46, %shift_right_logical3A_57 : vector<16xi32>
      %swap3A_59 = arith.constant 16 : index
      %swap3A_60 = tpu.vector_load %arg8[%swap3A_59] {strides = array<i32>} : memref<128xi32, #tpu.memory_space<vmem>>, vector<16xi32>,
      tpu.vector_store %arg8[%swap3A_59], %shift_right_logical3A_58 {strides = array<i32>} : memref<128xi32, #tpu.memory_space<vmem>>, vector<16xi32>,
      %get3A_61 = arith.constant 0 : i32
      %get3A_62 = arith.index_cast %add3A_26 : i32 to index
      %get3A_63 = arith.index_cast %get3A_61 : i32 to index
      %get3A_64 = arith.constant 32 : index
      %get3A_65 = tpu.vector_load %arg7[%get3A_62, %get3A_63, %get3A_64] {strides = array<i32>} : memref<79x1x128xi32, #tpu.memory_space<vmem>>, vector<16xi32>,
      %add3A_66 = arith.constant 32 : i32
      %add3A_67 = vector.broadcast %add3A_66 : i32 to vector<16xi32>
      %add3A_68 = arith.addi %iota3A, %add3A_67 : vector<16xi32>
      %and3A_69 = arith.constant 7 : i32
      %and3A_70 = vector.broadcast %and3A_69 : i32 to vector<16xi32>
      %and3A_71 = arith.andi %get3A_65, %and3A_70 : vector<16xi32>
      %mul3A_72 = arith.constant 16 : i32
      %mul3A_73 = vector.broadcast %mul3A_72 : i32 to vector<16xi32>
      %mul3A_74 = arith.muli %and3A_71, %mul3A_73 : vector<16xi32>
      tpu.vector_store_idx %arg6[%add3A_68, %mul3A_74], %broadcast_in_dim3A_9 : memref<128x128xf32, #tpu.memory_space<vmem>>[vector<16xi32>, vector<16xi32>], vector<16xf32>,
      %shift_right_logical3A_75 = arith.constant 3 : i32
      %shift_right_logical3A_76 = vector.broadcast %shift_right_logical3A_75 : i32 to vector<16xi32>
      %shift_right_logical3A_77 = arith.shrui %get3A_65, %shift_right_logical3A_76 : vector<16xi32>
      %swap3A_78 = arith.constant 32 : index
      %swap3A_79 = tpu.vector_load %arg8[%swap3A_78] {strides = array<i32>} : memref<128xi32, #tpu.memory_space<vmem>>, vector<16xi32>,
      tpu.vector_store %arg8[%swap3A_78], %shift_right_logical3A_77 {strides = array<i32>} : memref<128xi32, #tpu.memory_space<vmem>>, vector<16xi32>,
      %get3A_80 = arith.constant 0 : i32
      %get3A_81 = arith.index_cast %add3A_26 : i32 to index
      %get3A_82 = arith.index_cast %get3A_80 : i32 to index
      %get3A_83 = arith.constant 48 : index
      %get3A_84 = tpu.vector_load %arg7[%get3A_81, %get3A_82, %get3A_83] {strides = array<i32>} : memref<79x1x128xi32, #tpu.memory_space<vmem>>, vector<16xi32>,
      %add3A_85 = arith.constant 48 : i32
      %add3A_86 = vector.broadcast %add3A_85 : i32 to vector<16xi32>
      %add3A_87 = arith.addi %iota3A, %add3A_86 : vector<16xi32>
      %and3A_88 = arith.constant 7 : i32
      %and3A_89 = vector.broadcast %and3A_88 : i32 to vector<16xi32>
      %and3A_90 = arith.andi %get3A_84, %and3A_89 : vector<16xi32>
      %mul3A_91 = arith.constant 16 : i32
      %mul3A_92 = vector.broadcast %mul3A_91 : i32 to vector<16xi32>
      %mul3A_93 = arith.muli %and3A_90, %mul3A_92 : vector<16xi32>
      tpu.vector_store_idx %arg6[%add3A_87, %mul3A_93], %broadcast_in_dim3A_9 : memref<128x128xf32, #tpu.memory_space<vmem>>[vector<16xi32>, vector<16xi32>], vector<16xf32>,
      %shift_right_logical3A_94 = arith.constant 3 : i32
      %shift_right_logical3A_95 = vector.broadcast %shift_right_logical3A_94 : i32 to vector<16xi32>
      %shift_right_logical3A_96 = arith.shrui %get3A_84, %shift_right_logical3A_95 : vector<16xi32>
      %swap3A_97 = arith.constant 48 : index
      %swap3A_98 = tpu.vector_load %arg8[%swap3A_97] {strides = array<i32>} : memref<128xi32, #tpu.memory_space<vmem>>, vector<16xi32>,
      tpu.vector_store %arg8[%swap3A_97], %shift_right_logical3A_96 {strides = array<i32>} : memref<128xi32, #tpu.memory_space<vmem>>, vector<16xi32>,
      %get3A_99 = arith.constant 0 : i32
      %get3A_100 = arith.index_cast %add3A_26 : i32 to index
      %get3A_101 = arith.index_cast %get3A_99 : i32 to index
      %get3A_102 = arith.constant 64 : index
      %get3A_103 = tpu.vector_load %arg7[%get3A_100, %get3A_101, %get3A_102] {strides = array<i32>} : memref<79x1x128xi32, #tpu.memory_space<vmem>>, vector<16xi32>,
      %add3A_104 = arith.constant 64 : i32
      %add3A_105 = vector.broadcast %add3A_104 : i32 to vector<16xi32>
      %add3A_106 = arith.addi %iota3A, %add3A_105 : vector<16xi32>
      %and3A_107 = arith.constant 7 : i32
      %and3A_108 = vector.broadcast %and3A_107 : i32 to vector<16xi32>
      %and3A_109 = arith.andi %get3A_103, %and3A_108 : vector<16xi32>
      %mul3A_110 = arith.constant 16 : i32
      %mul3A_111 = vector.broadcast %mul3A_110 : i32 to vector<16xi32>
      %mul3A_112 = arith.muli %and3A_109, %mul3A_111 : vector<16xi32>
      tpu.vector_store_idx %arg6[%add3A_106, %mul3A_112], %broadcast_in_dim3A_9 : memref<128x128xf32, #tpu.memory_space<vmem>>[vector<16xi32>, vector<16xi32>], vector<16xf32>,
      %shift_right_logical3A_113 = arith.constant 3 : i32
      %shift_right_logical3A_114 = vector.broadcast %shift_right_logical3A_113 : i32 to vector<16xi32>
      %shift_right_logical3A_115 = arith.shrui %get3A_103, %shift_right_logical3A_114 : vector<16xi32>
      %swap3A_116 = arith.constant 64 : index
      %swap3A_117 = tpu.vector_load %arg8[%swap3A_116] {strides = array<i32>} : memref<128xi32, #tpu.memory_space<vmem>>, vector<16xi32>,
      tpu.vector_store %arg8[%swap3A_116], %shift_right_logical3A_115 {strides = array<i32>} : memref<128xi32, #tpu.memory_space<vmem>>, vector<16xi32>,
      %get3A_118 = arith.constant 0 : i32
      %get3A_119 = arith.index_cast %add3A_26 : i32 to index
      %get3A_120 = arith.index_cast %get3A_118 : i32 to index
      %get3A_121 = arith.constant 80 : index
      %get3A_122 = tpu.vector_load %arg7[%get3A_119, %get3A_120, %get3A_121] {strides = array<i32>} : memref<79x1x128xi32, #tpu.memory_space<vmem>>, vector<16xi32>,
      %add3A_123 = arith.constant 80 : i32
      %add3A_124 = vector.broadcast %add3A_123 : i32 to vector<16xi32>
      %add3A_125 = arith.addi %iota3A, %add3A_124 : vector<16xi32>
      %and3A_126 = arith.constant 7 : i32
      %and3A_127 = vector.broadcast %and3A_126 : i32 to vector<16xi32>
      %and3A_128 = arith.andi %get3A_122, %and3A_127 : vector<16xi32>
      %mul3A_129 = arith.constant 16 : i32
      %mul3A_130 = vector.broadcast %mul3A_129 : i32 to vector<16xi32>
      %mul3A_131 = arith.muli %and3A_128, %mul3A_130 : vector<16xi32>
      tpu.vector_store_idx %arg6[%add3A_125, %mul3A_131], %broadcast_in_dim3A_9 : memref<128x128xf32, #tpu.memory_space<vmem>>[vector<16xi32>, vector<16xi32>], vector<16xf32>,
      %shift_right_logical3A_132 = arith.constant 3 : i32
      %shift_right_logical3A_133 = vector.broadcast %shift_right_logical3A_132 : i32 to vector<16xi32>
      %shift_right_logical3A_134 = arith.shrui %get3A_122, %shift_right_logical3A_133 : vector<16xi32>
      %swap3A_135 = arith.constant 80 : index
      %swap3A_136 = tpu.vector_load %arg8[%swap3A_135] {strides = array<i32>} : memref<128xi32, #tpu.memory_space<vmem>>, vector<16xi32>,
      tpu.vector_store %arg8[%swap3A_135], %shift_right_logical3A_134 {strides = array<i32>} : memref<128xi32, #tpu.memory_space<vmem>>, vector<16xi32>,
      %get3A_137 = arith.constant 0 : i32
      %get3A_138 = arith.index_cast %add3A_26 : i32 to index
      %get3A_139 = arith.index_cast %get3A_137 : i32 to index
      %get3A_140 = arith.constant 96 : index
      %get3A_141 = tpu.vector_load %arg7[%get3A_138, %get3A_139, %get3A_140] {strides = array<i32>} : memref<79x1x128xi32, #tpu.memory_space<vmem>>, vector<16xi32>,
      %add3A_142 = arith.constant 96 : i32
      %add3A_143 = vector.broadcast %add3A_142 : i32 to vector<16xi32>
      %add3A_144 = arith.addi %iota3A, %add3A_143 : vector<16xi32>
      %and3A_145 = arith.constant 7 : i32
      %and3A_146 = vector.broadcast %and3A_145 : i32 to vector<16xi32>
      %and3A_147 = arith.andi %get3A_141, %and3A_146 : vector<16xi32>
      %mul3A_148 = arith.constant 16 : i32
      %mul3A_149 = vector.broadcast %mul3A_148 : i32 to vector<16xi32>
      %mul3A_150 = arith.muli %and3A_147, %mul3A_149 : vector<16xi32>
      tpu.vector_store_idx %arg6[%add3A_144, %mul3A_150], %broadcast_in_dim3A_9 : memref<128x128xf32, #tpu.memory_space<vmem>>[vector<16xi32>, vector<16xi32>], vector<16xf32>,
      %shift_right_logical3A_151 = arith.constant 3 : i32
      %shift_right_logical3A_152 = vector.broadcast %shift_right_logical3A_151 : i32 to vector<16xi32>
      %shift_right_logical3A_153 = arith.shrui %get3A_141, %shift_right_logical3A_152 : vector<16xi32>
      %swap3A_154 = arith.constant 96 : index
      %swap3A_155 = tpu.vector_load %arg8[%swap3A_154] {strides = array<i32>} : memref<128xi32, #tpu.memory_space<vmem>>, vector<16xi32>,
      tpu.vector_store %arg8[%swap3A_154], %shift_right_logical3A_153 {strides = array<i32>} : memref<128xi32, #tpu.memory_space<vmem>>, vector<16xi32>,
      %get3A_156 = arith.constant 0 : i32
      %get3A_157 = arith.index_cast %add3A_26 : i32 to index
      %get3A_158 = arith.index_cast %get3A_156 : i32 to index
      %get3A_159 = arith.constant 112 : index
      %get3A_160 = tpu.vector_load %arg7[%get3A_157, %get3A_158, %get3A_159] {strides = array<i32>} : memref<79x1x128xi32, #tpu.memory_space<vmem>>, vector<16xi32>,
      %add3A_161 = arith.constant 112 : i32
      %add3A_162 = vector.broadcast %add3A_161 : i32 to vector<16xi32>
      %add3A_163 = arith.addi %iota3A, %add3A_162 : vector<16xi32>
      %and3A_164 = arith.constant 7 : i32
      %and3A_165 = vector.broadcast %and3A_164 : i32 to vector<16xi32>
      %and3A_166 = arith.andi %get3A_160, %and3A_165 : vector<16xi32>
      %mul3A_167 = arith.constant 16 : i32
      %mul3A_168 = vector.broadcast %mul3A_167 : i32 to vector<16xi32>
      %mul3A_169 = arith.muli %and3A_166, %mul3A_168 : vector<16xi32>
      tpu.vector_store_idx %arg6[%add3A_163, %mul3A_169], %broadcast_in_dim3A_9 : memref<128x128xf32, #tpu.memory_space<vmem>>[vector<16xi32>, vector<16xi32>], vector<16xf32>,
      %shift_right_logical3A_170 = arith.constant 3 : i32
      %shift_right_logical3A_171 = vector.broadcast %shift_right_logical3A_170 : i32 to vector<16xi32>
      %shift_right_logical3A_172 = arith.shrui %get3A_160, %shift_right_logical3A_171 : vector<16xi32>
      %swap3A_173 = arith.constant 112 : index
      %swap3A_174 = tpu.vector_load %arg8[%swap3A_173] {strides = array<i32>} : memref<128xi32, #tpu.memory_space<vmem>>, vector<16xi32>,
      tpu.vector_store %arg8[%swap3A_173], %shift_right_logical3A_172 {strides = array<i32>} : memref<128xi32, #tpu.memory_space<vmem>>, vector<16xi32>,
      "tpu.region"() ({
        %run_scoped3A = tpu.sem_alloc : memref<!tpu.dma_semaphore, #tpu.memory_space<semaphore_mem>>
        %dma_start3A = arith.constant 0 : i32
        %dma_start3A_287 = arith.constant 0 : i32
        %dma_start3A_288 = tpu.memref_slice %arg5[%dma_start3A, %dma_start3A_287] : memref<1280x128xf32, #tpu.memory_space<vmem_shared>> -> memref<1280x128xf32, #tpu.memory_space<vmem_shared>>
        tpu.enqueue_indirect_dma source(%arg6 : memref<128x128xf32, #tpu.memory_space<vmem>>) target(%dma_start3A_288 : memref<1280x128xf32, #tpu.memory_space<vmem_shared>>) offsets(%arg8 : memref<128xi32, #tpu.memory_space<vmem>>) semaphore(%run_scoped3A : memref<!tpu.dma_semaphore, #tpu.memory_space<semaphore_mem>>) {add = true}
        %dma_wait3A = arith.constant 0 : i32
        %dma_wait3A_289 = arith.constant 0 : i32
        %dma_wait3A_290 = tpu.memref_slice %arg5[%dma_wait3A, %dma_wait3A_289] : memref<1280x128xf32, #tpu.memory_space<vmem_shared>> -> memref<1280x128xf32, #tpu.memory_space<vmem_shared>>
        tpu.wait_indirect_dma semaphore(%run_scoped3A : memref<!tpu.dma_semaphore, #tpu.memory_space<semaphore_mem>>) src(%arg6 : memref<128x128xf32, #tpu.memory_space<vmem>>) dst(%dma_wait3A_290 : memref<1280x128xf32, #tpu.memory_space<vmem_shared>>)
        tpu.yield
      }) : () -> ()
      %get3A_175 = arith.constant 0 : i32
      %get3A_176 = arith.index_cast %add3A_26 : i32 to index
      %get3A_177 = arith.index_cast %get3A_175 : i32 to index
      %get3A_178 = arith.constant 0 : index
      %get3A_179 = tpu.vector_load %arg7[%get3A_176, %get3A_177, %get3A_178] {strides = array<i32>} : memref<79x1x128xi32, #tpu.memory_space<vmem>>, vector<16xi32>,
      %add3A_180 = arith.constant 0 : i32
      %add3A_181 = vector.broadcast %add3A_180 : i32 to vector<16xi32>
      %add3A_182 = arith.addi %iota3A, %add3A_181 : vector<16xi32>
      %and3A_183 = arith.constant 7 : i32
      %and3A_184 = vector.broadcast %and3A_183 : i32 to vector<16xi32>
      %and3A_185 = arith.andi %get3A_179, %and3A_184 : vector<16xi32>
      %mul3A_186 = arith.constant 16 : i32
      %mul3A_187 = vector.broadcast %mul3A_186 : i32 to vector<16xi32>
      %mul3A_188 = arith.muli %and3A_185, %mul3A_187 : vector<16xi32>
      tpu.vector_store_idx %arg6[%add3A_182, %mul3A_188], %broadcast_in_dim3A_11 : memref<128x128xf32, #tpu.memory_space<vmem>>[vector<16xi32>, vector<16xi32>], vector<16xf32>,
      %get3A_189 = arith.constant 0 : i32
      %get3A_190 = arith.index_cast %add3A_26 : i32 to index
      %get3A_191 = arith.index_cast %get3A_189 : i32 to index
      %get3A_192 = arith.constant 16 : index
      %get3A_193 = tpu.vector_load %arg7[%get3A_190, %get3A_191, %get3A_192] {strides = array<i32>} : memref<79x1x128xi32, #tpu.memory_space<vmem>>, vector<16xi32>,
      %add3A_194 = arith.constant 16 : i32
      %add3A_195 = vector.broadcast %add3A_194 : i32 to vector<16xi32>
      %add3A_196 = arith.addi %iota3A, %add3A_195 : vector<16xi32>
      %and3A_197 = arith.constant 7 : i32
      %and3A_198 = vector.broadcast %and3A_197 : i32 to vector<16xi32>
      %and3A_199 = arith.andi %get3A_193, %and3A_198 : vector<16xi32>
      %mul3A_200 = arith.constant 16 : i32
      %mul3A_201 = vector.broadcast %mul3A_200 : i32 to vector<16xi32>
      %mul3A_202 = arith.muli %and3A_199, %mul3A_201 : vector<16xi32>
      tpu.vector_store_idx %arg6[%add3A_196, %mul3A_202], %broadcast_in_dim3A_11 : memref<128x128xf32, #tpu.memory_space<vmem>>[vector<16xi32>, vector<16xi32>], vector<16xf32>,
      %get3A_203 = arith.constant 0 : i32
      %get3A_204 = arith.index_cast %add3A_26 : i32 to index
      %get3A_205 = arith.index_cast %get3A_203 : i32 to index
      %get3A_206 = arith.constant 32 : index
      %get3A_207 = tpu.vector_load %arg7[%get3A_204, %get3A_205, %get3A_206] {strides = array<i32>} : memref<79x1x128xi32, #tpu.memory_space<vmem>>, vector<16xi32>,
      %add3A_208 = arith.constant 32 : i32
      %add3A_209 = vector.broadcast %add3A_208 : i32 to vector<16xi32>
      %add3A_210 = arith.addi %iota3A, %add3A_209 : vector<16xi32>
      %and3A_211 = arith.constant 7 : i32
      %and3A_212 = vector.broadcast %and3A_211 : i32 to vector<16xi32>
      %and3A_213 = arith.andi %get3A_207, %and3A_212 : vector<16xi32>
      %mul3A_214 = arith.constant 16 : i32
      %mul3A_215 = vector.broadcast %mul3A_214 : i32 to vector<16xi32>
      %mul3A_216 = arith.muli %and3A_213, %mul3A_215 : vector<16xi32>
      tpu.vector_store_idx %arg6[%add3A_210, %mul3A_216], %broadcast_in_dim3A_11 : memref<128x128xf32, #tpu.memory_space<vmem>>[vector<16xi32>, vector<16xi32>], vector<16xf32>,
      %get3A_217 = arith.constant 0 : i32
      %get3A_218 = arith.index_cast %add3A_26 : i32 to index
      %get3A_219 = arith.index_cast %get3A_217 : i32 to index
      %get3A_220 = arith.constant 48 : index
      %get3A_221 = tpu.vector_load %arg7[%get3A_218, %get3A_219, %get3A_220] {strides = array<i32>} : memref<79x1x128xi32, #tpu.memory_space<vmem>>, vector<16xi32>,
      %add3A_222 = arith.constant 48 : i32
      %add3A_223 = vector.broadcast %add3A_222 : i32 to vector<16xi32>
      %add3A_224 = arith.addi %iota3A, %add3A_223 : vector<16xi32>
      %and3A_225 = arith.constant 7 : i32
      %and3A_226 = vector.broadcast %and3A_225 : i32 to vector<16xi32>
      %and3A_227 = arith.andi %get3A_221, %and3A_226 : vector<16xi32>
      %mul3A_228 = arith.constant 16 : i32
      %mul3A_229 = vector.broadcast %mul3A_228 : i32 to vector<16xi32>
      %mul3A_230 = arith.muli %and3A_227, %mul3A_229 : vector<16xi32>
      tpu.vector_store_idx %arg6[%add3A_224, %mul3A_230], %broadcast_in_dim3A_11 : memref<128x128xf32, #tpu.memory_space<vmem>>[vector<16xi32>, vector<16xi32>], vector<16xf32>,
      %get3A_231 = arith.constant 0 : i32
      %get3A_232 = arith.index_cast %add3A_26 : i32 to index
      %get3A_233 = arith.index_cast %get3A_231 : i32 to index
      %get3A_234 = arith.constant 64 : index
      %get3A_235 = tpu.vector_load %arg7[%get3A_232, %get3A_233, %get3A_234] {strides = array<i32>} : memref<79x1x128xi32, #tpu.memory_space<vmem>>, vector<16xi32>,
      %add3A_236 = arith.constant 64 : i32
      %add3A_237 = vector.broadcast %add3A_236 : i32 to vector<16xi32>
      %add3A_238 = arith.addi %iota3A, %add3A_237 : vector<16xi32>
      %and3A_239 = arith.constant 7 : i32
      %and3A_240 = vector.broadcast %and3A_239 : i32 to vector<16xi32>
      %and3A_241 = arith.andi %get3A_235, %and3A_240 : vector<16xi32>
      %mul3A_242 = arith.constant 16 : i32
      %mul3A_243 = vector.broadcast %mul3A_242 : i32 to vector<16xi32>
      %mul3A_244 = arith.muli %and3A_241, %mul3A_243 : vector<16xi32>
      tpu.vector_store_idx %arg6[%add3A_238, %mul3A_244], %broadcast_in_dim3A_11 : memref<128x128xf32, #tpu.memory_space<vmem>>[vector<16xi32>, vector<16xi32>], vector<16xf32>,
      %get3A_245 = arith.constant 0 : i32
      %get3A_246 = arith.index_cast %add3A_26 : i32 to index
      %get3A_247 = arith.index_cast %get3A_245 : i32 to index
      %get3A_248 = arith.constant 80 : index
      %get3A_249 = tpu.vector_load %arg7[%get3A_246, %get3A_247, %get3A_248] {strides = array<i32>} : memref<79x1x128xi32, #tpu.memory_space<vmem>>, vector<16xi32>,
      %add3A_250 = arith.constant 80 : i32
      %add3A_251 = vector.broadcast %add3A_250 : i32 to vector<16xi32>
      %add3A_252 = arith.addi %iota3A, %add3A_251 : vector<16xi32>
      %and3A_253 = arith.constant 7 : i32
      %and3A_254 = vector.broadcast %and3A_253 : i32 to vector<16xi32>
      %and3A_255 = arith.andi %get3A_249, %and3A_254 : vector<16xi32>
      %mul3A_256 = arith.constant 16 : i32
      %mul3A_257 = vector.broadcast %mul3A_256 : i32 to vector<16xi32>
      %mul3A_258 = arith.muli %and3A_255, %mul3A_257 : vector<16xi32>
      tpu.vector_store_idx %arg6[%add3A_252, %mul3A_258], %broadcast_in_dim3A_11 : memref<128x128xf32, #tpu.memory_space<vmem>>[vector<16xi32>, vector<16xi32>], vector<16xf32>,
      %get3A_259 = arith.constant 0 : i32
      %get3A_260 = arith.index_cast %add3A_26 : i32 to index
      %get3A_261 = arith.index_cast %get3A_259 : i32 to index
      %get3A_262 = arith.constant 96 : index
      %get3A_263 = tpu.vector_load %arg7[%get3A_260, %get3A_261, %get3A_262] {strides = array<i32>} : memref<79x1x128xi32, #tpu.memory_space<vmem>>, vector<16xi32>,
      %add3A_264 = arith.constant 96 : i32
      %add3A_265 = vector.broadcast %add3A_264 : i32 to vector<16xi32>
      %add3A_266 = arith.addi %iota3A, %add3A_265 : vector<16xi32>
      %and3A_267 = arith.constant 7 : i32
      %and3A_268 = vector.broadcast %and3A_267 : i32 to vector<16xi32>
      %and3A_269 = arith.andi %get3A_263, %and3A_268 : vector<16xi32>
      %mul3A_270 = arith.constant 16 : i32
      %mul3A_271 = vector.broadcast %mul3A_270 : i32 to vector<16xi32>
      %mul3A_272 = arith.muli %and3A_269, %mul3A_271 : vector<16xi32>
      tpu.vector_store_idx %arg6[%add3A_266, %mul3A_272], %broadcast_in_dim3A_11 : memref<128x128xf32, #tpu.memory_space<vmem>>[vector<16xi32>, vector<16xi32>], vector<16xf32>,
      %get3A_273 = arith.constant 0 : i32
      %get3A_274 = arith.index_cast %add3A_26 : i32 to index
      %get3A_275 = arith.index_cast %get3A_273 : i32 to index
      %get3A_276 = arith.constant 112 : index
      %get3A_277 = tpu.vector_load %arg7[%get3A_274, %get3A_275, %get3A_276] {strides = array<i32>} : memref<79x1x128xi32, #tpu.memory_space<vmem>>, vector<16xi32>,
      %add3A_278 = arith.constant 112 : i32
      %add3A_279 = vector.broadcast %add3A_278 : i32 to vector<16xi32>
      %add3A_280 = arith.addi %iota3A, %add3A_279 : vector<16xi32>
      %and3A_281 = arith.constant 7 : i32
      %and3A_282 = vector.broadcast %and3A_281 : i32 to vector<16xi32>
      %and3A_283 = arith.andi %get3A_277, %and3A_282 : vector<16xi32>
      %mul3A_284 = arith.constant 16 : i32
      %mul3A_285 = vector.broadcast %mul3A_284 : i32 to vector<16xi32>
      %mul3A_286 = arith.muli %and3A_283, %mul3A_285 : vector<16xi32>
      tpu.vector_store_idx %arg6[%add3A_280, %mul3A_286], %broadcast_in_dim3A_11 : memref<128x128xf32, #tpu.memory_space<vmem>>[vector<16xi32>, vector<16xi32>], vector<16xf32>,
    }
    %scan3A_15 = arith.constant 78 : i32
    %lt3A_16 = arith.constant 4 : i32
    %lt3A_17 = arith.cmpi slt, %add3A, %lt3A_16 : i32
    %convert_element_type3A_18 = arith.extui %lt3A_17 : i1 to i32
    %cond3A_19 = arith.constant 0 : i32
    %cond3A_20 = arith.cmpi ne, %convert_element_type3A_18, %cond3A_19 : i32
    scf.if %cond3A_20 {
      %get3A = arith.constant 78 : i32
      %get3A_22 = arith.constant 0 : i32
      %get3A_23 = arith.index_cast %get3A : i32 to index
      %get3A_24 = arith.index_cast %get3A_22 : i32 to index
      %get3A_25 = arith.constant 0 : index
      %get3A_26 = tpu.vector_load %arg7[%get3A_23, %get3A_24, %get3A_25] {strides = array<i32>} : memref<79x1x128xi32, #tpu.memory_space<vmem>>, vector<16xi32>,
      %add3A_27 = arith.constant 0 : i32
      %add3A_28 = vector.broadcast %add3A_27 : i32 to vector<16xi32>
      %add3A_29 = arith.addi %iota3A, %add3A_28 : vector<16xi32>
      %and3A = arith.constant 7 : i32
      %and3A_30 = vector.broadcast %and3A : i32 to vector<16xi32>
      %and3A_31 = arith.andi %get3A_26, %and3A_30 : vector<16xi32>
      %mul3A_32 = arith.constant 16 : i32
      %mul3A_33 = vector.broadcast %mul3A_32 : i32 to vector<16xi32>
      %mul3A_34 = arith.muli %and3A_31, %mul3A_33 : vector<16xi32>
      tpu.vector_store_idx %arg6[%add3A_29, %mul3A_34], %broadcast_in_dim3A_9 : memref<128x128xf32, #tpu.memory_space<vmem>>[vector<16xi32>, vector<16xi32>], vector<16xf32>,
      %shift_right_logical3A = arith.constant 3 : i32
      %shift_right_logical3A_35 = vector.broadcast %shift_right_logical3A : i32 to vector<16xi32>
      %shift_right_logical3A_36 = arith.shrui %get3A_26, %shift_right_logical3A_35 : vector<16xi32>
      %swap3A = arith.constant 0 : index
      %swap3A_37 = tpu.vector_load %arg8[%swap3A] {strides = array<i32>} : memref<128xi32, #tpu.memory_space<vmem>>, vector<16xi32>,
      tpu.vector_store %arg8[%swap3A], %shift_right_logical3A_36 {strides = array<i32>} : memref<128xi32, #tpu.memory_space<vmem>>, vector<16xi32>,
      %get3A_38 = arith.constant 78 : i32
      %get3A_39 = arith.constant 0 : i32
      %get3A_40 = arith.index_cast %get3A_38 : i32 to index
      %get3A_41 = arith.index_cast %get3A_39 : i32 to index
      %get3A_42 = arith.constant 16 : index
      %get3A_43 = tpu.vector_load %arg7[%get3A_40, %get3A_41, %get3A_42] {strides = array<i32>} : memref<79x1x128xi32, #tpu.memory_space<vmem>>, vector<16xi32>,
      %add3A_44 = arith.constant 16 : i32
      %add3A_45 = vector.broadcast %add3A_44 : i32 to vector<16xi32>
      %add3A_46 = arith.addi %iota3A, %add3A_45 : vector<16xi32>
      %and3A_47 = arith.constant 7 : i32
      %and3A_48 = vector.broadcast %and3A_47 : i32 to vector<16xi32>
      %and3A_49 = arith.andi %get3A_43, %and3A_48 : vector<16xi32>
      %mul3A_50 = arith.constant 16 : i32
      %mul3A_51 = vector.broadcast %mul3A_50 : i32 to vector<16xi32>
      %mul3A_52 = arith.muli %and3A_49, %mul3A_51 : vector<16xi32>
      tpu.vector_store_idx %arg6[%add3A_46, %mul3A_52], %broadcast_in_dim3A_9 : memref<128x128xf32, #tpu.memory_space<vmem>>[vector<16xi32>, vector<16xi32>], vector<16xf32>,
      %shift_right_logical3A_53 = arith.constant 3 : i32
      %shift_right_logical3A_54 = vector.broadcast %shift_right_logical3A_53 : i32 to vector<16xi32>
      %shift_right_logical3A_55 = arith.shrui %get3A_43, %shift_right_logical3A_54 : vector<16xi32>
      %swap3A_56 = arith.constant 16 : index
      %swap3A_57 = tpu.vector_load %arg8[%swap3A_56] {strides = array<i32>} : memref<128xi32, #tpu.memory_space<vmem>>, vector<16xi32>,
      tpu.vector_store %arg8[%swap3A_56], %shift_right_logical3A_55 {strides = array<i32>} : memref<128xi32, #tpu.memory_space<vmem>>, vector<16xi32>,
      %get3A_58 = arith.constant 78 : i32
      %get3A_59 = arith.constant 0 : i32
      %get3A_60 = arith.index_cast %get3A_58 : i32 to index
      %get3A_61 = arith.index_cast %get3A_59 : i32 to index
      %get3A_62 = arith.constant 32 : index
      %get3A_63 = tpu.vector_load %arg7[%get3A_60, %get3A_61, %get3A_62] {strides = array<i32>} : memref<79x1x128xi32, #tpu.memory_space<vmem>>, vector<16xi32>,
      %add3A_64 = arith.constant 32 : i32
      %add3A_65 = vector.broadcast %add3A_64 : i32 to vector<16xi32>
      %add3A_66 = arith.addi %iota3A, %add3A_65 : vector<16xi32>
      %and3A_67 = arith.constant 7 : i32
      %and3A_68 = vector.broadcast %and3A_67 : i32 to vector<16xi32>
      %and3A_69 = arith.andi %get3A_63, %and3A_68 : vector<16xi32>
      %mul3A_70 = arith.constant 16 : i32
      %mul3A_71 = vector.broadcast %mul3A_70 : i32 to vector<16xi32>
      %mul3A_72 = arith.muli %and3A_69, %mul3A_71 : vector<16xi32>
      tpu.vector_store_idx %arg6[%add3A_66, %mul3A_72], %broadcast_in_dim3A_9 : memref<128x128xf32, #tpu.memory_space<vmem>>[vector<16xi32>, vector<16xi32>], vector<16xf32>,
      %shift_right_logical3A_73 = arith.constant 3 : i32
      %shift_right_logical3A_74 = vector.broadcast %shift_right_logical3A_73 : i32 to vector<16xi32>
      %shift_right_logical3A_75 = arith.shrui %get3A_63, %shift_right_logical3A_74 : vector<16xi32>
      %swap3A_76 = arith.constant 32 : index
      %swap3A_77 = tpu.vector_load %arg8[%swap3A_76] {strides = array<i32>} : memref<128xi32, #tpu.memory_space<vmem>>, vector<16xi32>,
      tpu.vector_store %arg8[%swap3A_76], %shift_right_logical3A_75 {strides = array<i32>} : memref<128xi32, #tpu.memory_space<vmem>>, vector<16xi32>,
      %get3A_78 = arith.constant 78 : i32
      %get3A_79 = arith.constant 0 : i32
      %get3A_80 = arith.index_cast %get3A_78 : i32 to index
      %get3A_81 = arith.index_cast %get3A_79 : i32 to index
      %get3A_82 = arith.constant 48 : index
      %get3A_83 = tpu.vector_load %arg7[%get3A_80, %get3A_81, %get3A_82] {strides = array<i32>} : memref<79x1x128xi32, #tpu.memory_space<vmem>>, vector<16xi32>,
      %add3A_84 = arith.constant 48 : i32
      %add3A_85 = vector.broadcast %add3A_84 : i32 to vector<16xi32>
      %add3A_86 = arith.addi %iota3A, %add3A_85 : vector<16xi32>
      %and3A_87 = arith.constant 7 : i32
      %and3A_88 = vector.broadcast %and3A_87 : i32 to vector<16xi32>
      %and3A_89 = arith.andi %get3A_83, %and3A_88 : vector<16xi32>
      %mul3A_90 = arith.constant 16 : i32
      %mul3A_91 = vector.broadcast %mul3A_90 : i32 to vector<16xi32>
      %mul3A_92 = arith.muli %and3A_89, %mul3A_91 : vector<16xi32>
      tpu.vector_store_idx %arg6[%add3A_86, %mul3A_92], %broadcast_in_dim3A_9 : memref<128x128xf32, #tpu.memory_space<vmem>>[vector<16xi32>, vector<16xi32>], vector<16xf32>,
      %shift_right_logical3A_93 = arith.constant 3 : i32
      %shift_right_logical3A_94 = vector.broadcast %shift_right_logical3A_93 : i32 to vector<16xi32>
      %shift_right_logical3A_95 = arith.shrui %get3A_83, %shift_right_logical3A_94 : vector<16xi32>
      %swap3A_96 = arith.constant 48 : index
      %swap3A_97 = tpu.vector_load %arg8[%swap3A_96] {strides = array<i32>} : memref<128xi32, #tpu.memory_space<vmem>>, vector<16xi32>,
      tpu.vector_store %arg8[%swap3A_96], %shift_right_logical3A_95 {strides = array<i32>} : memref<128xi32, #tpu.memory_space<vmem>>, vector<16xi32>,
      %get3A_98 = arith.constant 78 : i32
      %get3A_99 = arith.constant 0 : i32
      %get3A_100 = arith.index_cast %get3A_98 : i32 to index
      %get3A_101 = arith.index_cast %get3A_99 : i32 to index
      %get3A_102 = arith.constant 64 : index
      %get3A_103 = tpu.vector_load %arg7[%get3A_100, %get3A_101, %get3A_102] {strides = array<i32>} : memref<79x1x128xi32, #tpu.memory_space<vmem>>, vector<16xi32>,
      %add3A_104 = arith.constant 64 : i32
      %add3A_105 = vector.broadcast %add3A_104 : i32 to vector<16xi32>
      %add3A_106 = arith.addi %iota3A, %add3A_105 : vector<16xi32>
      %and3A_107 = arith.constant 7 : i32
      %and3A_108 = vector.broadcast %and3A_107 : i32 to vector<16xi32>
      %and3A_109 = arith.andi %get3A_103, %and3A_108 : vector<16xi32>
      %mul3A_110 = arith.constant 16 : i32
      %mul3A_111 = vector.broadcast %mul3A_110 : i32 to vector<16xi32>
      %mul3A_112 = arith.muli %and3A_109, %mul3A_111 : vector<16xi32>
      tpu.vector_store_idx %arg6[%add3A_106, %mul3A_112], %broadcast_in_dim3A_9 : memref<128x128xf32, #tpu.memory_space<vmem>>[vector<16xi32>, vector<16xi32>], vector<16xf32>,
      %shift_right_logical3A_113 = arith.constant 3 : i32
      %shift_right_logical3A_114 = vector.broadcast %shift_right_logical3A_113 : i32 to vector<16xi32>
      %shift_right_logical3A_115 = arith.shrui %get3A_103, %shift_right_logical3A_114 : vector<16xi32>
      %swap3A_116 = arith.constant 64 : index
      %swap3A_117 = tpu.vector_load %arg8[%swap3A_116] {strides = array<i32>} : memref<128xi32, #tpu.memory_space<vmem>>, vector<16xi32>,
      tpu.vector_store %arg8[%swap3A_116], %shift_right_logical3A_115 {strides = array<i32>} : memref<128xi32, #tpu.memory_space<vmem>>, vector<16xi32>,
      %get3A_118 = arith.constant 78 : i32
      %get3A_119 = arith.constant 0 : i32
      %get3A_120 = arith.index_cast %get3A_118 : i32 to index
      %get3A_121 = arith.index_cast %get3A_119 : i32 to index
      %get3A_122 = arith.constant 80 : index
      %get3A_123 = tpu.vector_load %arg7[%get3A_120, %get3A_121, %get3A_122] {strides = array<i32>} : memref<79x1x128xi32, #tpu.memory_space<vmem>>, vector<16xi32>,
      %add3A_124 = arith.constant 80 : i32
      %add3A_125 = vector.broadcast %add3A_124 : i32 to vector<16xi32>
      %add3A_126 = arith.addi %iota3A, %add3A_125 : vector<16xi32>
      %and3A_127 = arith.constant 7 : i32
      %and3A_128 = vector.broadcast %and3A_127 : i32 to vector<16xi32>
      %and3A_129 = arith.andi %get3A_123, %and3A_128 : vector<16xi32>
      %mul3A_130 = arith.constant 16 : i32
      %mul3A_131 = vector.broadcast %mul3A_130 : i32 to vector<16xi32>
      %mul3A_132 = arith.muli %and3A_129, %mul3A_131 : vector<16xi32>
      tpu.vector_store_idx %arg6[%add3A_126, %mul3A_132], %broadcast_in_dim3A_9 : memref<128x128xf32, #tpu.memory_space<vmem>>[vector<16xi32>, vector<16xi32>], vector<16xf32>,
      %shift_right_logical3A_133 = arith.constant 3 : i32
      %shift_right_logical3A_134 = vector.broadcast %shift_right_logical3A_133 : i32 to vector<16xi32>
      %shift_right_logical3A_135 = arith.shrui %get3A_123, %shift_right_logical3A_134 : vector<16xi32>
      %swap3A_136 = arith.constant 80 : index
      %swap3A_137 = tpu.vector_load %arg8[%swap3A_136] {strides = array<i32>} : memref<128xi32, #tpu.memory_space<vmem>>, vector<16xi32>,
      tpu.vector_store %arg8[%swap3A_136], %shift_right_logical3A_135 {strides = array<i32>} : memref<128xi32, #tpu.memory_space<vmem>>, vector<16xi32>,
      %get3A_138 = arith.constant 78 : i32
      %get3A_139 = arith.constant 0 : i32
      %get3A_140 = arith.index_cast %get3A_138 : i32 to index
      %get3A_141 = arith.index_cast %get3A_139 : i32 to index
      %get3A_142 = arith.constant 96 : index
      %get3A_143 = tpu.vector_load %arg7[%get3A_140, %get3A_141, %get3A_142] {strides = array<i32>} : memref<79x1x128xi32, #tpu.memory_space<vmem>>, vector<16xi32>,
      %add3A_144 = arith.constant 96 : i32
      %add3A_145 = vector.broadcast %add3A_144 : i32 to vector<16xi32>
      %add3A_146 = arith.addi %iota3A, %add3A_145 : vector<16xi32>
      %and3A_147 = arith.constant 7 : i32
      %and3A_148 = vector.broadcast %and3A_147 : i32 to vector<16xi32>
      %and3A_149 = arith.andi %get3A_143, %and3A_148 : vector<16xi32>
      %mul3A_150 = arith.constant 16 : i32
      %mul3A_151 = vector.broadcast %mul3A_150 : i32 to vector<16xi32>
      %mul3A_152 = arith.muli %and3A_149, %mul3A_151 : vector<16xi32>
      tpu.vector_store_idx %arg6[%add3A_146, %mul3A_152], %broadcast_in_dim3A_9 : memref<128x128xf32, #tpu.memory_space<vmem>>[vector<16xi32>, vector<16xi32>], vector<16xf32>,
      %shift_right_logical3A_153 = arith.constant 3 : i32
      %shift_right_logical3A_154 = vector.broadcast %shift_right_logical3A_153 : i32 to vector<16xi32>
      %shift_right_logical3A_155 = arith.shrui %get3A_143, %shift_right_logical3A_154 : vector<16xi32>
      %swap3A_156 = arith.constant 96 : index
      %swap3A_157 = tpu.vector_load %arg8[%swap3A_156] {strides = array<i32>} : memref<128xi32, #tpu.memory_space<vmem>>, vector<16xi32>,
      tpu.vector_store %arg8[%swap3A_156], %shift_right_logical3A_155 {strides = array<i32>} : memref<128xi32, #tpu.memory_space<vmem>>, vector<16xi32>,
      %get3A_158 = arith.constant 78 : i32
      %get3A_159 = arith.constant 0 : i32
      %get3A_160 = arith.index_cast %get3A_158 : i32 to index
      %get3A_161 = arith.index_cast %get3A_159 : i32 to index
      %get3A_162 = arith.constant 112 : index
      %get3A_163 = tpu.vector_load %arg7[%get3A_160, %get3A_161, %get3A_162] {strides = array<i32>} : memref<79x1x128xi32, #tpu.memory_space<vmem>>, vector<16xi32>,
      %add3A_164 = arith.constant 112 : i32
      %add3A_165 = vector.broadcast %add3A_164 : i32 to vector<16xi32>
      %add3A_166 = arith.addi %iota3A, %add3A_165 : vector<16xi32>
      %and3A_167 = arith.constant 7 : i32
      %and3A_168 = vector.broadcast %and3A_167 : i32 to vector<16xi32>
      %and3A_169 = arith.andi %get3A_163, %and3A_168 : vector<16xi32>
      %mul3A_170 = arith.constant 16 : i32
      %mul3A_171 = vector.broadcast %mul3A_170 : i32 to vector<16xi32>
      %mul3A_172 = arith.muli %and3A_169, %mul3A_171 : vector<16xi32>
      tpu.vector_store_idx %arg6[%add3A_166, %mul3A_172], %broadcast_in_dim3A_9 : memref<128x128xf32, #tpu.memory_space<vmem>>[vector<16xi32>, vector<16xi32>], vector<16xf32>,
      %shift_right_logical3A_173 = arith.constant 3 : i32
      %shift_right_logical3A_174 = vector.broadcast %shift_right_logical3A_173 : i32 to vector<16xi32>
      %shift_right_logical3A_175 = arith.shrui %get3A_163, %shift_right_logical3A_174 : vector<16xi32>
      %swap3A_176 = arith.constant 112 : index
      %swap3A_177 = tpu.vector_load %arg8[%swap3A_176] {strides = array<i32>} : memref<128xi32, #tpu.memory_space<vmem>>, vector<16xi32>,
      tpu.vector_store %arg8[%swap3A_176], %shift_right_logical3A_175 {strides = array<i32>} : memref<128xi32, #tpu.memory_space<vmem>>, vector<16xi32>,
      "tpu.region"() ({
        %run_scoped3A = tpu.sem_alloc : memref<!tpu.dma_semaphore, #tpu.memory_space<semaphore_mem>>
        %dma_start3A = arith.constant 0 : i32
        %dma_start3A_298 = arith.constant 0 : i32
        %dma_start3A_299 = tpu.memref_slice %arg5[%dma_start3A, %dma_start3A_298] : memref<1280x128xf32, #tpu.memory_space<vmem_shared>> -> memref<1280x128xf32, #tpu.memory_space<vmem_shared>>
        tpu.enqueue_indirect_dma source(%arg6 : memref<128x128xf32, #tpu.memory_space<vmem>>) target(%dma_start3A_299 : memref<1280x128xf32, #tpu.memory_space<vmem_shared>>) offsets(%arg8 : memref<128xi32, #tpu.memory_space<vmem>>) semaphore(%run_scoped3A : memref<!tpu.dma_semaphore, #tpu.memory_space<semaphore_mem>>) {add = true}
        %dma_wait3A = arith.constant 0 : i32
        %dma_wait3A_300 = arith.constant 0 : i32
        %dma_wait3A_301 = tpu.memref_slice %arg5[%dma_wait3A, %dma_wait3A_300] : memref<1280x128xf32, #tpu.memory_space<vmem_shared>> -> memref<1280x128xf32, #tpu.memory_space<vmem_shared>>
        tpu.wait_indirect_dma semaphore(%run_scoped3A : memref<!tpu.dma_semaphore, #tpu.memory_space<semaphore_mem>>) src(%arg6 : memref<128x128xf32, #tpu.memory_space<vmem>>) dst(%dma_wait3A_301 : memref<1280x128xf32, #tpu.memory_space<vmem_shared>>)
        tpu.yield
      }) : () -> ()
      %get3A_178 = arith.constant 78 : i32
      %get3A_179 = arith.constant 0 : i32
      %get3A_180 = arith.index_cast %get3A_178 : i32 to index
      %get3A_181 = arith.index_cast %get3A_179 : i32 to index
      %get3A_182 = arith.constant 0 : index
      %get3A_183 = tpu.vector_load %arg7[%get3A_180, %get3A_181, %get3A_182] {strides = array<i32>} : memref<79x1x128xi32, #tpu.memory_space<vmem>>, vector<16xi32>,
      %add3A_184 = arith.constant 0 : i32
      %add3A_185 = vector.broadcast %add3A_184 : i32 to vector<16xi32>
      %add3A_186 = arith.addi %iota3A, %add3A_185 : vector<16xi32>
      %and3A_187 = arith.constant 7 : i32
      %and3A_188 = vector.broadcast %and3A_187 : i32 to vector<16xi32>
      %and3A_189 = arith.andi %get3A_183, %and3A_188 : vector<16xi32>
      %mul3A_190 = arith.constant 16 : i32
      %mul3A_191 = vector.broadcast %mul3A_190 : i32 to vector<16xi32>
      %mul3A_192 = arith.muli %and3A_189, %mul3A_191 : vector<16xi32>
      tpu.vector_store_idx %arg6[%add3A_186, %mul3A_192], %broadcast_in_dim3A_11 : memref<128x128xf32, #tpu.memory_space<vmem>>[vector<16xi32>, vector<16xi32>], vector<16xf32>,
      %get3A_193 = arith.constant 78 : i32
      %get3A_194 = arith.constant 0 : i32
      %get3A_195 = arith.index_cast %get3A_193 : i32 to index
      %get3A_196 = arith.index_cast %get3A_194 : i32 to index
      %get3A_197 = arith.constant 16 : index
      %get3A_198 = tpu.vector_load %arg7[%get3A_195, %get3A_196, %get3A_197] {strides = array<i32>} : memref<79x1x128xi32, #tpu.memory_space<vmem>>, vector<16xi32>,
      %add3A_199 = arith.constant 16 : i32
      %add3A_200 = vector.broadcast %add3A_199 : i32 to vector<16xi32>
      %add3A_201 = arith.addi %iota3A, %add3A_200 : vector<16xi32>
      %and3A_202 = arith.constant 7 : i32
      %and3A_203 = vector.broadcast %and3A_202 : i32 to vector<16xi32>
      %and3A_204 = arith.andi %get3A_198, %and3A_203 : vector<16xi32>
      %mul3A_205 = arith.constant 16 : i32
      %mul3A_206 = vector.broadcast %mul3A_205 : i32 to vector<16xi32>
      %mul3A_207 = arith.muli %and3A_204, %mul3A_206 : vector<16xi32>
      tpu.vector_store_idx %arg6[%add3A_201, %mul3A_207], %broadcast_in_dim3A_11 : memref<128x128xf32, #tpu.memory_space<vmem>>[vector<16xi32>, vector<16xi32>], vector<16xf32>,
      %get3A_208 = arith.constant 78 : i32
      %get3A_209 = arith.constant 0 : i32
      %get3A_210 = arith.index_cast %get3A_208 : i32 to index
      %get3A_211 = arith.index_cast %get3A_209 : i32 to index
      %get3A_212 = arith.constant 32 : index
      %get3A_213 = tpu.vector_load %arg7[%get3A_210, %get3A_211, %get3A_212] {strides = array<i32>} : memref<79x1x128xi32, #tpu.memory_space<vmem>>, vector<16xi32>,
      %add3A_214 = arith.constant 32 : i32
      %add3A_215 = vector.broadcast %add3A_214 : i32 to vector<16xi32>
      %add3A_216 = arith.addi %iota3A, %add3A_215 : vector<16xi32>
      %and3A_217 = arith.constant 7 : i32
      %and3A_218 = vector.broadcast %and3A_217 : i32 to vector<16xi32>
      %and3A_219 = arith.andi %get3A_213, %and3A_218 : vector<16xi32>
      %mul3A_220 = arith.constant 16 : i32
      %mul3A_221 = vector.broadcast %mul3A_220 : i32 to vector<16xi32>
      %mul3A_222 = arith.muli %and3A_219, %mul3A_221 : vector<16xi32>
      tpu.vector_store_idx %arg6[%add3A_216, %mul3A_222], %broadcast_in_dim3A_11 : memref<128x128xf32, #tpu.memory_space<vmem>>[vector<16xi32>, vector<16xi32>], vector<16xf32>,
      %get3A_223 = arith.constant 78 : i32
      %get3A_224 = arith.constant 0 : i32
      %get3A_225 = arith.index_cast %get3A_223 : i32 to index
      %get3A_226 = arith.index_cast %get3A_224 : i32 to index
      %get3A_227 = arith.constant 48 : index
      %get3A_228 = tpu.vector_load %arg7[%get3A_225, %get3A_226, %get3A_227] {strides = array<i32>} : memref<79x1x128xi32, #tpu.memory_space<vmem>>, vector<16xi32>,
      %add3A_229 = arith.constant 48 : i32
      %add3A_230 = vector.broadcast %add3A_229 : i32 to vector<16xi32>
      %add3A_231 = arith.addi %iota3A, %add3A_230 : vector<16xi32>
      %and3A_232 = arith.constant 7 : i32
      %and3A_233 = vector.broadcast %and3A_232 : i32 to vector<16xi32>
      %and3A_234 = arith.andi %get3A_228, %and3A_233 : vector<16xi32>
      %mul3A_235 = arith.constant 16 : i32
      %mul3A_236 = vector.broadcast %mul3A_235 : i32 to vector<16xi32>
      %mul3A_237 = arith.muli %and3A_234, %mul3A_236 : vector<16xi32>
      tpu.vector_store_idx %arg6[%add3A_231, %mul3A_237], %broadcast_in_dim3A_11 : memref<128x128xf32, #tpu.memory_space<vmem>>[vector<16xi32>, vector<16xi32>], vector<16xf32>,
      %get3A_238 = arith.constant 78 : i32
      %get3A_239 = arith.constant 0 : i32
      %get3A_240 = arith.index_cast %get3A_238 : i32 to index
      %get3A_241 = arith.index_cast %get3A_239 : i32 to index
      %get3A_242 = arith.constant 64 : index
      %get3A_243 = tpu.vector_load %arg7[%get3A_240, %get3A_241, %get3A_242] {strides = array<i32>} : memref<79x1x128xi32, #tpu.memory_space<vmem>>, vector<16xi32>,
      %add3A_244 = arith.constant 64 : i32
      %add3A_245 = vector.broadcast %add3A_244 : i32 to vector<16xi32>
      %add3A_246 = arith.addi %iota3A, %add3A_245 : vector<16xi32>
      %and3A_247 = arith.constant 7 : i32
      %and3A_248 = vector.broadcast %and3A_247 : i32 to vector<16xi32>
      %and3A_249 = arith.andi %get3A_243, %and3A_248 : vector<16xi32>
      %mul3A_250 = arith.constant 16 : i32
      %mul3A_251 = vector.broadcast %mul3A_250 : i32 to vector<16xi32>
      %mul3A_252 = arith.muli %and3A_249, %mul3A_251 : vector<16xi32>
      tpu.vector_store_idx %arg6[%add3A_246, %mul3A_252], %broadcast_in_dim3A_11 : memref<128x128xf32, #tpu.memory_space<vmem>>[vector<16xi32>, vector<16xi32>], vector<16xf32>,
      %get3A_253 = arith.constant 78 : i32
      %get3A_254 = arith.constant 0 : i32
      %get3A_255 = arith.index_cast %get3A_253 : i32 to index
      %get3A_256 = arith.index_cast %get3A_254 : i32 to index
      %get3A_257 = arith.constant 80 : index
      %get3A_258 = tpu.vector_load %arg7[%get3A_255, %get3A_256, %get3A_257] {strides = array<i32>} : memref<79x1x128xi32, #tpu.memory_space<vmem>>, vector<16xi32>,
      %add3A_259 = arith.constant 80 : i32
      %add3A_260 = vector.broadcast %add3A_259 : i32 to vector<16xi32>
      %add3A_261 = arith.addi %iota3A, %add3A_260 : vector<16xi32>
      %and3A_262 = arith.constant 7 : i32
      %and3A_263 = vector.broadcast %and3A_262 : i32 to vector<16xi32>
      %and3A_264 = arith.andi %get3A_258, %and3A_263 : vector<16xi32>
      %mul3A_265 = arith.constant 16 : i32
      %mul3A_266 = vector.broadcast %mul3A_265 : i32 to vector<16xi32>
      %mul3A_267 = arith.muli %and3A_264, %mul3A_266 : vector<16xi32>
      tpu.vector_store_idx %arg6[%add3A_261, %mul3A_267], %broadcast_in_dim3A_11 : memref<128x128xf32, #tpu.memory_space<vmem>>[vector<16xi32>, vector<16xi32>], vector<16xf32>,
      %get3A_268 = arith.constant 78 : i32
      %get3A_269 = arith.constant 0 : i32
      %get3A_270 = arith.index_cast %get3A_268 : i32 to index
      %get3A_271 = arith.index_cast %get3A_269 : i32 to index
      %get3A_272 = arith.constant 96 : index
      %get3A_273 = tpu.vector_load %arg7[%get3A_270, %get3A_271, %get3A_272] {strides = array<i32>} : memref<79x1x128xi32, #tpu.memory_space<vmem>>, vector<16xi32>,
      %add3A_274 = arith.constant 96 : i32
      %add3A_275 = vector.broadcast %add3A_274 : i32 to vector<16xi32>
      %add3A_276 = arith.addi %iota3A, %add3A_275 : vector<16xi32>
      %and3A_277 = arith.constant 7 : i32
      %and3A_278 = vector.broadcast %and3A_277 : i32 to vector<16xi32>
      %and3A_279 = arith.andi %get3A_273, %and3A_278 : vector<16xi32>
      %mul3A_280 = arith.constant 16 : i32
      %mul3A_281 = vector.broadcast %mul3A_280 : i32 to vector<16xi32>
      %mul3A_282 = arith.muli %and3A_279, %mul3A_281 : vector<16xi32>
      tpu.vector_store_idx %arg6[%add3A_276, %mul3A_282], %broadcast_in_dim3A_11 : memref<128x128xf32, #tpu.memory_space<vmem>>[vector<16xi32>, vector<16xi32>], vector<16xf32>,
      %get3A_283 = arith.constant 78 : i32
      %get3A_284 = arith.constant 0 : i32
      %get3A_285 = arith.index_cast %get3A_283 : i32 to index
      %get3A_286 = arith.index_cast %get3A_284 : i32 to index
      %get3A_287 = arith.constant 112 : index
      %get3A_288 = tpu.vector_load %arg7[%get3A_285, %get3A_286, %get3A_287] {strides = array<i32>} : memref<79x1x128xi32, #tpu.memory_space<vmem>>, vector<16xi32>,
      %add3A_289 = arith.constant 112 : i32
      %add3A_290 = vector.broadcast %add3A_289 : i32 to vector<16xi32>
      %add3A_291 = arith.addi %iota3A, %add3A_290 : vector<16xi32>
      %and3A_292 = arith.constant 7 : i32
      %and3A_293 = vector.broadcast %and3A_292 : i32 to vector<16xi32>
      %and3A_294 = arith.andi %get3A_288, %and3A_293 : vector<16xi32>
      %mul3A_295 = arith.constant 16 : i32
      %mul3A_296 = vector.broadcast %mul3A_295 : i32 to vector<16xi32>
      %mul3A_297 = arith.muli %and3A_294, %mul3A_296 : vector<16xi32>
      tpu.vector_store_idx %arg6[%add3A_291, %mul3A_297], %broadcast_in_dim3A_11 : memref<128x128xf32, #tpu.memory_space<vmem>>[vector<16xi32>, vector<16xi32>], vector<16xf32>,
    } else {
    }
    %barrier3A_21 = arith.constant 0 : index
    tpu.barrier barrier_id(%barrier3A_21)
    "tpu.region"() ({
      %run_scoped3A = tpu.sem_alloc : memref<!tpu.dma_semaphore, #tpu.memory_space<semaphore_mem>>
      %dma_start3A = arith.constant 0 : i32
      %dma_start3A_22 = tpu.memref_slice %arg4[%arg0, %mul3A_0, %dma_start3A] : memref<2x1280x128xf32, #tpu.memory_space<hbm>> -> memref<1x80x128xf32, #tpu.memory_space<hbm>>
      %dma_start3A_23 = tpu.memref_squeeze %dma_start3A_22 : memref<1x80x128xf32, #tpu.memory_space<hbm>> -> memref<80x128xf32, #tpu.memory_space<hbm>>
      %dma_start3A_24 = arith.constant 0 : i32
      %dma_start3A_25 = tpu.memref_slice %arg5[%mul3A_0, %dma_start3A_24] : memref<1280x128xf32, #tpu.memory_space<vmem_shared>> -> memref<80x128xf32, #tpu.memory_space<vmem_shared>>
      tpu.enqueue_dma source(%dma_start3A_25 : memref<80x128xf32, #tpu.memory_space<vmem_shared>>) target(%dma_start3A_23 : memref<80x128xf32, #tpu.memory_space<hbm>>) target_semaphore(%run_scoped3A : memref<!tpu.dma_semaphore, #tpu.memory_space<semaphore_mem>>)
      %dma_wait3A = arith.constant 0 : i32
      %dma_wait3A_26 = tpu.memref_slice %arg4[%arg0, %mul3A_0, %dma_wait3A] : memref<2x1280x128xf32, #tpu.memory_space<hbm>> -> memref<1x80x128xf32, #tpu.memory_space<hbm>>
      %dma_wait3A_27 = tpu.memref_squeeze %dma_wait3A_26 : memref<1x80x128xf32, #tpu.memory_space<hbm>> -> memref<80x128xf32, #tpu.memory_space<hbm>>
      %dma_wait3A_28 = arith.constant 0 : i32
      %dma_wait3A_29 = tpu.memref_slice %arg5[%mul3A_0, %dma_wait3A_28] : memref<1280x128xf32, #tpu.memory_space<vmem_shared>> -> memref<80x128xf32, #tpu.memory_space<vmem_shared>>
      tpu.wait_dma2 semaphore(%run_scoped3A : memref<!tpu.dma_semaphore, #tpu.memory_space<semaphore_mem>>) src(%dma_wait3A_29 : memref<80x128xf32, #tpu.memory_space<vmem_shared>>) dst(%dma_wait3A_27 : memref<80x128xf32, #tpu.memory_space<hbm>>)
      tpu.yield
    }) : () -> ()
    return
  }
}

#map = affine_map<(d0, d1) -> (0, 0)>
#map1 = affine_map<(d0, d1) -> (0, 0, 0)>
#map2 = affine_map<(d0, d1) -> (0)>
module attributes {stable_mosaic.version = 14 : i64} {
  func.func @_sc_scatter_body(%arg0: i32, %arg1: i32, %arg2: memref<10000x128xf32, #tpu.memory_space<hbm>>, %arg3: memref<10000x128xf32, #tpu.memory_space<hbm>>, %arg4: memref<2500x1x128xi32, #tpu.memory_space<hbm>>, %arg5: memref<320000xi32, #tpu.memory_space<hbm>>, %arg6: memref<2x10000x128xf32, #tpu.memory_space<hbm>>, %arg7: memref<10000x128xf32, #tpu.memory_space<vmem_shared>>, %arg8: memref<128x128xf32, #tpu.memory_space<vmem>>, %arg9: memref<128x128xf32, #tpu.memory_space<vmem>>, %arg10: memref<79x1x128xi32, #tpu.memory_space<vmem>>, %arg11: memref<128xi32, #tpu.memory_space<vmem>>, %arg12: memref<128xi32, #tpu.memory_space<vmem>>, %arg13: memref<!tpu.dma_semaphore, #tpu.memory_space<semaphore_mem>>, %arg14: memref<!tpu.dma_semaphore, #tpu.memory_space<semaphore_mem>>, %arg15: memref<!tpu.dma_semaphore, #tpu.memory_space<semaphore_mem>>, %arg16: memref<!tpu.dma_semaphore, #tpu.memory_space<semaphore_mem>>) attributes {dimension_semantics = [#tpu.dimension_semantics<core_parallel>, #tpu.dimension_semantics<subcore_parallel>], iteration_bounds = array<i64: 2, 16>, scalar_prefetch = 0 : i64, scratch_operands = 10 : i64, tpu.core_type = #tpu.core_type<sc_vector_subcore>, window_params = [{transform_indices = #map}, {transform_indices = #map}, {transform_indices = #map1}, {transform_indices = #map2}, {transform_indices = #map1}]} {
    %mul3A = arith.constant 624 : i32
    %mul3A_0 = arith.muli %arg1, %mul3A : i32
    %eq3A = arith.constant 0 : i32
    %eq3A_1 = arith.cmpi eq, %arg0, %eq3A : i32
    %convert_element_type3A = arith.extui %eq3A_1 : i1 to i32
    %cond3A = arith.constant 0 : i32
    %cond3A_2 = arith.cmpi ne, %convert_element_type3A, %cond3A : i32
    scf.if %cond3A_2 {
      "tpu.region"() ({
        %run_scoped3A = tpu.sem_alloc : memref<!tpu.dma_semaphore, #tpu.memory_space<semaphore_mem>>
        %dma_start3A_48 = arith.constant 0 : i32
        %dma_start3A_49 = tpu.memref_slice %arg7[%mul3A_0, %dma_start3A_48] : memref<10000x128xf32, #tpu.memory_space<vmem_shared>> -> memref<624x128xf32, #tpu.memory_space<vmem_shared>>
        %dma_start3A_50 = arith.constant 0 : i32
        %dma_start3A_51 = tpu.memref_slice %arg2[%mul3A_0, %dma_start3A_50] : memref<10000x128xf32, #tpu.memory_space<hbm>> -> memref<624x128xf32, #tpu.memory_space<hbm>>
        tpu.enqueue_dma source(%dma_start3A_51 : memref<624x128xf32, #tpu.memory_space<hbm>>) target(%dma_start3A_49 : memref<624x128xf32, #tpu.memory_space<vmem_shared>>) target_semaphore(%run_scoped3A : memref<!tpu.dma_semaphore, #tpu.memory_space<semaphore_mem>>)
        %dma_wait3A = arith.constant 0 : i32
        %dma_wait3A_52 = tpu.memref_slice %arg7[%mul3A_0, %dma_wait3A] : memref<10000x128xf32, #tpu.memory_space<vmem_shared>> -> memref<624x128xf32, #tpu.memory_space<vmem_shared>>
        %dma_wait3A_53 = arith.constant 0 : i32
        %dma_wait3A_54 = tpu.memref_slice %arg2[%mul3A_0, %dma_wait3A_53] : memref<10000x128xf32, #tpu.memory_space<hbm>> -> memref<624x128xf32, #tpu.memory_space<hbm>>
        tpu.wait_dma2 semaphore(%run_scoped3A : memref<!tpu.dma_semaphore, #tpu.memory_space<semaphore_mem>>) src(%dma_wait3A_54 : memref<624x128xf32, #tpu.memory_space<hbm>>) dst(%dma_wait3A_52 : memref<624x128xf32, #tpu.memory_space<vmem_shared>>)
        tpu.yield
      }) : () -> ()
      %eq3A_43 = arith.constant 15 : i32
      %eq3A_44 = arith.cmpi eq, %arg1, %eq3A_43 : i32
      %convert_element_type3A_45 = arith.extui %eq3A_44 : i1 to i32
      %cond3A_46 = arith.constant 0 : i32
      %cond3A_47 = arith.cmpi ne, %convert_element_type3A_45, %cond3A_46 : i32
      scf.if %cond3A_47 {
        "tpu.region"() ({
          %run_scoped3A = tpu.sem_alloc : memref<!tpu.dma_semaphore, #tpu.memory_space<semaphore_mem>>
          %dma_start3A_48 = arith.constant 9984 : i32
          %dma_start3A_49 = arith.constant 0 : i32
          %dma_start3A_50 = tpu.memref_slice %arg7[%dma_start3A_48, %dma_start3A_49] : memref<10000x128xf32, #tpu.memory_space<vmem_shared>> -> memref<16x128xf32, #tpu.memory_space<vmem_shared>>
          %dma_start3A_51 = arith.constant 9984 : i32
          %dma_start3A_52 = arith.constant 0 : i32
          %dma_start3A_53 = tpu.memref_slice %arg2[%dma_start3A_51, %dma_start3A_52] : memref<10000x128xf32, #tpu.memory_space<hbm>> -> memref<16x128xf32, #tpu.memory_space<hbm>>
          tpu.enqueue_dma source(%dma_start3A_53 : memref<16x128xf32, #tpu.memory_space<hbm>>) target(%dma_start3A_50 : memref<16x128xf32, #tpu.memory_space<vmem_shared>>) target_semaphore(%run_scoped3A : memref<!tpu.dma_semaphore, #tpu.memory_space<semaphore_mem>>)
          %dma_wait3A = arith.constant 9984 : i32
          %dma_wait3A_54 = arith.constant 0 : i32
          %dma_wait3A_55 = tpu.memref_slice %arg7[%dma_wait3A, %dma_wait3A_54] : memref<10000x128xf32, #tpu.memory_space<vmem_shared>> -> memref<16x128xf32, #tpu.memory_space<vmem_shared>>
          %dma_wait3A_56 = arith.constant 9984 : i32
          %dma_wait3A_57 = arith.constant 0 : i32
          %dma_wait3A_58 = tpu.memref_slice %arg2[%dma_wait3A_56, %dma_wait3A_57] : memref<10000x128xf32, #tpu.memory_space<hbm>> -> memref<16x128xf32, #tpu.memory_space<hbm>>
          tpu.wait_dma2 semaphore(%run_scoped3A : memref<!tpu.dma_semaphore, #tpu.memory_space<semaphore_mem>>) src(%dma_wait3A_58 : memref<16x128xf32, #tpu.memory_space<hbm>>) dst(%dma_wait3A_55 : memref<16x128xf32, #tpu.memory_space<vmem_shared>>)
          tpu.yield
        }) : () -> ()
      } else {
      }
    } else {
    }
    %ne3A = arith.constant 0 : i32
    %ne3A_3 = arith.cmpi ne, %arg0, %ne3A : i32
    %convert_element_type3A_4 = arith.extui %ne3A_3 : i1 to i32
    %cond3A_5 = arith.constant 0 : i32
    %cond3A_6 = arith.cmpi ne, %convert_element_type3A_4, %cond3A_5 : i32
    scf.if %cond3A_6 {
      "tpu.region"() ({
        %run_scoped3A = tpu.sem_alloc : memref<!tpu.dma_semaphore, #tpu.memory_space<semaphore_mem>>
        %dma_start3A_48 = arith.constant 0 : i32
        %dma_start3A_49 = tpu.memref_slice %arg7[%mul3A_0, %dma_start3A_48] : memref<10000x128xf32, #tpu.memory_space<vmem_shared>> -> memref<624x128xf32, #tpu.memory_space<vmem_shared>>
        %dma_start3A_50 = arith.constant 0 : i32
        %dma_start3A_51 = tpu.memref_slice %arg3[%mul3A_0, %dma_start3A_50] : memref<10000x128xf32, #tpu.memory_space<hbm>> -> memref<624x128xf32, #tpu.memory_space<hbm>>
        tpu.enqueue_dma source(%dma_start3A_51 : memref<624x128xf32, #tpu.memory_space<hbm>>) target(%dma_start3A_49 : memref<624x128xf32, #tpu.memory_space<vmem_shared>>) target_semaphore(%run_scoped3A : memref<!tpu.dma_semaphore, #tpu.memory_space<semaphore_mem>>)
        %dma_wait3A = arith.constant 0 : i32
        %dma_wait3A_52 = tpu.memref_slice %arg7[%mul3A_0, %dma_wait3A] : memref<10000x128xf32, #tpu.memory_space<vmem_shared>> -> memref<624x128xf32, #tpu.memory_space<vmem_shared>>
        %dma_wait3A_53 = arith.constant 0 : i32
        %dma_wait3A_54 = tpu.memref_slice %arg3[%mul3A_0, %dma_wait3A_53] : memref<10000x128xf32, #tpu.memory_space<hbm>> -> memref<624x128xf32, #tpu.memory_space<hbm>>
        tpu.wait_dma2 semaphore(%run_scoped3A : memref<!tpu.dma_semaphore, #tpu.memory_space<semaphore_mem>>) src(%dma_wait3A_54 : memref<624x128xf32, #tpu.memory_space<hbm>>) dst(%dma_wait3A_52 : memref<624x128xf32, #tpu.memory_space<vmem_shared>>)
        tpu.yield
      }) : () -> ()
      %eq3A_43 = arith.constant 15 : i32
      %eq3A_44 = arith.cmpi eq, %arg1, %eq3A_43 : i32
      %convert_element_type3A_45 = arith.extui %eq3A_44 : i1 to i32
      %cond3A_46 = arith.constant 0 : i32
      %cond3A_47 = arith.cmpi ne, %convert_element_type3A_45, %cond3A_46 : i32
      scf.if %cond3A_47 {
        "tpu.region"() ({
          %run_scoped3A = tpu.sem_alloc : memref<!tpu.dma_semaphore, #tpu.memory_space<semaphore_mem>>
          %dma_start3A_48 = arith.constant 9984 : i32
          %dma_start3A_49 = arith.constant 0 : i32
          %dma_start3A_50 = tpu.memref_slice %arg7[%dma_start3A_48, %dma_start3A_49] : memref<10000x128xf32, #tpu.memory_space<vmem_shared>> -> memref<16x128xf32, #tpu.memory_space<vmem_shared>>
          %dma_start3A_51 = arith.constant 9984 : i32
          %dma_start3A_52 = arith.constant 0 : i32
          %dma_start3A_53 = tpu.memref_slice %arg3[%dma_start3A_51, %dma_start3A_52] : memref<10000x128xf32, #tpu.memory_space<hbm>> -> memref<16x128xf32, #tpu.memory_space<hbm>>
          tpu.enqueue_dma source(%dma_start3A_53 : memref<16x128xf32, #tpu.memory_space<hbm>>) target(%dma_start3A_50 : memref<16x128xf32, #tpu.memory_space<vmem_shared>>) target_semaphore(%run_scoped3A : memref<!tpu.dma_semaphore, #tpu.memory_space<semaphore_mem>>)
          %dma_wait3A = arith.constant 9984 : i32
          %dma_wait3A_54 = arith.constant 0 : i32
          %dma_wait3A_55 = tpu.memref_slice %arg7[%dma_wait3A, %dma_wait3A_54] : memref<10000x128xf32, #tpu.memory_space<vmem_shared>> -> memref<16x128xf32, #tpu.memory_space<vmem_shared>>
          %dma_wait3A_56 = arith.constant 9984 : i32
          %dma_wait3A_57 = arith.constant 0 : i32
          %dma_wait3A_58 = tpu.memref_slice %arg3[%dma_wait3A_56, %dma_wait3A_57] : memref<10000x128xf32, #tpu.memory_space<hbm>> -> memref<16x128xf32, #tpu.memory_space<hbm>>
          tpu.wait_dma2 semaphore(%run_scoped3A : memref<!tpu.dma_semaphore, #tpu.memory_space<semaphore_mem>>) src(%dma_wait3A_58 : memref<16x128xf32, #tpu.memory_space<hbm>>) dst(%dma_wait3A_55 : memref<16x128xf32, #tpu.memory_space<vmem_shared>>)
          tpu.yield
        }) : () -> ()
      } else {
      }
    } else {
    }
    %barrier3A = arith.constant 0 : index
    tpu.barrier barrier_id(%barrier3A)
    %mul3A_7 = arith.constant 16 : i32
    %mul3A_8 = arith.muli %arg0, %mul3A_7 : i32
    %add3A = arith.addi %mul3A_8, %arg1 : i32
    %mul3A_9 = arith.constant 78 : i32
    %mul3A_10 = arith.muli %add3A, %mul3A_9 : i32
    %min3A = arith.constant 4 : i32
    %min3A_11 = arith.minsi %add3A, %min3A : i32
    %add3A_12 = arith.addi %mul3A_10, %min3A_11 : i32
    %mul3A_13 = arith.constant 128 : i32
    %mul3A_14 = arith.muli %add3A_12, %mul3A_13 : i32
    "tpu.region"() ({
      %run_scoped3A = tpu.sem_alloc : memref<!tpu.dma_semaphore, #tpu.memory_space<semaphore_mem>>
      %dma_start3A_43 = arith.constant 0 : i32
      %dma_start3A_44 = arith.constant 0 : i32
      %dma_start3A_45 = arith.constant 0 : i32
      %dma_start3A_46 = tpu.memref_slice %arg10[%dma_start3A_43, %dma_start3A_44, %dma_start3A_45] : memref<79x1x128xi32, #tpu.memory_space<vmem>> -> memref<78x1x128xi32, #tpu.memory_space<vmem>>
      %dma_start3A_47 = arith.constant 0 : i32
      %dma_start3A_48 = arith.constant 0 : i32
      %dma_start3A_49 = tpu.memref_slice %arg4[%add3A_12, %dma_start3A_47, %dma_start3A_48] : memref<2500x1x128xi32, #tpu.memory_space<hbm>> -> memref<78x1x128xi32, #tpu.memory_space<hbm>>
      %dma_start3A_50 = arith.constant 0 : i32
      %dma_start3A_51 = arith.constant 0 : i32
      %dma_start3A_52 = arith.constant 0 : i32
      %dma_start3A_53 = tpu.memref_slice %arg10[%dma_start3A_50, %dma_start3A_51, %dma_start3A_52] : memref<79x1x128xi32, #tpu.memory_space<vmem>> -> memref<78x1x128xi32, #tpu.memory_space<vmem>>
      %dma_start3A_54 = arith.constant 0 : i32
      %dma_start3A_55 = arith.constant 0 : i32
      %dma_start3A_56 = tpu.memref_slice %arg4[%add3A_12, %dma_start3A_54, %dma_start3A_55] : memref<2500x1x128xi32, #tpu.memory_space<hbm>> -> memref<78x1x128xi32, #tpu.memory_space<hbm>>
      tpu.enqueue_dma source(%dma_start3A_56 : memref<78x1x128xi32, #tpu.memory_space<hbm>>) target(%dma_start3A_53 : memref<78x1x128xi32, #tpu.memory_space<vmem>>) target_semaphore(%run_scoped3A : memref<!tpu.dma_semaphore, #tpu.memory_space<semaphore_mem>>)
      %dma_wait3A = arith.constant 0 : i32
      %dma_wait3A_57 = arith.constant 0 : i32
      %dma_wait3A_58 = arith.constant 0 : i32
      %dma_wait3A_59 = tpu.memref_slice %arg10[%dma_wait3A, %dma_wait3A_57, %dma_wait3A_58] : memref<79x1x128xi32, #tpu.memory_space<vmem>> -> memref<78x1x128xi32, #tpu.memory_space<vmem>>
      %dma_wait3A_60 = arith.constant 0 : i32
      %dma_wait3A_61 = arith.constant 0 : i32
      %dma_wait3A_62 = tpu.memref_slice %arg4[%add3A_12, %dma_wait3A_60, %dma_wait3A_61] : memref<2500x1x128xi32, #tpu.memory_space<hbm>> -> memref<78x1x128xi32, #tpu.memory_space<hbm>>
      %dma_wait3A_63 = arith.constant 0 : i32
      %dma_wait3A_64 = arith.constant 0 : i32
      %dma_wait3A_65 = arith.constant 0 : i32
      %dma_wait3A_66 = tpu.memref_slice %arg10[%dma_wait3A_63, %dma_wait3A_64, %dma_wait3A_65] : memref<79x1x128xi32, #tpu.memory_space<vmem>> -> memref<78x1x128xi32, #tpu.memory_space<vmem>>
      %dma_wait3A_67 = arith.constant 0 : i32
      %dma_wait3A_68 = arith.constant 0 : i32
      %dma_wait3A_69 = tpu.memref_slice %arg4[%add3A_12, %dma_wait3A_67, %dma_wait3A_68] : memref<2500x1x128xi32, #tpu.memory_space<hbm>> -> memref<78x1x128xi32, #tpu.memory_space<hbm>>
      tpu.wait_dma2 semaphore(%run_scoped3A : memref<!tpu.dma_semaphore, #tpu.memory_space<semaphore_mem>>) src(%dma_wait3A_69 : memref<78x1x128xi32, #tpu.memory_space<hbm>>) dst(%dma_wait3A_66 : memref<78x1x128xi32, #tpu.memory_space<vmem>>)
      tpu.yield
    }) : () -> ()
    %lt3A = arith.constant 4 : i32
    %lt3A_15 = arith.cmpi slt, %add3A, %lt3A : i32
    %convert_element_type3A_16 = arith.extui %lt3A_15 : i1 to i32
    %cond3A_17 = arith.constant 0 : i32
    %cond3A_18 = arith.cmpi ne, %convert_element_type3A_16, %cond3A_17 : i32
    scf.if %cond3A_18 {
      %add3A_43 = arith.constant 78 : i32
      %add3A_44 = arith.addi %add3A_12, %add3A_43 : i32
      "tpu.region"() ({
        %run_scoped3A = tpu.sem_alloc : memref<!tpu.dma_semaphore, #tpu.memory_space<semaphore_mem>>
        %dma_start3A_45 = arith.constant 78 : i32
        %dma_start3A_46 = arith.constant 0 : i32
        %dma_start3A_47 = arith.constant 0 : i32
        %dma_start3A_48 = tpu.memref_slice %arg10[%dma_start3A_45, %dma_start3A_46, %dma_start3A_47] : memref<79x1x128xi32, #tpu.memory_space<vmem>> -> memref<1x1x128xi32, #tpu.memory_space<vmem>>
        %dma_start3A_49 = arith.constant 0 : i32
        %dma_start3A_50 = arith.constant 0 : i32
        %dma_start3A_51 = tpu.memref_slice %arg4[%add3A_44, %dma_start3A_49, %dma_start3A_50] : memref<2500x1x128xi32, #tpu.memory_space<hbm>> -> memref<1x1x128xi32, #tpu.memory_space<hbm>>
        %dma_start3A_52 = arith.constant 78 : i32
        %dma_start3A_53 = arith.constant 0 : i32
        %dma_start3A_54 = arith.constant 0 : i32
        %dma_start3A_55 = tpu.memref_slice %arg10[%dma_start3A_52, %dma_start3A_53, %dma_start3A_54] : memref<79x1x128xi32, #tpu.memory_space<vmem>> -> memref<1x1x128xi32, #tpu.memory_space<vmem>>
        %dma_start3A_56 = arith.constant 0 : i32
        %dma_start3A_57 = arith.constant 0 : i32
        %dma_start3A_58 = tpu.memref_slice %arg4[%add3A_44, %dma_start3A_56, %dma_start3A_57] : memref<2500x1x128xi32, #tpu.memory_space<hbm>> -> memref<1x1x128xi32, #tpu.memory_space<hbm>>
        tpu.enqueue_dma source(%dma_start3A_58 : memref<1x1x128xi32, #tpu.memory_space<hbm>>) target(%dma_start3A_55 : memref<1x1x128xi32, #tpu.memory_space<vmem>>) target_semaphore(%run_scoped3A : memref<!tpu.dma_semaphore, #tpu.memory_space<semaphore_mem>>)
        %dma_wait3A = arith.constant 78 : i32
        %dma_wait3A_59 = arith.constant 0 : i32
        %dma_wait3A_60 = arith.constant 0 : i32
        %dma_wait3A_61 = tpu.memref_slice %arg10[%dma_wait3A, %dma_wait3A_59, %dma_wait3A_60] : memref<79x1x128xi32, #tpu.memory_space<vmem>> -> memref<1x1x128xi32, #tpu.memory_space<vmem>>
        %dma_wait3A_62 = arith.constant 0 : i32
        %dma_wait3A_63 = arith.constant 0 : i32
        %dma_wait3A_64 = tpu.memref_slice %arg4[%add3A_44, %dma_wait3A_62, %dma_wait3A_63] : memref<2500x1x128xi32, #tpu.memory_space<hbm>> -> memref<1x1x128xi32, #tpu.memory_space<hbm>>
        %dma_wait3A_65 = arith.constant 78 : i32
        %dma_wait3A_66 = arith.constant 0 : i32
        %dma_wait3A_67 = arith.constant 0 : i32
        %dma_wait3A_68 = tpu.memref_slice %arg10[%dma_wait3A_65, %dma_wait3A_66, %dma_wait3A_67] : memref<79x1x128xi32, #tpu.memory_space<vmem>> -> memref<1x1x128xi32, #tpu.memory_space<vmem>>
        %dma_wait3A_69 = arith.constant 0 : i32
        %dma_wait3A_70 = arith.constant 0 : i32
        %dma_wait3A_71 = tpu.memref_slice %arg4[%add3A_44, %dma_wait3A_69, %dma_wait3A_70] : memref<2500x1x128xi32, #tpu.memory_space<hbm>> -> memref<1x1x128xi32, #tpu.memory_space<hbm>>
        tpu.wait_dma2 semaphore(%run_scoped3A : memref<!tpu.dma_semaphore, #tpu.memory_space<semaphore_mem>>) src(%dma_wait3A_71 : memref<1x1x128xi32, #tpu.memory_space<hbm>>) dst(%dma_wait3A_68 : memref<1x1x128xi32, #tpu.memory_space<vmem>>)
        tpu.yield
      }) : () -> ()
    } else {
    }
    %dma_start3A = tpu.memref_slice %arg5[%mul3A_14] : memref<320000xi32, #tpu.memory_space<hbm>> -> memref<128xi32, #tpu.memory_space<hbm>>
    %dma_start3A_19 = tpu.memref_slice %arg5[%mul3A_14] : memref<320000xi32, #tpu.memory_space<hbm>> -> memref<128xi32, #tpu.memory_space<hbm>>
    tpu.enqueue_dma source(%dma_start3A_19 : memref<128xi32, #tpu.memory_space<hbm>>) target(%arg11 : memref<128xi32, #tpu.memory_space<vmem>>) target_semaphore(%arg15 : memref<!tpu.dma_semaphore, #tpu.memory_space<semaphore_mem>>)
    %dma_start3A_20 = arith.constant 0 : i32
    %dma_start3A_21 = arith.constant 0 : i32
    %dma_start3A_22 = arith.constant 0 : i32
    %dma_start3A_23 = tpu.memref_slice %arg10[%dma_start3A_20, %dma_start3A_21, %dma_start3A_22] : memref<79x1x128xi32, #tpu.memory_space<vmem>> -> memref<1x1x128xi32, #tpu.memory_space<vmem>>
    %dma_start3A_24 = tpu.memref_squeeze %dma_start3A_23 : memref<1x1x128xi32, #tpu.memory_space<vmem>> -> memref<128xi32, #tpu.memory_space<vmem>>
    %dma_start3A_25 = arith.constant 0 : i32
    %dma_start3A_26 = arith.constant 0 : i32
    %dma_start3A_27 = tpu.memref_slice %arg2[%dma_start3A_25, %dma_start3A_26] : memref<10000x128xf32, #tpu.memory_space<hbm>> -> memref<10000x128xf32, #tpu.memory_space<hbm>>
    tpu.enqueue_indirect_dma source(%dma_start3A_27 : memref<10000x128xf32, #tpu.memory_space<hbm>>) target(%arg8 : memref<128x128xf32, #tpu.memory_space<vmem>>) offsets(%dma_start3A_24 : memref<128xi32, #tpu.memory_space<vmem>>) semaphore(%arg13 : memref<!tpu.dma_semaphore, #tpu.memory_space<semaphore_mem>>)
    %scan3A = arith.constant 0 : i32
    %scan3A_28 = arith.constant 39 : i32
    %scan3A_29 = arith.addi %scan3A, %scan3A_28 : i32
    %scan3A_30 = arith.constant 1 : i32
    scf.for %scan3A_43 = %scan3A to %scan3A_29 step %scan3A_30  : i32 {
      %mul3A_44 = arith.constant 1 : i32
      %mul3A_45 = arith.muli %scan3A_43, %mul3A_44 : i32
      %add3A_46 = arith.constant 0 : i32
      %add3A_47 = arith.addi %add3A_46, %mul3A_45 : i32
      %mul3A_48 = arith.constant 2 : i32
      %mul3A_49 = arith.muli %mul3A_48, %add3A_47 : i32
      %add3A_50 = arith.constant 1 : i32
      %add3A_51 = arith.addi %mul3A_49, %add3A_50 : i32
      %mul3A_52 = arith.constant 128 : i32
      %mul3A_53 = arith.muli %add3A_51, %mul3A_52 : i32
      %add3A_54 = arith.addi %mul3A_14, %mul3A_53 : i32
      %dma_start3A_55 = tpu.memref_slice %arg5[%add3A_54] : memref<320000xi32, #tpu.memory_space<hbm>> -> memref<128xi32, #tpu.memory_space<hbm>>
      %dma_start3A_56 = tpu.memref_slice %arg5[%add3A_54] : memref<320000xi32, #tpu.memory_space<hbm>> -> memref<128xi32, #tpu.memory_space<hbm>>
      tpu.enqueue_dma source(%dma_start3A_56 : memref<128xi32, #tpu.memory_space<hbm>>) target(%arg12 : memref<128xi32, #tpu.memory_space<vmem>>) target_semaphore(%arg16 : memref<!tpu.dma_semaphore, #tpu.memory_space<semaphore_mem>>)
      %mul3A_57 = arith.constant 2 : i32
      %mul3A_58 = arith.muli %mul3A_57, %add3A_47 : i32
      %add3A_59 = arith.constant 1 : i32
      %add3A_60 = arith.addi %mul3A_58, %add3A_59 : i32
      %dma_start3A_61 = arith.constant 0 : i32
      %dma_start3A_62 = arith.constant 0 : i32
      %dma_start3A_63 = tpu.memref_slice %arg10[%add3A_60, %dma_start3A_61, %dma_start3A_62] : memref<79x1x128xi32, #tpu.memory_space<vmem>> -> memref<1x1x128xi32, #tpu.memory_space<vmem>>
      %dma_start3A_64 = tpu.memref_squeeze %dma_start3A_63 : memref<1x1x128xi32, #tpu.memory_space<vmem>> -> memref<128xi32, #tpu.memory_space<vmem>>
      %dma_start3A_65 = arith.constant 0 : i32
      %dma_start3A_66 = arith.constant 0 : i32
      %dma_start3A_67 = tpu.memref_slice %arg2[%dma_start3A_65, %dma_start3A_66] : memref<10000x128xf32, #tpu.memory_space<hbm>> -> memref<10000x128xf32, #tpu.memory_space<hbm>>
      tpu.enqueue_indirect_dma source(%dma_start3A_67 : memref<10000x128xf32, #tpu.memory_space<hbm>>) target(%arg9 : memref<128x128xf32, #tpu.memory_space<vmem>>) offsets(%dma_start3A_64 : memref<128xi32, #tpu.memory_space<vmem>>) semaphore(%arg14 : memref<!tpu.dma_semaphore, #tpu.memory_space<semaphore_mem>>)
      %dma_wait3A = arith.constant 0 : i32
      %dma_wait3A_68 = arith.constant 0 : i32
      %dma_wait3A_69 = arith.constant 0 : i32
      %dma_wait3A_70 = tpu.memref_slice %arg10[%dma_wait3A, %dma_wait3A_68, %dma_wait3A_69] : memref<79x1x128xi32, #tpu.memory_space<vmem>> -> memref<1x1x128xi32, #tpu.memory_space<vmem>>
      %dma_wait3A_71 = tpu.memref_squeeze %dma_wait3A_70 : memref<1x1x128xi32, #tpu.memory_space<vmem>> -> memref<128xi32, #tpu.memory_space<vmem>>
      %dma_wait3A_72 = arith.constant 0 : i32
      %dma_wait3A_73 = arith.constant 0 : i32
      %dma_wait3A_74 = tpu.memref_slice %arg2[%dma_wait3A_72, %dma_wait3A_73] : memref<10000x128xf32, #tpu.memory_space<hbm>> -> memref<10000x128xf32, #tpu.memory_space<hbm>>
      tpu.wait_indirect_dma semaphore(%arg13 : memref<!tpu.dma_semaphore, #tpu.memory_space<semaphore_mem>>) src(%dma_wait3A_74 : memref<10000x128xf32, #tpu.memory_space<hbm>>) dst(%arg8 : memref<128x128xf32, #tpu.memory_space<vmem>>)
      %dma_wait3A_75 = tpu.memref_slice %arg5[%mul3A_14] : memref<320000xi32, #tpu.memory_space<hbm>> -> memref<128xi32, #tpu.memory_space<hbm>>
      %dma_wait3A_76 = tpu.memref_slice %arg5[%mul3A_14] : memref<320000xi32, #tpu.memory_space<hbm>> -> memref<128xi32, #tpu.memory_space<hbm>>
      tpu.wait_dma2 semaphore(%arg15 : memref<!tpu.dma_semaphore, #tpu.memory_space<semaphore_mem>>) src(%dma_wait3A_76 : memref<128xi32, #tpu.memory_space<hbm>>) dst(%arg11 : memref<128xi32, #tpu.memory_space<vmem>>)
      "tpu.region"() ({
        %run_scoped3A = tpu.sem_alloc : memref<!tpu.dma_semaphore, #tpu.memory_space<semaphore_mem>>
        %dma_start3A_92 = arith.constant 0 : i32
        %dma_start3A_93 = arith.constant 0 : i32
        %dma_start3A_94 = tpu.memref_slice %arg7[%dma_start3A_92, %dma_start3A_93] : memref<10000x128xf32, #tpu.memory_space<vmem_shared>> -> memref<10000x128xf32, #tpu.memory_space<vmem_shared>>
        tpu.enqueue_indirect_dma source(%arg8 : memref<128x128xf32, #tpu.memory_space<vmem>>) target(%dma_start3A_94 : memref<10000x128xf32, #tpu.memory_space<vmem_shared>>) offsets(%arg11 : memref<128xi32, #tpu.memory_space<vmem>>) semaphore(%run_scoped3A : memref<!tpu.dma_semaphore, #tpu.memory_space<semaphore_mem>>) {add = true}
        %dma_wait3A_95 = arith.constant 0 : i32
        %dma_wait3A_96 = arith.constant 0 : i32
        %dma_wait3A_97 = tpu.memref_slice %arg7[%dma_wait3A_95, %dma_wait3A_96] : memref<10000x128xf32, #tpu.memory_space<vmem_shared>> -> memref<10000x128xf32, #tpu.memory_space<vmem_shared>>
        tpu.wait_indirect_dma semaphore(%run_scoped3A : memref<!tpu.dma_semaphore, #tpu.memory_space<semaphore_mem>>) src(%arg8 : memref<128x128xf32, #tpu.memory_space<vmem>>) dst(%dma_wait3A_97 : memref<10000x128xf32, #tpu.memory_space<vmem_shared>>)
        tpu.yield
      }) : () -> ()
      %lt3A_77 = arith.constant 38 : i32
      %lt3A_78 = arith.cmpi slt, %add3A_47, %lt3A_77 : i32
      %convert_element_type3A_79 = arith.extui %lt3A_78 : i1 to i32
      %cond3A_80 = arith.constant 0 : i32
      %cond3A_81 = arith.cmpi ne, %convert_element_type3A_79, %cond3A_80 : i32
      scf.if %cond3A_81 {
        %mul3A_92 = arith.constant 2 : i32
        %mul3A_93 = arith.muli %mul3A_92, %add3A_47 : i32
        %add3A_94 = arith.constant 2 : i32
        %add3A_95 = arith.addi %mul3A_93, %add3A_94 : i32
        %mul3A_96 = arith.constant 128 : i32
        %mul3A_97 = arith.muli %add3A_95, %mul3A_96 : i32
        %add3A_98 = arith.addi %mul3A_14, %mul3A_97 : i32
        %dma_start3A_99 = tpu.memref_slice %arg5[%add3A_98] : memref<320000xi32, #tpu.memory_space<hbm>> -> memref<128xi32, #tpu.memory_space<hbm>>
        %dma_start3A_100 = tpu.memref_slice %arg5[%add3A_98] : memref<320000xi32, #tpu.memory_space<hbm>> -> memref<128xi32, #tpu.memory_space<hbm>>
        tpu.enqueue_dma source(%dma_start3A_100 : memref<128xi32, #tpu.memory_space<hbm>>) target(%arg11 : memref<128xi32, #tpu.memory_space<vmem>>) target_semaphore(%arg15 : memref<!tpu.dma_semaphore, #tpu.memory_space<semaphore_mem>>)
        %mul3A_101 = arith.constant 2 : i32
        %mul3A_102 = arith.muli %mul3A_101, %add3A_47 : i32
        %add3A_103 = arith.constant 2 : i32
        %add3A_104 = arith.addi %mul3A_102, %add3A_103 : i32
        %dma_start3A_105 = arith.constant 0 : i32
        %dma_start3A_106 = arith.constant 0 : i32
        %dma_start3A_107 = tpu.memref_slice %arg10[%add3A_104, %dma_start3A_105, %dma_start3A_106] : memref<79x1x128xi32, #tpu.memory_space<vmem>> -> memref<1x1x128xi32, #tpu.memory_space<vmem>>
        %dma_start3A_108 = tpu.memref_squeeze %dma_start3A_107 : memref<1x1x128xi32, #tpu.memory_space<vmem>> -> memref<128xi32, #tpu.memory_space<vmem>>
        %dma_start3A_109 = arith.constant 0 : i32
        %dma_start3A_110 = arith.constant 0 : i32
        %dma_start3A_111 = tpu.memref_slice %arg2[%dma_start3A_109, %dma_start3A_110] : memref<10000x128xf32, #tpu.memory_space<hbm>> -> memref<10000x128xf32, #tpu.memory_space<hbm>>
        tpu.enqueue_indirect_dma source(%dma_start3A_111 : memref<10000x128xf32, #tpu.memory_space<hbm>>) target(%arg8 : memref<128x128xf32, #tpu.memory_space<vmem>>) offsets(%dma_start3A_108 : memref<128xi32, #tpu.memory_space<vmem>>) semaphore(%arg13 : memref<!tpu.dma_semaphore, #tpu.memory_space<semaphore_mem>>)
      } else {
      }
      %dma_wait3A_82 = arith.constant 0 : i32
      %dma_wait3A_83 = arith.constant 0 : i32
      %dma_wait3A_84 = arith.constant 0 : i32
      %dma_wait3A_85 = tpu.memref_slice %arg10[%dma_wait3A_82, %dma_wait3A_83, %dma_wait3A_84] : memref<79x1x128xi32, #tpu.memory_space<vmem>> -> memref<1x1x128xi32, #tpu.memory_space<vmem>>
      %dma_wait3A_86 = tpu.memref_squeeze %dma_wait3A_85 : memref<1x1x128xi32, #tpu.memory_space<vmem>> -> memref<128xi32, #tpu.memory_space<vmem>>
      %dma_wait3A_87 = arith.constant 0 : i32
      %dma_wait3A_88 = arith.constant 0 : i32
      %dma_wait3A_89 = tpu.memref_slice %arg2[%dma_wait3A_87, %dma_wait3A_88] : memref<10000x128xf32, #tpu.memory_space<hbm>> -> memref<10000x128xf32, #tpu.memory_space<hbm>>
      tpu.wait_indirect_dma semaphore(%arg14 : memref<!tpu.dma_semaphore, #tpu.memory_space<semaphore_mem>>) src(%dma_wait3A_89 : memref<10000x128xf32, #tpu.memory_space<hbm>>) dst(%arg9 : memref<128x128xf32, #tpu.memory_space<vmem>>)
      %dma_wait3A_90 = tpu.memref_slice %arg5[%mul3A_14] : memref<320000xi32, #tpu.memory_space<hbm>> -> memref<128xi32, #tpu.memory_space<hbm>>
      %dma_wait3A_91 = tpu.memref_slice %arg5[%mul3A_14] : memref<320000xi32, #tpu.memory_space<hbm>> -> memref<128xi32, #tpu.memory_space<hbm>>
      tpu.wait_dma2 semaphore(%arg16 : memref<!tpu.dma_semaphore, #tpu.memory_space<semaphore_mem>>) src(%dma_wait3A_91 : memref<128xi32, #tpu.memory_space<hbm>>) dst(%arg12 : memref<128xi32, #tpu.memory_space<vmem>>)
      "tpu.region"() ({
        %run_scoped3A = tpu.sem_alloc : memref<!tpu.dma_semaphore, #tpu.memory_space<semaphore_mem>>
        %dma_start3A_92 = arith.constant 0 : i32
        %dma_start3A_93 = arith.constant 0 : i32
        %dma_start3A_94 = tpu.memref_slice %arg7[%dma_start3A_92, %dma_start3A_93] : memref<10000x128xf32, #tpu.memory_space<vmem_shared>> -> memref<10000x128xf32, #tpu.memory_space<vmem_shared>>
        tpu.enqueue_indirect_dma source(%arg9 : memref<128x128xf32, #tpu.memory_space<vmem>>) target(%dma_start3A_94 : memref<10000x128xf32, #tpu.memory_space<vmem_shared>>) offsets(%arg12 : memref<128xi32, #tpu.memory_space<vmem>>) semaphore(%run_scoped3A : memref<!tpu.dma_semaphore, #tpu.memory_space<semaphore_mem>>) {add = true}
        %dma_wait3A_95 = arith.constant 0 : i32
        %dma_wait3A_96 = arith.constant 0 : i32
        %dma_wait3A_97 = tpu.memref_slice %arg7[%dma_wait3A_95, %dma_wait3A_96] : memref<10000x128xf32, #tpu.memory_space<vmem_shared>> -> memref<10000x128xf32, #tpu.memory_space<vmem_shared>>
        tpu.wait_indirect_dma semaphore(%run_scoped3A : memref<!tpu.dma_semaphore, #tpu.memory_space<semaphore_mem>>) src(%arg9 : memref<128x128xf32, #tpu.memory_space<vmem>>) dst(%dma_wait3A_97 : memref<10000x128xf32, #tpu.memory_space<vmem_shared>>)
        tpu.yield
      }) : () -> ()
    }
    %scan3A_31 = arith.constant 39 : i32
    %lt3A_32 = arith.constant 4 : i32
    %lt3A_33 = arith.cmpi slt, %add3A, %lt3A_32 : i32
    %convert_element_type3A_34 = arith.extui %lt3A_33 : i1 to i32
    %cond3A_35 = arith.constant 0 : i32
    %cond3A_36 = arith.cmpi ne, %convert_element_type3A_34, %cond3A_35 : i32
    scf.if %cond3A_36 {
      %add3A_43 = arith.constant 9984 : i32
      %add3A_44 = arith.addi %mul3A_14, %add3A_43 : i32
      "tpu.region"() ({
        %run_scoped3A = tpu.sem_alloc : memref<!tpu.dma_semaphore, #tpu.memory_space<semaphore_mem>>
        %dma_start3A_60 = tpu.memref_slice %arg5[%add3A_44] : memref<320000xi32, #tpu.memory_space<hbm>> -> memref<128xi32, #tpu.memory_space<hbm>>
        %dma_start3A_61 = tpu.memref_slice %arg5[%add3A_44] : memref<320000xi32, #tpu.memory_space<hbm>> -> memref<128xi32, #tpu.memory_space<hbm>>
        tpu.enqueue_dma source(%dma_start3A_61 : memref<128xi32, #tpu.memory_space<hbm>>) target(%arg11 : memref<128xi32, #tpu.memory_space<vmem>>) target_semaphore(%run_scoped3A : memref<!tpu.dma_semaphore, #tpu.memory_space<semaphore_mem>>)
        %dma_wait3A_62 = tpu.memref_slice %arg5[%add3A_44] : memref<320000xi32, #tpu.memory_space<hbm>> -> memref<128xi32, #tpu.memory_space<hbm>>
        %dma_wait3A_63 = tpu.memref_slice %arg5[%add3A_44] : memref<320000xi32, #tpu.memory_space<hbm>> -> memref<128xi32, #tpu.memory_space<hbm>>
        tpu.wait_dma2 semaphore(%run_scoped3A : memref<!tpu.dma_semaphore, #tpu.memory_space<semaphore_mem>>) src(%dma_wait3A_63 : memref<128xi32, #tpu.memory_space<hbm>>) dst(%arg11 : memref<128xi32, #tpu.memory_space<vmem>>)
        tpu.yield
      }) : () -> ()
      %dma_start3A_45 = arith.constant 78 : i32
      %dma_start3A_46 = arith.constant 0 : i32
      %dma_start3A_47 = arith.constant 0 : i32
      %dma_start3A_48 = tpu.memref_slice %arg10[%dma_start3A_45, %dma_start3A_46, %dma_start3A_47] : memref<79x1x128xi32, #tpu.memory_space<vmem>> -> memref<1x1x128xi32, #tpu.memory_space<vmem>>
      %dma_start3A_49 = tpu.memref_squeeze %dma_start3A_48 : memref<1x1x128xi32, #tpu.memory_space<vmem>> -> memref<128xi32, #tpu.memory_space<vmem>>
      %dma_start3A_50 = arith.constant 0 : i32
      %dma_start3A_51 = arith.constant 0 : i32
      %dma_start3A_52 = tpu.memref_slice %arg2[%dma_start3A_50, %dma_start3A_51] : memref<10000x128xf32, #tpu.memory_space<hbm>> -> memref<10000x128xf32, #tpu.memory_space<hbm>>
      tpu.enqueue_indirect_dma source(%dma_start3A_52 : memref<10000x128xf32, #tpu.memory_space<hbm>>) target(%arg8 : memref<128x128xf32, #tpu.memory_space<vmem>>) offsets(%dma_start3A_49 : memref<128xi32, #tpu.memory_space<vmem>>) semaphore(%arg13 : memref<!tpu.dma_semaphore, #tpu.memory_space<semaphore_mem>>)
      %dma_wait3A = arith.constant 78 : i32
      %dma_wait3A_53 = arith.constant 0 : i32
      %dma_wait3A_54 = arith.constant 0 : i32
      %dma_wait3A_55 = tpu.memref_slice %arg10[%dma_wait3A, %dma_wait3A_53, %dma_wait3A_54] : memref<79x1x128xi32, #tpu.memory_space<vmem>> -> memref<1x1x128xi32, #tpu.memory_space<vmem>>
      %dma_wait3A_56 = tpu.memref_squeeze %dma_wait3A_55 : memref<1x1x128xi32, #tpu.memory_space<vmem>> -> memref<128xi32, #tpu.memory_space<vmem>>
      %dma_wait3A_57 = arith.constant 0 : i32
      %dma_wait3A_58 = arith.constant 0 : i32
      %dma_wait3A_59 = tpu.memref_slice %arg2[%dma_wait3A_57, %dma_wait3A_58] : memref<10000x128xf32, #tpu.memory_space<hbm>> -> memref<10000x128xf32, #tpu.memory_space<hbm>>
      tpu.wait_indirect_dma semaphore(%arg13 : memref<!tpu.dma_semaphore, #tpu.memory_space<semaphore_mem>>) src(%dma_wait3A_59 : memref<10000x128xf32, #tpu.memory_space<hbm>>) dst(%arg8 : memref<128x128xf32, #tpu.memory_space<vmem>>)
      "tpu.region"() ({
        %run_scoped3A = tpu.sem_alloc : memref<!tpu.dma_semaphore, #tpu.memory_space<semaphore_mem>>
        %dma_start3A_60 = arith.constant 0 : i32
        %dma_start3A_61 = arith.constant 0 : i32
        %dma_start3A_62 = tpu.memref_slice %arg7[%dma_start3A_60, %dma_start3A_61] : memref<10000x128xf32, #tpu.memory_space<vmem_shared>> -> memref<10000x128xf32, #tpu.memory_space<vmem_shared>>
        tpu.enqueue_indirect_dma source(%arg8 : memref<128x128xf32, #tpu.memory_space<vmem>>) target(%dma_start3A_62 : memref<10000x128xf32, #tpu.memory_space<vmem_shared>>) offsets(%arg11 : memref<128xi32, #tpu.memory_space<vmem>>) semaphore(%run_scoped3A : memref<!tpu.dma_semaphore, #tpu.memory_space<semaphore_mem>>) {add = true}
        %dma_wait3A_63 = arith.constant 0 : i32
        %dma_wait3A_64 = arith.constant 0 : i32
        %dma_wait3A_65 = tpu.memref_slice %arg7[%dma_wait3A_63, %dma_wait3A_64] : memref<10000x128xf32, #tpu.memory_space<vmem_shared>> -> memref<10000x128xf32, #tpu.memory_space<vmem_shared>>
        tpu.wait_indirect_dma semaphore(%run_scoped3A : memref<!tpu.dma_semaphore, #tpu.memory_space<semaphore_mem>>) src(%arg8 : memref<128x128xf32, #tpu.memory_space<vmem>>) dst(%dma_wait3A_65 : memref<10000x128xf32, #tpu.memory_space<vmem_shared>>)
        tpu.yield
      }) : () -> ()
    } else {
    }
    %barrier3A_37 = arith.constant 0 : index
    tpu.barrier barrier_id(%barrier3A_37)
    "tpu.region"() ({
      %run_scoped3A = tpu.sem_alloc : memref<!tpu.dma_semaphore, #tpu.memory_space<semaphore_mem>>
      %dma_start3A_43 = arith.constant 0 : i32
      %dma_start3A_44 = tpu.memref_slice %arg6[%arg0, %mul3A_0, %dma_start3A_43] : memref<2x10000x128xf32, #tpu.memory_space<hbm>> -> memref<1x624x128xf32, #tpu.memory_space<hbm>>
      %dma_start3A_45 = tpu.memref_squeeze %dma_start3A_44 : memref<1x624x128xf32, #tpu.memory_space<hbm>> -> memref<624x128xf32, #tpu.memory_space<hbm>>
      %dma_start3A_46 = arith.constant 0 : i32
      %dma_start3A_47 = tpu.memref_slice %arg7[%mul3A_0, %dma_start3A_46] : memref<10000x128xf32, #tpu.memory_space<vmem_shared>> -> memref<624x128xf32, #tpu.memory_space<vmem_shared>>
      tpu.enqueue_dma source(%dma_start3A_47 : memref<624x128xf32, #tpu.memory_space<vmem_shared>>) target(%dma_start3A_45 : memref<624x128xf32, #tpu.memory_space<hbm>>) target_semaphore(%run_scoped3A : memref<!tpu.dma_semaphore, #tpu.memory_space<semaphore_mem>>)
      %dma_wait3A = arith.constant 0 : i32
      %dma_wait3A_48 = tpu.memref_slice %arg6[%arg0, %mul3A_0, %dma_wait3A] : memref<2x10000x128xf32, #tpu.memory_space<hbm>> -> memref<1x624x128xf32, #tpu.memory_space<hbm>>
      %dma_wait3A_49 = tpu.memref_squeeze %dma_wait3A_48 : memref<1x624x128xf32, #tpu.memory_space<hbm>> -> memref<624x128xf32, #tpu.memory_space<hbm>>
      %dma_wait3A_50 = arith.constant 0 : i32
      %dma_wait3A_51 = tpu.memref_slice %arg7[%mul3A_0, %dma_wait3A_50] : memref<10000x128xf32, #tpu.memory_space<vmem_shared>> -> memref<624x128xf32, #tpu.memory_space<vmem_shared>>
      tpu.wait_dma2 semaphore(%run_scoped3A : memref<!tpu.dma_semaphore, #tpu.memory_space<semaphore_mem>>) src(%dma_wait3A_51 : memref<624x128xf32, #tpu.memory_space<vmem_shared>>) dst(%dma_wait3A_49 : memref<624x128xf32, #tpu.memory_space<hbm>>)
      tpu.yield
    }) : () -> ()
    %eq3A_38 = arith.constant 15 : i32
    %eq3A_39 = arith.cmpi eq, %arg1, %eq3A_38 : i32
    %convert_element_type3A_40 = arith.extui %eq3A_39 : i1 to i32
    %cond3A_41 = arith.constant 0 : i32
    %cond3A_42 = arith.cmpi ne, %convert_element_type3A_40, %cond3A_41 : i32
    scf.if %cond3A_42 {
      "tpu.region"() ({
        %run_scoped3A = tpu.sem_alloc : memref<!tpu.dma_semaphore, #tpu.memory_space<semaphore_mem>>
        %dma_start3A_43 = arith.constant 9984 : i32
        %dma_start3A_44 = arith.constant 0 : i32
        %dma_start3A_45 = tpu.memref_slice %arg6[%arg0, %dma_start3A_43, %dma_start3A_44] : memref<2x10000x128xf32, #tpu.memory_space<hbm>> -> memref<1x16x128xf32, #tpu.memory_space<hbm>>
        %dma_start3A_46 = tpu.memref_squeeze %dma_start3A_45 : memref<1x16x128xf32, #tpu.memory_space<hbm>> -> memref<16x128xf32, #tpu.memory_space<hbm>>
        %dma_start3A_47 = arith.constant 9984 : i32
        %dma_start3A_48 = arith.constant 0 : i32
        %dma_start3A_49 = tpu.memref_slice %arg7[%dma_start3A_47, %dma_start3A_48] : memref<10000x128xf32, #tpu.memory_space<vmem_shared>> -> memref<16x128xf32, #tpu.memory_space<vmem_shared>>
        tpu.enqueue_dma source(%dma_start3A_49 : memref<16x128xf32, #tpu.memory_space<vmem_shared>>) target(%dma_start3A_46 : memref<16x128xf32, #tpu.memory_space<hbm>>) target_semaphore(%run_scoped3A : memref<!tpu.dma_semaphore, #tpu.memory_space<semaphore_mem>>)
        %dma_wait3A = arith.constant 9984 : i32
        %dma_wait3A_50 = arith.constant 0 : i32
        %dma_wait3A_51 = tpu.memref_slice %arg6[%arg0, %dma_wait3A, %dma_wait3A_50] : memref<2x10000x128xf32, #tpu.memory_space<hbm>> -> memref<1x16x128xf32, #tpu.memory_space<hbm>>
        %dma_wait3A_52 = tpu.memref_squeeze %dma_wait3A_51 : memref<1x16x128xf32, #tpu.memory_space<hbm>> -> memref<16x128xf32, #tpu.memory_space<hbm>>
        %dma_wait3A_53 = arith.constant 9984 : i32
        %dma_wait3A_54 = arith.constant 0 : i32
        %dma_wait3A_55 = tpu.memref_slice %arg7[%dma_wait3A_53, %dma_wait3A_54] : memref<10000x128xf32, #tpu.memory_space<vmem_shared>> -> memref<16x128xf32, #tpu.memory_space<vmem_shared>>
        tpu.wait_dma2 semaphore(%run_scoped3A : memref<!tpu.dma_semaphore, #tpu.memory_space<semaphore_mem>>) src(%dma_wait3A_55 : memref<16x128xf32, #tpu.memory_space<vmem_shared>>) dst(%dma_wait3A_52 : memref<16x128xf32, #tpu.memory_space<hbm>>)
        tpu.yield
      }) : () -> ()
    } else {
    }
    return
  }
}

#map = affine_map<(d0, d1) -> (0, 0)>
#map1 = affine_map<(d0, d1) -> (0, 0, 0)>
#map2 = affine_map<(d0, d1) -> (0)>
module attributes {stable_mosaic.version = 14 : i64} {
  func.func @_sc_scatter_body(%arg0: i32, %arg1: i32, %arg2: memref<10000x128xf32, #tpu.memory_space<hbm>>, %arg3: memref<10000x128xf32, #tpu.memory_space<hbm>>, %arg4: memref<2500x1x128xi32, #tpu.memory_space<hbm>>, %arg5: memref<320000xi32, #tpu.memory_space<hbm>>, %arg6: memref<2x10000x128xf32, #tpu.memory_space<hbm>>, %arg7: memref<10000x128xf32, #tpu.memory_space<vmem_shared>>, %arg8: memref<128x128xf32, #tpu.memory_space<vmem>>, %arg9: memref<128x128xf32, #tpu.memory_space<vmem>>, %arg10: memref<79x1x128xi32, #tpu.memory_space<vmem>>, %arg11: memref<128xi32, #tpu.memory_space<vmem>>, %arg12: memref<128xi32, #tpu.memory_space<vmem>>, %arg13: memref<!tpu.dma_semaphore, #tpu.memory_space<semaphore_mem>>, %arg14: memref<!tpu.dma_semaphore, #tpu.memory_space<semaphore_mem>>, %arg15: memref<!tpu.dma_semaphore, #tpu.memory_space<semaphore_mem>>, %arg16: memref<!tpu.dma_semaphore, #tpu.memory_space<semaphore_mem>>) attributes {dimension_semantics = [#tpu.dimension_semantics<core_parallel>, #tpu.dimension_semantics<subcore_parallel>], iteration_bounds = array<i64: 2, 16>, scalar_prefetch = 0 : i64, scratch_operands = 10 : i64, tpu.core_type = #tpu.core_type<sc_vector_subcore>, window_params = [{transform_indices = #map}, {transform_indices = #map}, {transform_indices = #map1}, {transform_indices = #map2}, {transform_indices = #map1}]} {
    %mul3A = arith.constant 624 : i32
    %mul3A_0 = arith.muli %arg1, %mul3A : i32
    %eq3A = arith.constant 0 : i32
    %eq3A_1 = arith.cmpi eq, %arg0, %eq3A : i32
    %convert_element_type3A = arith.extui %eq3A_1 : i1 to i32
    %cond3A = arith.constant 0 : i32
    %cond3A_2 = arith.cmpi ne, %convert_element_type3A, %cond3A : i32
    scf.if %cond3A_2 {
      "tpu.region"() ({
        %run_scoped3A = tpu.sem_alloc : memref<!tpu.dma_semaphore, #tpu.memory_space<semaphore_mem>>
        %dma_start3A_48 = arith.constant 0 : i32
        %dma_start3A_49 = tpu.memref_slice %arg7[%mul3A_0, %dma_start3A_48] : memref<10000x128xf32, #tpu.memory_space<vmem_shared>> -> memref<624x128xf32, #tpu.memory_space<vmem_shared>>
        %dma_start3A_50 = arith.constant 0 : i32
        %dma_start3A_51 = tpu.memref_slice %arg2[%mul3A_0, %dma_start3A_50] : memref<10000x128xf32, #tpu.memory_space<hbm>> -> memref<624x128xf32, #tpu.memory_space<hbm>>
        tpu.enqueue_dma source(%dma_start3A_51 : memref<624x128xf32, #tpu.memory_space<hbm>>) target(%dma_start3A_49 : memref<624x128xf32, #tpu.memory_space<vmem_shared>>) target_semaphore(%run_scoped3A : memref<!tpu.dma_semaphore, #tpu.memory_space<semaphore_mem>>)
        %dma_wait3A = arith.constant 0 : i32
        %dma_wait3A_52 = tpu.memref_slice %arg7[%mul3A_0, %dma_wait3A] : memref<10000x128xf32, #tpu.memory_space<vmem_shared>> -> memref<624x128xf32, #tpu.memory_space<vmem_shared>>
        %dma_wait3A_53 = arith.constant 0 : i32
        %dma_wait3A_54 = tpu.memref_slice %arg2[%mul3A_0, %dma_wait3A_53] : memref<10000x128xf32, #tpu.memory_space<hbm>> -> memref<624x128xf32, #tpu.memory_space<hbm>>
        tpu.wait_dma2 semaphore(%run_scoped3A : memref<!tpu.dma_semaphore, #tpu.memory_space<semaphore_mem>>) src(%dma_wait3A_54 : memref<624x128xf32, #tpu.memory_space<hbm>>) dst(%dma_wait3A_52 : memref<624x128xf32, #tpu.memory_space<vmem_shared>>)
        tpu.yield
      }) : () -> ()
      %eq3A_43 = arith.constant 15 : i32
      %eq3A_44 = arith.cmpi eq, %arg1, %eq3A_43 : i32
      %convert_element_type3A_45 = arith.extui %eq3A_44 : i1 to i32
      %cond3A_46 = arith.constant 0 : i32
      %cond3A_47 = arith.cmpi ne, %convert_element_type3A_45, %cond3A_46 : i32
      scf.if %cond3A_47 {
        "tpu.region"() ({
          %run_scoped3A = tpu.sem_alloc : memref<!tpu.dma_semaphore, #tpu.memory_space<semaphore_mem>>
          %dma_start3A_48 = arith.constant 9984 : i32
          %dma_start3A_49 = arith.constant 0 : i32
          %dma_start3A_50 = tpu.memref_slice %arg7[%dma_start3A_48, %dma_start3A_49] : memref<10000x128xf32, #tpu.memory_space<vmem_shared>> -> memref<16x128xf32, #tpu.memory_space<vmem_shared>>
          %dma_start3A_51 = arith.constant 9984 : i32
          %dma_start3A_52 = arith.constant 0 : i32
          %dma_start3A_53 = tpu.memref_slice %arg2[%dma_start3A_51, %dma_start3A_52] : memref<10000x128xf32, #tpu.memory_space<hbm>> -> memref<16x128xf32, #tpu.memory_space<hbm>>
          tpu.enqueue_dma source(%dma_start3A_53 : memref<16x128xf32, #tpu.memory_space<hbm>>) target(%dma_start3A_50 : memref<16x128xf32, #tpu.memory_space<vmem_shared>>) target_semaphore(%run_scoped3A : memref<!tpu.dma_semaphore, #tpu.memory_space<semaphore_mem>>)
          %dma_wait3A = arith.constant 9984 : i32
          %dma_wait3A_54 = arith.constant 0 : i32
          %dma_wait3A_55 = tpu.memref_slice %arg7[%dma_wait3A, %dma_wait3A_54] : memref<10000x128xf32, #tpu.memory_space<vmem_shared>> -> memref<16x128xf32, #tpu.memory_space<vmem_shared>>
          %dma_wait3A_56 = arith.constant 9984 : i32
          %dma_wait3A_57 = arith.constant 0 : i32
          %dma_wait3A_58 = tpu.memref_slice %arg2[%dma_wait3A_56, %dma_wait3A_57] : memref<10000x128xf32, #tpu.memory_space<hbm>> -> memref<16x128xf32, #tpu.memory_space<hbm>>
          tpu.wait_dma2 semaphore(%run_scoped3A : memref<!tpu.dma_semaphore, #tpu.memory_space<semaphore_mem>>) src(%dma_wait3A_58 : memref<16x128xf32, #tpu.memory_space<hbm>>) dst(%dma_wait3A_55 : memref<16x128xf32, #tpu.memory_space<vmem_shared>>)
          tpu.yield
        }) : () -> ()
      } else {
      }
    } else {
    }
    %ne3A = arith.constant 0 : i32
    %ne3A_3 = arith.cmpi ne, %arg0, %ne3A : i32
    %convert_element_type3A_4 = arith.extui %ne3A_3 : i1 to i32
    %cond3A_5 = arith.constant 0 : i32
    %cond3A_6 = arith.cmpi ne, %convert_element_type3A_4, %cond3A_5 : i32
    scf.if %cond3A_6 {
      "tpu.region"() ({
        %run_scoped3A = tpu.sem_alloc : memref<!tpu.dma_semaphore, #tpu.memory_space<semaphore_mem>>
        %dma_start3A_48 = arith.constant 0 : i32
        %dma_start3A_49 = tpu.memref_slice %arg7[%mul3A_0, %dma_start3A_48] : memref<10000x128xf32, #tpu.memory_space<vmem_shared>> -> memref<624x128xf32, #tpu.memory_space<vmem_shared>>
        %dma_start3A_50 = arith.constant 0 : i32
        %dma_start3A_51 = tpu.memref_slice %arg3[%mul3A_0, %dma_start3A_50] : memref<10000x128xf32, #tpu.memory_space<hbm>> -> memref<624x128xf32, #tpu.memory_space<hbm>>
        tpu.enqueue_dma source(%dma_start3A_51 : memref<624x128xf32, #tpu.memory_space<hbm>>) target(%dma_start3A_49 : memref<624x128xf32, #tpu.memory_space<vmem_shared>>) target_semaphore(%run_scoped3A : memref<!tpu.dma_semaphore, #tpu.memory_space<semaphore_mem>>)
        %dma_wait3A = arith.constant 0 : i32
        %dma_wait3A_52 = tpu.memref_slice %arg7[%mul3A_0, %dma_wait3A] : memref<10000x128xf32, #tpu.memory_space<vmem_shared>> -> memref<624x128xf32, #tpu.memory_space<vmem_shared>>
        %dma_wait3A_53 = arith.constant 0 : i32
        %dma_wait3A_54 = tpu.memref_slice %arg3[%mul3A_0, %dma_wait3A_53] : memref<10000x128xf32, #tpu.memory_space<hbm>> -> memref<624x128xf32, #tpu.memory_space<hbm>>
        tpu.wait_dma2 semaphore(%run_scoped3A : memref<!tpu.dma_semaphore, #tpu.memory_space<semaphore_mem>>) src(%dma_wait3A_54 : memref<624x128xf32, #tpu.memory_space<hbm>>) dst(%dma_wait3A_52 : memref<624x128xf32, #tpu.memory_space<vmem_shared>>)
        tpu.yield
      }) : () -> ()
      %eq3A_43 = arith.constant 15 : i32
      %eq3A_44 = arith.cmpi eq, %arg1, %eq3A_43 : i32
      %convert_element_type3A_45 = arith.extui %eq3A_44 : i1 to i32
      %cond3A_46 = arith.constant 0 : i32
      %cond3A_47 = arith.cmpi ne, %convert_element_type3A_45, %cond3A_46 : i32
      scf.if %cond3A_47 {
        "tpu.region"() ({
          %run_scoped3A = tpu.sem_alloc : memref<!tpu.dma_semaphore, #tpu.memory_space<semaphore_mem>>
          %dma_start3A_48 = arith.constant 9984 : i32
          %dma_start3A_49 = arith.constant 0 : i32
          %dma_start3A_50 = tpu.memref_slice %arg7[%dma_start3A_48, %dma_start3A_49] : memref<10000x128xf32, #tpu.memory_space<vmem_shared>> -> memref<16x128xf32, #tpu.memory_space<vmem_shared>>
          %dma_start3A_51 = arith.constant 9984 : i32
          %dma_start3A_52 = arith.constant 0 : i32
          %dma_start3A_53 = tpu.memref_slice %arg3[%dma_start3A_51, %dma_start3A_52] : memref<10000x128xf32, #tpu.memory_space<hbm>> -> memref<16x128xf32, #tpu.memory_space<hbm>>
          tpu.enqueue_dma source(%dma_start3A_53 : memref<16x128xf32, #tpu.memory_space<hbm>>) target(%dma_start3A_50 : memref<16x128xf32, #tpu.memory_space<vmem_shared>>) target_semaphore(%run_scoped3A : memref<!tpu.dma_semaphore, #tpu.memory_space<semaphore_mem>>)
          %dma_wait3A = arith.constant 9984 : i32
          %dma_wait3A_54 = arith.constant 0 : i32
          %dma_wait3A_55 = tpu.memref_slice %arg7[%dma_wait3A, %dma_wait3A_54] : memref<10000x128xf32, #tpu.memory_space<vmem_shared>> -> memref<16x128xf32, #tpu.memory_space<vmem_shared>>
          %dma_wait3A_56 = arith.constant 9984 : i32
          %dma_wait3A_57 = arith.constant 0 : i32
          %dma_wait3A_58 = tpu.memref_slice %arg3[%dma_wait3A_56, %dma_wait3A_57] : memref<10000x128xf32, #tpu.memory_space<hbm>> -> memref<16x128xf32, #tpu.memory_space<hbm>>
          tpu.wait_dma2 semaphore(%run_scoped3A : memref<!tpu.dma_semaphore, #tpu.memory_space<semaphore_mem>>) src(%dma_wait3A_58 : memref<16x128xf32, #tpu.memory_space<hbm>>) dst(%dma_wait3A_55 : memref<16x128xf32, #tpu.memory_space<vmem_shared>>)
          tpu.yield
        }) : () -> ()
      } else {
      }
    } else {
    }
    %barrier3A = arith.constant 0 : index
    tpu.barrier barrier_id(%barrier3A)
    %mul3A_7 = arith.constant 16 : i32
    %mul3A_8 = arith.muli %arg0, %mul3A_7 : i32
    %add3A = arith.addi %mul3A_8, %arg1 : i32
    %mul3A_9 = arith.constant 78 : i32
    %mul3A_10 = arith.muli %add3A, %mul3A_9 : i32
    %min3A = arith.constant 4 : i32
    %min3A_11 = arith.minsi %add3A, %min3A : i32
    %add3A_12 = arith.addi %mul3A_10, %min3A_11 : i32
    %mul3A_13 = arith.constant 128 : i32
    %mul3A_14 = arith.muli %add3A_12, %mul3A_13 : i32
    "tpu.region"() ({
      %run_scoped3A = tpu.sem_alloc : memref<!tpu.dma_semaphore, #tpu.memory_space<semaphore_mem>>
      %dma_start3A_43 = arith.constant 0 : i32
      %dma_start3A_44 = arith.constant 0 : i32
      %dma_start3A_45 = arith.constant 0 : i32
      %dma_start3A_46 = tpu.memref_slice %arg10[%dma_start3A_43, %dma_start3A_44, %dma_start3A_45] : memref<79x1x128xi32, #tpu.memory_space<vmem>> -> memref<78x1x128xi32, #tpu.memory_space<vmem>>
      %dma_start3A_47 = arith.constant 0 : i32
      %dma_start3A_48 = arith.constant 0 : i32
      %dma_start3A_49 = tpu.memref_slice %arg4[%add3A_12, %dma_start3A_47, %dma_start3A_48] : memref<2500x1x128xi32, #tpu.memory_space<hbm>> -> memref<78x1x128xi32, #tpu.memory_space<hbm>>
      %dma_start3A_50 = arith.constant 0 : i32
      %dma_start3A_51 = arith.constant 0 : i32
      %dma_start3A_52 = arith.constant 0 : i32
      %dma_start3A_53 = tpu.memref_slice %arg10[%dma_start3A_50, %dma_start3A_51, %dma_start3A_52] : memref<79x1x128xi32, #tpu.memory_space<vmem>> -> memref<78x1x128xi32, #tpu.memory_space<vmem>>
      %dma_start3A_54 = arith.constant 0 : i32
      %dma_start3A_55 = arith.constant 0 : i32
      %dma_start3A_56 = tpu.memref_slice %arg4[%add3A_12, %dma_start3A_54, %dma_start3A_55] : memref<2500x1x128xi32, #tpu.memory_space<hbm>> -> memref<78x1x128xi32, #tpu.memory_space<hbm>>
      tpu.enqueue_dma source(%dma_start3A_56 : memref<78x1x128xi32, #tpu.memory_space<hbm>>) target(%dma_start3A_53 : memref<78x1x128xi32, #tpu.memory_space<vmem>>) target_semaphore(%run_scoped3A : memref<!tpu.dma_semaphore, #tpu.memory_space<semaphore_mem>>)
      %dma_wait3A = arith.constant 0 : i32
      %dma_wait3A_57 = arith.constant 0 : i32
      %dma_wait3A_58 = arith.constant 0 : i32
      %dma_wait3A_59 = tpu.memref_slice %arg10[%dma_wait3A, %dma_wait3A_57, %dma_wait3A_58] : memref<79x1x128xi32, #tpu.memory_space<vmem>> -> memref<78x1x128xi32, #tpu.memory_space<vmem>>
      %dma_wait3A_60 = arith.constant 0 : i32
      %dma_wait3A_61 = arith.constant 0 : i32
      %dma_wait3A_62 = tpu.memref_slice %arg4[%add3A_12, %dma_wait3A_60, %dma_wait3A_61] : memref<2500x1x128xi32, #tpu.memory_space<hbm>> -> memref<78x1x128xi32, #tpu.memory_space<hbm>>
      %dma_wait3A_63 = arith.constant 0 : i32
      %dma_wait3A_64 = arith.constant 0 : i32
      %dma_wait3A_65 = arith.constant 0 : i32
      %dma_wait3A_66 = tpu.memref_slice %arg10[%dma_wait3A_63, %dma_wait3A_64, %dma_wait3A_65] : memref<79x1x128xi32, #tpu.memory_space<vmem>> -> memref<78x1x128xi32, #tpu.memory_space<vmem>>
      %dma_wait3A_67 = arith.constant 0 : i32
      %dma_wait3A_68 = arith.constant 0 : i32
      %dma_wait3A_69 = tpu.memref_slice %arg4[%add3A_12, %dma_wait3A_67, %dma_wait3A_68] : memref<2500x1x128xi32, #tpu.memory_space<hbm>> -> memref<78x1x128xi32, #tpu.memory_space<hbm>>
      tpu.wait_dma2 semaphore(%run_scoped3A : memref<!tpu.dma_semaphore, #tpu.memory_space<semaphore_mem>>) src(%dma_wait3A_69 : memref<78x1x128xi32, #tpu.memory_space<hbm>>) dst(%dma_wait3A_66 : memref<78x1x128xi32, #tpu.memory_space<vmem>>)
      tpu.yield
    }) : () -> ()
    %lt3A = arith.constant 4 : i32
    %lt3A_15 = arith.cmpi slt, %add3A, %lt3A : i32
    %convert_element_type3A_16 = arith.extui %lt3A_15 : i1 to i32
    %cond3A_17 = arith.constant 0 : i32
    %cond3A_18 = arith.cmpi ne, %convert_element_type3A_16, %cond3A_17 : i32
    scf.if %cond3A_18 {
      %add3A_43 = arith.constant 78 : i32
      %add3A_44 = arith.addi %add3A_12, %add3A_43 : i32
      "tpu.region"() ({
        %run_scoped3A = tpu.sem_alloc : memref<!tpu.dma_semaphore, #tpu.memory_space<semaphore_mem>>
        %dma_start3A_45 = arith.constant 78 : i32
        %dma_start3A_46 = arith.constant 0 : i32
        %dma_start3A_47 = arith.constant 0 : i32
        %dma_start3A_48 = tpu.memref_slice %arg10[%dma_start3A_45, %dma_start3A_46, %dma_start3A_47] : memref<79x1x128xi32, #tpu.memory_space<vmem>> -> memref<1x1x128xi32, #tpu.memory_space<vmem>>
        %dma_start3A_49 = arith.constant 0 : i32
        %dma_start3A_50 = arith.constant 0 : i32
        %dma_start3A_51 = tpu.memref_slice %arg4[%add3A_44, %dma_start3A_49, %dma_start3A_50] : memref<2500x1x128xi32, #tpu.memory_space<hbm>> -> memref<1x1x128xi32, #tpu.memory_space<hbm>>
        %dma_start3A_52 = arith.constant 78 : i32
        %dma_start3A_53 = arith.constant 0 : i32
        %dma_start3A_54 = arith.constant 0 : i32
        %dma_start3A_55 = tpu.memref_slice %arg10[%dma_start3A_52, %dma_start3A_53, %dma_start3A_54] : memref<79x1x128xi32, #tpu.memory_space<vmem>> -> memref<1x1x128xi32, #tpu.memory_space<vmem>>
        %dma_start3A_56 = arith.constant 0 : i32
        %dma_start3A_57 = arith.constant 0 : i32
        %dma_start3A_58 = tpu.memref_slice %arg4[%add3A_44, %dma_start3A_56, %dma_start3A_57] : memref<2500x1x128xi32, #tpu.memory_space<hbm>> -> memref<1x1x128xi32, #tpu.memory_space<hbm>>
        tpu.enqueue_dma source(%dma_start3A_58 : memref<1x1x128xi32, #tpu.memory_space<hbm>>) target(%dma_start3A_55 : memref<1x1x128xi32, #tpu.memory_space<vmem>>) target_semaphore(%run_scoped3A : memref<!tpu.dma_semaphore, #tpu.memory_space<semaphore_mem>>)
        %dma_wait3A = arith.constant 78 : i32
        %dma_wait3A_59 = arith.constant 0 : i32
        %dma_wait3A_60 = arith.constant 0 : i32
        %dma_wait3A_61 = tpu.memref_slice %arg10[%dma_wait3A, %dma_wait3A_59, %dma_wait3A_60] : memref<79x1x128xi32, #tpu.memory_space<vmem>> -> memref<1x1x128xi32, #tpu.memory_space<vmem>>
        %dma_wait3A_62 = arith.constant 0 : i32
        %dma_wait3A_63 = arith.constant 0 : i32
        %dma_wait3A_64 = tpu.memref_slice %arg4[%add3A_44, %dma_wait3A_62, %dma_wait3A_63] : memref<2500x1x128xi32, #tpu.memory_space<hbm>> -> memref<1x1x128xi32, #tpu.memory_space<hbm>>
        %dma_wait3A_65 = arith.constant 78 : i32
        %dma_wait3A_66 = arith.constant 0 : i32
        %dma_wait3A_67 = arith.constant 0 : i32
        %dma_wait3A_68 = tpu.memref_slice %arg10[%dma_wait3A_65, %dma_wait3A_66, %dma_wait3A_67] : memref<79x1x128xi32, #tpu.memory_space<vmem>> -> memref<1x1x128xi32, #tpu.memory_space<vmem>>
        %dma_wait3A_69 = arith.constant 0 : i32
        %dma_wait3A_70 = arith.constant 0 : i32
        %dma_wait3A_71 = tpu.memref_slice %arg4[%add3A_44, %dma_wait3A_69, %dma_wait3A_70] : memref<2500x1x128xi32, #tpu.memory_space<hbm>> -> memref<1x1x128xi32, #tpu.memory_space<hbm>>
        tpu.wait_dma2 semaphore(%run_scoped3A : memref<!tpu.dma_semaphore, #tpu.memory_space<semaphore_mem>>) src(%dma_wait3A_71 : memref<1x1x128xi32, #tpu.memory_space<hbm>>) dst(%dma_wait3A_68 : memref<1x1x128xi32, #tpu.memory_space<vmem>>)
        tpu.yield
      }) : () -> ()
    } else {
    }
    %dma_start3A = tpu.memref_slice %arg5[%mul3A_14] : memref<320000xi32, #tpu.memory_space<hbm>> -> memref<128xi32, #tpu.memory_space<hbm>>
    %dma_start3A_19 = tpu.memref_slice %arg5[%mul3A_14] : memref<320000xi32, #tpu.memory_space<hbm>> -> memref<128xi32, #tpu.memory_space<hbm>>
    tpu.enqueue_dma source(%dma_start3A_19 : memref<128xi32, #tpu.memory_space<hbm>>) target(%arg11 : memref<128xi32, #tpu.memory_space<vmem>>) target_semaphore(%arg15 : memref<!tpu.dma_semaphore, #tpu.memory_space<semaphore_mem>>)
    %dma_start3A_20 = arith.constant 0 : i32
    %dma_start3A_21 = arith.constant 0 : i32
    %dma_start3A_22 = arith.constant 0 : i32
    %dma_start3A_23 = tpu.memref_slice %arg10[%dma_start3A_20, %dma_start3A_21, %dma_start3A_22] : memref<79x1x128xi32, #tpu.memory_space<vmem>> -> memref<1x1x128xi32, #tpu.memory_space<vmem>>
    %dma_start3A_24 = tpu.memref_squeeze %dma_start3A_23 : memref<1x1x128xi32, #tpu.memory_space<vmem>> -> memref<128xi32, #tpu.memory_space<vmem>>
    %dma_start3A_25 = arith.constant 0 : i32
    %dma_start3A_26 = arith.constant 0 : i32
    %dma_start3A_27 = tpu.memref_slice %arg2[%dma_start3A_25, %dma_start3A_26] : memref<10000x128xf32, #tpu.memory_space<hbm>> -> memref<10000x128xf32, #tpu.memory_space<hbm>>
    tpu.enqueue_indirect_dma source(%dma_start3A_27 : memref<10000x128xf32, #tpu.memory_space<hbm>>) target(%arg8 : memref<128x128xf32, #tpu.memory_space<vmem>>) offsets(%dma_start3A_24 : memref<128xi32, #tpu.memory_space<vmem>>) semaphore(%arg13 : memref<!tpu.dma_semaphore, #tpu.memory_space<semaphore_mem>>)
    %scan3A = arith.constant 0 : i32
    %scan3A_28 = arith.constant 39 : i32
    %scan3A_29 = arith.addi %scan3A, %scan3A_28 : i32
    %scan3A_30 = arith.constant 1 : i32
    scf.for %scan3A_43 = %scan3A to %scan3A_29 step %scan3A_30  : i32 {
      %mul3A_44 = arith.constant 1 : i32
      %mul3A_45 = arith.muli %scan3A_43, %mul3A_44 : i32
      %add3A_46 = arith.constant 0 : i32
      %add3A_47 = arith.addi %add3A_46, %mul3A_45 : i32
      %mul3A_48 = arith.constant 2 : i32
      %mul3A_49 = arith.muli %mul3A_48, %add3A_47 : i32
      %add3A_50 = arith.constant 1 : i32
      %add3A_51 = arith.addi %mul3A_49, %add3A_50 : i32
      %mul3A_52 = arith.constant 128 : i32
      %mul3A_53 = arith.muli %add3A_51, %mul3A_52 : i32
      %add3A_54 = arith.addi %mul3A_14, %mul3A_53 : i32
      %dma_start3A_55 = tpu.memref_slice %arg5[%add3A_54] : memref<320000xi32, #tpu.memory_space<hbm>> -> memref<128xi32, #tpu.memory_space<hbm>>
      %dma_start3A_56 = tpu.memref_slice %arg5[%add3A_54] : memref<320000xi32, #tpu.memory_space<hbm>> -> memref<128xi32, #tpu.memory_space<hbm>>
      tpu.enqueue_dma source(%dma_start3A_56 : memref<128xi32, #tpu.memory_space<hbm>>) target(%arg12 : memref<128xi32, #tpu.memory_space<vmem>>) target_semaphore(%arg16 : memref<!tpu.dma_semaphore, #tpu.memory_space<semaphore_mem>>)
      %mul3A_57 = arith.constant 2 : i32
      %mul3A_58 = arith.muli %mul3A_57, %add3A_47 : i32
      %add3A_59 = arith.constant 1 : i32
      %add3A_60 = arith.addi %mul3A_58, %add3A_59 : i32
      %dma_start3A_61 = arith.constant 0 : i32
      %dma_start3A_62 = arith.constant 0 : i32
      %dma_start3A_63 = tpu.memref_slice %arg10[%add3A_60, %dma_start3A_61, %dma_start3A_62] : memref<79x1x128xi32, #tpu.memory_space<vmem>> -> memref<1x1x128xi32, #tpu.memory_space<vmem>>
      %dma_start3A_64 = tpu.memref_squeeze %dma_start3A_63 : memref<1x1x128xi32, #tpu.memory_space<vmem>> -> memref<128xi32, #tpu.memory_space<vmem>>
      %dma_start3A_65 = arith.constant 0 : i32
      %dma_start3A_66 = arith.constant 0 : i32
      %dma_start3A_67 = tpu.memref_slice %arg2[%dma_start3A_65, %dma_start3A_66] : memref<10000x128xf32, #tpu.memory_space<hbm>> -> memref<10000x128xf32, #tpu.memory_space<hbm>>
      tpu.enqueue_indirect_dma source(%dma_start3A_67 : memref<10000x128xf32, #tpu.memory_space<hbm>>) target(%arg9 : memref<128x128xf32, #tpu.memory_space<vmem>>) offsets(%dma_start3A_64 : memref<128xi32, #tpu.memory_space<vmem>>) semaphore(%arg14 : memref<!tpu.dma_semaphore, #tpu.memory_space<semaphore_mem>>)
      %dma_wait3A = arith.constant 0 : i32
      %dma_wait3A_68 = arith.constant 0 : i32
      %dma_wait3A_69 = arith.constant 0 : i32
      %dma_wait3A_70 = tpu.memref_slice %arg10[%dma_wait3A, %dma_wait3A_68, %dma_wait3A_69] : memref<79x1x128xi32, #tpu.memory_space<vmem>> -> memref<1x1x128xi32, #tpu.memory_space<vmem>>
      %dma_wait3A_71 = tpu.memref_squeeze %dma_wait3A_70 : memref<1x1x128xi32, #tpu.memory_space<vmem>> -> memref<128xi32, #tpu.memory_space<vmem>>
      %dma_wait3A_72 = arith.constant 0 : i32
      %dma_wait3A_73 = arith.constant 0 : i32
      %dma_wait3A_74 = tpu.memref_slice %arg2[%dma_wait3A_72, %dma_wait3A_73] : memref<10000x128xf32, #tpu.memory_space<hbm>> -> memref<10000x128xf32, #tpu.memory_space<hbm>>
      tpu.wait_indirect_dma semaphore(%arg13 : memref<!tpu.dma_semaphore, #tpu.memory_space<semaphore_mem>>) src(%dma_wait3A_74 : memref<10000x128xf32, #tpu.memory_space<hbm>>) dst(%arg8 : memref<128x128xf32, #tpu.memory_space<vmem>>)
      %dma_wait3A_75 = tpu.memref_slice %arg5[%mul3A_14] : memref<320000xi32, #tpu.memory_space<hbm>> -> memref<128xi32, #tpu.memory_space<hbm>>
      %dma_wait3A_76 = tpu.memref_slice %arg5[%mul3A_14] : memref<320000xi32, #tpu.memory_space<hbm>> -> memref<128xi32, #tpu.memory_space<hbm>>
      tpu.wait_dma2 semaphore(%arg15 : memref<!tpu.dma_semaphore, #tpu.memory_space<semaphore_mem>>) src(%dma_wait3A_76 : memref<128xi32, #tpu.memory_space<hbm>>) dst(%arg11 : memref<128xi32, #tpu.memory_space<vmem>>)
      "tpu.region"() ({
        %run_scoped3A = tpu.sem_alloc : memref<!tpu.dma_semaphore, #tpu.memory_space<semaphore_mem>>
        %dma_start3A_92 = arith.constant 0 : i32
        %dma_start3A_93 = arith.constant 0 : i32
        %dma_start3A_94 = tpu.memref_slice %arg7[%dma_start3A_92, %dma_start3A_93] : memref<10000x128xf32, #tpu.memory_space<vmem_shared>> -> memref<10000x128xf32, #tpu.memory_space<vmem_shared>>
        tpu.enqueue_indirect_dma source(%arg8 : memref<128x128xf32, #tpu.memory_space<vmem>>) target(%dma_start3A_94 : memref<10000x128xf32, #tpu.memory_space<vmem_shared>>) offsets(%arg11 : memref<128xi32, #tpu.memory_space<vmem>>) semaphore(%run_scoped3A : memref<!tpu.dma_semaphore, #tpu.memory_space<semaphore_mem>>) {add = true}
        %dma_wait3A_95 = arith.constant 0 : i32
        %dma_wait3A_96 = arith.constant 0 : i32
        %dma_wait3A_97 = tpu.memref_slice %arg7[%dma_wait3A_95, %dma_wait3A_96] : memref<10000x128xf32, #tpu.memory_space<vmem_shared>> -> memref<10000x128xf32, #tpu.memory_space<vmem_shared>>
        tpu.wait_indirect_dma semaphore(%run_scoped3A : memref<!tpu.dma_semaphore, #tpu.memory_space<semaphore_mem>>) src(%arg8 : memref<128x128xf32, #tpu.memory_space<vmem>>) dst(%dma_wait3A_97 : memref<10000x128xf32, #tpu.memory_space<vmem_shared>>)
        tpu.yield
      }) : () -> ()
      %lt3A_77 = arith.constant 38 : i32
      %lt3A_78 = arith.cmpi slt, %add3A_47, %lt3A_77 : i32
      %convert_element_type3A_79 = arith.extui %lt3A_78 : i1 to i32
      %cond3A_80 = arith.constant 0 : i32
      %cond3A_81 = arith.cmpi ne, %convert_element_type3A_79, %cond3A_80 : i32
      scf.if %cond3A_81 {
        %mul3A_92 = arith.constant 2 : i32
        %mul3A_93 = arith.muli %mul3A_92, %add3A_47 : i32
        %add3A_94 = arith.constant 2 : i32
        %add3A_95 = arith.addi %mul3A_93, %add3A_94 : i32
        %mul3A_96 = arith.constant 128 : i32
        %mul3A_97 = arith.muli %add3A_95, %mul3A_96 : i32
        %add3A_98 = arith.addi %mul3A_14, %mul3A_97 : i32
        %dma_start3A_99 = tpu.memref_slice %arg5[%add3A_98] : memref<320000xi32, #tpu.memory_space<hbm>> -> memref<128xi32, #tpu.memory_space<hbm>>
        %dma_start3A_100 = tpu.memref_slice %arg5[%add3A_98] : memref<320000xi32, #tpu.memory_space<hbm>> -> memref<128xi32, #tpu.memory_space<hbm>>
        tpu.enqueue_dma source(%dma_start3A_100 : memref<128xi32, #tpu.memory_space<hbm>>) target(%arg11 : memref<128xi32, #tpu.memory_space<vmem>>) target_semaphore(%arg15 : memref<!tpu.dma_semaphore, #tpu.memory_space<semaphore_mem>>)
        %mul3A_101 = arith.constant 2 : i32
        %mul3A_102 = arith.muli %mul3A_101, %add3A_47 : i32
        %add3A_103 = arith.constant 2 : i32
        %add3A_104 = arith.addi %mul3A_102, %add3A_103 : i32
        %dma_start3A_105 = arith.constant 0 : i32
        %dma_start3A_106 = arith.constant 0 : i32
        %dma_start3A_107 = tpu.memref_slice %arg10[%add3A_104, %dma_start3A_105, %dma_start3A_106] : memref<79x1x128xi32, #tpu.memory_space<vmem>> -> memref<1x1x128xi32, #tpu.memory_space<vmem>>
        %dma_start3A_108 = tpu.memref_squeeze %dma_start3A_107 : memref<1x1x128xi32, #tpu.memory_space<vmem>> -> memref<128xi32, #tpu.memory_space<vmem>>
        %dma_start3A_109 = arith.constant 0 : i32
        %dma_start3A_110 = arith.constant 0 : i32
        %dma_start3A_111 = tpu.memref_slice %arg2[%dma_start3A_109, %dma_start3A_110] : memref<10000x128xf32, #tpu.memory_space<hbm>> -> memref<10000x128xf32, #tpu.memory_space<hbm>>
        tpu.enqueue_indirect_dma source(%dma_start3A_111 : memref<10000x128xf32, #tpu.memory_space<hbm>>) target(%arg8 : memref<128x128xf32, #tpu.memory_space<vmem>>) offsets(%dma_start3A_108 : memref<128xi32, #tpu.memory_space<vmem>>) semaphore(%arg13 : memref<!tpu.dma_semaphore, #tpu.memory_space<semaphore_mem>>)
      } else {
      }
      %dma_wait3A_82 = arith.constant 0 : i32
      %dma_wait3A_83 = arith.constant 0 : i32
      %dma_wait3A_84 = arith.constant 0 : i32
      %dma_wait3A_85 = tpu.memref_slice %arg10[%dma_wait3A_82, %dma_wait3A_83, %dma_wait3A_84] : memref<79x1x128xi32, #tpu.memory_space<vmem>> -> memref<1x1x128xi32, #tpu.memory_space<vmem>>
      %dma_wait3A_86 = tpu.memref_squeeze %dma_wait3A_85 : memref<1x1x128xi32, #tpu.memory_space<vmem>> -> memref<128xi32, #tpu.memory_space<vmem>>
      %dma_wait3A_87 = arith.constant 0 : i32
      %dma_wait3A_88 = arith.constant 0 : i32
      %dma_wait3A_89 = tpu.memref_slice %arg2[%dma_wait3A_87, %dma_wait3A_88] : memref<10000x128xf32, #tpu.memory_space<hbm>> -> memref<10000x128xf32, #tpu.memory_space<hbm>>
      tpu.wait_indirect_dma semaphore(%arg14 : memref<!tpu.dma_semaphore, #tpu.memory_space<semaphore_mem>>) src(%dma_wait3A_89 : memref<10000x128xf32, #tpu.memory_space<hbm>>) dst(%arg9 : memref<128x128xf32, #tpu.memory_space<vmem>>)
      %dma_wait3A_90 = tpu.memref_slice %arg5[%mul3A_14] : memref<320000xi32, #tpu.memory_space<hbm>> -> memref<128xi32, #tpu.memory_space<hbm>>
      %dma_wait3A_91 = tpu.memref_slice %arg5[%mul3A_14] : memref<320000xi32, #tpu.memory_space<hbm>> -> memref<128xi32, #tpu.memory_space<hbm>>
      tpu.wait_dma2 semaphore(%arg16 : memref<!tpu.dma_semaphore, #tpu.memory_space<semaphore_mem>>) src(%dma_wait3A_91 : memref<128xi32, #tpu.memory_space<hbm>>) dst(%arg12 : memref<128xi32, #tpu.memory_space<vmem>>)
      "tpu.region"() ({
        %run_scoped3A = tpu.sem_alloc : memref<!tpu.dma_semaphore, #tpu.memory_space<semaphore_mem>>
        %dma_start3A_92 = arith.constant 0 : i32
        %dma_start3A_93 = arith.constant 0 : i32
        %dma_start3A_94 = tpu.memref_slice %arg7[%dma_start3A_92, %dma_start3A_93] : memref<10000x128xf32, #tpu.memory_space<vmem_shared>> -> memref<10000x128xf32, #tpu.memory_space<vmem_shared>>
        tpu.enqueue_indirect_dma source(%arg9 : memref<128x128xf32, #tpu.memory_space<vmem>>) target(%dma_start3A_94 : memref<10000x128xf32, #tpu.memory_space<vmem_shared>>) offsets(%arg12 : memref<128xi32, #tpu.memory_space<vmem>>) semaphore(%run_scoped3A : memref<!tpu.dma_semaphore, #tpu.memory_space<semaphore_mem>>) {add = true}
        %dma_wait3A_95 = arith.constant 0 : i32
        %dma_wait3A_96 = arith.constant 0 : i32
        %dma_wait3A_97 = tpu.memref_slice %arg7[%dma_wait3A_95, %dma_wait3A_96] : memref<10000x128xf32, #tpu.memory_space<vmem_shared>> -> memref<10000x128xf32, #tpu.memory_space<vmem_shared>>
        tpu.wait_indirect_dma semaphore(%run_scoped3A : memref<!tpu.dma_semaphore, #tpu.memory_space<semaphore_mem>>) src(%arg9 : memref<128x128xf32, #tpu.memory_space<vmem>>) dst(%dma_wait3A_97 : memref<10000x128xf32, #tpu.memory_space<vmem_shared>>)
        tpu.yield
      }) : () -> ()
    }
    %scan3A_31 = arith.constant 39 : i32
    %lt3A_32 = arith.constant 4 : i32
    %lt3A_33 = arith.cmpi slt, %add3A, %lt3A_32 : i32
    %convert_element_type3A_34 = arith.extui %lt3A_33 : i1 to i32
    %cond3A_35 = arith.constant 0 : i32
    %cond3A_36 = arith.cmpi ne, %convert_element_type3A_34, %cond3A_35 : i32
    scf.if %cond3A_36 {
      %add3A_43 = arith.constant 9984 : i32
      %add3A_44 = arith.addi %mul3A_14, %add3A_43 : i32
      "tpu.region"() ({
        %run_scoped3A = tpu.sem_alloc : memref<!tpu.dma_semaphore, #tpu.memory_space<semaphore_mem>>
        %dma_start3A_60 = tpu.memref_slice %arg5[%add3A_44] : memref<320000xi32, #tpu.memory_space<hbm>> -> memref<128xi32, #tpu.memory_space<hbm>>
        %dma_start3A_61 = tpu.memref_slice %arg5[%add3A_44] : memref<320000xi32, #tpu.memory_space<hbm>> -> memref<128xi32, #tpu.memory_space<hbm>>
        tpu.enqueue_dma source(%dma_start3A_61 : memref<128xi32, #tpu.memory_space<hbm>>) target(%arg11 : memref<128xi32, #tpu.memory_space<vmem>>) target_semaphore(%run_scoped3A : memref<!tpu.dma_semaphore, #tpu.memory_space<semaphore_mem>>)
        %dma_wait3A_62 = tpu.memref_slice %arg5[%add3A_44] : memref<320000xi32, #tpu.memory_space<hbm>> -> memref<128xi32, #tpu.memory_space<hbm>>
        %dma_wait3A_63 = tpu.memref_slice %arg5[%add3A_44] : memref<320000xi32, #tpu.memory_space<hbm>> -> memref<128xi32, #tpu.memory_space<hbm>>
        tpu.wait_dma2 semaphore(%run_scoped3A : memref<!tpu.dma_semaphore, #tpu.memory_space<semaphore_mem>>) src(%dma_wait3A_63 : memref<128xi32, #tpu.memory_space<hbm>>) dst(%arg11 : memref<128xi32, #tpu.memory_space<vmem>>)
        tpu.yield
      }) : () -> ()
      %dma_start3A_45 = arith.constant 78 : i32
      %dma_start3A_46 = arith.constant 0 : i32
      %dma_start3A_47 = arith.constant 0 : i32
      %dma_start3A_48 = tpu.memref_slice %arg10[%dma_start3A_45, %dma_start3A_46, %dma_start3A_47] : memref<79x1x128xi32, #tpu.memory_space<vmem>> -> memref<1x1x128xi32, #tpu.memory_space<vmem>>
      %dma_start3A_49 = tpu.memref_squeeze %dma_start3A_48 : memref<1x1x128xi32, #tpu.memory_space<vmem>> -> memref<128xi32, #tpu.memory_space<vmem>>
      %dma_start3A_50 = arith.constant 0 : i32
      %dma_start3A_51 = arith.constant 0 : i32
      %dma_start3A_52 = tpu.memref_slice %arg2[%dma_start3A_50, %dma_start3A_51] : memref<10000x128xf32, #tpu.memory_space<hbm>> -> memref<10000x128xf32, #tpu.memory_space<hbm>>
      tpu.enqueue_indirect_dma source(%dma_start3A_52 : memref<10000x128xf32, #tpu.memory_space<hbm>>) target(%arg8 : memref<128x128xf32, #tpu.memory_space<vmem>>) offsets(%dma_start3A_49 : memref<128xi32, #tpu.memory_space<vmem>>) semaphore(%arg13 : memref<!tpu.dma_semaphore, #tpu.memory_space<semaphore_mem>>)
      %dma_wait3A = arith.constant 78 : i32
      %dma_wait3A_53 = arith.constant 0 : i32
      %dma_wait3A_54 = arith.constant 0 : i32
      %dma_wait3A_55 = tpu.memref_slice %arg10[%dma_wait3A, %dma_wait3A_53, %dma_wait3A_54] : memref<79x1x128xi32, #tpu.memory_space<vmem>> -> memref<1x1x128xi32, #tpu.memory_space<vmem>>
      %dma_wait3A_56 = tpu.memref_squeeze %dma_wait3A_55 : memref<1x1x128xi32, #tpu.memory_space<vmem>> -> memref<128xi32, #tpu.memory_space<vmem>>
      %dma_wait3A_57 = arith.constant 0 : i32
      %dma_wait3A_58 = arith.constant 0 : i32
      %dma_wait3A_59 = tpu.memref_slice %arg2[%dma_wait3A_57, %dma_wait3A_58] : memref<10000x128xf32, #tpu.memory_space<hbm>> -> memref<10000x128xf32, #tpu.memory_space<hbm>>
      tpu.wait_indirect_dma semaphore(%arg13 : memref<!tpu.dma_semaphore, #tpu.memory_space<semaphore_mem>>) src(%dma_wait3A_59 : memref<10000x128xf32, #tpu.memory_space<hbm>>) dst(%arg8 : memref<128x128xf32, #tpu.memory_space<vmem>>)
      "tpu.region"() ({
        %run_scoped3A = tpu.sem_alloc : memref<!tpu.dma_semaphore, #tpu.memory_space<semaphore_mem>>
        %dma_start3A_60 = arith.constant 0 : i32
        %dma_start3A_61 = arith.constant 0 : i32
        %dma_start3A_62 = tpu.memref_slice %arg7[%dma_start3A_60, %dma_start3A_61] : memref<10000x128xf32, #tpu.memory_space<vmem_shared>> -> memref<10000x128xf32, #tpu.memory_space<vmem_shared>>
        tpu.enqueue_indirect_dma source(%arg8 : memref<128x128xf32, #tpu.memory_space<vmem>>) target(%dma_start3A_62 : memref<10000x128xf32, #tpu.memory_space<vmem_shared>>) offsets(%arg11 : memref<128xi32, #tpu.memory_space<vmem>>) semaphore(%run_scoped3A : memref<!tpu.dma_semaphore, #tpu.memory_space<semaphore_mem>>) {add = true}
        %dma_wait3A_63 = arith.constant 0 : i32
        %dma_wait3A_64 = arith.constant 0 : i32
        %dma_wait3A_65 = tpu.memref_slice %arg7[%dma_wait3A_63, %dma_wait3A_64] : memref<10000x128xf32, #tpu.memory_space<vmem_shared>> -> memref<10000x128xf32, #tpu.memory_space<vmem_shared>>
        tpu.wait_indirect_dma semaphore(%run_scoped3A : memref<!tpu.dma_semaphore, #tpu.memory_space<semaphore_mem>>) src(%arg8 : memref<128x128xf32, #tpu.memory_space<vmem>>) dst(%dma_wait3A_65 : memref<10000x128xf32, #tpu.memory_space<vmem_shared>>)
        tpu.yield
      }) : () -> ()
    } else {
    }
    %barrier3A_37 = arith.constant 0 : index
    tpu.barrier barrier_id(%barrier3A_37)
    "tpu.region"() ({
      %run_scoped3A = tpu.sem_alloc : memref<!tpu.dma_semaphore, #tpu.memory_space<semaphore_mem>>
      %dma_start3A_43 = arith.constant 0 : i32
      %dma_start3A_44 = tpu.memref_slice %arg6[%arg0, %mul3A_0, %dma_start3A_43] : memref<2x10000x128xf32, #tpu.memory_space<hbm>> -> memref<1x624x128xf32, #tpu.memory_space<hbm>>
      %dma_start3A_45 = tpu.memref_squeeze %dma_start3A_44 : memref<1x624x128xf32, #tpu.memory_space<hbm>> -> memref<624x128xf32, #tpu.memory_space<hbm>>
      %dma_start3A_46 = arith.constant 0 : i32
      %dma_start3A_47 = tpu.memref_slice %arg7[%mul3A_0, %dma_start3A_46] : memref<10000x128xf32, #tpu.memory_space<vmem_shared>> -> memref<624x128xf32, #tpu.memory_space<vmem_shared>>
      tpu.enqueue_dma source(%dma_start3A_47 : memref<624x128xf32, #tpu.memory_space<vmem_shared>>) target(%dma_start3A_45 : memref<624x128xf32, #tpu.memory_space<hbm>>) target_semaphore(%run_scoped3A : memref<!tpu.dma_semaphore, #tpu.memory_space<semaphore_mem>>)
      %dma_wait3A = arith.constant 0 : i32
      %dma_wait3A_48 = tpu.memref_slice %arg6[%arg0, %mul3A_0, %dma_wait3A] : memref<2x10000x128xf32, #tpu.memory_space<hbm>> -> memref<1x624x128xf32, #tpu.memory_space<hbm>>
      %dma_wait3A_49 = tpu.memref_squeeze %dma_wait3A_48 : memref<1x624x128xf32, #tpu.memory_space<hbm>> -> memref<624x128xf32, #tpu.memory_space<hbm>>
      %dma_wait3A_50 = arith.constant 0 : i32
      %dma_wait3A_51 = tpu.memref_slice %arg7[%mul3A_0, %dma_wait3A_50] : memref<10000x128xf32, #tpu.memory_space<vmem_shared>> -> memref<624x128xf32, #tpu.memory_space<vmem_shared>>
      tpu.wait_dma2 semaphore(%run_scoped3A : memref<!tpu.dma_semaphore, #tpu.memory_space<semaphore_mem>>) src(%dma_wait3A_51 : memref<624x128xf32, #tpu.memory_space<vmem_shared>>) dst(%dma_wait3A_49 : memref<624x128xf32, #tpu.memory_space<hbm>>)
      tpu.yield
    }) : () -> ()
    %eq3A_38 = arith.constant 15 : i32
    %eq3A_39 = arith.cmpi eq, %arg1, %eq3A_38 : i32
    %convert_element_type3A_40 = arith.extui %eq3A_39 : i1 to i32
    %cond3A_41 = arith.constant 0 : i32
    %cond3A_42 = arith.cmpi ne, %convert_element_type3A_40, %cond3A_41 : i32
    scf.if %cond3A_42 {
      "tpu.region"() ({
        %run_scoped3A = tpu.sem_alloc : memref<!tpu.dma_semaphore, #tpu.memory_space<semaphore_mem>>
        %dma_start3A_43 = arith.constant 9984 : i32
        %dma_start3A_44 = arith.constant 0 : i32
        %dma_start3A_45 = tpu.memref_slice %arg6[%arg0, %dma_start3A_43, %dma_start3A_44] : memref<2x10000x128xf32, #tpu.memory_space<hbm>> -> memref<1x16x128xf32, #tpu.memory_space<hbm>>
        %dma_start3A_46 = tpu.memref_squeeze %dma_start3A_45 : memref<1x16x128xf32, #tpu.memory_space<hbm>> -> memref<16x128xf32, #tpu.memory_space<hbm>>
        %dma_start3A_47 = arith.constant 9984 : i32
        %dma_start3A_48 = arith.constant 0 : i32
        %dma_start3A_49 = tpu.memref_slice %arg7[%dma_start3A_47, %dma_start3A_48] : memref<10000x128xf32, #tpu.memory_space<vmem_shared>> -> memref<16x128xf32, #tpu.memory_space<vmem_shared>>
        tpu.enqueue_dma source(%dma_start3A_49 : memref<16x128xf32, #tpu.memory_space<vmem_shared>>) target(%dma_start3A_46 : memref<16x128xf32, #tpu.memory_space<hbm>>) target_semaphore(%run_scoped3A : memref<!tpu.dma_semaphore, #tpu.memory_space<semaphore_mem>>)
        %dma_wait3A = arith.constant 9984 : i32
        %dma_wait3A_50 = arith.constant 0 : i32
        %dma_wait3A_51 = tpu.memref_slice %arg6[%arg0, %dma_wait3A, %dma_wait3A_50] : memref<2x10000x128xf32, #tpu.memory_space<hbm>> -> memref<1x16x128xf32, #tpu.memory_space<hbm>>
        %dma_wait3A_52 = tpu.memref_squeeze %dma_wait3A_51 : memref<1x16x128xf32, #tpu.memory_space<hbm>> -> memref<16x128xf32, #tpu.memory_space<hbm>>
        %dma_wait3A_53 = arith.constant 9984 : i32
        %dma_wait3A_54 = arith.constant 0 : i32
        %dma_wait3A_55 = tpu.memref_slice %arg7[%dma_wait3A_53, %dma_wait3A_54] : memref<10000x128xf32, #tpu.memory_space<vmem_shared>> -> memref<16x128xf32, #tpu.memory_space<vmem_shared>>
        tpu.wait_dma2 semaphore(%run_scoped3A : memref<!tpu.dma_semaphore, #tpu.memory_space<semaphore_mem>>) src(%dma_wait3A_55 : memref<16x128xf32, #tpu.memory_space<vmem_shared>>) dst(%dma_wait3A_52 : memref<16x128xf32, #tpu.memory_space<hbm>>)
        tpu.yield
      }) : () -> ()
    } else {
    }
    return
  }
}

#map = affine_map<(d0, d1) -> (0, 0)>
#map1 = affine_map<(d0, d1) -> (0)>
module attributes {stable_mosaic.version = 14 : i64} {
  func.func @_sc_perm_body(%arg0: i32, %arg1: i32, %arg2: memref<4096x256xf32, #tpu.memory_space<hbm>>, %arg3: memref<4096xi32, #tpu.memory_space<hbm>>, %arg4: memref<2304xi32, #tpu.memory_space<hbm>>, %arg5: memref<72x256xf32, #tpu.memory_space<hbm>>, %arg6: memref<6400x256xf32, #tpu.memory_space<hbm>>, %arg7: memref<128x256xf32, #tpu.memory_space<vmem>>, %arg8: memref<72x256xf32, #tpu.memory_space<vmem>>, %arg9: memref<128xi32, #tpu.memory_space<vmem>>, %arg10: memref<72xi32, #tpu.memory_space<vmem>>) attributes {dimension_semantics = [#tpu.dimension_semantics<core_parallel>, #tpu.dimension_semantics<subcore_parallel>], iteration_bounds = array<i64: 2, 16>, scalar_prefetch = 0 : i64, scratch_operands = 4 : i64, tpu.core_type = #tpu.core_type<sc_vector_subcore>, window_params = [{transform_indices = #map}, {transform_indices = #map1}, {transform_indices = #map1}, {transform_indices = #map}, {transform_indices = #map}]} {
    %mul3A = arith.constant 16 : i32
    %mul3A_0 = arith.muli %arg0, %mul3A : i32
    %add3A = arith.addi %mul3A_0, %arg1 : i32
    %mul3A_1 = arith.constant 128 : i32
    %mul3A_2 = arith.muli %add3A, %mul3A_1 : i32
    "tpu.region"() ({
      %run_scoped3A = tpu.sem_alloc : memref<!tpu.dma_semaphore, #tpu.memory_space<semaphore_mem>>
      %dma_start3A = arith.constant 0 : i32
      %dma_start3A_7 = tpu.memref_slice %arg2[%mul3A_2, %dma_start3A] : memref<4096x256xf32, #tpu.memory_space<hbm>> -> memref<128x256xf32, #tpu.memory_space<hbm>>
      %dma_start3A_8 = arith.constant 0 : i32
      %dma_start3A_9 = tpu.memref_slice %arg2[%mul3A_2, %dma_start3A_8] : memref<4096x256xf32, #tpu.memory_space<hbm>> -> memref<128x256xf32, #tpu.memory_space<hbm>>
      tpu.enqueue_dma source(%dma_start3A_9 : memref<128x256xf32, #tpu.memory_space<hbm>>) target(%arg7 : memref<128x256xf32, #tpu.memory_space<vmem>>) target_semaphore(%run_scoped3A : memref<!tpu.dma_semaphore, #tpu.memory_space<semaphore_mem>>)
      %dma_wait3A = arith.constant 0 : i32
      %dma_wait3A_10 = tpu.memref_slice %arg2[%mul3A_2, %dma_wait3A] : memref<4096x256xf32, #tpu.memory_space<hbm>> -> memref<128x256xf32, #tpu.memory_space<hbm>>
      %dma_wait3A_11 = arith.constant 0 : i32
      %dma_wait3A_12 = tpu.memref_slice %arg2[%mul3A_2, %dma_wait3A_11] : memref<4096x256xf32, #tpu.memory_space<hbm>> -> memref<128x256xf32, #tpu.memory_space<hbm>>
      tpu.wait_dma2 semaphore(%run_scoped3A : memref<!tpu.dma_semaphore, #tpu.memory_space<semaphore_mem>>) src(%dma_wait3A_12 : memref<128x256xf32, #tpu.memory_space<hbm>>) dst(%arg7 : memref<128x256xf32, #tpu.memory_space<vmem>>)
      tpu.yield
    }) : () -> ()
    %mul3A_3 = arith.constant 128 : i32
    %mul3A_4 = arith.muli %add3A, %mul3A_3 : i32
    "tpu.region"() ({
      %run_scoped3A = tpu.sem_alloc : memref<!tpu.dma_semaphore, #tpu.memory_space<semaphore_mem>>
      %dma_start3A = tpu.memref_slice %arg3[%mul3A_4] : memref<4096xi32, #tpu.memory_space<hbm>> -> memref<128xi32, #tpu.memory_space<hbm>>
      %dma_start3A_7 = tpu.memref_slice %arg3[%mul3A_4] : memref<4096xi32, #tpu.memory_space<hbm>> -> memref<128xi32, #tpu.memory_space<hbm>>
      tpu.enqueue_dma source(%dma_start3A_7 : memref<128xi32, #tpu.memory_space<hbm>>) target(%arg9 : memref<128xi32, #tpu.memory_space<vmem>>) target_semaphore(%run_scoped3A : memref<!tpu.dma_semaphore, #tpu.memory_space<semaphore_mem>>)
      %dma_wait3A = tpu.memref_slice %arg3[%mul3A_4] : memref<4096xi32, #tpu.memory_space<hbm>> -> memref<128xi32, #tpu.memory_space<hbm>>
      %dma_wait3A_8 = tpu.memref_slice %arg3[%mul3A_4] : memref<4096xi32, #tpu.memory_space<hbm>> -> memref<128xi32, #tpu.memory_space<hbm>>
      tpu.wait_dma2 semaphore(%run_scoped3A : memref<!tpu.dma_semaphore, #tpu.memory_space<semaphore_mem>>) src(%dma_wait3A_8 : memref<128xi32, #tpu.memory_space<hbm>>) dst(%arg9 : memref<128xi32, #tpu.memory_space<vmem>>)
      tpu.yield
    }) : () -> ()
    "tpu.region"() ({
      %run_scoped3A = tpu.sem_alloc : memref<!tpu.dma_semaphore, #tpu.memory_space<semaphore_mem>>
      %dma_start3A = arith.constant 0 : i32
      %dma_start3A_7 = arith.constant 0 : i32
      %dma_start3A_8 = tpu.memref_slice %arg5[%dma_start3A, %dma_start3A_7] : memref<72x256xf32, #tpu.memory_space<hbm>> -> memref<72x256xf32, #tpu.memory_space<hbm>>
      %dma_start3A_9 = arith.constant 0 : i32
      %dma_start3A_10 = arith.constant 0 : i32
      %dma_start3A_11 = tpu.memref_slice %arg5[%dma_start3A_9, %dma_start3A_10] : memref<72x256xf32, #tpu.memory_space<hbm>> -> memref<72x256xf32, #tpu.memory_space<hbm>>
      tpu.enqueue_dma source(%dma_start3A_11 : memref<72x256xf32, #tpu.memory_space<hbm>>) target(%arg8 : memref<72x256xf32, #tpu.memory_space<vmem>>) target_semaphore(%run_scoped3A : memref<!tpu.dma_semaphore, #tpu.memory_space<semaphore_mem>>)
      %dma_wait3A = arith.constant 0 : i32
      %dma_wait3A_12 = arith.constant 0 : i32
      %dma_wait3A_13 = tpu.memref_slice %arg5[%dma_wait3A, %dma_wait3A_12] : memref<72x256xf32, #tpu.memory_space<hbm>> -> memref<72x256xf32, #tpu.memory_space<hbm>>
      %dma_wait3A_14 = arith.constant 0 : i32
      %dma_wait3A_15 = arith.constant 0 : i32
      %dma_wait3A_16 = tpu.memref_slice %arg5[%dma_wait3A_14, %dma_wait3A_15] : memref<72x256xf32, #tpu.memory_space<hbm>> -> memref<72x256xf32, #tpu.memory_space<hbm>>
      tpu.wait_dma2 semaphore(%run_scoped3A : memref<!tpu.dma_semaphore, #tpu.memory_space<semaphore_mem>>) src(%dma_wait3A_16 : memref<72x256xf32, #tpu.memory_space<hbm>>) dst(%arg8 : memref<72x256xf32, #tpu.memory_space<vmem>>)
      tpu.yield
    }) : () -> ()
    %mul3A_5 = arith.constant 72 : i32
    %mul3A_6 = arith.muli %add3A, %mul3A_5 : i32
    "tpu.region"() ({
      %run_scoped3A = tpu.sem_alloc : memref<!tpu.dma_semaphore, #tpu.memory_space<semaphore_mem>>
      %dma_start3A = tpu.memref_slice %arg4[%mul3A_6] : memref<2304xi32, #tpu.memory_space<hbm>> -> memref<72xi32, #tpu.memory_space<hbm>>
      %dma_start3A_7 = tpu.memref_slice %arg4[%mul3A_6] : memref<2304xi32, #tpu.memory_space<hbm>> -> memref<72xi32, #tpu.memory_space<hbm>>
      tpu.enqueue_dma source(%dma_start3A_7 : memref<72xi32, #tpu.memory_space<hbm>>) target(%arg10 : memref<72xi32, #tpu.memory_space<vmem>>) target_semaphore(%run_scoped3A : memref<!tpu.dma_semaphore, #tpu.memory_space<semaphore_mem>>)
      %dma_wait3A = tpu.memref_slice %arg4[%mul3A_6] : memref<2304xi32, #tpu.memory_space<hbm>> -> memref<72xi32, #tpu.memory_space<hbm>>
      %dma_wait3A_8 = tpu.memref_slice %arg4[%mul3A_6] : memref<2304xi32, #tpu.memory_space<hbm>> -> memref<72xi32, #tpu.memory_space<hbm>>
      tpu.wait_dma2 semaphore(%run_scoped3A : memref<!tpu.dma_semaphore, #tpu.memory_space<semaphore_mem>>) src(%dma_wait3A_8 : memref<72xi32, #tpu.memory_space<hbm>>) dst(%arg10 : memref<72xi32, #tpu.memory_space<vmem>>)
      tpu.yield
    }) : () -> ()
    "tpu.region"() ({
      %run_scoped3A = tpu.sem_alloc : memref<!tpu.dma_semaphore, #tpu.memory_space<semaphore_mem>>
      %dma_start3A = arith.constant 0 : i32
      %dma_start3A_7 = arith.constant 0 : i32
      %dma_start3A_8 = tpu.memref_slice %arg6[%dma_start3A, %dma_start3A_7] : memref<6400x256xf32, #tpu.memory_space<hbm>> -> memref<6400x256xf32, #tpu.memory_space<hbm>>
      tpu.enqueue_indirect_dma source(%arg7 : memref<128x256xf32, #tpu.memory_space<vmem>>) target(%dma_start3A_8 : memref<6400x256xf32, #tpu.memory_space<hbm>>) offsets(%arg9 : memref<128xi32, #tpu.memory_space<vmem>>) semaphore(%run_scoped3A : memref<!tpu.dma_semaphore, #tpu.memory_space<semaphore_mem>>)
      %dma_wait3A = arith.constant 0 : i32
      %dma_wait3A_9 = arith.constant 0 : i32
      %dma_wait3A_10 = tpu.memref_slice %arg6[%dma_wait3A, %dma_wait3A_9] : memref<6400x256xf32, #tpu.memory_space<hbm>> -> memref<6400x256xf32, #tpu.memory_space<hbm>>
      tpu.wait_indirect_dma semaphore(%run_scoped3A : memref<!tpu.dma_semaphore, #tpu.memory_space<semaphore_mem>>) src(%arg7 : memref<128x256xf32, #tpu.memory_space<vmem>>) dst(%dma_wait3A_10 : memref<6400x256xf32, #tpu.memory_space<hbm>>)
      tpu.yield
    }) : () -> ()
    "tpu.region"() ({
      %run_scoped3A = tpu.sem_alloc : memref<!tpu.dma_semaphore, #tpu.memory_space<semaphore_mem>>
      %dma_start3A = arith.constant 0 : i32
      %dma_start3A_7 = arith.constant 0 : i32
      %dma_start3A_8 = tpu.memref_slice %arg6[%dma_start3A, %dma_start3A_7] : memref<6400x256xf32, #tpu.memory_space<hbm>> -> memref<6400x256xf32, #tpu.memory_space<hbm>>
      tpu.enqueue_indirect_dma source(%arg8 : memref<72x256xf32, #tpu.memory_space<vmem>>) target(%dma_start3A_8 : memref<6400x256xf32, #tpu.memory_space<hbm>>) offsets(%arg10 : memref<72xi32, #tpu.memory_space<vmem>>) semaphore(%run_scoped3A : memref<!tpu.dma_semaphore, #tpu.memory_space<semaphore_mem>>)
      %dma_wait3A = arith.constant 0 : i32
      %dma_wait3A_9 = arith.constant 0 : i32
      %dma_wait3A_10 = tpu.memref_slice %arg6[%dma_wait3A, %dma_wait3A_9] : memref<6400x256xf32, #tpu.memory_space<hbm>> -> memref<6400x256xf32, #tpu.memory_space<hbm>>
      tpu.wait_indirect_dma semaphore(%run_scoped3A : memref<!tpu.dma_semaphore, #tpu.memory_space<semaphore_mem>>) src(%arg8 : memref<72x256xf32, #tpu.memory_space<vmem>>) dst(%dma_wait3A_10 : memref<6400x256xf32, #tpu.memory_space<hbm>>)
      tpu.yield
    }) : () -> ()
    return
  }
}

module attributes {stable_mosaic.version = 14 : i64} {
  func.func @_dinv_body(%arg0: memref<2x1280x128xf32, #tpu.memory_space<vmem>>, %arg1: memref<128x8xf32, #tpu.memory_space<vmem>>, %arg2: memref<1280x8xf32, #tpu.memory_space<vmem>>) attributes {dimension_semantics = [], scalar_prefetch = 0 : i64, scratch_operands = 0 : i64, tpu.core_type = #tpu.core_type<tc>} {
    %get3A = arith.constant 0 : index
    %get3A_0 = arith.constant 0 : index
    %get3A_1 = arith.constant 0 : index
    %get3A_2 = vector.load %arg0[%get3A, %get3A_0, %get3A_1] : memref<2x1280x128xf32, #tpu.memory_space<vmem>>, vector<1x1280x128xf32>
    %get3A_3 = vector.shape_cast %get3A_2 : vector<1x1280x128xf32> to vector<1280x128xf32>
    %get3A_4 = arith.constant 1 : index
    %get3A_5 = arith.constant 0 : index
    %get3A_6 = arith.constant 0 : index
    %get3A_7 = vector.load %arg0[%get3A_4, %get3A_5, %get3A_6] : memref<2x1280x128xf32, #tpu.memory_space<vmem>>, vector<1x1280x128xf32>
    %get3A_8 = vector.shape_cast %get3A_7 : vector<1x1280x128xf32> to vector<1280x128xf32>
    %add3A = arith.addf %get3A_3, %get3A_8 : vector<1280x128xf32>
    %get3A_9 = arith.constant 0 : index
    %get3A_10 = arith.constant 0 : index
    %get3A_11 = vector.load %arg1[%get3A_9, %get3A_10] : memref<128x8xf32, #tpu.memory_space<vmem>>, vector<128x8xf32>
    %dot_general3A = arith.constant dense<0.000000e+00> : vector<1280x8xf32>
    %dot_general3A_12 = tpu.matmul %add3A, %get3A_11, %dot_general3A {dimension_numbers = #tpu.dot_dimension_numbers<[1], [0], [0], [1], [0, 0, 1, 1], [], []>, transpose_lhs_hint = false} : vector<1280x128xf32>, vector<128x8xf32>, vector<1280x8xf32> -> vector<1280x8xf32>
    %add3A_13 = arith.constant 1.000000e+00 : f32
    %add3A_14 = vector.broadcast %add3A_13 : f32 to vector<1280x8xf32>
    %add3A_15 = arith.addf %dot_general3A_12, %add3A_14 : vector<1280x8xf32>
    %rsqrt3A = math.rsqrt %add3A_15 : vector<1280x8xf32>
    %swap3A = arith.constant 0 : index
    %swap3A_16 = arith.constant 0 : index
    %swap3A_17 = vector.load %arg2[%swap3A, %swap3A_16] : memref<1280x8xf32, #tpu.memory_space<vmem>>, vector<1280x8xf32>
    tpu.vector_store %arg2[%swap3A, %swap3A_16], %rsqrt3A {strides = array<i32>} : memref<1280x8xf32, #tpu.memory_space<vmem>>, vector<1280x8xf32>,
    return
  }
}

module attributes {stable_mosaic.version = 14 : i64} {
  func.func @_m1a_body(%arg0: i32, %arg1: memref<2000x128xf32, #tpu.memory_space<vmem>>, %arg2: memref<128x128xf32, #tpu.memory_space<vmem>>, %arg3: memref<2000x128xf32, #tpu.memory_space<vmem>>) attributes {dimension_semantics = [#tpu.dimension_semantics<arbitrary>], iteration_bounds = array<i64: 5>, scalar_prefetch = 0 : i64, scratch_operands = 0 : i64, tpu.core_type = #tpu.core_type<tc>, window_params = [{transform_indices = @transform_0, window_bounds = array<i64: 2000, 128>}, {pipeline_mode = #tpu.pipeline_mode<synchronous>, transform_indices = @transform_1, window_bounds = array<i64: 128, 128>}, {transform_indices = @transform_2, window_bounds = array<i64: 2000, 128>}]} {
    %get3A = arith.constant 0 : index
    %get3A_0 = arith.constant 0 : index
    %get3A_1 = vector.load %arg1[%get3A, %get3A_0] : memref<2000x128xf32, #tpu.memory_space<vmem>>, vector<2000x128xf32>
    %get3A_2 = arith.constant 0 : index
    %get3A_3 = arith.constant 0 : index
    %get3A_4 = vector.load %arg2[%get3A_2, %get3A_3] : memref<128x128xf32, #tpu.memory_space<vmem>>, vector<128x128xf32>
    %dot_general3A = arith.constant dense<0.000000e+00> : vector<2000x128xf32>
    %dot_general3A_5 = tpu.matmul %get3A_1, %get3A_4, %dot_general3A {dimension_numbers = #tpu.dot_dimension_numbers<[1], [0], [0], [1], [0, 0, 1, 1], [], []>, transpose_lhs_hint = false} : vector<2000x128xf32>, vector<128x128xf32>, vector<2000x128xf32> -> vector<2000x128xf32>
    %swap3A = arith.constant 0 : index
    %swap3A_6 = arith.constant 0 : index
    %swap3A_7 = vector.load %arg3[%swap3A, %swap3A_6] : memref<2000x128xf32, #tpu.memory_space<vmem>>, vector<2000x128xf32>
    tpu.vector_store %arg3[%swap3A, %swap3A_6], %dot_general3A_5 {strides = array<i32>} : memref<2000x128xf32, #tpu.memory_space<vmem>>, vector<2000x128xf32>,
    return
  }
  func.func @transform_0(%arg0: i32) -> (i32, i32) {
    %c0_i32 = arith.constant 0 : i32
    %c0_i32_0 = arith.constant 0 : i32
    return %arg0, %c0_i32 : i32, i32
  }
  func.func @transform_1(%arg0: i32) -> (i32, i32) {
    %c0_i32 = arith.constant 0 : i32
    %c0_i32_0 = arith.constant 0 : i32
    %c0_i32_1 = arith.constant 0 : i32
    return %c0_i32, %c0_i32_0 : i32, i32
  }
  func.func @transform_2(%arg0: i32) -> (i32, i32) {
    %c0_i32 = arith.constant 0 : i32
    %c0_i32_0 = arith.constant 0 : i32
    return %arg0, %c0_i32 : i32, i32
  }
}

module attributes {stable_mosaic.version = 14 : i64} {
  func.func @_scale_body(%arg0: i32, %arg1: memref<2000x128xf32, #tpu.memory_space<vmem>>, %arg2: memref<2000x1xf32, #tpu.memory_space<vmem>>, %arg3: memref<2000x128xf32, #tpu.memory_space<vmem>>) attributes {dimension_semantics = [#tpu.dimension_semantics<arbitrary>], iteration_bounds = array<i64: 5>, scalar_prefetch = 0 : i64, scratch_operands = 0 : i64, tpu.core_type = #tpu.core_type<tc>, window_params = [{transform_indices = @transform_0, window_bounds = array<i64: 2000, 128>}, {transform_indices = @transform_1, window_bounds = array<i64: 2000, 1>}, {transform_indices = @transform_2, window_bounds = array<i64: 2000, 128>}]} {
    %get3A = arith.constant 0 : index
    %get3A_0 = arith.constant 0 : index
    %get3A_1 = vector.load %arg1[%get3A, %get3A_0] : memref<2000x128xf32, #tpu.memory_space<vmem>>, vector<2000x128xf32>
    %get3A_2 = arith.constant 0 : index
    %get3A_3 = arith.constant 0 : index
    %get3A_4 = vector.load %arg2[%get3A_2, %get3A_3] : memref<2000x1xf32, #tpu.memory_space<vmem>>, vector<2000x1xf32>
    %mul3A = vector.broadcast %get3A_4 : vector<2000x1xf32> to vector<2000x128xf32>
    %mul3A_5 = arith.mulf %get3A_1, %mul3A : vector<2000x128xf32>
    %swap3A = arith.constant 0 : index
    %swap3A_6 = arith.constant 0 : index
    %swap3A_7 = vector.load %arg3[%swap3A, %swap3A_6] : memref<2000x128xf32, #tpu.memory_space<vmem>>, vector<2000x128xf32>
    tpu.vector_store %arg3[%swap3A, %swap3A_6], %mul3A_5 {strides = array<i32>} : memref<2000x128xf32, #tpu.memory_space<vmem>>, vector<2000x128xf32>,
    return
  }
  func.func @transform_0(%arg0: i32) -> (i32, i32) {
    %c0_i32 = arith.constant 0 : i32
    %c0_i32_0 = arith.constant 0 : i32
    return %arg0, %c0_i32 : i32, i32
  }
  func.func @transform_1(%arg0: i32) -> (i32, i32) {
    %c0_i32 = arith.constant 0 : i32
    %c0_i32_0 = arith.constant 0 : i32
    return %arg0, %c0_i32 : i32, i32
  }
  func.func @transform_2(%arg0: i32) -> (i32, i32) {
    %c0_i32 = arith.constant 0 : i32
    %c0_i32_0 = arith.constant 0 : i32
    return %arg0, %c0_i32 : i32, i32
  }
}

module attributes {stable_mosaic.version = 14 : i64} {
  func.func @_m_body(%arg0: i32, %arg1: memref<2x2000x128xf32, #tpu.memory_space<vmem>>, %arg2: memref<2000x1xf32, #tpu.memory_space<vmem>>, %arg3: memref<1x128xf32, #tpu.memory_space<vmem>>, %arg4: memref<128x128xf32, #tpu.memory_space<vmem>>, %arg5: memref<2000x128xf32, #tpu.memory_space<vmem>>) attributes {dimension_semantics = [#tpu.dimension_semantics<arbitrary>], iteration_bounds = array<i64: 5>, scalar_prefetch = 0 : i64, scratch_operands = 0 : i64, tpu.core_type = #tpu.core_type<tc>, window_params = [{transform_indices = @transform_0, window_bounds = array<i64: 2, 2000, 128>}, {transform_indices = @transform_1, window_bounds = array<i64: 2000, 1>}, {pipeline_mode = #tpu.pipeline_mode<synchronous>, transform_indices = @transform_2, window_bounds = array<i64: 1, 128>}, {pipeline_mode = #tpu.pipeline_mode<synchronous>, transform_indices = @transform_3, window_bounds = array<i64: 128, 128>}, {transform_indices = @transform_4, window_bounds = array<i64: 2000, 128>}]} {
    %get3A = arith.constant 0 : index
    %get3A_0 = arith.constant 0 : index
    %get3A_1 = arith.constant 0 : index
    %get3A_2 = vector.load %arg1[%get3A, %get3A_0, %get3A_1] : memref<2x2000x128xf32, #tpu.memory_space<vmem>>, vector<1x2000x128xf32>
    %get3A_3 = vector.shape_cast %get3A_2 : vector<1x2000x128xf32> to vector<2000x128xf32>
    %get3A_4 = arith.constant 1 : index
    %get3A_5 = arith.constant 0 : index
    %get3A_6 = arith.constant 0 : index
    %get3A_7 = vector.load %arg1[%get3A_4, %get3A_5, %get3A_6] : memref<2x2000x128xf32, #tpu.memory_space<vmem>>, vector<1x2000x128xf32>
    %get3A_8 = vector.shape_cast %get3A_7 : vector<1x2000x128xf32> to vector<2000x128xf32>
    %add3A = arith.addf %get3A_3, %get3A_8 : vector<2000x128xf32>
    %get3A_9 = arith.constant 0 : index
    %get3A_10 = arith.constant 0 : index
    %get3A_11 = vector.load %arg2[%get3A_9, %get3A_10] : memref<2000x1xf32, #tpu.memory_space<vmem>>, vector<2000x1xf32>
    %mul3A = vector.broadcast %get3A_11 : vector<2000x1xf32> to vector<2000x128xf32>
    %mul3A_12 = arith.mulf %add3A, %mul3A : vector<2000x128xf32>
    %get3A_13 = arith.constant 0 : index
    %get3A_14 = arith.constant 0 : index
    %get3A_15 = vector.load %arg3[%get3A_13, %get3A_14] : memref<1x128xf32, #tpu.memory_space<vmem>>, vector<1x128xf32>
    %add3A_16 = vector.broadcast %get3A_15 : vector<1x128xf32> to vector<2000x128xf32>
    %add3A_17 = arith.addf %mul3A_12, %add3A_16 : vector<2000x128xf32>
    %max3A = arith.constant 0.000000e+00 : f32
    %max3A_18 = vector.broadcast %max3A : f32 to vector<2000x128xf32>
    %max3A_19 = arith.maximumf %add3A_17, %max3A_18 : vector<2000x128xf32>
    %get3A_20 = arith.constant 0 : index
    %get3A_21 = arith.constant 0 : index
    %get3A_22 = vector.load %arg4[%get3A_20, %get3A_21] : memref<128x128xf32, #tpu.memory_space<vmem>>, vector<128x128xf32>
    %dot_general3A = arith.constant dense<0.000000e+00> : vector<2000x128xf32>
    %dot_general3A_23 = tpu.matmul %max3A_19, %get3A_22, %dot_general3A {dimension_numbers = #tpu.dot_dimension_numbers<[1], [0], [0], [1], [0, 0, 1, 1], [], []>, transpose_lhs_hint = false} : vector<2000x128xf32>, vector<128x128xf32>, vector<2000x128xf32> -> vector<2000x128xf32>
    %get3A_24 = arith.constant 0 : index
    %get3A_25 = arith.constant 0 : index
    %get3A_26 = vector.load %arg2[%get3A_24, %get3A_25] : memref<2000x1xf32, #tpu.memory_space<vmem>>, vector<2000x1xf32>
    %mul3A_27 = vector.broadcast %get3A_26 : vector<2000x1xf32> to vector<2000x128xf32>
    %mul3A_28 = arith.mulf %dot_general3A_23, %mul3A_27 : vector<2000x128xf32>
    %swap3A = arith.constant 0 : index
    %swap3A_29 = arith.constant 0 : index
    %swap3A_30 = vector.load %arg5[%swap3A, %swap3A_29] : memref<2000x128xf32, #tpu.memory_space<vmem>>, vector<2000x128xf32>
    tpu.vector_store %arg5[%swap3A, %swap3A_29], %mul3A_28 {strides = array<i32>} : memref<2000x128xf32, #tpu.memory_space<vmem>>, vector<2000x128xf32>,
    return
  }
  func.func @transform_0(%arg0: i32) -> (i32, i32, i32) {
    %c0_i32 = arith.constant 0 : i32
    %c0_i32_0 = arith.constant 0 : i32
    %c0_i32_1 = arith.constant 0 : i32
    return %c0_i32, %arg0, %c0_i32_0 : i32, i32, i32
  }
  func.func @transform_1(%arg0: i32) -> (i32, i32) {
    %c0_i32 = arith.constant 0 : i32
    %c0_i32_0 = arith.constant 0 : i32
    return %arg0, %c0_i32 : i32, i32
  }
  func.func @transform_2(%arg0: i32) -> (i32, i32) {
    %c0_i32 = arith.constant 0 : i32
    %c0_i32_0 = arith.constant 0 : i32
    %c0_i32_1 = arith.constant 0 : i32
    return %c0_i32, %c0_i32_0 : i32, i32
  }
  func.func @transform_3(%arg0: i32) -> (i32, i32) {
    %c0_i32 = arith.constant 0 : i32
    %c0_i32_0 = arith.constant 0 : i32
    %c0_i32_1 = arith.constant 0 : i32
    return %c0_i32, %c0_i32_0 : i32, i32
  }
  func.func @transform_4(%arg0: i32) -> (i32, i32) {
    %c0_i32 = arith.constant 0 : i32
    %c0_i32_0 = arith.constant 0 : i32
    return %arg0, %c0_i32 : i32, i32
  }
}

module attributes {stable_mosaic.version = 14 : i64} {
  func.func @_f_body(%arg0: memref<2x10000x128xf32, #tpu.memory_space<vmem>>, %arg1: memref<10000x1xf32, #tpu.memory_space<vmem>>, %arg2: memref<1x128xf32, #tpu.memory_space<vmem>>, %arg3: memref<1x10000xi32, #tpu.memory_space<vmem>>, %arg4: memref<128x256xf32, #tpu.memory_space<vmem>>, %arg5: memref<1x256xf32, #tpu.memory_space<vmem>>, %arg6: memref<256x4096xf32, #tpu.memory_space<vmem>>, %arg7: memref<1x4096xf32, #tpu.memory_space<vmem>>, %arg8: memref<16x384x256xf32, #tpu.memory_space<vmem>>, %arg9: memref<1x256xf32, #tpu.memory_space<vmem>>, %arg10: memref<64x256xf32, #tpu.memory_space<vmem>>, %arg11: memref<4x1024x256xf32, #tpu.memory_space<vmem>>, %arg12: memref<64x6x6x6x64xf32, #tpu.memory_space<vmem>>) attributes {dimension_semantics = [], scalar_prefetch = 0 : i64, scratch_operands = 1 : i64, tpu.core_type = #tpu.core_type<tc>} {
    %get3A = arith.constant 0 : index
    %get3A_0 = arith.constant 0 : index
    %get3A_1 = arith.constant 0 : index
    %get3A_2 = vector.load %arg0[%get3A, %get3A_0, %get3A_1] : memref<2x10000x128xf32, #tpu.memory_space<vmem>>, vector<1x10000x128xf32>
    %get3A_3 = vector.shape_cast %get3A_2 : vector<1x10000x128xf32> to vector<10000x128xf32>
    %get3A_4 = arith.constant 1 : index
    %get3A_5 = arith.constant 0 : index
    %get3A_6 = arith.constant 0 : index
    %get3A_7 = vector.load %arg0[%get3A_4, %get3A_5, %get3A_6] : memref<2x10000x128xf32, #tpu.memory_space<vmem>>, vector<1x10000x128xf32>
    %get3A_8 = vector.shape_cast %get3A_7 : vector<1x10000x128xf32> to vector<10000x128xf32>
    %add3A = arith.addf %get3A_3, %get3A_8 : vector<10000x128xf32>
    %get3A_9 = arith.constant 0 : index
    %get3A_10 = arith.constant 0 : index
    %get3A_11 = vector.load %arg1[%get3A_9, %get3A_10] : memref<10000x1xf32, #tpu.memory_space<vmem>>, vector<10000x1xf32>
    %mul3A = vector.broadcast %get3A_11 : vector<10000x1xf32> to vector<10000x128xf32>
    %mul3A_12 = arith.mulf %add3A, %mul3A : vector<10000x128xf32>
    %get3A_13 = arith.constant 0 : index
    %get3A_14 = arith.constant 0 : index
    %get3A_15 = vector.load %arg2[%get3A_13, %get3A_14] : memref<1x128xf32, #tpu.memory_space<vmem>>, vector<1x128xf32>
    %add3A_16 = vector.broadcast %get3A_15 : vector<1x128xf32> to vector<10000x128xf32>
    %add3A_17 = arith.addf %mul3A_12, %add3A_16 : vector<10000x128xf32>
    %max3A = arith.constant 0.000000e+00 : f32
    %max3A_18 = vector.broadcast %max3A : f32 to vector<10000x128xf32>
    %max3A_19 = arith.maximumf %add3A_17, %max3A_18 : vector<10000x128xf32>
    %iota3A = tpu.iota {dimensions = array<i32: 0>} : vector<64x10000xi32>
    %get3A_20 = arith.constant 0 : index
    %get3A_21 = arith.constant 0 : index
    %get3A_22 = vector.load %arg3[%get3A_20, %get3A_21] : memref<1x10000xi32, #tpu.memory_space<vmem>>, vector<1x10000xi32>
    %eq3A = vector.broadcast %get3A_22 : vector<1x10000xi32> to vector<64x10000xi32>
    %eq3A_23 = arith.cmpi eq, %iota3A, %eq3A : vector<64x10000xi32>
    %convert_element_type3A = arith.extui %eq3A_23 : vector<64x10000xi1> to vector<64x10000xi32>
    %convert_element_type3A_24 = arith.sitofp %convert_element_type3A : vector<64x10000xi32> to vector<64x10000xf32>
    %reduce_sum3A = arith.constant dense<0.000000e+00> : vector<64xf32>
    %reduce_sum3A_25 = vector.multi_reduction <add>, %convert_element_type3A_24, %reduce_sum3A [1] : vector<64x10000xf32> to vector<64xf32>
    %broadcast_in_dim3A = vector.shape_cast %reduce_sum3A_25 : vector<64xf32> to vector<64x1xf32>
    %dot_general3A = arith.constant dense<0.000000e+00> : vector<64x128xf32>
    %dot_general3A_26 = tpu.matmul %convert_element_type3A_24, %max3A_19, %dot_general3A {dimension_numbers = #tpu.dot_dimension_numbers<[1], [0], [0], [1], [0, 0, 1, 1], [], []>, transpose_lhs_hint = false} : vector<64x10000xf32>, vector<10000x128xf32>, vector<64x128xf32> -> vector<64x128xf32>
    %max3A_27 = arith.constant 1.000000e+00 : f32
    %max3A_28 = vector.broadcast %max3A_27 : f32 to vector<64x1xf32>
    %max3A_29 = arith.maximumf %broadcast_in_dim3A, %max3A_28 : vector<64x1xf32>
    %div3A = vector.broadcast %max3A_29 : vector<64x1xf32> to vector<64x128xf32>
    %div3A_30 = arith.divf %dot_general3A_26, %div3A : vector<64x128xf32>
    %get3A_31 = arith.constant 0 : index
    %get3A_32 = arith.constant 0 : index
    %get3A_33 = vector.load %arg4[%get3A_31, %get3A_32] : memref<128x256xf32, #tpu.memory_space<vmem>>, vector<128x256xf32>
    %dot_general3A_34 = arith.constant dense<0.000000e+00> : vector<64x256xf32>
    %dot_general3A_35 = tpu.matmul %div3A_30, %get3A_33, %dot_general3A_34 {dimension_numbers = #tpu.dot_dimension_numbers<[1], [0], [0], [1], [0, 0, 1, 1], [], []>, transpose_lhs_hint = false} : vector<64x128xf32>, vector<128x256xf32>, vector<64x256xf32> -> vector<64x256xf32>
    %get3A_36 = arith.constant 0 : index
    %get3A_37 = arith.constant 0 : index
    %get3A_38 = vector.load %arg5[%get3A_36, %get3A_37] : memref<1x256xf32, #tpu.memory_space<vmem>>, vector<1x256xf32>
    %add3A_39 = vector.broadcast %get3A_38 : vector<1x256xf32> to vector<64x256xf32>
    %add3A_40 = arith.addf %dot_general3A_35, %add3A_39 : vector<64x256xf32>
    %swap3A = arith.constant 0 : index
    %swap3A_41 = arith.constant 0 : index
    %swap3A_42 = vector.load %arg10[%swap3A, %swap3A_41] : memref<64x256xf32, #tpu.memory_space<vmem>>, vector<64x256xf32>
    tpu.vector_store %arg10[%swap3A, %swap3A_41], %add3A_40 {strides = array<i32>} : memref<64x256xf32, #tpu.memory_space<vmem>>, vector<64x256xf32>,
    %get3A_43 = arith.constant 0 : index
    %get3A_44 = arith.constant 0 : index
    %get3A_45 = vector.load %arg6[%get3A_43, %get3A_44] : memref<256x4096xf32, #tpu.memory_space<vmem>>, vector<256x4096xf32>
    %dot_general3A_46 = arith.constant dense<0.000000e+00> : vector<64x4096xf32>
    %dot_general3A_47 = tpu.matmul %add3A_40, %get3A_45, %dot_general3A_46 {dimension_numbers = #tpu.dot_dimension_numbers<[1], [0], [0], [1], [0, 0, 1, 1], [], []>, transpose_lhs_hint = false} : vector<64x256xf32>, vector<256x4096xf32>, vector<64x4096xf32> -> vector<64x4096xf32>
    %get3A_48 = arith.constant 0 : index
    %get3A_49 = arith.constant 0 : index
    %get3A_50 = vector.load %arg7[%get3A_48, %get3A_49] : memref<1x4096xf32, #tpu.memory_space<vmem>>, vector<1x4096xf32>
    %add3A_51 = vector.broadcast %get3A_50 : vector<1x4096xf32> to vector<64x4096xf32>
    %add3A_52 = arith.addf %dot_general3A_47, %add3A_51 : vector<64x4096xf32>
    %broadcast_in_dim3A_53 = arith.constant 0.000000e+00 : f32
    %broadcast_in_dim3A_54 = vector.broadcast %broadcast_in_dim3A_53 : f32 to vector<64x6x6x6x64xf32>
    %swap3A_55 = arith.constant 0 : index
    %swap3A_56 = arith.constant 0 : index
    %swap3A_57 = arith.constant 0 : index
    %swap3A_58 = arith.constant 0 : index
    %swap3A_59 = arith.constant 0 : index
    %swap3A_60 = vector.load %arg12[%swap3A_55, %swap3A_56, %swap3A_57, %swap3A_58, %swap3A_59] : memref<64x6x6x6x64xf32, #tpu.memory_space<vmem>>, vector<64x6x6x6x64xf32>
    tpu.vector_store %arg12[%swap3A_55, %swap3A_56, %swap3A_57, %swap3A_58, %swap3A_59], %broadcast_in_dim3A_54 {strides = array<i32>} : memref<64x6x6x6x64xf32, #tpu.memory_space<vmem>>, vector<64x6x6x6x64xf32>,
    %slice3A = vector.extract_strided_slice %add3A_52 {offsets = [0, 0], sizes = [64, 64], strides = [1, 1]} : vector<64x4096xf32> to vector<64x64xf32>
    %swap3A_61 = arith.constant 0 : index
    %swap3A_62 = arith.constant 1 : index
    %swap3A_63 = arith.constant 1 : index
    %swap3A_64 = arith.constant 1 : index
    %swap3A_65 = arith.constant 0 : index
    %swap3A_66 = vector.load %arg12[%swap3A_61, %swap3A_62, %swap3A_63, %swap3A_64, %swap3A_65] : memref<64x6x6x6x64xf32, #tpu.memory_space<vmem>>, vector<64x1x1x1x64xf32>
    %swap3A_67 = vector.shape_cast %swap3A_66 : vector<64x1x1x1x64xf32> to vector<64x64xf32>
    %swap3A_68 = vector.shape_cast %slice3A : vector<64x64xf32> to vector<64x1x1x1x64xf32>
    tpu.vector_store %arg12[%swap3A_61, %swap3A_62, %swap3A_63, %swap3A_64, %swap3A_65], %swap3A_68 {strides = array<i32>} : memref<64x6x6x6x64xf32, #tpu.memory_space<vmem>>, vector<64x1x1x1x64xf32>,
    %slice3A_69 = vector.extract_strided_slice %add3A_52 {offsets = [0, 64], sizes = [64, 64], strides = [1, 1]} : vector<64x4096xf32> to vector<64x64xf32>
    %swap3A_70 = arith.constant 0 : index
    %swap3A_71 = arith.constant 1 : index
    %swap3A_72 = arith.constant 1 : index
    %swap3A_73 = arith.constant 2 : index
    %swap3A_74 = arith.constant 0 : index
    %swap3A_75 = vector.load %arg12[%swap3A_70, %swap3A_71, %swap3A_72, %swap3A_73, %swap3A_74] : memref<64x6x6x6x64xf32, #tpu.memory_space<vmem>>, vector<64x1x1x1x64xf32>
    %swap3A_76 = vector.shape_cast %swap3A_75 : vector<64x1x1x1x64xf32> to vector<64x64xf32>
    %swap3A_77 = vector.shape_cast %slice3A_69 : vector<64x64xf32> to vector<64x1x1x1x64xf32>
    tpu.vector_store %arg12[%swap3A_70, %swap3A_71, %swap3A_72, %swap3A_73, %swap3A_74], %swap3A_77 {strides = array<i32>} : memref<64x6x6x6x64xf32, #tpu.memory_space<vmem>>, vector<64x1x1x1x64xf32>,
    %slice3A_78 = vector.extract_strided_slice %add3A_52 {offsets = [0, 128], sizes = [64, 64], strides = [1, 1]} : vector<64x4096xf32> to vector<64x64xf32>
    %swap3A_79 = arith.constant 0 : index
    %swap3A_80 = arith.constant 1 : index
    %swap3A_81 = arith.constant 1 : index
    %swap3A_82 = arith.constant 3 : index
    %swap3A_83 = arith.constant 0 : index
    %swap3A_84 = vector.load %arg12[%swap3A_79, %swap3A_80, %swap3A_81, %swap3A_82, %swap3A_83] : memref<64x6x6x6x64xf32, #tpu.memory_space<vmem>>, vector<64x1x1x1x64xf32>
    %swap3A_85 = vector.shape_cast %swap3A_84 : vector<64x1x1x1x64xf32> to vector<64x64xf32>
    %swap3A_86 = vector.shape_cast %slice3A_78 : vector<64x64xf32> to vector<64x1x1x1x64xf32>
    tpu.vector_store %arg12[%swap3A_79, %swap3A_80, %swap3A_81, %swap3A_82, %swap3A_83], %swap3A_86 {strides = array<i32>} : memref<64x6x6x6x64xf32, #tpu.memory_space<vmem>>, vector<64x1x1x1x64xf32>,
    %slice3A_87 = vector.extract_strided_slice %add3A_52 {offsets = [0, 192], sizes = [64, 64], strides = [1, 1]} : vector<64x4096xf32> to vector<64x64xf32>
    %swap3A_88 = arith.constant 0 : index
    %swap3A_89 = arith.constant 1 : index
    %swap3A_90 = arith.constant 1 : index
    %swap3A_91 = arith.constant 4 : index
    %swap3A_92 = arith.constant 0 : index
    %swap3A_93 = vector.load %arg12[%swap3A_88, %swap3A_89, %swap3A_90, %swap3A_91, %swap3A_92] : memref<64x6x6x6x64xf32, #tpu.memory_space<vmem>>, vector<64x1x1x1x64xf32>
    %swap3A_94 = vector.shape_cast %swap3A_93 : vector<64x1x1x1x64xf32> to vector<64x64xf32>
    %swap3A_95 = vector.shape_cast %slice3A_87 : vector<64x64xf32> to vector<64x1x1x1x64xf32>
    tpu.vector_store %arg12[%swap3A_88, %swap3A_89, %swap3A_90, %swap3A_91, %swap3A_92], %swap3A_95 {strides = array<i32>} : memref<64x6x6x6x64xf32, #tpu.memory_space<vmem>>, vector<64x1x1x1x64xf32>,
    %slice3A_96 = vector.extract_strided_slice %add3A_52 {offsets = [0, 256], sizes = [64, 64], strides = [1, 1]} : vector<64x4096xf32> to vector<64x64xf32>
    %swap3A_97 = arith.constant 0 : index
    %swap3A_98 = arith.constant 1 : index
    %swap3A_99 = arith.constant 2 : index
    %swap3A_100 = arith.constant 1 : index
    %swap3A_101 = arith.constant 0 : index
    %swap3A_102 = vector.load %arg12[%swap3A_97, %swap3A_98, %swap3A_99, %swap3A_100, %swap3A_101] : memref<64x6x6x6x64xf32, #tpu.memory_space<vmem>>, vector<64x1x1x1x64xf32>
    %swap3A_103 = vector.shape_cast %swap3A_102 : vector<64x1x1x1x64xf32> to vector<64x64xf32>
    %swap3A_104 = vector.shape_cast %slice3A_96 : vector<64x64xf32> to vector<64x1x1x1x64xf32>
    tpu.vector_store %arg12[%swap3A_97, %swap3A_98, %swap3A_99, %swap3A_100, %swap3A_101], %swap3A_104 {strides = array<i32>} : memref<64x6x6x6x64xf32, #tpu.memory_space<vmem>>, vector<64x1x1x1x64xf32>,
    %slice3A_105 = vector.extract_strided_slice %add3A_52 {offsets = [0, 320], sizes = [64, 64], strides = [1, 1]} : vector<64x4096xf32> to vector<64x64xf32>
    %swap3A_106 = arith.constant 0 : index
    %swap3A_107 = arith.constant 1 : index
    %swap3A_108 = arith.constant 2 : index
    %swap3A_109 = arith.constant 2 : index
    %swap3A_110 = arith.constant 0 : index
    %swap3A_111 = vector.load %arg12[%swap3A_106, %swap3A_107, %swap3A_108, %swap3A_109, %swap3A_110] : memref<64x6x6x6x64xf32, #tpu.memory_space<vmem>>, vector<64x1x1x1x64xf32>
    %swap3A_112 = vector.shape_cast %swap3A_111 : vector<64x1x1x1x64xf32> to vector<64x64xf32>
    %swap3A_113 = vector.shape_cast %slice3A_105 : vector<64x64xf32> to vector<64x1x1x1x64xf32>
    tpu.vector_store %arg12[%swap3A_106, %swap3A_107, %swap3A_108, %swap3A_109, %swap3A_110], %swap3A_113 {strides = array<i32>} : memref<64x6x6x6x64xf32, #tpu.memory_space<vmem>>, vector<64x1x1x1x64xf32>,
    %slice3A_114 = vector.extract_strided_slice %add3A_52 {offsets = [0, 384], sizes = [64, 64], strides = [1, 1]} : vector<64x4096xf32> to vector<64x64xf32>
    %swap3A_115 = arith.constant 0 : index
    %swap3A_116 = arith.constant 1 : index
    %swap3A_117 = arith.constant 2 : index
    %swap3A_118 = arith.constant 3 : index
    %swap3A_119 = arith.constant 0 : index
    %swap3A_120 = vector.load %arg12[%swap3A_115, %swap3A_116, %swap3A_117, %swap3A_118, %swap3A_119] : memref<64x6x6x6x64xf32, #tpu.memory_space<vmem>>, vector<64x1x1x1x64xf32>
    %swap3A_121 = vector.shape_cast %swap3A_120 : vector<64x1x1x1x64xf32> to vector<64x64xf32>
    %swap3A_122 = vector.shape_cast %slice3A_114 : vector<64x64xf32> to vector<64x1x1x1x64xf32>
    tpu.vector_store %arg12[%swap3A_115, %swap3A_116, %swap3A_117, %swap3A_118, %swap3A_119], %swap3A_122 {strides = array<i32>} : memref<64x6x6x6x64xf32, #tpu.memory_space<vmem>>, vector<64x1x1x1x64xf32>,
    %slice3A_123 = vector.extract_strided_slice %add3A_52 {offsets = [0, 448], sizes = [64, 64], strides = [1, 1]} : vector<64x4096xf32> to vector<64x64xf32>
    %swap3A_124 = arith.constant 0 : index
    %swap3A_125 = arith.constant 1 : index
    %swap3A_126 = arith.constant 2 : index
    %swap3A_127 = arith.constant 4 : index
    %swap3A_128 = arith.constant 0 : index
    %swap3A_129 = vector.load %arg12[%swap3A_124, %swap3A_125, %swap3A_126, %swap3A_127, %swap3A_128] : memref<64x6x6x6x64xf32, #tpu.memory_space<vmem>>, vector<64x1x1x1x64xf32>
    %swap3A_130 = vector.shape_cast %swap3A_129 : vector<64x1x1x1x64xf32> to vector<64x64xf32>
    %swap3A_131 = vector.shape_cast %slice3A_123 : vector<64x64xf32> to vector<64x1x1x1x64xf32>
    tpu.vector_store %arg12[%swap3A_124, %swap3A_125, %swap3A_126, %swap3A_127, %swap3A_128], %swap3A_131 {strides = array<i32>} : memref<64x6x6x6x64xf32, #tpu.memory_space<vmem>>, vector<64x1x1x1x64xf32>,
    %slice3A_132 = vector.extract_strided_slice %add3A_52 {offsets = [0, 512], sizes = [64, 64], strides = [1, 1]} : vector<64x4096xf32> to vector<64x64xf32>
    %swap3A_133 = arith.constant 0 : index
    %swap3A_134 = arith.constant 1 : index
    %swap3A_135 = arith.constant 3 : index
    %swap3A_136 = arith.constant 1 : index
    %swap3A_137 = arith.constant 0 : index
    %swap3A_138 = vector.load %arg12[%swap3A_133, %swap3A_134, %swap3A_135, %swap3A_136, %swap3A_137] : memref<64x6x6x6x64xf32, #tpu.memory_space<vmem>>, vector<64x1x1x1x64xf32>
    %swap3A_139 = vector.shape_cast %swap3A_138 : vector<64x1x1x1x64xf32> to vector<64x64xf32>
    %swap3A_140 = vector.shape_cast %slice3A_132 : vector<64x64xf32> to vector<64x1x1x1x64xf32>
    tpu.vector_store %arg12[%swap3A_133, %swap3A_134, %swap3A_135, %swap3A_136, %swap3A_137], %swap3A_140 {strides = array<i32>} : memref<64x6x6x6x64xf32, #tpu.memory_space<vmem>>, vector<64x1x1x1x64xf32>,
    %slice3A_141 = vector.extract_strided_slice %add3A_52 {offsets = [0, 576], sizes = [64, 64], strides = [1, 1]} : vector<64x4096xf32> to vector<64x64xf32>
    %swap3A_142 = arith.constant 0 : index
    %swap3A_143 = arith.constant 1 : index
    %swap3A_144 = arith.constant 3 : index
    %swap3A_145 = arith.constant 2 : index
    %swap3A_146 = arith.constant 0 : index
    %swap3A_147 = vector.load %arg12[%swap3A_142, %swap3A_143, %swap3A_144, %swap3A_145, %swap3A_146] : memref<64x6x6x6x64xf32, #tpu.memory_space<vmem>>, vector<64x1x1x1x64xf32>
    %swap3A_148 = vector.shape_cast %swap3A_147 : vector<64x1x1x1x64xf32> to vector<64x64xf32>
    %swap3A_149 = vector.shape_cast %slice3A_141 : vector<64x64xf32> to vector<64x1x1x1x64xf32>
    tpu.vector_store %arg12[%swap3A_142, %swap3A_143, %swap3A_144, %swap3A_145, %swap3A_146], %swap3A_149 {strides = array<i32>} : memref<64x6x6x6x64xf32, #tpu.memory_space<vmem>>, vector<64x1x1x1x64xf32>,
    %slice3A_150 = vector.extract_strided_slice %add3A_52 {offsets = [0, 640], sizes = [64, 64], strides = [1, 1]} : vector<64x4096xf32> to vector<64x64xf32>
    %swap3A_151 = arith.constant 0 : index
    %swap3A_152 = arith.constant 1 : index
    %swap3A_153 = arith.constant 3 : index
    %swap3A_154 = arith.constant 3 : index
    %swap3A_155 = arith.constant 0 : index
    %swap3A_156 = vector.load %arg12[%swap3A_151, %swap3A_152, %swap3A_153, %swap3A_154, %swap3A_155] : memref<64x6x6x6x64xf32, #tpu.memory_space<vmem>>, vector<64x1x1x1x64xf32>
    %swap3A_157 = vector.shape_cast %swap3A_156 : vector<64x1x1x1x64xf32> to vector<64x64xf32>
    %swap3A_158 = vector.shape_cast %slice3A_150 : vector<64x64xf32> to vector<64x1x1x1x64xf32>
    tpu.vector_store %arg12[%swap3A_151, %swap3A_152, %swap3A_153, %swap3A_154, %swap3A_155], %swap3A_158 {strides = array<i32>} : memref<64x6x6x6x64xf32, #tpu.memory_space<vmem>>, vector<64x1x1x1x64xf32>,
    %slice3A_159 = vector.extract_strided_slice %add3A_52 {offsets = [0, 704], sizes = [64, 64], strides = [1, 1]} : vector<64x4096xf32> to vector<64x64xf32>
    %swap3A_160 = arith.constant 0 : index
    %swap3A_161 = arith.constant 1 : index
    %swap3A_162 = arith.constant 3 : index
    %swap3A_163 = arith.constant 4 : index
    %swap3A_164 = arith.constant 0 : index
    %swap3A_165 = vector.load %arg12[%swap3A_160, %swap3A_161, %swap3A_162, %swap3A_163, %swap3A_164] : memref<64x6x6x6x64xf32, #tpu.memory_space<vmem>>, vector<64x1x1x1x64xf32>
    %swap3A_166 = vector.shape_cast %swap3A_165 : vector<64x1x1x1x64xf32> to vector<64x64xf32>
    %swap3A_167 = vector.shape_cast %slice3A_159 : vector<64x64xf32> to vector<64x1x1x1x64xf32>
    tpu.vector_store %arg12[%swap3A_160, %swap3A_161, %swap3A_162, %swap3A_163, %swap3A_164], %swap3A_167 {strides = array<i32>} : memref<64x6x6x6x64xf32, #tpu.memory_space<vmem>>, vector<64x1x1x1x64xf32>,
    %slice3A_168 = vector.extract_strided_slice %add3A_52 {offsets = [0, 768], sizes = [64, 64], strides = [1, 1]} : vector<64x4096xf32> to vector<64x64xf32>
    %swap3A_169 = arith.constant 0 : index
    %swap3A_170 = arith.constant 1 : index
    %swap3A_171 = arith.constant 4 : index
    %swap3A_172 = arith.constant 1 : index
    %swap3A_173 = arith.constant 0 : index
    %swap3A_174 = vector.load %arg12[%swap3A_169, %swap3A_170, %swap3A_171, %swap3A_172, %swap3A_173] : memref<64x6x6x6x64xf32, #tpu.memory_space<vmem>>, vector<64x1x1x1x64xf32>
    %swap3A_175 = vector.shape_cast %swap3A_174 : vector<64x1x1x1x64xf32> to vector<64x64xf32>
    %swap3A_176 = vector.shape_cast %slice3A_168 : vector<64x64xf32> to vector<64x1x1x1x64xf32>
    tpu.vector_store %arg12[%swap3A_169, %swap3A_170, %swap3A_171, %swap3A_172, %swap3A_173], %swap3A_176 {strides = array<i32>} : memref<64x6x6x6x64xf32, #tpu.memory_space<vmem>>, vector<64x1x1x1x64xf32>,
    %slice3A_177 = vector.extract_strided_slice %add3A_52 {offsets = [0, 832], sizes = [64, 64], strides = [1, 1]} : vector<64x4096xf32> to vector<64x64xf32>
    %swap3A_178 = arith.constant 0 : index
    %swap3A_179 = arith.constant 1 : index
    %swap3A_180 = arith.constant 4 : index
    %swap3A_181 = arith.constant 2 : index
    %swap3A_182 = arith.constant 0 : index
    %swap3A_183 = vector.load %arg12[%swap3A_178, %swap3A_179, %swap3A_180, %swap3A_181, %swap3A_182] : memref<64x6x6x6x64xf32, #tpu.memory_space<vmem>>, vector<64x1x1x1x64xf32>
    %swap3A_184 = vector.shape_cast %swap3A_183 : vector<64x1x1x1x64xf32> to vector<64x64xf32>
    %swap3A_185 = vector.shape_cast %slice3A_177 : vector<64x64xf32> to vector<64x1x1x1x64xf32>
    tpu.vector_store %arg12[%swap3A_178, %swap3A_179, %swap3A_180, %swap3A_181, %swap3A_182], %swap3A_185 {strides = array<i32>} : memref<64x6x6x6x64xf32, #tpu.memory_space<vmem>>, vector<64x1x1x1x64xf32>,
    %slice3A_186 = vector.extract_strided_slice %add3A_52 {offsets = [0, 896], sizes = [64, 64], strides = [1, 1]} : vector<64x4096xf32> to vector<64x64xf32>
    %swap3A_187 = arith.constant 0 : index
    %swap3A_188 = arith.constant 1 : index
    %swap3A_189 = arith.constant 4 : index
    %swap3A_190 = arith.constant 3 : index
    %swap3A_191 = arith.constant 0 : index
    %swap3A_192 = vector.load %arg12[%swap3A_187, %swap3A_188, %swap3A_189, %swap3A_190, %swap3A_191] : memref<64x6x6x6x64xf32, #tpu.memory_space<vmem>>, vector<64x1x1x1x64xf32>
    %swap3A_193 = vector.shape_cast %swap3A_192 : vector<64x1x1x1x64xf32> to vector<64x64xf32>
    %swap3A_194 = vector.shape_cast %slice3A_186 : vector<64x64xf32> to vector<64x1x1x1x64xf32>
    tpu.vector_store %arg12[%swap3A_187, %swap3A_188, %swap3A_189, %swap3A_190, %swap3A_191], %swap3A_194 {strides = array<i32>} : memref<64x6x6x6x64xf32, #tpu.memory_space<vmem>>, vector<64x1x1x1x64xf32>,
    %slice3A_195 = vector.extract_strided_slice %add3A_52 {offsets = [0, 960], sizes = [64, 64], strides = [1, 1]} : vector<64x4096xf32> to vector<64x64xf32>
    %swap3A_196 = arith.constant 0 : index
    %swap3A_197 = arith.constant 1 : index
    %swap3A_198 = arith.constant 4 : index
    %swap3A_199 = arith.constant 4 : index
    %swap3A_200 = arith.constant 0 : index
    %swap3A_201 = vector.load %arg12[%swap3A_196, %swap3A_197, %swap3A_198, %swap3A_199, %swap3A_200] : memref<64x6x6x6x64xf32, #tpu.memory_space<vmem>>, vector<64x1x1x1x64xf32>
    %swap3A_202 = vector.shape_cast %swap3A_201 : vector<64x1x1x1x64xf32> to vector<64x64xf32>
    %swap3A_203 = vector.shape_cast %slice3A_195 : vector<64x64xf32> to vector<64x1x1x1x64xf32>
    tpu.vector_store %arg12[%swap3A_196, %swap3A_197, %swap3A_198, %swap3A_199, %swap3A_200], %swap3A_203 {strides = array<i32>} : memref<64x6x6x6x64xf32, #tpu.memory_space<vmem>>, vector<64x1x1x1x64xf32>,
    %slice3A_204 = vector.extract_strided_slice %add3A_52 {offsets = [0, 1024], sizes = [64, 64], strides = [1, 1]} : vector<64x4096xf32> to vector<64x64xf32>
    %swap3A_205 = arith.constant 0 : index
    %swap3A_206 = arith.constant 2 : index
    %swap3A_207 = arith.constant 1 : index
    %swap3A_208 = arith.constant 1 : index
    %swap3A_209 = arith.constant 0 : index
    %swap3A_210 = vector.load %arg12[%swap3A_205, %swap3A_206, %swap3A_207, %swap3A_208, %swap3A_209] : memref<64x6x6x6x64xf32, #tpu.memory_space<vmem>>, vector<64x1x1x1x64xf32>
    %swap3A_211 = vector.shape_cast %swap3A_210 : vector<64x1x1x1x64xf32> to vector<64x64xf32>
    %swap3A_212 = vector.shape_cast %slice3A_204 : vector<64x64xf32> to vector<64x1x1x1x64xf32>
    tpu.vector_store %arg12[%swap3A_205, %swap3A_206, %swap3A_207, %swap3A_208, %swap3A_209], %swap3A_212 {strides = array<i32>} : memref<64x6x6x6x64xf32, #tpu.memory_space<vmem>>, vector<64x1x1x1x64xf32>,
    %slice3A_213 = vector.extract_strided_slice %add3A_52 {offsets = [0, 1088], sizes = [64, 64], strides = [1, 1]} : vector<64x4096xf32> to vector<64x64xf32>
    %swap3A_214 = arith.constant 0 : index
    %swap3A_215 = arith.constant 2 : index
    %swap3A_216 = arith.constant 1 : index
    %swap3A_217 = arith.constant 2 : index
    %swap3A_218 = arith.constant 0 : index
    %swap3A_219 = vector.load %arg12[%swap3A_214, %swap3A_215, %swap3A_216, %swap3A_217, %swap3A_218] : memref<64x6x6x6x64xf32, #tpu.memory_space<vmem>>, vector<64x1x1x1x64xf32>
    %swap3A_220 = vector.shape_cast %swap3A_219 : vector<64x1x1x1x64xf32> to vector<64x64xf32>
    %swap3A_221 = vector.shape_cast %slice3A_213 : vector<64x64xf32> to vector<64x1x1x1x64xf32>
    tpu.vector_store %arg12[%swap3A_214, %swap3A_215, %swap3A_216, %swap3A_217, %swap3A_218], %swap3A_221 {strides = array<i32>} : memref<64x6x6x6x64xf32, #tpu.memory_space<vmem>>, vector<64x1x1x1x64xf32>,
    %slice3A_222 = vector.extract_strided_slice %add3A_52 {offsets = [0, 1152], sizes = [64, 64], strides = [1, 1]} : vector<64x4096xf32> to vector<64x64xf32>
    %swap3A_223 = arith.constant 0 : index
    %swap3A_224 = arith.constant 2 : index
    %swap3A_225 = arith.constant 1 : index
    %swap3A_226 = arith.constant 3 : index
    %swap3A_227 = arith.constant 0 : index
    %swap3A_228 = vector.load %arg12[%swap3A_223, %swap3A_224, %swap3A_225, %swap3A_226, %swap3A_227] : memref<64x6x6x6x64xf32, #tpu.memory_space<vmem>>, vector<64x1x1x1x64xf32>
    %swap3A_229 = vector.shape_cast %swap3A_228 : vector<64x1x1x1x64xf32> to vector<64x64xf32>
    %swap3A_230 = vector.shape_cast %slice3A_222 : vector<64x64xf32> to vector<64x1x1x1x64xf32>
    tpu.vector_store %arg12[%swap3A_223, %swap3A_224, %swap3A_225, %swap3A_226, %swap3A_227], %swap3A_230 {strides = array<i32>} : memref<64x6x6x6x64xf32, #tpu.memory_space<vmem>>, vector<64x1x1x1x64xf32>,
    %slice3A_231 = vector.extract_strided_slice %add3A_52 {offsets = [0, 1216], sizes = [64, 64], strides = [1, 1]} : vector<64x4096xf32> to vector<64x64xf32>
    %swap3A_232 = arith.constant 0 : index
    %swap3A_233 = arith.constant 2 : index
    %swap3A_234 = arith.constant 1 : index
    %swap3A_235 = arith.constant 4 : index
    %swap3A_236 = arith.constant 0 : index
    %swap3A_237 = vector.load %arg12[%swap3A_232, %swap3A_233, %swap3A_234, %swap3A_235, %swap3A_236] : memref<64x6x6x6x64xf32, #tpu.memory_space<vmem>>, vector<64x1x1x1x64xf32>
    %swap3A_238 = vector.shape_cast %swap3A_237 : vector<64x1x1x1x64xf32> to vector<64x64xf32>
    %swap3A_239 = vector.shape_cast %slice3A_231 : vector<64x64xf32> to vector<64x1x1x1x64xf32>
    tpu.vector_store %arg12[%swap3A_232, %swap3A_233, %swap3A_234, %swap3A_235, %swap3A_236], %swap3A_239 {strides = array<i32>} : memref<64x6x6x6x64xf32, #tpu.memory_space<vmem>>, vector<64x1x1x1x64xf32>,
    %slice3A_240 = vector.extract_strided_slice %add3A_52 {offsets = [0, 1280], sizes = [64, 64], strides = [1, 1]} : vector<64x4096xf32> to vector<64x64xf32>
    %swap3A_241 = arith.constant 0 : index
    %swap3A_242 = arith.constant 2 : index
    %swap3A_243 = arith.constant 2 : index
    %swap3A_244 = arith.constant 1 : index
    %swap3A_245 = arith.constant 0 : index
    %swap3A_246 = vector.load %arg12[%swap3A_241, %swap3A_242, %swap3A_243, %swap3A_244, %swap3A_245] : memref<64x6x6x6x64xf32, #tpu.memory_space<vmem>>, vector<64x1x1x1x64xf32>
    %swap3A_247 = vector.shape_cast %swap3A_246 : vector<64x1x1x1x64xf32> to vector<64x64xf32>
    %swap3A_248 = vector.shape_cast %slice3A_240 : vector<64x64xf32> to vector<64x1x1x1x64xf32>
    tpu.vector_store %arg12[%swap3A_241, %swap3A_242, %swap3A_243, %swap3A_244, %swap3A_245], %swap3A_248 {strides = array<i32>} : memref<64x6x6x6x64xf32, #tpu.memory_space<vmem>>, vector<64x1x1x1x64xf32>,
    %slice3A_249 = vector.extract_strided_slice %add3A_52 {offsets = [0, 1344], sizes = [64, 64], strides = [1, 1]} : vector<64x4096xf32> to vector<64x64xf32>
    %swap3A_250 = arith.constant 0 : index
    %swap3A_251 = arith.constant 2 : index
    %swap3A_252 = arith.constant 2 : index
    %swap3A_253 = arith.constant 2 : index
    %swap3A_254 = arith.constant 0 : index
    %swap3A_255 = vector.load %arg12[%swap3A_250, %swap3A_251, %swap3A_252, %swap3A_253, %swap3A_254] : memref<64x6x6x6x64xf32, #tpu.memory_space<vmem>>, vector<64x1x1x1x64xf32>
    %swap3A_256 = vector.shape_cast %swap3A_255 : vector<64x1x1x1x64xf32> to vector<64x64xf32>
    %swap3A_257 = vector.shape_cast %slice3A_249 : vector<64x64xf32> to vector<64x1x1x1x64xf32>
    tpu.vector_store %arg12[%swap3A_250, %swap3A_251, %swap3A_252, %swap3A_253, %swap3A_254], %swap3A_257 {strides = array<i32>} : memref<64x6x6x6x64xf32, #tpu.memory_space<vmem>>, vector<64x1x1x1x64xf32>,
    %slice3A_258 = vector.extract_strided_slice %add3A_52 {offsets = [0, 1408], sizes = [64, 64], strides = [1, 1]} : vector<64x4096xf32> to vector<64x64xf32>
    %swap3A_259 = arith.constant 0 : index
    %swap3A_260 = arith.constant 2 : index
    %swap3A_261 = arith.constant 2 : index
    %swap3A_262 = arith.constant 3 : index
    %swap3A_263 = arith.constant 0 : index
    %swap3A_264 = vector.load %arg12[%swap3A_259, %swap3A_260, %swap3A_261, %swap3A_262, %swap3A_263] : memref<64x6x6x6x64xf32, #tpu.memory_space<vmem>>, vector<64x1x1x1x64xf32>
    %swap3A_265 = vector.shape_cast %swap3A_264 : vector<64x1x1x1x64xf32> to vector<64x64xf32>
    %swap3A_266 = vector.shape_cast %slice3A_258 : vector<64x64xf32> to vector<64x1x1x1x64xf32>
    tpu.vector_store %arg12[%swap3A_259, %swap3A_260, %swap3A_261, %swap3A_262, %swap3A_263], %swap3A_266 {strides = array<i32>} : memref<64x6x6x6x64xf32, #tpu.memory_space<vmem>>, vector<64x1x1x1x64xf32>,
    %slice3A_267 = vector.extract_strided_slice %add3A_52 {offsets = [0, 1472], sizes = [64, 64], strides = [1, 1]} : vector<64x4096xf32> to vector<64x64xf32>
    %swap3A_268 = arith.constant 0 : index
    %swap3A_269 = arith.constant 2 : index
    %swap3A_270 = arith.constant 2 : index
    %swap3A_271 = arith.constant 4 : index
    %swap3A_272 = arith.constant 0 : index
    %swap3A_273 = vector.load %arg12[%swap3A_268, %swap3A_269, %swap3A_270, %swap3A_271, %swap3A_272] : memref<64x6x6x6x64xf32, #tpu.memory_space<vmem>>, vector<64x1x1x1x64xf32>
    %swap3A_274 = vector.shape_cast %swap3A_273 : vector<64x1x1x1x64xf32> to vector<64x64xf32>
    %swap3A_275 = vector.shape_cast %slice3A_267 : vector<64x64xf32> to vector<64x1x1x1x64xf32>
    tpu.vector_store %arg12[%swap3A_268, %swap3A_269, %swap3A_270, %swap3A_271, %swap3A_272], %swap3A_275 {strides = array<i32>} : memref<64x6x6x6x64xf32, #tpu.memory_space<vmem>>, vector<64x1x1x1x64xf32>,
    %slice3A_276 = vector.extract_strided_slice %add3A_52 {offsets = [0, 1536], sizes = [64, 64], strides = [1, 1]} : vector<64x4096xf32> to vector<64x64xf32>
    %swap3A_277 = arith.constant 0 : index
    %swap3A_278 = arith.constant 2 : index
    %swap3A_279 = arith.constant 3 : index
    %swap3A_280 = arith.constant 1 : index
    %swap3A_281 = arith.constant 0 : index
    %swap3A_282 = vector.load %arg12[%swap3A_277, %swap3A_278, %swap3A_279, %swap3A_280, %swap3A_281] : memref<64x6x6x6x64xf32, #tpu.memory_space<vmem>>, vector<64x1x1x1x64xf32>
    %swap3A_283 = vector.shape_cast %swap3A_282 : vector<64x1x1x1x64xf32> to vector<64x64xf32>
    %swap3A_284 = vector.shape_cast %slice3A_276 : vector<64x64xf32> to vector<64x1x1x1x64xf32>
    tpu.vector_store %arg12[%swap3A_277, %swap3A_278, %swap3A_279, %swap3A_280, %swap3A_281], %swap3A_284 {strides = array<i32>} : memref<64x6x6x6x64xf32, #tpu.memory_space<vmem>>, vector<64x1x1x1x64xf32>,
    %slice3A_285 = vector.extract_strided_slice %add3A_52 {offsets = [0, 1600], sizes = [64, 64], strides = [1, 1]} : vector<64x4096xf32> to vector<64x64xf32>
    %swap3A_286 = arith.constant 0 : index
    %swap3A_287 = arith.constant 2 : index
    %swap3A_288 = arith.constant 3 : index
    %swap3A_289 = arith.constant 2 : index
    %swap3A_290 = arith.constant 0 : index
    %swap3A_291 = vector.load %arg12[%swap3A_286, %swap3A_287, %swap3A_288, %swap3A_289, %swap3A_290] : memref<64x6x6x6x64xf32, #tpu.memory_space<vmem>>, vector<64x1x1x1x64xf32>
    %swap3A_292 = vector.shape_cast %swap3A_291 : vector<64x1x1x1x64xf32> to vector<64x64xf32>
    %swap3A_293 = vector.shape_cast %slice3A_285 : vector<64x64xf32> to vector<64x1x1x1x64xf32>
    tpu.vector_store %arg12[%swap3A_286, %swap3A_287, %swap3A_288, %swap3A_289, %swap3A_290], %swap3A_293 {strides = array<i32>} : memref<64x6x6x6x64xf32, #tpu.memory_space<vmem>>, vector<64x1x1x1x64xf32>,
    %slice3A_294 = vector.extract_strided_slice %add3A_52 {offsets = [0, 1664], sizes = [64, 64], strides = [1, 1]} : vector<64x4096xf32> to vector<64x64xf32>
    %swap3A_295 = arith.constant 0 : index
    %swap3A_296 = arith.constant 2 : index
    %swap3A_297 = arith.constant 3 : index
    %swap3A_298 = arith.constant 3 : index
    %swap3A_299 = arith.constant 0 : index
    %swap3A_300 = vector.load %arg12[%swap3A_295, %swap3A_296, %swap3A_297, %swap3A_298, %swap3A_299] : memref<64x6x6x6x64xf32, #tpu.memory_space<vmem>>, vector<64x1x1x1x64xf32>
    %swap3A_301 = vector.shape_cast %swap3A_300 : vector<64x1x1x1x64xf32> to vector<64x64xf32>
    %swap3A_302 = vector.shape_cast %slice3A_294 : vector<64x64xf32> to vector<64x1x1x1x64xf32>
    tpu.vector_store %arg12[%swap3A_295, %swap3A_296, %swap3A_297, %swap3A_298, %swap3A_299], %swap3A_302 {strides = array<i32>} : memref<64x6x6x6x64xf32, #tpu.memory_space<vmem>>, vector<64x1x1x1x64xf32>,
    %slice3A_303 = vector.extract_strided_slice %add3A_52 {offsets = [0, 1728], sizes = [64, 64], strides = [1, 1]} : vector<64x4096xf32> to vector<64x64xf32>
    %swap3A_304 = arith.constant 0 : index
    %swap3A_305 = arith.constant 2 : index
    %swap3A_306 = arith.constant 3 : index
    %swap3A_307 = arith.constant 4 : index
    %swap3A_308 = arith.constant 0 : index
    %swap3A_309 = vector.load %arg12[%swap3A_304, %swap3A_305, %swap3A_306, %swap3A_307, %swap3A_308] : memref<64x6x6x6x64xf32, #tpu.memory_space<vmem>>, vector<64x1x1x1x64xf32>
    %swap3A_310 = vector.shape_cast %swap3A_309 : vector<64x1x1x1x64xf32> to vector<64x64xf32>
    %swap3A_311 = vector.shape_cast %slice3A_303 : vector<64x64xf32> to vector<64x1x1x1x64xf32>
    tpu.vector_store %arg12[%swap3A_304, %swap3A_305, %swap3A_306, %swap3A_307, %swap3A_308], %swap3A_311 {strides = array<i32>} : memref<64x6x6x6x64xf32, #tpu.memory_space<vmem>>, vector<64x1x1x1x64xf32>,
    %slice3A_312 = vector.extract_strided_slice %add3A_52 {offsets = [0, 1792], sizes = [64, 64], strides = [1, 1]} : vector<64x4096xf32> to vector<64x64xf32>
    %swap3A_313 = arith.constant 0 : index
    %swap3A_314 = arith.constant 2 : index
    %swap3A_315 = arith.constant 4 : index
    %swap3A_316 = arith.constant 1 : index
    %swap3A_317 = arith.constant 0 : index
    %swap3A_318 = vector.load %arg12[%swap3A_313, %swap3A_314, %swap3A_315, %swap3A_316, %swap3A_317] : memref<64x6x6x6x64xf32, #tpu.memory_space<vmem>>, vector<64x1x1x1x64xf32>
    %swap3A_319 = vector.shape_cast %swap3A_318 : vector<64x1x1x1x64xf32> to vector<64x64xf32>
    %swap3A_320 = vector.shape_cast %slice3A_312 : vector<64x64xf32> to vector<64x1x1x1x64xf32>
    tpu.vector_store %arg12[%swap3A_313, %swap3A_314, %swap3A_315, %swap3A_316, %swap3A_317], %swap3A_320 {strides = array<i32>} : memref<64x6x6x6x64xf32, #tpu.memory_space<vmem>>, vector<64x1x1x1x64xf32>,
    %slice3A_321 = vector.extract_strided_slice %add3A_52 {offsets = [0, 1856], sizes = [64, 64], strides = [1, 1]} : vector<64x4096xf32> to vector<64x64xf32>
    %swap3A_322 = arith.constant 0 : index
    %swap3A_323 = arith.constant 2 : index
    %swap3A_324 = arith.constant 4 : index
    %swap3A_325 = arith.constant 2 : index
    %swap3A_326 = arith.constant 0 : index
    %swap3A_327 = vector.load %arg12[%swap3A_322, %swap3A_323, %swap3A_324, %swap3A_325, %swap3A_326] : memref<64x6x6x6x64xf32, #tpu.memory_space<vmem>>, vector<64x1x1x1x64xf32>
    %swap3A_328 = vector.shape_cast %swap3A_327 : vector<64x1x1x1x64xf32> to vector<64x64xf32>
    %swap3A_329 = vector.shape_cast %slice3A_321 : vector<64x64xf32> to vector<64x1x1x1x64xf32>
    tpu.vector_store %arg12[%swap3A_322, %swap3A_323, %swap3A_324, %swap3A_325, %swap3A_326], %swap3A_329 {strides = array<i32>} : memref<64x6x6x6x64xf32, #tpu.memory_space<vmem>>, vector<64x1x1x1x64xf32>,
    %slice3A_330 = vector.extract_strided_slice %add3A_52 {offsets = [0, 1920], sizes = [64, 64], strides = [1, 1]} : vector<64x4096xf32> to vector<64x64xf32>
    %swap3A_331 = arith.constant 0 : index
    %swap3A_332 = arith.constant 2 : index
    %swap3A_333 = arith.constant 4 : index
    %swap3A_334 = arith.constant 3 : index
    %swap3A_335 = arith.constant 0 : index
    %swap3A_336 = vector.load %arg12[%swap3A_331, %swap3A_332, %swap3A_333, %swap3A_334, %swap3A_335] : memref<64x6x6x6x64xf32, #tpu.memory_space<vmem>>, vector<64x1x1x1x64xf32>
    %swap3A_337 = vector.shape_cast %swap3A_336 : vector<64x1x1x1x64xf32> to vector<64x64xf32>
    %swap3A_338 = vector.shape_cast %slice3A_330 : vector<64x64xf32> to vector<64x1x1x1x64xf32>
    tpu.vector_store %arg12[%swap3A_331, %swap3A_332, %swap3A_333, %swap3A_334, %swap3A_335], %swap3A_338 {strides = array<i32>} : memref<64x6x6x6x64xf32, #tpu.memory_space<vmem>>, vector<64x1x1x1x64xf32>,
    %slice3A_339 = vector.extract_strided_slice %add3A_52 {offsets = [0, 1984], sizes = [64, 64], strides = [1, 1]} : vector<64x4096xf32> to vector<64x64xf32>
    %swap3A_340 = arith.constant 0 : index
    %swap3A_341 = arith.constant 2 : index
    %swap3A_342 = arith.constant 4 : index
    %swap3A_343 = arith.constant 4 : index
    %swap3A_344 = arith.constant 0 : index
    %swap3A_345 = vector.load %arg12[%swap3A_340, %swap3A_341, %swap3A_342, %swap3A_343, %swap3A_344] : memref<64x6x6x6x64xf32, #tpu.memory_space<vmem>>, vector<64x1x1x1x64xf32>
    %swap3A_346 = vector.shape_cast %swap3A_345 : vector<64x1x1x1x64xf32> to vector<64x64xf32>
    %swap3A_347 = vector.shape_cast %slice3A_339 : vector<64x64xf32> to vector<64x1x1x1x64xf32>
    tpu.vector_store %arg12[%swap3A_340, %swap3A_341, %swap3A_342, %swap3A_343, %swap3A_344], %swap3A_347 {strides = array<i32>} : memref<64x6x6x6x64xf32, #tpu.memory_space<vmem>>, vector<64x1x1x1x64xf32>,
    %slice3A_348 = vector.extract_strided_slice %add3A_52 {offsets = [0, 2048], sizes = [64, 64], strides = [1, 1]} : vector<64x4096xf32> to vector<64x64xf32>
    %swap3A_349 = arith.constant 0 : index
    %swap3A_350 = arith.constant 3 : index
    %swap3A_351 = arith.constant 1 : index
    %swap3A_352 = arith.constant 1 : index
    %swap3A_353 = arith.constant 0 : index
    %swap3A_354 = vector.load %arg12[%swap3A_349, %swap3A_350, %swap3A_351, %swap3A_352, %swap3A_353] : memref<64x6x6x6x64xf32, #tpu.memory_space<vmem>>, vector<64x1x1x1x64xf32>
    %swap3A_355 = vector.shape_cast %swap3A_354 : vector<64x1x1x1x64xf32> to vector<64x64xf32>
    %swap3A_356 = vector.shape_cast %slice3A_348 : vector<64x64xf32> to vector<64x1x1x1x64xf32>
    tpu.vector_store %arg12[%swap3A_349, %swap3A_350, %swap3A_351, %swap3A_352, %swap3A_353], %swap3A_356 {strides = array<i32>} : memref<64x6x6x6x64xf32, #tpu.memory_space<vmem>>, vector<64x1x1x1x64xf32>,
    %slice3A_357 = vector.extract_strided_slice %add3A_52 {offsets = [0, 2112], sizes = [64, 64], strides = [1, 1]} : vector<64x4096xf32> to vector<64x64xf32>
    %swap3A_358 = arith.constant 0 : index
    %swap3A_359 = arith.constant 3 : index
    %swap3A_360 = arith.constant 1 : index
    %swap3A_361 = arith.constant 2 : index
    %swap3A_362 = arith.constant 0 : index
    %swap3A_363 = vector.load %arg12[%swap3A_358, %swap3A_359, %swap3A_360, %swap3A_361, %swap3A_362] : memref<64x6x6x6x64xf32, #tpu.memory_space<vmem>>, vector<64x1x1x1x64xf32>
    %swap3A_364 = vector.shape_cast %swap3A_363 : vector<64x1x1x1x64xf32> to vector<64x64xf32>
    %swap3A_365 = vector.shape_cast %slice3A_357 : vector<64x64xf32> to vector<64x1x1x1x64xf32>
    tpu.vector_store %arg12[%swap3A_358, %swap3A_359, %swap3A_360, %swap3A_361, %swap3A_362], %swap3A_365 {strides = array<i32>} : memref<64x6x6x6x64xf32, #tpu.memory_space<vmem>>, vector<64x1x1x1x64xf32>,
    %slice3A_366 = vector.extract_strided_slice %add3A_52 {offsets = [0, 2176], sizes = [64, 64], strides = [1, 1]} : vector<64x4096xf32> to vector<64x64xf32>
    %swap3A_367 = arith.constant 0 : index
    %swap3A_368 = arith.constant 3 : index
    %swap3A_369 = arith.constant 1 : index
    %swap3A_370 = arith.constant 3 : index
    %swap3A_371 = arith.constant 0 : index
    %swap3A_372 = vector.load %arg12[%swap3A_367, %swap3A_368, %swap3A_369, %swap3A_370, %swap3A_371] : memref<64x6x6x6x64xf32, #tpu.memory_space<vmem>>, vector<64x1x1x1x64xf32>
    %swap3A_373 = vector.shape_cast %swap3A_372 : vector<64x1x1x1x64xf32> to vector<64x64xf32>
    %swap3A_374 = vector.shape_cast %slice3A_366 : vector<64x64xf32> to vector<64x1x1x1x64xf32>
    tpu.vector_store %arg12[%swap3A_367, %swap3A_368, %swap3A_369, %swap3A_370, %swap3A_371], %swap3A_374 {strides = array<i32>} : memref<64x6x6x6x64xf32, #tpu.memory_space<vmem>>, vector<64x1x1x1x64xf32>,
    %slice3A_375 = vector.extract_strided_slice %add3A_52 {offsets = [0, 2240], sizes = [64, 64], strides = [1, 1]} : vector<64x4096xf32> to vector<64x64xf32>
    %swap3A_376 = arith.constant 0 : index
    %swap3A_377 = arith.constant 3 : index
    %swap3A_378 = arith.constant 1 : index
    %swap3A_379 = arith.constant 4 : index
    %swap3A_380 = arith.constant 0 : index
    %swap3A_381 = vector.load %arg12[%swap3A_376, %swap3A_377, %swap3A_378, %swap3A_379, %swap3A_380] : memref<64x6x6x6x64xf32, #tpu.memory_space<vmem>>, vector<64x1x1x1x64xf32>
    %swap3A_382 = vector.shape_cast %swap3A_381 : vector<64x1x1x1x64xf32> to vector<64x64xf32>
    %swap3A_383 = vector.shape_cast %slice3A_375 : vector<64x64xf32> to vector<64x1x1x1x64xf32>
    tpu.vector_store %arg12[%swap3A_376, %swap3A_377, %swap3A_378, %swap3A_379, %swap3A_380], %swap3A_383 {strides = array<i32>} : memref<64x6x6x6x64xf32, #tpu.memory_space<vmem>>, vector<64x1x1x1x64xf32>,
    %slice3A_384 = vector.extract_strided_slice %add3A_52 {offsets = [0, 2304], sizes = [64, 64], strides = [1, 1]} : vector<64x4096xf32> to vector<64x64xf32>
    %swap3A_385 = arith.constant 0 : index
    %swap3A_386 = arith.constant 3 : index
    %swap3A_387 = arith.constant 2 : index
    %swap3A_388 = arith.constant 1 : index
    %swap3A_389 = arith.constant 0 : index
    %swap3A_390 = vector.load %arg12[%swap3A_385, %swap3A_386, %swap3A_387, %swap3A_388, %swap3A_389] : memref<64x6x6x6x64xf32, #tpu.memory_space<vmem>>, vector<64x1x1x1x64xf32>
    %swap3A_391 = vector.shape_cast %swap3A_390 : vector<64x1x1x1x64xf32> to vector<64x64xf32>
    %swap3A_392 = vector.shape_cast %slice3A_384 : vector<64x64xf32> to vector<64x1x1x1x64xf32>
    tpu.vector_store %arg12[%swap3A_385, %swap3A_386, %swap3A_387, %swap3A_388, %swap3A_389], %swap3A_392 {strides = array<i32>} : memref<64x6x6x6x64xf32, #tpu.memory_space<vmem>>, vector<64x1x1x1x64xf32>,
    %slice3A_393 = vector.extract_strided_slice %add3A_52 {offsets = [0, 2368], sizes = [64, 64], strides = [1, 1]} : vector<64x4096xf32> to vector<64x64xf32>
    %swap3A_394 = arith.constant 0 : index
    %swap3A_395 = arith.constant 3 : index
    %swap3A_396 = arith.constant 2 : index
    %swap3A_397 = arith.constant 2 : index
    %swap3A_398 = arith.constant 0 : index
    %swap3A_399 = vector.load %arg12[%swap3A_394, %swap3A_395, %swap3A_396, %swap3A_397, %swap3A_398] : memref<64x6x6x6x64xf32, #tpu.memory_space<vmem>>, vector<64x1x1x1x64xf32>
    %swap3A_400 = vector.shape_cast %swap3A_399 : vector<64x1x1x1x64xf32> to vector<64x64xf32>
    %swap3A_401 = vector.shape_cast %slice3A_393 : vector<64x64xf32> to vector<64x1x1x1x64xf32>
    tpu.vector_store %arg12[%swap3A_394, %swap3A_395, %swap3A_396, %swap3A_397, %swap3A_398], %swap3A_401 {strides = array<i32>} : memref<64x6x6x6x64xf32, #tpu.memory_space<vmem>>, vector<64x1x1x1x64xf32>,
    %slice3A_402 = vector.extract_strided_slice %add3A_52 {offsets = [0, 2432], sizes = [64, 64], strides = [1, 1]} : vector<64x4096xf32> to vector<64x64xf32>
    %swap3A_403 = arith.constant 0 : index
    %swap3A_404 = arith.constant 3 : index
    %swap3A_405 = arith.constant 2 : index
    %swap3A_406 = arith.constant 3 : index
    %swap3A_407 = arith.constant 0 : index
    %swap3A_408 = vector.load %arg12[%swap3A_403, %swap3A_404, %swap3A_405, %swap3A_406, %swap3A_407] : memref<64x6x6x6x64xf32, #tpu.memory_space<vmem>>, vector<64x1x1x1x64xf32>
    %swap3A_409 = vector.shape_cast %swap3A_408 : vector<64x1x1x1x64xf32> to vector<64x64xf32>
    %swap3A_410 = vector.shape_cast %slice3A_402 : vector<64x64xf32> to vector<64x1x1x1x64xf32>
    tpu.vector_store %arg12[%swap3A_403, %swap3A_404, %swap3A_405, %swap3A_406, %swap3A_407], %swap3A_410 {strides = array<i32>} : memref<64x6x6x6x64xf32, #tpu.memory_space<vmem>>, vector<64x1x1x1x64xf32>,
    %slice3A_411 = vector.extract_strided_slice %add3A_52 {offsets = [0, 2496], sizes = [64, 64], strides = [1, 1]} : vector<64x4096xf32> to vector<64x64xf32>
    %swap3A_412 = arith.constant 0 : index
    %swap3A_413 = arith.constant 3 : index
    %swap3A_414 = arith.constant 2 : index
    %swap3A_415 = arith.constant 4 : index
    %swap3A_416 = arith.constant 0 : index
    %swap3A_417 = vector.load %arg12[%swap3A_412, %swap3A_413, %swap3A_414, %swap3A_415, %swap3A_416] : memref<64x6x6x6x64xf32, #tpu.memory_space<vmem>>, vector<64x1x1x1x64xf32>
    %swap3A_418 = vector.shape_cast %swap3A_417 : vector<64x1x1x1x64xf32> to vector<64x64xf32>
    %swap3A_419 = vector.shape_cast %slice3A_411 : vector<64x64xf32> to vector<64x1x1x1x64xf32>
    tpu.vector_store %arg12[%swap3A_412, %swap3A_413, %swap3A_414, %swap3A_415, %swap3A_416], %swap3A_419 {strides = array<i32>} : memref<64x6x6x6x64xf32, #tpu.memory_space<vmem>>, vector<64x1x1x1x64xf32>,
    %slice3A_420 = vector.extract_strided_slice %add3A_52 {offsets = [0, 2560], sizes = [64, 64], strides = [1, 1]} : vector<64x4096xf32> to vector<64x64xf32>
    %swap3A_421 = arith.constant 0 : index
    %swap3A_422 = arith.constant 3 : index
    %swap3A_423 = arith.constant 3 : index
    %swap3A_424 = arith.constant 1 : index
    %swap3A_425 = arith.constant 0 : index
    %swap3A_426 = vector.load %arg12[%swap3A_421, %swap3A_422, %swap3A_423, %swap3A_424, %swap3A_425] : memref<64x6x6x6x64xf32, #tpu.memory_space<vmem>>, vector<64x1x1x1x64xf32>
    %swap3A_427 = vector.shape_cast %swap3A_426 : vector<64x1x1x1x64xf32> to vector<64x64xf32>
    %swap3A_428 = vector.shape_cast %slice3A_420 : vector<64x64xf32> to vector<64x1x1x1x64xf32>
    tpu.vector_store %arg12[%swap3A_421, %swap3A_422, %swap3A_423, %swap3A_424, %swap3A_425], %swap3A_428 {strides = array<i32>} : memref<64x6x6x6x64xf32, #tpu.memory_space<vmem>>, vector<64x1x1x1x64xf32>,
    %slice3A_429 = vector.extract_strided_slice %add3A_52 {offsets = [0, 2624], sizes = [64, 64], strides = [1, 1]} : vector<64x4096xf32> to vector<64x64xf32>
    %swap3A_430 = arith.constant 0 : index
    %swap3A_431 = arith.constant 3 : index
    %swap3A_432 = arith.constant 3 : index
    %swap3A_433 = arith.constant 2 : index
    %swap3A_434 = arith.constant 0 : index
    %swap3A_435 = vector.load %arg12[%swap3A_430, %swap3A_431, %swap3A_432, %swap3A_433, %swap3A_434] : memref<64x6x6x6x64xf32, #tpu.memory_space<vmem>>, vector<64x1x1x1x64xf32>
    %swap3A_436 = vector.shape_cast %swap3A_435 : vector<64x1x1x1x64xf32> to vector<64x64xf32>
    %swap3A_437 = vector.shape_cast %slice3A_429 : vector<64x64xf32> to vector<64x1x1x1x64xf32>
    tpu.vector_store %arg12[%swap3A_430, %swap3A_431, %swap3A_432, %swap3A_433, %swap3A_434], %swap3A_437 {strides = array<i32>} : memref<64x6x6x6x64xf32, #tpu.memory_space<vmem>>, vector<64x1x1x1x64xf32>,
    %slice3A_438 = vector.extract_strided_slice %add3A_52 {offsets = [0, 2688], sizes = [64, 64], strides = [1, 1]} : vector<64x4096xf32> to vector<64x64xf32>
    %swap3A_439 = arith.constant 0 : index
    %swap3A_440 = arith.constant 3 : index
    %swap3A_441 = arith.constant 3 : index
    %swap3A_442 = arith.constant 3 : index
    %swap3A_443 = arith.constant 0 : index
    %swap3A_444 = vector.load %arg12[%swap3A_439, %swap3A_440, %swap3A_441, %swap3A_442, %swap3A_443] : memref<64x6x6x6x64xf32, #tpu.memory_space<vmem>>, vector<64x1x1x1x64xf32>
    %swap3A_445 = vector.shape_cast %swap3A_444 : vector<64x1x1x1x64xf32> to vector<64x64xf32>
    %swap3A_446 = vector.shape_cast %slice3A_438 : vector<64x64xf32> to vector<64x1x1x1x64xf32>
    tpu.vector_store %arg12[%swap3A_439, %swap3A_440, %swap3A_441, %swap3A_442, %swap3A_443], %swap3A_446 {strides = array<i32>} : memref<64x6x6x6x64xf32, #tpu.memory_space<vmem>>, vector<64x1x1x1x64xf32>,
    %slice3A_447 = vector.extract_strided_slice %add3A_52 {offsets = [0, 2752], sizes = [64, 64], strides = [1, 1]} : vector<64x4096xf32> to vector<64x64xf32>
    %swap3A_448 = arith.constant 0 : index
    %swap3A_449 = arith.constant 3 : index
    %swap3A_450 = arith.constant 3 : index
    %swap3A_451 = arith.constant 4 : index
    %swap3A_452 = arith.constant 0 : index
    %swap3A_453 = vector.load %arg12[%swap3A_448, %swap3A_449, %swap3A_450, %swap3A_451, %swap3A_452] : memref<64x6x6x6x64xf32, #tpu.memory_space<vmem>>, vector<64x1x1x1x64xf32>
    %swap3A_454 = vector.shape_cast %swap3A_453 : vector<64x1x1x1x64xf32> to vector<64x64xf32>
    %swap3A_455 = vector.shape_cast %slice3A_447 : vector<64x64xf32> to vector<64x1x1x1x64xf32>
    tpu.vector_store %arg12[%swap3A_448, %swap3A_449, %swap3A_450, %swap3A_451, %swap3A_452], %swap3A_455 {strides = array<i32>} : memref<64x6x6x6x64xf32, #tpu.memory_space<vmem>>, vector<64x1x1x1x64xf32>,
    %slice3A_456 = vector.extract_strided_slice %add3A_52 {offsets = [0, 2816], sizes = [64, 64], strides = [1, 1]} : vector<64x4096xf32> to vector<64x64xf32>
    %swap3A_457 = arith.constant 0 : index
    %swap3A_458 = arith.constant 3 : index
    %swap3A_459 = arith.constant 4 : index
    %swap3A_460 = arith.constant 1 : index
    %swap3A_461 = arith.constant 0 : index
    %swap3A_462 = vector.load %arg12[%swap3A_457, %swap3A_458, %swap3A_459, %swap3A_460, %swap3A_461] : memref<64x6x6x6x64xf32, #tpu.memory_space<vmem>>, vector<64x1x1x1x64xf32>
    %swap3A_463 = vector.shape_cast %swap3A_462 : vector<64x1x1x1x64xf32> to vector<64x64xf32>
    %swap3A_464 = vector.shape_cast %slice3A_456 : vector<64x64xf32> to vector<64x1x1x1x64xf32>
    tpu.vector_store %arg12[%swap3A_457, %swap3A_458, %swap3A_459, %swap3A_460, %swap3A_461], %swap3A_464 {strides = array<i32>} : memref<64x6x6x6x64xf32, #tpu.memory_space<vmem>>, vector<64x1x1x1x64xf32>,
    %slice3A_465 = vector.extract_strided_slice %add3A_52 {offsets = [0, 2880], sizes = [64, 64], strides = [1, 1]} : vector<64x4096xf32> to vector<64x64xf32>
    %swap3A_466 = arith.constant 0 : index
    %swap3A_467 = arith.constant 3 : index
    %swap3A_468 = arith.constant 4 : index
    %swap3A_469 = arith.constant 2 : index
    %swap3A_470 = arith.constant 0 : index
    %swap3A_471 = vector.load %arg12[%swap3A_466, %swap3A_467, %swap3A_468, %swap3A_469, %swap3A_470] : memref<64x6x6x6x64xf32, #tpu.memory_space<vmem>>, vector<64x1x1x1x64xf32>
    %swap3A_472 = vector.shape_cast %swap3A_471 : vector<64x1x1x1x64xf32> to vector<64x64xf32>
    %swap3A_473 = vector.shape_cast %slice3A_465 : vector<64x64xf32> to vector<64x1x1x1x64xf32>
    tpu.vector_store %arg12[%swap3A_466, %swap3A_467, %swap3A_468, %swap3A_469, %swap3A_470], %swap3A_473 {strides = array<i32>} : memref<64x6x6x6x64xf32, #tpu.memory_space<vmem>>, vector<64x1x1x1x64xf32>,
    %slice3A_474 = vector.extract_strided_slice %add3A_52 {offsets = [0, 2944], sizes = [64, 64], strides = [1, 1]} : vector<64x4096xf32> to vector<64x64xf32>
    %swap3A_475 = arith.constant 0 : index
    %swap3A_476 = arith.constant 3 : index
    %swap3A_477 = arith.constant 4 : index
    %swap3A_478 = arith.constant 3 : index
    %swap3A_479 = arith.constant 0 : index
    %swap3A_480 = vector.load %arg12[%swap3A_475, %swap3A_476, %swap3A_477, %swap3A_478, %swap3A_479] : memref<64x6x6x6x64xf32, #tpu.memory_space<vmem>>, vector<64x1x1x1x64xf32>
    %swap3A_481 = vector.shape_cast %swap3A_480 : vector<64x1x1x1x64xf32> to vector<64x64xf32>
    %swap3A_482 = vector.shape_cast %slice3A_474 : vector<64x64xf32> to vector<64x1x1x1x64xf32>
    tpu.vector_store %arg12[%swap3A_475, %swap3A_476, %swap3A_477, %swap3A_478, %swap3A_479], %swap3A_482 {strides = array<i32>} : memref<64x6x6x6x64xf32, #tpu.memory_space<vmem>>, vector<64x1x1x1x64xf32>,
    %slice3A_483 = vector.extract_strided_slice %add3A_52 {offsets = [0, 3008], sizes = [64, 64], strides = [1, 1]} : vector<64x4096xf32> to vector<64x64xf32>
    %swap3A_484 = arith.constant 0 : index
    %swap3A_485 = arith.constant 3 : index
    %swap3A_486 = arith.constant 4 : index
    %swap3A_487 = arith.constant 4 : index
    %swap3A_488 = arith.constant 0 : index
    %swap3A_489 = vector.load %arg12[%swap3A_484, %swap3A_485, %swap3A_486, %swap3A_487, %swap3A_488] : memref<64x6x6x6x64xf32, #tpu.memory_space<vmem>>, vector<64x1x1x1x64xf32>
    %swap3A_490 = vector.shape_cast %swap3A_489 : vector<64x1x1x1x64xf32> to vector<64x64xf32>
    %swap3A_491 = vector.shape_cast %slice3A_483 : vector<64x64xf32> to vector<64x1x1x1x64xf32>
    tpu.vector_store %arg12[%swap3A_484, %swap3A_485, %swap3A_486, %swap3A_487, %swap3A_488], %swap3A_491 {strides = array<i32>} : memref<64x6x6x6x64xf32, #tpu.memory_space<vmem>>, vector<64x1x1x1x64xf32>,
    %slice3A_492 = vector.extract_strided_slice %add3A_52 {offsets = [0, 3072], sizes = [64, 64], strides = [1, 1]} : vector<64x4096xf32> to vector<64x64xf32>
    %swap3A_493 = arith.constant 0 : index
    %swap3A_494 = arith.constant 4 : index
    %swap3A_495 = arith.constant 1 : index
    %swap3A_496 = arith.constant 1 : index
    %swap3A_497 = arith.constant 0 : index
    %swap3A_498 = vector.load %arg12[%swap3A_493, %swap3A_494, %swap3A_495, %swap3A_496, %swap3A_497] : memref<64x6x6x6x64xf32, #tpu.memory_space<vmem>>, vector<64x1x1x1x64xf32>
    %swap3A_499 = vector.shape_cast %swap3A_498 : vector<64x1x1x1x64xf32> to vector<64x64xf32>
    %swap3A_500 = vector.shape_cast %slice3A_492 : vector<64x64xf32> to vector<64x1x1x1x64xf32>
    tpu.vector_store %arg12[%swap3A_493, %swap3A_494, %swap3A_495, %swap3A_496, %swap3A_497], %swap3A_500 {strides = array<i32>} : memref<64x6x6x6x64xf32, #tpu.memory_space<vmem>>, vector<64x1x1x1x64xf32>,
    %slice3A_501 = vector.extract_strided_slice %add3A_52 {offsets = [0, 3136], sizes = [64, 64], strides = [1, 1]} : vector<64x4096xf32> to vector<64x64xf32>
    %swap3A_502 = arith.constant 0 : index
    %swap3A_503 = arith.constant 4 : index
    %swap3A_504 = arith.constant 1 : index
    %swap3A_505 = arith.constant 2 : index
    %swap3A_506 = arith.constant 0 : index
    %swap3A_507 = vector.load %arg12[%swap3A_502, %swap3A_503, %swap3A_504, %swap3A_505, %swap3A_506] : memref<64x6x6x6x64xf32, #tpu.memory_space<vmem>>, vector<64x1x1x1x64xf32>
    %swap3A_508 = vector.shape_cast %swap3A_507 : vector<64x1x1x1x64xf32> to vector<64x64xf32>
    %swap3A_509 = vector.shape_cast %slice3A_501 : vector<64x64xf32> to vector<64x1x1x1x64xf32>
    tpu.vector_store %arg12[%swap3A_502, %swap3A_503, %swap3A_504, %swap3A_505, %swap3A_506], %swap3A_509 {strides = array<i32>} : memref<64x6x6x6x64xf32, #tpu.memory_space<vmem>>, vector<64x1x1x1x64xf32>,
    %slice3A_510 = vector.extract_strided_slice %add3A_52 {offsets = [0, 3200], sizes = [64, 64], strides = [1, 1]} : vector<64x4096xf32> to vector<64x64xf32>
    %swap3A_511 = arith.constant 0 : index
    %swap3A_512 = arith.constant 4 : index
    %swap3A_513 = arith.constant 1 : index
    %swap3A_514 = arith.constant 3 : index
    %swap3A_515 = arith.constant 0 : index
    %swap3A_516 = vector.load %arg12[%swap3A_511, %swap3A_512, %swap3A_513, %swap3A_514, %swap3A_515] : memref<64x6x6x6x64xf32, #tpu.memory_space<vmem>>, vector<64x1x1x1x64xf32>
    %swap3A_517 = vector.shape_cast %swap3A_516 : vector<64x1x1x1x64xf32> to vector<64x64xf32>
    %swap3A_518 = vector.shape_cast %slice3A_510 : vector<64x64xf32> to vector<64x1x1x1x64xf32>
    tpu.vector_store %arg12[%swap3A_511, %swap3A_512, %swap3A_513, %swap3A_514, %swap3A_515], %swap3A_518 {strides = array<i32>} : memref<64x6x6x6x64xf32, #tpu.memory_space<vmem>>, vector<64x1x1x1x64xf32>,
    %slice3A_519 = vector.extract_strided_slice %add3A_52 {offsets = [0, 3264], sizes = [64, 64], strides = [1, 1]} : vector<64x4096xf32> to vector<64x64xf32>
    %swap3A_520 = arith.constant 0 : index
    %swap3A_521 = arith.constant 4 : index
    %swap3A_522 = arith.constant 1 : index
    %swap3A_523 = arith.constant 4 : index
    %swap3A_524 = arith.constant 0 : index
    %swap3A_525 = vector.load %arg12[%swap3A_520, %swap3A_521, %swap3A_522, %swap3A_523, %swap3A_524] : memref<64x6x6x6x64xf32, #tpu.memory_space<vmem>>, vector<64x1x1x1x64xf32>
    %swap3A_526 = vector.shape_cast %swap3A_525 : vector<64x1x1x1x64xf32> to vector<64x64xf32>
    %swap3A_527 = vector.shape_cast %slice3A_519 : vector<64x64xf32> to vector<64x1x1x1x64xf32>
    tpu.vector_store %arg12[%swap3A_520, %swap3A_521, %swap3A_522, %swap3A_523, %swap3A_524], %swap3A_527 {strides = array<i32>} : memref<64x6x6x6x64xf32, #tpu.memory_space<vmem>>, vector<64x1x1x1x64xf32>,
    %slice3A_528 = vector.extract_strided_slice %add3A_52 {offsets = [0, 3328], sizes = [64, 64], strides = [1, 1]} : vector<64x4096xf32> to vector<64x64xf32>
    %swap3A_529 = arith.constant 0 : index
    %swap3A_530 = arith.constant 4 : index
    %swap3A_531 = arith.constant 2 : index
    %swap3A_532 = arith.constant 1 : index
    %swap3A_533 = arith.constant 0 : index
    %swap3A_534 = vector.load %arg12[%swap3A_529, %swap3A_530, %swap3A_531, %swap3A_532, %swap3A_533] : memref<64x6x6x6x64xf32, #tpu.memory_space<vmem>>, vector<64x1x1x1x64xf32>
    %swap3A_535 = vector.shape_cast %swap3A_534 : vector<64x1x1x1x64xf32> to vector<64x64xf32>
    %swap3A_536 = vector.shape_cast %slice3A_528 : vector<64x64xf32> to vector<64x1x1x1x64xf32>
    tpu.vector_store %arg12[%swap3A_529, %swap3A_530, %swap3A_531, %swap3A_532, %swap3A_533], %swap3A_536 {strides = array<i32>} : memref<64x6x6x6x64xf32, #tpu.memory_space<vmem>>, vector<64x1x1x1x64xf32>,
    %slice3A_537 = vector.extract_strided_slice %add3A_52 {offsets = [0, 3392], sizes = [64, 64], strides = [1, 1]} : vector<64x4096xf32> to vector<64x64xf32>
    %swap3A_538 = arith.constant 0 : index
    %swap3A_539 = arith.constant 4 : index
    %swap3A_540 = arith.constant 2 : index
    %swap3A_541 = arith.constant 2 : index
    %swap3A_542 = arith.constant 0 : index
    %swap3A_543 = vector.load %arg12[%swap3A_538, %swap3A_539, %swap3A_540, %swap3A_541, %swap3A_542] : memref<64x6x6x6x64xf32, #tpu.memory_space<vmem>>, vector<64x1x1x1x64xf32>
    %swap3A_544 = vector.shape_cast %swap3A_543 : vector<64x1x1x1x64xf32> to vector<64x64xf32>
    %swap3A_545 = vector.shape_cast %slice3A_537 : vector<64x64xf32> to vector<64x1x1x1x64xf32>
    tpu.vector_store %arg12[%swap3A_538, %swap3A_539, %swap3A_540, %swap3A_541, %swap3A_542], %swap3A_545 {strides = array<i32>} : memref<64x6x6x6x64xf32, #tpu.memory_space<vmem>>, vector<64x1x1x1x64xf32>,
    %slice3A_546 = vector.extract_strided_slice %add3A_52 {offsets = [0, 3456], sizes = [64, 64], strides = [1, 1]} : vector<64x4096xf32> to vector<64x64xf32>
    %swap3A_547 = arith.constant 0 : index
    %swap3A_548 = arith.constant 4 : index
    %swap3A_549 = arith.constant 2 : index
    %swap3A_550 = arith.constant 3 : index
    %swap3A_551 = arith.constant 0 : index
    %swap3A_552 = vector.load %arg12[%swap3A_547, %swap3A_548, %swap3A_549, %swap3A_550, %swap3A_551] : memref<64x6x6x6x64xf32, #tpu.memory_space<vmem>>, vector<64x1x1x1x64xf32>
    %swap3A_553 = vector.shape_cast %swap3A_552 : vector<64x1x1x1x64xf32> to vector<64x64xf32>
    %swap3A_554 = vector.shape_cast %slice3A_546 : vector<64x64xf32> to vector<64x1x1x1x64xf32>
    tpu.vector_store %arg12[%swap3A_547, %swap3A_548, %swap3A_549, %swap3A_550, %swap3A_551], %swap3A_554 {strides = array<i32>} : memref<64x6x6x6x64xf32, #tpu.memory_space<vmem>>, vector<64x1x1x1x64xf32>,
    %slice3A_555 = vector.extract_strided_slice %add3A_52 {offsets = [0, 3520], sizes = [64, 64], strides = [1, 1]} : vector<64x4096xf32> to vector<64x64xf32>
    %swap3A_556 = arith.constant 0 : index
    %swap3A_557 = arith.constant 4 : index
    %swap3A_558 = arith.constant 2 : index
    %swap3A_559 = arith.constant 4 : index
    %swap3A_560 = arith.constant 0 : index
    %swap3A_561 = vector.load %arg12[%swap3A_556, %swap3A_557, %swap3A_558, %swap3A_559, %swap3A_560] : memref<64x6x6x6x64xf32, #tpu.memory_space<vmem>>, vector<64x1x1x1x64xf32>
    %swap3A_562 = vector.shape_cast %swap3A_561 : vector<64x1x1x1x64xf32> to vector<64x64xf32>
    %swap3A_563 = vector.shape_cast %slice3A_555 : vector<64x64xf32> to vector<64x1x1x1x64xf32>
    tpu.vector_store %arg12[%swap3A_556, %swap3A_557, %swap3A_558, %swap3A_559, %swap3A_560], %swap3A_563 {strides = array<i32>} : memref<64x6x6x6x64xf32, #tpu.memory_space<vmem>>, vector<64x1x1x1x64xf32>,
    %slice3A_564 = vector.extract_strided_slice %add3A_52 {offsets = [0, 3584], sizes = [64, 64], strides = [1, 1]} : vector<64x4096xf32> to vector<64x64xf32>
    %swap3A_565 = arith.constant 0 : index
    %swap3A_566 = arith.constant 4 : index
    %swap3A_567 = arith.constant 3 : index
    %swap3A_568 = arith.constant 1 : index
    %swap3A_569 = arith.constant 0 : index
    %swap3A_570 = vector.load %arg12[%swap3A_565, %swap3A_566, %swap3A_567, %swap3A_568, %swap3A_569] : memref<64x6x6x6x64xf32, #tpu.memory_space<vmem>>, vector<64x1x1x1x64xf32>
    %swap3A_571 = vector.shape_cast %swap3A_570 : vector<64x1x1x1x64xf32> to vector<64x64xf32>
    %swap3A_572 = vector.shape_cast %slice3A_564 : vector<64x64xf32> to vector<64x1x1x1x64xf32>
    tpu.vector_store %arg12[%swap3A_565, %swap3A_566, %swap3A_567, %swap3A_568, %swap3A_569], %swap3A_572 {strides = array<i32>} : memref<64x6x6x6x64xf32, #tpu.memory_space<vmem>>, vector<64x1x1x1x64xf32>,
    %slice3A_573 = vector.extract_strided_slice %add3A_52 {offsets = [0, 3648], sizes = [64, 64], strides = [1, 1]} : vector<64x4096xf32> to vector<64x64xf32>
    %swap3A_574 = arith.constant 0 : index
    %swap3A_575 = arith.constant 4 : index
    %swap3A_576 = arith.constant 3 : index
    %swap3A_577 = arith.constant 2 : index
    %swap3A_578 = arith.constant 0 : index
    %swap3A_579 = vector.load %arg12[%swap3A_574, %swap3A_575, %swap3A_576, %swap3A_577, %swap3A_578] : memref<64x6x6x6x64xf32, #tpu.memory_space<vmem>>, vector<64x1x1x1x64xf32>
    %swap3A_580 = vector.shape_cast %swap3A_579 : vector<64x1x1x1x64xf32> to vector<64x64xf32>
    %swap3A_581 = vector.shape_cast %slice3A_573 : vector<64x64xf32> to vector<64x1x1x1x64xf32>
    tpu.vector_store %arg12[%swap3A_574, %swap3A_575, %swap3A_576, %swap3A_577, %swap3A_578], %swap3A_581 {strides = array<i32>} : memref<64x6x6x6x64xf32, #tpu.memory_space<vmem>>, vector<64x1x1x1x64xf32>,
    %slice3A_582 = vector.extract_strided_slice %add3A_52 {offsets = [0, 3712], sizes = [64, 64], strides = [1, 1]} : vector<64x4096xf32> to vector<64x64xf32>
    %swap3A_583 = arith.constant 0 : index
    %swap3A_584 = arith.constant 4 : index
    %swap3A_585 = arith.constant 3 : index
    %swap3A_586 = arith.constant 3 : index
    %swap3A_587 = arith.constant 0 : index
    %swap3A_588 = vector.load %arg12[%swap3A_583, %swap3A_584, %swap3A_585, %swap3A_586, %swap3A_587] : memref<64x6x6x6x64xf32, #tpu.memory_space<vmem>>, vector<64x1x1x1x64xf32>
    %swap3A_589 = vector.shape_cast %swap3A_588 : vector<64x1x1x1x64xf32> to vector<64x64xf32>
    %swap3A_590 = vector.shape_cast %slice3A_582 : vector<64x64xf32> to vector<64x1x1x1x64xf32>
    tpu.vector_store %arg12[%swap3A_583, %swap3A_584, %swap3A_585, %swap3A_586, %swap3A_587], %swap3A_590 {strides = array<i32>} : memref<64x6x6x6x64xf32, #tpu.memory_space<vmem>>, vector<64x1x1x1x64xf32>,
    %slice3A_591 = vector.extract_strided_slice %add3A_52 {offsets = [0, 3776], sizes = [64, 64], strides = [1, 1]} : vector<64x4096xf32> to vector<64x64xf32>
    %swap3A_592 = arith.constant 0 : index
    %swap3A_593 = arith.constant 4 : index
    %swap3A_594 = arith.constant 3 : index
    %swap3A_595 = arith.constant 4 : index
    %swap3A_596 = arith.constant 0 : index
    %swap3A_597 = vector.load %arg12[%swap3A_592, %swap3A_593, %swap3A_594, %swap3A_595, %swap3A_596] : memref<64x6x6x6x64xf32, #tpu.memory_space<vmem>>, vector<64x1x1x1x64xf32>
    %swap3A_598 = vector.shape_cast %swap3A_597 : vector<64x1x1x1x64xf32> to vector<64x64xf32>
    %swap3A_599 = vector.shape_cast %slice3A_591 : vector<64x64xf32> to vector<64x1x1x1x64xf32>
    tpu.vector_store %arg12[%swap3A_592, %swap3A_593, %swap3A_594, %swap3A_595, %swap3A_596], %swap3A_599 {strides = array<i32>} : memref<64x6x6x6x64xf32, #tpu.memory_space<vmem>>, vector<64x1x1x1x64xf32>,
    %slice3A_600 = vector.extract_strided_slice %add3A_52 {offsets = [0, 3840], sizes = [64, 64], strides = [1, 1]} : vector<64x4096xf32> to vector<64x64xf32>
    %swap3A_601 = arith.constant 0 : index
    %swap3A_602 = arith.constant 4 : index
    %swap3A_603 = arith.constant 4 : index
    %swap3A_604 = arith.constant 1 : index
    %swap3A_605 = arith.constant 0 : index
    %swap3A_606 = vector.load %arg12[%swap3A_601, %swap3A_602, %swap3A_603, %swap3A_604, %swap3A_605] : memref<64x6x6x6x64xf32, #tpu.memory_space<vmem>>, vector<64x1x1x1x64xf32>
    %swap3A_607 = vector.shape_cast %swap3A_606 : vector<64x1x1x1x64xf32> to vector<64x64xf32>
    %swap3A_608 = vector.shape_cast %slice3A_600 : vector<64x64xf32> to vector<64x1x1x1x64xf32>
    tpu.vector_store %arg12[%swap3A_601, %swap3A_602, %swap3A_603, %swap3A_604, %swap3A_605], %swap3A_608 {strides = array<i32>} : memref<64x6x6x6x64xf32, #tpu.memory_space<vmem>>, vector<64x1x1x1x64xf32>,
    %slice3A_609 = vector.extract_strided_slice %add3A_52 {offsets = [0, 3904], sizes = [64, 64], strides = [1, 1]} : vector<64x4096xf32> to vector<64x64xf32>
    %swap3A_610 = arith.constant 0 : index
    %swap3A_611 = arith.constant 4 : index
    %swap3A_612 = arith.constant 4 : index
    %swap3A_613 = arith.constant 2 : index
    %swap3A_614 = arith.constant 0 : index
    %swap3A_615 = vector.load %arg12[%swap3A_610, %swap3A_611, %swap3A_612, %swap3A_613, %swap3A_614] : memref<64x6x6x6x64xf32, #tpu.memory_space<vmem>>, vector<64x1x1x1x64xf32>
    %swap3A_616 = vector.shape_cast %swap3A_615 : vector<64x1x1x1x64xf32> to vector<64x64xf32>
    %swap3A_617 = vector.shape_cast %slice3A_609 : vector<64x64xf32> to vector<64x1x1x1x64xf32>
    tpu.vector_store %arg12[%swap3A_610, %swap3A_611, %swap3A_612, %swap3A_613, %swap3A_614], %swap3A_617 {strides = array<i32>} : memref<64x6x6x6x64xf32, #tpu.memory_space<vmem>>, vector<64x1x1x1x64xf32>,
    %slice3A_618 = vector.extract_strided_slice %add3A_52 {offsets = [0, 3968], sizes = [64, 64], strides = [1, 1]} : vector<64x4096xf32> to vector<64x64xf32>
    %swap3A_619 = arith.constant 0 : index
    %swap3A_620 = arith.constant 4 : index
    %swap3A_621 = arith.constant 4 : index
    %swap3A_622 = arith.constant 3 : index
    %swap3A_623 = arith.constant 0 : index
    %swap3A_624 = vector.load %arg12[%swap3A_619, %swap3A_620, %swap3A_621, %swap3A_622, %swap3A_623] : memref<64x6x6x6x64xf32, #tpu.memory_space<vmem>>, vector<64x1x1x1x64xf32>
    %swap3A_625 = vector.shape_cast %swap3A_624 : vector<64x1x1x1x64xf32> to vector<64x64xf32>
    %swap3A_626 = vector.shape_cast %slice3A_618 : vector<64x64xf32> to vector<64x1x1x1x64xf32>
    tpu.vector_store %arg12[%swap3A_619, %swap3A_620, %swap3A_621, %swap3A_622, %swap3A_623], %swap3A_626 {strides = array<i32>} : memref<64x6x6x6x64xf32, #tpu.memory_space<vmem>>, vector<64x1x1x1x64xf32>,
    %slice3A_627 = vector.extract_strided_slice %add3A_52 {offsets = [0, 4032], sizes = [64, 64], strides = [1, 1]} : vector<64x4096xf32> to vector<64x64xf32>
    %swap3A_628 = arith.constant 0 : index
    %swap3A_629 = arith.constant 4 : index
    %swap3A_630 = arith.constant 4 : index
    %swap3A_631 = arith.constant 4 : index
    %swap3A_632 = arith.constant 0 : index
    %swap3A_633 = vector.load %arg12[%swap3A_628, %swap3A_629, %swap3A_630, %swap3A_631, %swap3A_632] : memref<64x6x6x6x64xf32, #tpu.memory_space<vmem>>, vector<64x1x1x1x64xf32>
    %swap3A_634 = vector.shape_cast %swap3A_633 : vector<64x1x1x1x64xf32> to vector<64x64xf32>
    %swap3A_635 = vector.shape_cast %slice3A_627 : vector<64x64xf32> to vector<64x1x1x1x64xf32>
    tpu.vector_store %arg12[%swap3A_628, %swap3A_629, %swap3A_630, %swap3A_631, %swap3A_632], %swap3A_635 {strides = array<i32>} : memref<64x6x6x6x64xf32, #tpu.memory_space<vmem>>, vector<64x1x1x1x64xf32>,
    %get3A_636 = arith.constant 0 : index
    %get3A_637 = arith.constant 1 : index
    %get3A_638 = arith.constant 1 : index
    %get3A_639 = arith.constant 0 : index
    %get3A_640 = arith.constant 0 : index
    %get3A_641 = vector.load %arg12[%get3A_636, %get3A_637, %get3A_638, %get3A_639, %get3A_640] : memref<64x6x6x6x64xf32, #tpu.memory_space<vmem>>, vector<64x4x4x6x64xf32>
    %reshape3A = vector.shape_cast %get3A_641 : vector<64x4x4x6x64xf32> to vector<1024x384xf32>
    %get3A_642 = arith.constant 0 : index
    %get3A_643 = arith.constant 0 : index
    %get3A_644 = arith.constant 0 : index
    %get3A_645 = vector.load %arg8[%get3A_642, %get3A_643, %get3A_644] : memref<16x384x256xf32, #tpu.memory_space<vmem>>, vector<1x384x256xf32>
    %get3A_646 = vector.shape_cast %get3A_645 : vector<1x384x256xf32> to vector<384x256xf32>
    %dot_general3A_647 = arith.constant dense<0.000000e+00> : vector<1024x256xf32>
    %dot_general3A_648 = tpu.matmul %reshape3A, %get3A_646, %dot_general3A_647 {dimension_numbers = #tpu.dot_dimension_numbers<[1], [0], [0], [1], [0, 0, 1, 1], [], []>, transpose_lhs_hint = false} : vector<1024x384xf32>, vector<384x256xf32>, vector<1024x256xf32> -> vector<1024x256xf32>
    %get3A_649 = arith.constant 0 : index
    %get3A_650 = arith.constant 1 : index
    %get3A_651 = arith.constant 0 : index
    %get3A_652 = arith.constant 0 : index
    %get3A_653 = arith.constant 0 : index
    %get3A_654 = vector.load %arg12[%get3A_649, %get3A_650, %get3A_651, %get3A_652, %get3A_653] : memref<64x6x6x6x64xf32, #tpu.memory_space<vmem>>, vector<64x4x4x6x64xf32>
    %reshape3A_655 = vector.shape_cast %get3A_654 : vector<64x4x4x6x64xf32> to vector<1024x384xf32>
    %get3A_656 = arith.constant 1 : index
    %get3A_657 = arith.constant 0 : index
    %get3A_658 = arith.constant 0 : index
    %get3A_659 = vector.load %arg8[%get3A_656, %get3A_657, %get3A_658] : memref<16x384x256xf32, #tpu.memory_space<vmem>>, vector<1x384x256xf32>
    %get3A_660 = vector.shape_cast %get3A_659 : vector<1x384x256xf32> to vector<384x256xf32>
    %dot_general3A_661 = arith.constant dense<0.000000e+00> : vector<1024x256xf32>
    %dot_general3A_662 = tpu.matmul %reshape3A_655, %get3A_660, %dot_general3A_661 {dimension_numbers = #tpu.dot_dimension_numbers<[1], [0], [0], [1], [0, 0, 1, 1], [], []>, transpose_lhs_hint = false} : vector<1024x384xf32>, vector<384x256xf32>, vector<1024x256xf32> -> vector<1024x256xf32>
    %add3A_663 = arith.addf %dot_general3A_648, %dot_general3A_662 : vector<1024x256xf32>
    %get3A_664 = arith.constant 0 : index
    %get3A_665 = arith.constant 0 : index
    %get3A_666 = arith.constant 1 : index
    %get3A_667 = arith.constant 0 : index
    %get3A_668 = arith.constant 0 : index
    %get3A_669 = vector.load %arg12[%get3A_664, %get3A_665, %get3A_666, %get3A_667, %get3A_668] : memref<64x6x6x6x64xf32, #tpu.memory_space<vmem>>, vector<64x4x4x6x64xf32>
    %reshape3A_670 = vector.shape_cast %get3A_669 : vector<64x4x4x6x64xf32> to vector<1024x384xf32>
    %get3A_671 = arith.constant 2 : index
    %get3A_672 = arith.constant 0 : index
    %get3A_673 = arith.constant 0 : index
    %get3A_674 = vector.load %arg8[%get3A_671, %get3A_672, %get3A_673] : memref<16x384x256xf32, #tpu.memory_space<vmem>>, vector<1x384x256xf32>
    %get3A_675 = vector.shape_cast %get3A_674 : vector<1x384x256xf32> to vector<384x256xf32>
    %dot_general3A_676 = arith.constant dense<0.000000e+00> : vector<1024x256xf32>
    %dot_general3A_677 = tpu.matmul %reshape3A_670, %get3A_675, %dot_general3A_676 {dimension_numbers = #tpu.dot_dimension_numbers<[1], [0], [0], [1], [0, 0, 1, 1], [], []>, transpose_lhs_hint = false} : vector<1024x384xf32>, vector<384x256xf32>, vector<1024x256xf32> -> vector<1024x256xf32>
    %add3A_678 = arith.addf %add3A_663, %dot_general3A_677 : vector<1024x256xf32>
    %get3A_679 = arith.constant 0 : index
    %get3A_680 = arith.constant 0 : index
    %get3A_681 = arith.constant 0 : index
    %get3A_682 = arith.constant 0 : index
    %get3A_683 = arith.constant 0 : index
    %get3A_684 = vector.load %arg12[%get3A_679, %get3A_680, %get3A_681, %get3A_682, %get3A_683] : memref<64x6x6x6x64xf32, #tpu.memory_space<vmem>>, vector<64x4x4x6x64xf32>
    %reshape3A_685 = vector.shape_cast %get3A_684 : vector<64x4x4x6x64xf32> to vector<1024x384xf32>
    %get3A_686 = arith.constant 3 : index
    %get3A_687 = arith.constant 0 : index
    %get3A_688 = arith.constant 0 : index
    %get3A_689 = vector.load %arg8[%get3A_686, %get3A_687, %get3A_688] : memref<16x384x256xf32, #tpu.memory_space<vmem>>, vector<1x384x256xf32>
    %get3A_690 = vector.shape_cast %get3A_689 : vector<1x384x256xf32> to vector<384x256xf32>
    %dot_general3A_691 = arith.constant dense<0.000000e+00> : vector<1024x256xf32>
    %dot_general3A_692 = tpu.matmul %reshape3A_685, %get3A_690, %dot_general3A_691 {dimension_numbers = #tpu.dot_dimension_numbers<[1], [0], [0], [1], [0, 0, 1, 1], [], []>, transpose_lhs_hint = false} : vector<1024x384xf32>, vector<384x256xf32>, vector<1024x256xf32> -> vector<1024x256xf32>
    %add3A_693 = arith.addf %add3A_678, %dot_general3A_692 : vector<1024x256xf32>
    %get3A_694 = arith.constant 0 : index
    %get3A_695 = arith.constant 0 : index
    %get3A_696 = vector.load %arg9[%get3A_694, %get3A_695] : memref<1x256xf32, #tpu.memory_space<vmem>>, vector<1x256xf32>
    %add3A_697 = vector.broadcast %get3A_696 : vector<1x256xf32> to vector<1024x256xf32>
    %add3A_698 = arith.addf %add3A_693, %add3A_697 : vector<1024x256xf32>
    %max3A_699 = arith.constant 0.000000e+00 : f32
    %max3A_700 = vector.broadcast %max3A_699 : f32 to vector<1024x256xf32>
    %max3A_701 = arith.maximumf %add3A_698, %max3A_700 : vector<1024x256xf32>
    %swap3A_702 = arith.constant 0 : index
    %swap3A_703 = arith.constant 0 : index
    %swap3A_704 = arith.constant 0 : index
    %swap3A_705 = vector.load %arg11[%swap3A_702, %swap3A_703, %swap3A_704] : memref<4x1024x256xf32, #tpu.memory_space<vmem>>, vector<1x1024x256xf32>
    %swap3A_706 = vector.shape_cast %swap3A_705 : vector<1x1024x256xf32> to vector<1024x256xf32>
    %swap3A_707 = vector.shape_cast %max3A_701 : vector<1024x256xf32> to vector<1x1024x256xf32>
    tpu.vector_store %arg11[%swap3A_702, %swap3A_703, %swap3A_704], %swap3A_707 {strides = array<i32>} : memref<4x1024x256xf32, #tpu.memory_space<vmem>>, vector<1x1024x256xf32>,
    %get3A_708 = arith.constant 0 : index
    %get3A_709 = arith.constant 1 : index
    %get3A_710 = arith.constant 2 : index
    %get3A_711 = arith.constant 0 : index
    %get3A_712 = arith.constant 0 : index
    %get3A_713 = vector.load %arg12[%get3A_708, %get3A_709, %get3A_710, %get3A_711, %get3A_712] : memref<64x6x6x6x64xf32, #tpu.memory_space<vmem>>, vector<64x4x4x6x64xf32>
    %reshape3A_714 = vector.shape_cast %get3A_713 : vector<64x4x4x6x64xf32> to vector<1024x384xf32>
    %get3A_715 = arith.constant 4 : index
    %get3A_716 = arith.constant 0 : index
    %get3A_717 = arith.constant 0 : index
    %get3A_718 = vector.load %arg8[%get3A_715, %get3A_716, %get3A_717] : memref<16x384x256xf32, #tpu.memory_space<vmem>>, vector<1x384x256xf32>
    %get3A_719 = vector.shape_cast %get3A_718 : vector<1x384x256xf32> to vector<384x256xf32>
    %dot_general3A_720 = arith.constant dense<0.000000e+00> : vector<1024x256xf32>
    %dot_general3A_721 = tpu.matmul %reshape3A_714, %get3A_719, %dot_general3A_720 {dimension_numbers = #tpu.dot_dimension_numbers<[1], [0], [0], [1], [0, 0, 1, 1], [], []>, transpose_lhs_hint = false} : vector<1024x384xf32>, vector<384x256xf32>, vector<1024x256xf32> -> vector<1024x256xf32>
    %get3A_722 = arith.constant 0 : index
    %get3A_723 = arith.constant 1 : index
    %get3A_724 = arith.constant 1 : index
    %get3A_725 = arith.constant 0 : index
    %get3A_726 = arith.constant 0 : index
    %get3A_727 = vector.load %arg12[%get3A_722, %get3A_723, %get3A_724, %get3A_725, %get3A_726] : memref<64x6x6x6x64xf32, #tpu.memory_space<vmem>>, vector<64x4x4x6x64xf32>
    %reshape3A_728 = vector.shape_cast %get3A_727 : vector<64x4x4x6x64xf32> to vector<1024x384xf32>
    %get3A_729 = arith.constant 5 : index
    %get3A_730 = arith.constant 0 : index
    %get3A_731 = arith.constant 0 : index
    %get3A_732 = vector.load %arg8[%get3A_729, %get3A_730, %get3A_731] : memref<16x384x256xf32, #tpu.memory_space<vmem>>, vector<1x384x256xf32>
    %get3A_733 = vector.shape_cast %get3A_732 : vector<1x384x256xf32> to vector<384x256xf32>
    %dot_general3A_734 = arith.constant dense<0.000000e+00> : vector<1024x256xf32>
    %dot_general3A_735 = tpu.matmul %reshape3A_728, %get3A_733, %dot_general3A_734 {dimension_numbers = #tpu.dot_dimension_numbers<[1], [0], [0], [1], [0, 0, 1, 1], [], []>, transpose_lhs_hint = false} : vector<1024x384xf32>, vector<384x256xf32>, vector<1024x256xf32> -> vector<1024x256xf32>
    %add3A_736 = arith.addf %dot_general3A_721, %dot_general3A_735 : vector<1024x256xf32>
    %get3A_737 = arith.constant 0 : index
    %get3A_738 = arith.constant 0 : index
    %get3A_739 = arith.constant 2 : index
    %get3A_740 = arith.constant 0 : index
    %get3A_741 = arith.constant 0 : index
    %get3A_742 = vector.load %arg12[%get3A_737, %get3A_738, %get3A_739, %get3A_740, %get3A_741] : memref<64x6x6x6x64xf32, #tpu.memory_space<vmem>>, vector<64x4x4x6x64xf32>
    %reshape3A_743 = vector.shape_cast %get3A_742 : vector<64x4x4x6x64xf32> to vector<1024x384xf32>
    %get3A_744 = arith.constant 6 : index
    %get3A_745 = arith.constant 0 : index
    %get3A_746 = arith.constant 0 : index
    %get3A_747 = vector.load %arg8[%get3A_744, %get3A_745, %get3A_746] : memref<16x384x256xf32, #tpu.memory_space<vmem>>, vector<1x384x256xf32>
    %get3A_748 = vector.shape_cast %get3A_747 : vector<1x384x256xf32> to vector<384x256xf32>
    %dot_general3A_749 = arith.constant dense<0.000000e+00> : vector<1024x256xf32>
    %dot_general3A_750 = tpu.matmul %reshape3A_743, %get3A_748, %dot_general3A_749 {dimension_numbers = #tpu.dot_dimension_numbers<[1], [0], [0], [1], [0, 0, 1, 1], [], []>, transpose_lhs_hint = false} : vector<1024x384xf32>, vector<384x256xf32>, vector<1024x256xf32> -> vector<1024x256xf32>
    %add3A_751 = arith.addf %add3A_736, %dot_general3A_750 : vector<1024x256xf32>
    %get3A_752 = arith.constant 0 : index
    %get3A_753 = arith.constant 0 : index
    %get3A_754 = arith.constant 1 : index
    %get3A_755 = arith.constant 0 : index
    %get3A_756 = arith.constant 0 : index
    %get3A_757 = vector.load %arg12[%get3A_752, %get3A_753, %get3A_754, %get3A_755, %get3A_756] : memref<64x6x6x6x64xf32, #tpu.memory_space<vmem>>, vector<64x4x4x6x64xf32>
    %reshape3A_758 = vector.shape_cast %get3A_757 : vector<64x4x4x6x64xf32> to vector<1024x384xf32>
    %get3A_759 = arith.constant 7 : index
    %get3A_760 = arith.constant 0 : index
    %get3A_761 = arith.constant 0 : index
    %get3A_762 = vector.load %arg8[%get3A_759, %get3A_760, %get3A_761] : memref<16x384x256xf32, #tpu.memory_space<vmem>>, vector<1x384x256xf32>
    %get3A_763 = vector.shape_cast %get3A_762 : vector<1x384x256xf32> to vector<384x256xf32>
    %dot_general3A_764 = arith.constant dense<0.000000e+00> : vector<1024x256xf32>
    %dot_general3A_765 = tpu.matmul %reshape3A_758, %get3A_763, %dot_general3A_764 {dimension_numbers = #tpu.dot_dimension_numbers<[1], [0], [0], [1], [0, 0, 1, 1], [], []>, transpose_lhs_hint = false} : vector<1024x384xf32>, vector<384x256xf32>, vector<1024x256xf32> -> vector<1024x256xf32>
    %add3A_766 = arith.addf %add3A_751, %dot_general3A_765 : vector<1024x256xf32>
    %get3A_767 = arith.constant 0 : index
    %get3A_768 = arith.constant 0 : index
    %get3A_769 = vector.load %arg9[%get3A_767, %get3A_768] : memref<1x256xf32, #tpu.memory_space<vmem>>, vector<1x256xf32>
    %add3A_770 = vector.broadcast %get3A_769 : vector<1x256xf32> to vector<1024x256xf32>
    %add3A_771 = arith.addf %add3A_766, %add3A_770 : vector<1024x256xf32>
    %max3A_772 = arith.constant 0.000000e+00 : f32
    %max3A_773 = vector.broadcast %max3A_772 : f32 to vector<1024x256xf32>
    %max3A_774 = arith.maximumf %add3A_771, %max3A_773 : vector<1024x256xf32>
    %swap3A_775 = arith.constant 1 : index
    %swap3A_776 = arith.constant 0 : index
    %swap3A_777 = arith.constant 0 : index
    %swap3A_778 = vector.load %arg11[%swap3A_775, %swap3A_776, %swap3A_777] : memref<4x1024x256xf32, #tpu.memory_space<vmem>>, vector<1x1024x256xf32>
    %swap3A_779 = vector.shape_cast %swap3A_778 : vector<1x1024x256xf32> to vector<1024x256xf32>
    %swap3A_780 = vector.shape_cast %max3A_774 : vector<1024x256xf32> to vector<1x1024x256xf32>
    tpu.vector_store %arg11[%swap3A_775, %swap3A_776, %swap3A_777], %swap3A_780 {strides = array<i32>} : memref<4x1024x256xf32, #tpu.memory_space<vmem>>, vector<1x1024x256xf32>,
    %get3A_781 = arith.constant 0 : index
    %get3A_782 = arith.constant 2 : index
    %get3A_783 = arith.constant 1 : index
    %get3A_784 = arith.constant 0 : index
    %get3A_785 = arith.constant 0 : index
    %get3A_786 = vector.load %arg12[%get3A_781, %get3A_782, %get3A_783, %get3A_784, %get3A_785] : memref<64x6x6x6x64xf32, #tpu.memory_space<vmem>>, vector<64x4x4x6x64xf32>
    %reshape3A_787 = vector.shape_cast %get3A_786 : vector<64x4x4x6x64xf32> to vector<1024x384xf32>
    %get3A_788 = arith.constant 8 : index
    %get3A_789 = arith.constant 0 : index
    %get3A_790 = arith.constant 0 : index
    %get3A_791 = vector.load %arg8[%get3A_788, %get3A_789, %get3A_790] : memref<16x384x256xf32, #tpu.memory_space<vmem>>, vector<1x384x256xf32>
    %get3A_792 = vector.shape_cast %get3A_791 : vector<1x384x256xf32> to vector<384x256xf32>
    %dot_general3A_793 = arith.constant dense<0.000000e+00> : vector<1024x256xf32>
    %dot_general3A_794 = tpu.matmul %reshape3A_787, %get3A_792, %dot_general3A_793 {dimension_numbers = #tpu.dot_dimension_numbers<[1], [0], [0], [1], [0, 0, 1, 1], [], []>, transpose_lhs_hint = false} : vector<1024x384xf32>, vector<384x256xf32>, vector<1024x256xf32> -> vector<1024x256xf32>
    %get3A_795 = arith.constant 0 : index
    %get3A_796 = arith.constant 2 : index
    %get3A_797 = arith.constant 0 : index
    %get3A_798 = arith.constant 0 : index
    %get3A_799 = arith.constant 0 : index
    %get3A_800 = vector.load %arg12[%get3A_795, %get3A_796, %get3A_797, %get3A_798, %get3A_799] : memref<64x6x6x6x64xf32, #tpu.memory_space<vmem>>, vector<64x4x4x6x64xf32>
    %reshape3A_801 = vector.shape_cast %get3A_800 : vector<64x4x4x6x64xf32> to vector<1024x384xf32>
    %get3A_802 = arith.constant 9 : index
    %get3A_803 = arith.constant 0 : index
    %get3A_804 = arith.constant 0 : index
    %get3A_805 = vector.load %arg8[%get3A_802, %get3A_803, %get3A_804] : memref<16x384x256xf32, #tpu.memory_space<vmem>>, vector<1x384x256xf32>
    %get3A_806 = vector.shape_cast %get3A_805 : vector<1x384x256xf32> to vector<384x256xf32>
    %dot_general3A_807 = arith.constant dense<0.000000e+00> : vector<1024x256xf32>
    %dot_general3A_808 = tpu.matmul %reshape3A_801, %get3A_806, %dot_general3A_807 {dimension_numbers = #tpu.dot_dimension_numbers<[1], [0], [0], [1], [0, 0, 1, 1], [], []>, transpose_lhs_hint = false} : vector<1024x384xf32>, vector<384x256xf32>, vector<1024x256xf32> -> vector<1024x256xf32>
    %add3A_809 = arith.addf %dot_general3A_794, %dot_general3A_808 : vector<1024x256xf32>
    %get3A_810 = arith.constant 0 : index
    %get3A_811 = arith.constant 1 : index
    %get3A_812 = arith.constant 1 : index
    %get3A_813 = arith.constant 0 : index
    %get3A_814 = arith.constant 0 : index
    %get3A_815 = vector.load %arg12[%get3A_810, %get3A_811, %get3A_812, %get3A_813, %get3A_814] : memref<64x6x6x6x64xf32, #tpu.memory_space<vmem>>, vector<64x4x4x6x64xf32>
    %reshape3A_816 = vector.shape_cast %get3A_815 : vector<64x4x4x6x64xf32> to vector<1024x384xf32>
    %get3A_817 = arith.constant 10 : index
    %get3A_818 = arith.constant 0 : index
    %get3A_819 = arith.constant 0 : index
    %get3A_820 = vector.load %arg8[%get3A_817, %get3A_818, %get3A_819] : memref<16x384x256xf32, #tpu.memory_space<vmem>>, vector<1x384x256xf32>
    %get3A_821 = vector.shape_cast %get3A_820 : vector<1x384x256xf32> to vector<384x256xf32>
    %dot_general3A_822 = arith.constant dense<0.000000e+00> : vector<1024x256xf32>
    %dot_general3A_823 = tpu.matmul %reshape3A_816, %get3A_821, %dot_general3A_822 {dimension_numbers = #tpu.dot_dimension_numbers<[1], [0], [0], [1], [0, 0, 1, 1], [], []>, transpose_lhs_hint = false} : vector<1024x384xf32>, vector<384x256xf32>, vector<1024x256xf32> -> vector<1024x256xf32>
    %add3A_824 = arith.addf %add3A_809, %dot_general3A_823 : vector<1024x256xf32>
    %get3A_825 = arith.constant 0 : index
    %get3A_826 = arith.constant 1 : index
    %get3A_827 = arith.constant 0 : index
    %get3A_828 = arith.constant 0 : index
    %get3A_829 = arith.constant 0 : index
    %get3A_830 = vector.load %arg12[%get3A_825, %get3A_826, %get3A_827, %get3A_828, %get3A_829] : memref<64x6x6x6x64xf32, #tpu.memory_space<vmem>>, vector<64x4x4x6x64xf32>
    %reshape3A_831 = vector.shape_cast %get3A_830 : vector<64x4x4x6x64xf32> to vector<1024x384xf32>
    %get3A_832 = arith.constant 11 : index
    %get3A_833 = arith.constant 0 : index
    %get3A_834 = arith.constant 0 : index
    %get3A_835 = vector.load %arg8[%get3A_832, %get3A_833, %get3A_834] : memref<16x384x256xf32, #tpu.memory_space<vmem>>, vector<1x384x256xf32>
    %get3A_836 = vector.shape_cast %get3A_835 : vector<1x384x256xf32> to vector<384x256xf32>
    %dot_general3A_837 = arith.constant dense<0.000000e+00> : vector<1024x256xf32>
    %dot_general3A_838 = tpu.matmul %reshape3A_831, %get3A_836, %dot_general3A_837 {dimension_numbers = #tpu.dot_dimension_numbers<[1], [0], [0], [1], [0, 0, 1, 1], [], []>, transpose_lhs_hint = false} : vector<1024x384xf32>, vector<384x256xf32>, vector<1024x256xf32> -> vector<1024x256xf32>
    %add3A_839 = arith.addf %add3A_824, %dot_general3A_838 : vector<1024x256xf32>
    %get3A_840 = arith.constant 0 : index
    %get3A_841 = arith.constant 0 : index
    %get3A_842 = vector.load %arg9[%get3A_840, %get3A_841] : memref<1x256xf32, #tpu.memory_space<vmem>>, vector<1x256xf32>
    %add3A_843 = vector.broadcast %get3A_842 : vector<1x256xf32> to vector<1024x256xf32>
    %add3A_844 = arith.addf %add3A_839, %add3A_843 : vector<1024x256xf32>
    %max3A_845 = arith.constant 0.000000e+00 : f32
    %max3A_846 = vector.broadcast %max3A_845 : f32 to vector<1024x256xf32>
    %max3A_847 = arith.maximumf %add3A_844, %max3A_846 : vector<1024x256xf32>
    %swap3A_848 = arith.constant 2 : index
    %swap3A_849 = arith.constant 0 : index
    %swap3A_850 = arith.constant 0 : index
    %swap3A_851 = vector.load %arg11[%swap3A_848, %swap3A_849, %swap3A_850] : memref<4x1024x256xf32, #tpu.memory_space<vmem>>, vector<1x1024x256xf32>
    %swap3A_852 = vector.shape_cast %swap3A_851 : vector<1x1024x256xf32> to vector<1024x256xf32>
    %swap3A_853 = vector.shape_cast %max3A_847 : vector<1024x256xf32> to vector<1x1024x256xf32>
    tpu.vector_store %arg11[%swap3A_848, %swap3A_849, %swap3A_850], %swap3A_853 {strides = array<i32>} : memref<4x1024x256xf32, #tpu.memory_space<vmem>>, vector<1x1024x256xf32>,
    %get3A_854 = arith.constant 0 : index
    %get3A_855 = arith.constant 2 : index
    %get3A_856 = arith.constant 2 : index
    %get3A_857 = arith.constant 0 : index
    %get3A_858 = arith.constant 0 : index
    %get3A_859 = vector.load %arg12[%get3A_854, %get3A_855, %get3A_856, %get3A_857, %get3A_858] : memref<64x6x6x6x64xf32, #tpu.memory_space<vmem>>, vector<64x4x4x6x64xf32>
    %reshape3A_860 = vector.shape_cast %get3A_859 : vector<64x4x4x6x64xf32> to vector<1024x384xf32>
    %get3A_861 = arith.constant 12 : index
    %get3A_862 = arith.constant 0 : index
    %get3A_863 = arith.constant 0 : index
    %get3A_864 = vector.load %arg8[%get3A_861, %get3A_862, %get3A_863] : memref<16x384x256xf32, #tpu.memory_space<vmem>>, vector<1x384x256xf32>
    %get3A_865 = vector.shape_cast %get3A_864 : vector<1x384x256xf32> to vector<384x256xf32>
    %dot_general3A_866 = arith.constant dense<0.000000e+00> : vector<1024x256xf32>
    %dot_general3A_867 = tpu.matmul %reshape3A_860, %get3A_865, %dot_general3A_866 {dimension_numbers = #tpu.dot_dimension_numbers<[1], [0], [0], [1], [0, 0, 1, 1], [], []>, transpose_lhs_hint = false} : vector<1024x384xf32>, vector<384x256xf32>, vector<1024x256xf32> -> vector<1024x256xf32>
    %get3A_868 = arith.constant 0 : index
    %get3A_869 = arith.constant 2 : index
    %get3A_870 = arith.constant 1 : index
    %get3A_871 = arith.constant 0 : index
    %get3A_872 = arith.constant 0 : index
    %get3A_873 = vector.load %arg12[%get3A_868, %get3A_869, %get3A_870, %get3A_871, %get3A_872] : memref<64x6x6x6x64xf32, #tpu.memory_space<vmem>>, vector<64x4x4x6x64xf32>
    %reshape3A_874 = vector.shape_cast %get3A_873 : vector<64x4x4x6x64xf32> to vector<1024x384xf32>
    %get3A_875 = arith.constant 13 : index
    %get3A_876 = arith.constant 0 : index
    %get3A_877 = arith.constant 0 : index
    %get3A_878 = vector.load %arg8[%get3A_875, %get3A_876, %get3A_877] : memref<16x384x256xf32, #tpu.memory_space<vmem>>, vector<1x384x256xf32>
    %get3A_879 = vector.shape_cast %get3A_878 : vector<1x384x256xf32> to vector<384x256xf32>
    %dot_general3A_880 = arith.constant dense<0.000000e+00> : vector<1024x256xf32>
    %dot_general3A_881 = tpu.matmul %reshape3A_874, %get3A_879, %dot_general3A_880 {dimension_numbers = #tpu.dot_dimension_numbers<[1], [0], [0], [1], [0, 0, 1, 1], [], []>, transpose_lhs_hint = false} : vector<1024x384xf32>, vector<384x256xf32>, vector<1024x256xf32> -> vector<1024x256xf32>
    %add3A_882 = arith.addf %dot_general3A_867, %dot_general3A_881 : vector<1024x256xf32>
    %get3A_883 = arith.constant 0 : index
    %get3A_884 = arith.constant 1 : index
    %get3A_885 = arith.constant 2 : index
    %get3A_886 = arith.constant 0 : index
    %get3A_887 = arith.constant 0 : index
    %get3A_888 = vector.load %arg12[%get3A_883, %get3A_884, %get3A_885, %get3A_886, %get3A_887] : memref<64x6x6x6x64xf32, #tpu.memory_space<vmem>>, vector<64x4x4x6x64xf32>
    %reshape3A_889 = vector.shape_cast %get3A_888 : vector<64x4x4x6x64xf32> to vector<1024x384xf32>
    %get3A_890 = arith.constant 14 : index
    %get3A_891 = arith.constant 0 : index
    %get3A_892 = arith.constant 0 : index
    %get3A_893 = vector.load %arg8[%get3A_890, %get3A_891, %get3A_892] : memref<16x384x256xf32, #tpu.memory_space<vmem>>, vector<1x384x256xf32>
    %get3A_894 = vector.shape_cast %get3A_893 : vector<1x384x256xf32> to vector<384x256xf32>
    %dot_general3A_895 = arith.constant dense<0.000000e+00> : vector<1024x256xf32>
    %dot_general3A_896 = tpu.matmul %reshape3A_889, %get3A_894, %dot_general3A_895 {dimension_numbers = #tpu.dot_dimension_numbers<[1], [0], [0], [1], [0, 0, 1, 1], [], []>, transpose_lhs_hint = false} : vector<1024x384xf32>, vector<384x256xf32>, vector<1024x256xf32> -> vector<1024x256xf32>
    %add3A_897 = arith.addf %add3A_882, %dot_general3A_896 : vector<1024x256xf32>
    %get3A_898 = arith.constant 0 : index
    %get3A_899 = arith.constant 1 : index
    %get3A_900 = arith.constant 1 : index
    %get3A_901 = arith.constant 0 : index
    %get3A_902 = arith.constant 0 : index
    %get3A_903 = vector.load %arg12[%get3A_898, %get3A_899, %get3A_900, %get3A_901, %get3A_902] : memref<64x6x6x6x64xf32, #tpu.memory_space<vmem>>, vector<64x4x4x6x64xf32>
    %reshape3A_904 = vector.shape_cast %get3A_903 : vector<64x4x4x6x64xf32> to vector<1024x384xf32>
    %get3A_905 = arith.constant 15 : index
    %get3A_906 = arith.constant 0 : index
    %get3A_907 = arith.constant 0 : index
    %get3A_908 = vector.load %arg8[%get3A_905, %get3A_906, %get3A_907] : memref<16x384x256xf32, #tpu.memory_space<vmem>>, vector<1x384x256xf32>
    %get3A_909 = vector.shape_cast %get3A_908 : vector<1x384x256xf32> to vector<384x256xf32>
    %dot_general3A_910 = arith.constant dense<0.000000e+00> : vector<1024x256xf32>
    %dot_general3A_911 = tpu.matmul %reshape3A_904, %get3A_909, %dot_general3A_910 {dimension_numbers = #tpu.dot_dimension_numbers<[1], [0], [0], [1], [0, 0, 1, 1], [], []>, transpose_lhs_hint = false} : vector<1024x384xf32>, vector<384x256xf32>, vector<1024x256xf32> -> vector<1024x256xf32>
    %add3A_912 = arith.addf %add3A_897, %dot_general3A_911 : vector<1024x256xf32>
    %get3A_913 = arith.constant 0 : index
    %get3A_914 = arith.constant 0 : index
    %get3A_915 = vector.load %arg9[%get3A_913, %get3A_914] : memref<1x256xf32, #tpu.memory_space<vmem>>, vector<1x256xf32>
    %add3A_916 = vector.broadcast %get3A_915 : vector<1x256xf32> to vector<1024x256xf32>
    %add3A_917 = arith.addf %add3A_912, %add3A_916 : vector<1024x256xf32>
    %max3A_918 = arith.constant 0.000000e+00 : f32
    %max3A_919 = vector.broadcast %max3A_918 : f32 to vector<1024x256xf32>
    %max3A_920 = arith.maximumf %add3A_917, %max3A_919 : vector<1024x256xf32>
    %swap3A_921 = arith.constant 3 : index
    %swap3A_922 = arith.constant 0 : index
    %swap3A_923 = arith.constant 0 : index
    %swap3A_924 = vector.load %arg11[%swap3A_921, %swap3A_922, %swap3A_923] : memref<4x1024x256xf32, #tpu.memory_space<vmem>>, vector<1x1024x256xf32>
    %swap3A_925 = vector.shape_cast %swap3A_924 : vector<1x1024x256xf32> to vector<1024x256xf32>
    %swap3A_926 = vector.shape_cast %max3A_920 : vector<1024x256xf32> to vector<1x1024x256xf32>
    tpu.vector_store %arg11[%swap3A_921, %swap3A_922, %swap3A_923], %swap3A_926 {strides = array<i32>} : memref<4x1024x256xf32, #tpu.memory_space<vmem>>, vector<1x1024x256xf32>,
    return
  }
}

module attributes {stable_mosaic.version = 14 : i64} {
  func.func @_c2_body(%arg0: memref<64x10x10x256xf32, #tpu.memory_space<vmem>>, %arg1: memref<4x2560x256xf32, #tpu.memory_space<vmem>>, %arg2: memref<1x1xf32, #tpu.memory_space<vmem>>, %arg3: memref<2x512x256xf32, #tpu.memory_space<vmem>>) attributes {dimension_semantics = [], scalar_prefetch = 0 : i64, scratch_operands = 0 : i64, tpu.core_type = #tpu.core_type<tc>} {
    %get3A = arith.constant 0 : index
    %get3A_0 = arith.constant 1 : index
    %get3A_1 = arith.constant 0 : index
    %get3A_2 = arith.constant 0 : index
    %get3A_3 = vector.load %arg0[%get3A, %get3A_0, %get3A_1, %get3A_2] : memref<64x10x10x256xf32, #tpu.memory_space<vmem>>, vector<64x8x10x256xf32>
    %reshape3A = vector.shape_cast %get3A_3 : vector<64x8x10x256xf32> to vector<512x2560xf32>
    %get3A_4 = arith.constant 0 : index
    %get3A_5 = arith.constant 0 : index
    %get3A_6 = arith.constant 0 : index
    %get3A_7 = vector.load %arg1[%get3A_4, %get3A_5, %get3A_6] : memref<4x2560x256xf32, #tpu.memory_space<vmem>>, vector<1x2560x256xf32>
    %get3A_8 = vector.shape_cast %get3A_7 : vector<1x2560x256xf32> to vector<2560x256xf32>
    %dot_general3A = arith.constant dense<0.000000e+00> : vector<512x256xf32>
    %dot_general3A_9 = tpu.matmul %reshape3A, %get3A_8, %dot_general3A {dimension_numbers = #tpu.dot_dimension_numbers<[1], [0], [0], [1], [0, 0, 1, 1], [], []>, transpose_lhs_hint = false} : vector<512x2560xf32>, vector<2560x256xf32>, vector<512x256xf32> -> vector<512x256xf32>
    %get3A_10 = arith.constant 0 : index
    %get3A_11 = arith.constant 0 : index
    %get3A_12 = arith.constant 0 : index
    %get3A_13 = arith.constant 0 : index
    %get3A_14 = vector.load %arg0[%get3A_10, %get3A_11, %get3A_12, %get3A_13] : memref<64x10x10x256xf32, #tpu.memory_space<vmem>>, vector<64x8x10x256xf32>
    %reshape3A_15 = vector.shape_cast %get3A_14 : vector<64x8x10x256xf32> to vector<512x2560xf32>
    %get3A_16 = arith.constant 1 : index
    %get3A_17 = arith.constant 0 : index
    %get3A_18 = arith.constant 0 : index
    %get3A_19 = vector.load %arg1[%get3A_16, %get3A_17, %get3A_18] : memref<4x2560x256xf32, #tpu.memory_space<vmem>>, vector<1x2560x256xf32>
    %get3A_20 = vector.shape_cast %get3A_19 : vector<1x2560x256xf32> to vector<2560x256xf32>
    %dot_general3A_21 = arith.constant dense<0.000000e+00> : vector<512x256xf32>
    %dot_general3A_22 = tpu.matmul %reshape3A_15, %get3A_20, %dot_general3A_21 {dimension_numbers = #tpu.dot_dimension_numbers<[1], [0], [0], [1], [0, 0, 1, 1], [], []>, transpose_lhs_hint = false} : vector<512x2560xf32>, vector<2560x256xf32>, vector<512x256xf32> -> vector<512x256xf32>
    %add3A = arith.addf %dot_general3A_9, %dot_general3A_22 : vector<512x256xf32>
    %get3A_23 = arith.constant 0 : index
    %get3A_24 = arith.constant 0 : index
    %get3A_25 = vector.load %arg2[%get3A_23, %get3A_24] : memref<1x1xf32, #tpu.memory_space<vmem>>, vector<1x1xf32>
    %add3A_26 = vector.broadcast %get3A_25 : vector<1x1xf32> to vector<512x256xf32>
    %add3A_27 = arith.addf %add3A, %add3A_26 : vector<512x256xf32>
    %max3A = arith.constant 0.000000e+00 : f32
    %max3A_28 = vector.broadcast %max3A : f32 to vector<512x256xf32>
    %max3A_29 = arith.maximumf %add3A_27, %max3A_28 : vector<512x256xf32>
    %abs3A = math.absf %add3A_27 : vector<512x256xf32>
    %neg3A = arith.constant 0.000000e+00 : f32
    %neg3A_30 = vector.broadcast %neg3A : f32 to vector<512x256xf32>
    %neg3A_31 = arith.subf %neg3A_30, %abs3A : vector<512x256xf32>
    %exp3A = math.exp %neg3A_31 : vector<512x256xf32>
    %add3A_32 = arith.constant 1.000000e+00 : f32
    %add3A_33 = vector.broadcast %add3A_32 : f32 to vector<512x256xf32>
    %add3A_34 = arith.addf %add3A_33, %exp3A : vector<512x256xf32>
    %log3A = math.log %add3A_34 : vector<512x256xf32>
    %add3A_35 = arith.addf %max3A_29, %log3A : vector<512x256xf32>
    %swap3A = arith.constant 0 : index
    %swap3A_36 = arith.constant 0 : index
    %swap3A_37 = arith.constant 0 : index
    %swap3A_38 = vector.load %arg3[%swap3A, %swap3A_36, %swap3A_37] : memref<2x512x256xf32, #tpu.memory_space<vmem>>, vector<1x512x256xf32>
    %swap3A_39 = vector.shape_cast %swap3A_38 : vector<1x512x256xf32> to vector<512x256xf32>
    %swap3A_40 = vector.shape_cast %add3A_35 : vector<512x256xf32> to vector<1x512x256xf32>
    tpu.vector_store %arg3[%swap3A, %swap3A_36, %swap3A_37], %swap3A_40 {strides = array<i32>} : memref<2x512x256xf32, #tpu.memory_space<vmem>>, vector<1x512x256xf32>,
    %get3A_41 = arith.constant 0 : index
    %get3A_42 = arith.constant 2 : index
    %get3A_43 = arith.constant 0 : index
    %get3A_44 = arith.constant 0 : index
    %get3A_45 = vector.load %arg0[%get3A_41, %get3A_42, %get3A_43, %get3A_44] : memref<64x10x10x256xf32, #tpu.memory_space<vmem>>, vector<64x8x10x256xf32>
    %reshape3A_46 = vector.shape_cast %get3A_45 : vector<64x8x10x256xf32> to vector<512x2560xf32>
    %get3A_47 = arith.constant 2 : index
    %get3A_48 = arith.constant 0 : index
    %get3A_49 = arith.constant 0 : index
    %get3A_50 = vector.load %arg1[%get3A_47, %get3A_48, %get3A_49] : memref<4x2560x256xf32, #tpu.memory_space<vmem>>, vector<1x2560x256xf32>
    %get3A_51 = vector.shape_cast %get3A_50 : vector<1x2560x256xf32> to vector<2560x256xf32>
    %dot_general3A_52 = arith.constant dense<0.000000e+00> : vector<512x256xf32>
    %dot_general3A_53 = tpu.matmul %reshape3A_46, %get3A_51, %dot_general3A_52 {dimension_numbers = #tpu.dot_dimension_numbers<[1], [0], [0], [1], [0, 0, 1, 1], [], []>, transpose_lhs_hint = false} : vector<512x2560xf32>, vector<2560x256xf32>, vector<512x256xf32> -> vector<512x256xf32>
    %get3A_54 = arith.constant 0 : index
    %get3A_55 = arith.constant 1 : index
    %get3A_56 = arith.constant 0 : index
    %get3A_57 = arith.constant 0 : index
    %get3A_58 = vector.load %arg0[%get3A_54, %get3A_55, %get3A_56, %get3A_57] : memref<64x10x10x256xf32, #tpu.memory_space<vmem>>, vector<64x8x10x256xf32>
    %reshape3A_59 = vector.shape_cast %get3A_58 : vector<64x8x10x256xf32> to vector<512x2560xf32>
    %get3A_60 = arith.constant 3 : index
    %get3A_61 = arith.constant 0 : index
    %get3A_62 = arith.constant 0 : index
    %get3A_63 = vector.load %arg1[%get3A_60, %get3A_61, %get3A_62] : memref<4x2560x256xf32, #tpu.memory_space<vmem>>, vector<1x2560x256xf32>
    %get3A_64 = vector.shape_cast %get3A_63 : vector<1x2560x256xf32> to vector<2560x256xf32>
    %dot_general3A_65 = arith.constant dense<0.000000e+00> : vector<512x256xf32>
    %dot_general3A_66 = tpu.matmul %reshape3A_59, %get3A_64, %dot_general3A_65 {dimension_numbers = #tpu.dot_dimension_numbers<[1], [0], [0], [1], [0, 0, 1, 1], [], []>, transpose_lhs_hint = false} : vector<512x2560xf32>, vector<2560x256xf32>, vector<512x256xf32> -> vector<512x256xf32>
    %add3A_67 = arith.addf %dot_general3A_53, %dot_general3A_66 : vector<512x256xf32>
    %get3A_68 = arith.constant 0 : index
    %get3A_69 = arith.constant 0 : index
    %get3A_70 = vector.load %arg2[%get3A_68, %get3A_69] : memref<1x1xf32, #tpu.memory_space<vmem>>, vector<1x1xf32>
    %add3A_71 = vector.broadcast %get3A_70 : vector<1x1xf32> to vector<512x256xf32>
    %add3A_72 = arith.addf %add3A_67, %add3A_71 : vector<512x256xf32>
    %max3A_73 = arith.constant 0.000000e+00 : f32
    %max3A_74 = vector.broadcast %max3A_73 : f32 to vector<512x256xf32>
    %max3A_75 = arith.maximumf %add3A_72, %max3A_74 : vector<512x256xf32>
    %abs3A_76 = math.absf %add3A_72 : vector<512x256xf32>
    %neg3A_77 = arith.constant 0.000000e+00 : f32
    %neg3A_78 = vector.broadcast %neg3A_77 : f32 to vector<512x256xf32>
    %neg3A_79 = arith.subf %neg3A_78, %abs3A_76 : vector<512x256xf32>
    %exp3A_80 = math.exp %neg3A_79 : vector<512x256xf32>
    %add3A_81 = arith.constant 1.000000e+00 : f32
    %add3A_82 = vector.broadcast %add3A_81 : f32 to vector<512x256xf32>
    %add3A_83 = arith.addf %add3A_82, %exp3A_80 : vector<512x256xf32>
    %log3A_84 = math.log %add3A_83 : vector<512x256xf32>
    %add3A_85 = arith.addf %max3A_75, %log3A_84 : vector<512x256xf32>
    %swap3A_86 = arith.constant 1 : index
    %swap3A_87 = arith.constant 0 : index
    %swap3A_88 = arith.constant 0 : index
    %swap3A_89 = vector.load %arg3[%swap3A_86, %swap3A_87, %swap3A_88] : memref<2x512x256xf32, #tpu.memory_space<vmem>>, vector<1x512x256xf32>
    %swap3A_90 = vector.shape_cast %swap3A_89 : vector<1x512x256xf32> to vector<512x256xf32>
    %swap3A_91 = vector.shape_cast %add3A_85 : vector<512x256xf32> to vector<1x512x256xf32>
    tpu.vector_store %arg3[%swap3A_86, %swap3A_87, %swap3A_88], %swap3A_91 {strides = array<i32>} : memref<2x512x256xf32, #tpu.memory_space<vmem>>, vector<1x512x256xf32>,
    return
  }
}

</mosaic_0001>

<sc_bundles>
// kernel: kernel.14.cloned.1.call-start
scs
__scs_entry_jumppad:
0x0: {  	(pc) =	sbr.rel $0x88, $3  }
0x1: {  	(tag) =	ssettag $0x0;
	lr =	simm.s32 $0x1  }
0x2: {  	[smem:$0x3F90] =	sst lr;
	_ =	strace $0xD0000000  }
0x3: {  	_ = 	snop  }
0x4: {  	_ = 	snop  }
0x5: {  	_ = 	snop  }
0x6: {  	_ = 	snop  }
0x7: {  	_ = 	snop  }
__scs_overlays_trampoline_lowered:
0x8: {  	[smem:$0x3F9F] =	sst s0  }
0x9: {  	[smem:$0x3FA0] =	sst s1  }
0xa: {  	[smem:$0x3FA1] =	sst s2  }
0xb: {  	[smem:$0x3FA2] =	sst s3  }
0xc: {  	[smem:$0x3FA3] =	sst s4  }
0xd: {  	[smem:$0x3FA4] =	sst s5  }
0xe: {  	[smem:$0x3FA5] =	sst s6  }
0xf: {  	[smem:$0x3FA6] =	sst s7  }
0x10: {  	[smem:$0x3FA7] =	sst s8  }
0x11: {  	[smem:$0x3FA8] =	sst s9;
	s0 =	simm.s32 @!p0 $0x0  }
0x12: {  	s1 =	sld [smem:$0x3F8E];
	s0 =	simm.s32 @p0 $0x1  }
0x13: {  	[smem:$0x3FA9] =	sst s0;
	s0 =	simm.s32 @!p1 $0x0  }
0x14: {  	s2 =	sld [smem:$0x3F8D];
	s0 =	simm.s32 @p1 $0x1  }
0x15: {  	[smem:$0x3FAA] =	sst s0;
	s0 =	simm.s32 @!p2 $0x0  }
0x16: {  	s3 =	sld [smem:$0x3FDB];
	s0 =	simm.s32 @p2 $0x1  }
0x17: {  	s4 =	simm.s32 $0x1BF5;
	[smem:$0x3FAC] =	sst s0  }
0x18: {  	s0 =	sld [smem:$0x3F8F];
	_ =	swait.ge [sflag:s4], $0x0  }
0x19: {  	s7 =	sld [smem:$0x3F90]  }
0x1a: {  	s8 =	sadd.s32 $0xFFFFE003, lr  }
0x1b: {  	s9 =	sadd.s32 $0xFFFFFEF7, lr;
	s5 =	simm.s32 $0xFFFFFFFF;
	p2 =	slt.u32 s8, $0xFFFFF086  }
0x1c: {  	p1 =	slt.u32 s9, $0xF7A;
	s5 =	simm.s32 @!p2 $0x0  }
0x1d: {  	s5 =	simm.s32 @p1 $0x1;
	p0 =	seq.s32 s7, s2  }
0x1e: {  	s7 =	smul.u32 @!p0 $0xF7A, s2;
	p2 =	seq.s32 @!p0 s5, $0x0  }
0x1f: {  	s9 =	smul.u32 $0xF7A, s1;
	s8 =	simm.s32 @!p0 $0x1BF5;
	p2 =	por !p2, p0  }
0x20: {  	[sflag:s8] =	ssyncset.s32 @!p0 $0xFFFFF086;
	s6 =	sadd.s32 @!p0 s3, s7;
	s7 =	simm.s32 @!p0 $0x108  }
0x21: {  	s3 =	sadd.s32 s3, s9;
	s6 =	sadd.s32 @!p0 $0x88, s6;
	s7 =	simm.s32 @p2 $0x1082  }
0x22: {  	[simem:s7], [sflag:s8] =	dma.local @!p0 [hbm:s6], $0xF7A  }
0x23: {  	s9 =	sor.u32 $0xD0000000, s2;
	s6 =	simm.s32 $0x108;
	_ =	swait.ge @!p0 [sflag:s8], $0x0  }
0x24: {  	s3 =	sadd.s32 $0x88, s3;
	s6 =	simm.s32 @!p1 $0x1082;
	[sflag:s4] =	ssyncset.s32 $0xFFFFF086  }
0x25: {  	[simem:s6], [sflag:s4] =	dma.local [hbm:s3], $0xF7A  }
0x26: {  	[smem:$0x3F90] =	sst s1;
	(tag) =	ssettag s2;
	_ =	strace s9  }
0x27: {  	s1 =	sld [smem:$0x3FA0]  }
0x28: {  	s2 =	sld [smem:$0x3FA1]  }
0x29: {  	s4 =	sld [smem:$0x3FA3]  }
0x2a: {  	p0 =	seq.s32 s5, $0x0;
	s5 =	sld [smem:$0x3FA4]  }
0x2b: {  	s6 =	sld [smem:$0x3FA5]  }
0x2c: {  	s7 =	sld [smem:$0x3FA6]  }
0x2d: {  	s3 =	simm.s32 $0x108;
	s8 =	sld [smem:$0x3FA7]  }
0x2e: {  	s3 =	simm.s32 @!p0 $0x1082;
	s9 =	sld [smem:$0x3FA8]  }
0x2f: {  	lr =	sadd.s32 s0, s3;
	s0 =	sld [smem:$0x3F9F]  }
0x30: {  	s3 =	sld [smem:$0x3FA2]  }
0x31: {  	[smem:$0x3FAB] =	sst s10  }
0x32: {  	s10 =	sld [smem:$0x3FA9];
	_ =	sdelay $0x3  }
0x33: {  	p0 =	seq.s32 s10, $0x1;
	s10 =	sld [smem:$0x3FAB];
	_ =	sdelay $0x3  }
0x34: {  	[smem:$0x3FAB] =	sst s10  }
0x35: {  	s10 =	sld [smem:$0x3FAA];
	_ =	sdelay $0x3  }
0x36: {  	p1 =	seq.s32 s10, $0x1;
	s10 =	sld [smem:$0x3FAB];
	_ =	sdelay $0x3  }
0x37: {  	[smem:$0x3FAB] =	sst s10  }
0x38: {  	s10 =	sld [smem:$0x3FAC]  }
0x39: {  	_ = 	snop;
	(pc) =	sbr.ind lr, $3  }
0x3a: {  	_ = 	snop  }
0x3b: {  	_ = 	snop  }
0x3c: {  	p2 =	seq.s32 s10, $0x1;
	s10 =	sld [smem:$0x3FAB]  }
0x3d: {  	_ =	shalt  }
0x3e: {  	_ =	shalt  }
0x3f: {  	_ =	shalt  }
0x40: {  	_ =	shalt  }
0x41: {  	_ =	shalt  }
0x42: {  	_ =	shalt  }
0x43: {  	_ =	shalt  }
0x44: {  	_ =	shalt  }
0x45: {  	_ =	shalt  }
0x46: {  	_ =	shalt  }
0x47: {  	_ =	shalt  }
0x48: {  	_ =	shalt  }
0x49: {  	_ =	shalt  }
0x4a: {  	_ =	shalt  }
0x4b: {  	_ =	shalt  }
0x4c: {  	_ =	shalt  }
0x4d: {  	_ =	shalt  }
0x4e: {  	_ =	shalt  }
0x4f: {  	_ =	shalt  }
0x50: {  	_ =	shalt  }
0x51: {  	_ =	shalt  }
0x52: {  	_ =	shalt  }
0x53: {  	_ =	shalt  }
0x54: {  	_ =	shalt  }
0x55: {  	_ =	shalt  }
0x56: {  	_ =	shalt  }
0x57: {  	_ =	shalt  }
0x58: {  	_ =	shalt  }
0x59: {  	_ =	shalt  }
0x5a: {  	_ =	shalt  }
0x5b: {  	_ =	shalt  }
0x5c: {  	_ =	shalt  }
0x5d: {  	_ =	shalt  }
0x5e: {  	_ =	shalt  }
0x5f: {  	_ =	shalt  }
0x60: {  	_ =	shalt  }
0x61: {  	_ =	shalt  }
0x62: {  	_ =	shalt  }
0x63: {  	_ =	shalt  }
0x64: {  	_ =	shalt  }
0x65: {  	_ =	shalt  }
0x66: {  	_ =	shalt  }
0x67: {  	_ =	shalt  }
0x68: {  	_ =	shalt  }
0x69: {  	_ =	shalt  }
0x6a: {  	_ =	shalt  }
0x6b: {  	_ =	shalt  }
0x6c: {  	_ =	shalt  }
0x6d: {  	_ =	shalt  }
0x6e: {  	_ =	shalt  }
0x6f: {  	_ =	shalt  }
0x70: {  	_ =	shalt  }
0x71: {  	_ =	shalt  }
0x72: {  	_ =	shalt  }
0x73: {  	_ =	shalt  }
0x74: {  	_ =	shalt  }
0x75: {  	_ =	shalt  }
0x76: {  	_ =	shalt  }
0x77: {  	_ =	shalt  }
0x78: {  	_ =	shalt  }
0x79: {  	_ =	shalt  }
0x7a: {  	_ =	shalt  }
0x7b: {  	_ =	shalt  }
0x7c: {  	_ =	shalt  }
0x7d: {  	_ =	shalt  }
0x7e: {  	_ =	shalt  }
0x7f: {  	_ =	shalt  }
0x80: {  	_ =	shalt  }
0x81: {  	_ =	shalt  }
0x82: {  	_ =	shalt  }
0x83: {  	_ =	shalt  }
0x84: {  	_ =	shalt  }
0x85: {  	_ =	shalt  }
0x86: {  	_ =	shalt  }
0x87: {  	_ =	shalt  }
.Lfunc_end0:
.L_simem_size_0:
called_computation_lowered:
.L_overlay_start_0:
0x88: {  	s2 =	sld [smem:$0x3FD9]  }
0x89: {  	s3 =	sld [smem:$0x3FFE];
	_ =	sdelay $0x1  }
0x8a: {  	s1 =	srdreg.scid  }
0x8b: {  	s0 =	sand.u32 $0x1, s1  }
0x8c: {  	s14 =	sshll.u32 s0, $0xA;
	s2 =	sadd.s32 s3, s2  }
0x8d: {  	s2 =	sadd.s32 s2, s14  }
0x8e: {  	[smem:$0x3FB7] =	sst s2  }
0x8f: {  	_ = 	snop  }
0x90: {  	s2 =	sld [smem:$0x3FD0];
	_ =	sdelay $0x2  }
0x91: {  	s15 =	simm.s32 $0xA;
	s4 =	simm.s32 $0x10  }
0x92: {  	[smem:s4], [sflag:s15] =	dma.local [hbm:s2], $0x1  }
0x93: {  	_ =	swait.eq [sflag:s15], $0x1  }
0x94: {  	[sflag:s15] =	ssyncset.done $0x0  }
0x95: {  	[sflag:s15] =	ssyncadd.s32 $0xFFFFFFFF  }
0x96: {  	s16 =	sld [smem:$0x10];
	(tm) =	ssettm $0x1  }
0x97: {  	s17 =	sld [smem:$0x3FFB];
	_ =	sdelay $0x3  }
0x98: {  	_ =	strace s17  }
0x99: {  	s3 =	sld [smem:$0x3FFC];
	_ =	sdelay $0x3  }
0x9a: {  	_ =	strace s3  }
0x9b: {  	s3 =	sld [smem:$0x3FFD];
	_ =	sdelay $0x3  }
0x9c: {  	_ =	strace s3  }
0x9d: {  	_ =	strace $0x8FFFFFFF  }
0x9e: {  	s18 =	sld [smem:$0x3FDB];
	_ =	sdelay $0x1  }
0x9f: {  	s19 =	simm.s32 $_scs_section_size  }
0xa0: {  	s5 =	simm.s32 $_size__tile_overlayer_lowered;
	s6 =	simm.s32 $_tile_overlayer_lowered  }
0xa1: {  	s22 =	simm.s32 $0x1BFF;
	s21 =	sshll.u32 s6, $0x1;
	s3 =	sadd.s32 s19, s18  }
0xa2: {  	s7 =	simm.s32 $0x0;
	s20 =	sshll.u32 s5, $0x1;
	s5 =	sadd.s32 s21, s3  }
0xa3: {  	[timem:s7], [sflag:s22] =	dma.local [hbm:s5], s20  }
0xa4: {  	_ =	swait.ge [sflag:s22], s20  }
0xa5: {  	s4 =	ssub.s32 $0x0, s20;
	[sflag:s22] =	ssyncset.done $0x0  }
0xa6: {  	[sflag:s22] =	ssyncadd.s32 s4;
	_ =	sdelay $0x1  }
0xa7: {  	s23 =	simm.s32 $0x1B8B  }
0xa8: {  	_ =	swait.ge [sflag:s23], $0x1  }
0xa9: {  	[sflag:s23] =	ssyncset.done $0x0  }
0xaa: {  	s25 =	simm.s32 $0x1B8E;
	s24 =	sld [smem:$0x3FFE];
	[sflag:s23] =	ssyncadd.s32 $0xFFFFFFFF  }
0xab: {  	s26 =	simm.s32 $execute0_lowered;
	[smem:$0x3FD2] =	sst s25  }
0xac: {  	s5 =	sshll.u32 s26, $0x1;
	_ =	strace $0x80000046;
	[dreg:$0x1] =	wrdreg $0xFFFFFFFF  }
0xad: {  	s28 =	simm.s32 $_size_execute0_lowered;
	s3 =	sadd.s32 s3, s5;
	[dreg:$0x0] =	wrdreg $0x0  }
0xae: {  	s5 =	sshll.u32 s28, $0x1;
	[dreg:$0x2] =	wrdreg s3  }
0xaf: {  	[dreg:$0x3] =	wrdreg s5  }
0xb0: {  	[dreg:$0x4] =	wrdreg $0xC0  }
0xb1: {  	_ =	task [dreg:s7], $0x5FFFF  }
0xb2: {  	[dreg:$0x1] =	wrdreg $0xFFFFFFFF  }
0xb3: {  	[dreg:$0x0] =	wrdreg $0x60  }
0xb4: {  	[dreg:$0x2] =	wrdreg s24  }
0xb5: {  	[dreg:$0x3] =	wrdreg s16  }
0xb6: {  	[dreg:$0x4] =	wrdreg $0x0  }
0xb7: {  	[dreg:$0x5] =	wrdreg $0x9  }
0xb8: {  	_ =	task.clear_ibuf [dreg:s7], $0x6FFFF;
	_ =	strace $0x90000046  }
0xb9: {  	s29 =	simm.s32 $0x9;
	_ =	strace $0x80000048  }
0xba: {  	_ =	swait.ge [sflag:s29], $0x1  }
0xbb: {  	[sflag:s29] =	ssyncadd.s32 $0xFFFFFFFF  }
0xbc: {  	_ =	strace $0x90000048  }
0xbd: {  	_ =	sfence  }
0xbe: {  	s30 =	sld [smem:$0x0];
	_ =	sdelay $0x2  }
0xbf: {  	s31 =	sshll.u32 s1, $0xD;
	s1 =	sshrl.u32 s1, $0x2  }
0xc0: {  	s3 =	sand.u32 $0x4000, s31;
	s1 =	sadd.s32 s1, s30  }
0xc1: {  	s0 =	sor.u32 s3, s0;
	s1 =	sshll.u32 s1, $0x11  }
0xc2: {  	s0 =	sor.u32 s1, s0  }
0xc3: {  	s0 =	sadd.s32 $0x8F2B, s0  }
0xc4: {  	[sflag:s0] =	ssyncadd.remote.s32 $0x1  }
0xc5: {  	_ =	sfence.sel $0xFFFF  }
0xc6: {  	[dreg:$0x0] =	wrdreg $0xFFFFFFFF;
	(pc) =	sbr.abs _section_cstart, $3  }
0xc7: {  	[dreg:$0x1] =	wrdreg $0xFFFFFFFF  }
0xc8: {  	_ =	task.clear_ibuf [dreg:s7], $0x2FFFF;
	_ =	strace $0x9FFFFFFF  }
0xc9: {  	(tm) =	ssettm $0x7FFFFFFF  }
tec
execute0_lowered:
.L_overlay_start_1:
0x0: {  	(tag) =	ssettag $0x1  }
0x1: {  	s5 =	rddreg [dreg:$0x0]  }
0x2: {  	s0 =	srdreg.scid;
	s9 =	rddreg [dreg:$0x1]  }
0x3: {  	s2 =	rddreg [dreg:$0x2];
	s3 =	simm.s32 $0x0;
	s15 =	simm.s32 $0x80  }
0x4: {  	s16 =	simm.s32 $0x8F80;
	s4 =	sand.u32 $0x1, s0;
	s0 =	stileid.u32  }
0x5: {  	s17 =	simm.s32 $0x0;
	[smem:$0x7FF] =	sst s3;
	s26 =	smul.u32 $0xA000, s0  }
0x6: {  	s1 =	sshll.u32 s4, $0x4;
	s28 =	ssub.s32 $0x2, s4;
	s10 =	smul.u32 $0x2800, s0  }
0x7: {  	s13 =	smul.u32 $0x28000, s4;
	s4 =	sadd.s32 $0x22200, s5;
	s30 =	sshll.u32 s0, $0x6  }
0x8: {  	s11 =	sor.u32 s0, s1;
	s1 =	rddreg [dreg:$0x3];
	_ =	strace $0x80000047  }
0x9: {  	s12 =	sshrl.u32 s28, $0x1;
	s6 =	smul.u32 $0x4E, s11;
	s7 =	smin.u32 s11, $0x4  }
0xa: {  	s12 =	ssub.s32 s28, s12;
	s29 =	sshrl.u32 s10, $0x3;
	s31 =	sadd.s32 s10, s13  }
0xb: {  	v0 =	vlaneseq.u32;
	p0 =	sgt.u32 s11, $0x3;
	s13 =	simm.s32 $0x2800;
	s10 =	sshrl.u32 s31, $0x3  }
.Ltmp0:
0xc: {  	v0 =	vmul.u32 $0x80, v0;
	s6 =	sadd.s32 s7, s6;
	s7 =	sshrl.u32 s26, $0x2;
	(pc) =	sbr.rel .LBB2_1-.Ltmp0, $4  }
0xd: {  	s9 =	sadd.s32 s9, s10;
	s10 =	smax.u32 s12, $0x1;
	s6 =	sshll.u32 s6, $0x4  }
0xe: {  	v1 =	vimm.f32 $1.000000000e+00;
	v9 =	vimm.f32 $0.0e+00;
	v2 =	vor.u32 $0x800, v0;
	s12 =	simm.s32 $0x1;
	s14 =	sadd.s32 s7, s2;
	s8 =	sadd.s32 s6, s5  }
0xf: {  	v3 =	vor.u32 $0x1000, v0;
	v4 =	vor.u32 $0x1800, v0;
	v5 =	vor.u32 $0x2000, v0;
	s5 =	sadd.s32 s4, s29;
	s6 =	sor.u32 $0x1C01, s30;
	s11 =	sshrl.u32 s14, $0x3  }
0x10: {  	v6 =	vor.u32 $0x2800, v0;
	v7 =	vor.u32 $0x3000, v0;
	v8 =	vor.u32 $0x3800, v0;
	s14 =	simm.s32 $0x6800;
	s7 =	sadd.s32 $0x4800, s8;
	s8 =	sadd.s32 $0x4CE0, s8  }
.LBB2_5:
0x11: {  	s17 =	sadd.s32 $0x1, s17  }
0x12: {  	p1 =	sne.s32 s17, s10  }
.Ltmp1:
0x13: {  	[bflag:$0x0] =	sbarrier.arrive $0xFFFF;
	(pc) =	sbr.rel @!p1 .LBB2_6-.Ltmp1, $4  }
0x14: {  	[hbm:s9], [sflag:s6] =	dma.local [spmem:s11], $0x500  }
0x15: {  	_ =	swait.ge [sflag:s12], $0x500  }
0x16: {  	[sflag:s12] =	ssyncset.done $0x0  }
0x17: {  	[sflag:s12] =	ssyncadd.s32 $0xFFFFFB00  }
.LBB2_1:
0x18: {  	[spmem:s11], [sflag:s6] =	dma.local [hbm:s5], $0x500  }
0x19: {  	_ =	swait.ge [sflag:s12], $0x500  }
0x1a: {  	[sflag:s12] =	ssyncset.done $0x0  }
0x1b: {  	[sflag:s12] =	ssyncadd.s32 $0xFFFFFB00  }
0x1c: {  	[tilespmem:s13], [sflag:$0x1] =	stream.linear.gather [hbm4b:s4+s3], $0x4000, $0x38;
	[tilespmem:$0x9000] =	vst v63  }
0x1d: {  	_ =	swait.ge [sflag:s12], $0x4000  }
0x1e: {  	[sflag:s12] =	ssyncset.done $0x0  }
0x1f: {  	[sflag:s12] =	ssyncadd.s32 $0xFFFFC000  }
0x20: {  	[tilespmem:s14], [sflag:$0x1] =	stream.linear.gather [hbm4b:s7+s3], $0x2700, $0x38;
	[tilespmem:$0x9000] =	vst v63  }
0x21: {  	_ =	swait.ge [sflag:s12], $0x2700  }
0x22: {  	[sflag:s12] =	ssyncset.done $0x0  }
0x23: {  	s18 =	simm.s32 @!p0 $0x0;
	s19 =	simm.s32 @!p0 $0x8F00;
	[sflag:s12] =	ssyncadd.s32 $0xFFFFD900  }
0x24: {  	[tilespmem:s19], [sflag:$0x1] =	stream.linear.gather @!p0 [hbm4b:s8+s18], $0x80, $0x38;
	[tilespmem:$0x9000] =	vst v63  }
0x25: {  	s18 =	simm.s32 @!p0 $0x1  }
0x26: {  	_ =	swait.ge @!p0 [sflag:s18], $0x80  }
0x27: {  	[sflag:s18] =	ssyncset.done @!p0 $0x0  }
0x28: {  	[sflag:s18] =	ssyncadd.s32 @!p0 $0xFFFFFF80  }
0x29: {  	s18 =	simm.s32 $0x0;
	[bflag:$0x0] =	sbarrier.arrive $0xFFFF  }
.LBB2_2:
0x2a: {  	s19 =	sshra.s32 s18, $0x2  }
0x2b: {  	v10 =	vld [tilespmem:s19+$0x6800];
	_ =	sdelay $0x4  }
0x2c: {  	v11 =	vshll.u32 v10, $0x4  }
0x2d: {  	v11 =	vand.u32 $0x70, v11  }
0x2e: {  	v11 =	vor.u32 v0, v11;
	_ =	sdelay $0x4  }
0x2f: {  	v10 =	vshrl.u32 v10, $0x3;
	[tilespmem:v11+s13+$0x0] =	vst.idx.msk $0xffff, v1  }
0x30: {  	[tilespmem:$0x8F80] =	vst v10  }
0x31: {  	v10 =	vld [tilespmem:s19+$0x6810];
	_ =	sdelay $0x4  }
0x32: {  	v11 =	vshll.u32 v10, $0x4  }
0x33: {  	v11 =	vand.u32 $0x70, v11  }
0x34: {  	v11 =	vor.u32 v2, v11;
	_ =	sdelay $0x4  }
0x35: {  	v10 =	vshrl.u32 v10, $0x3;
	[tilespmem:v11+s13+$0x0] =	vst.idx.msk $0xffff, v1  }
0x36: {  	[tilespmem:$0x8F90] =	vst v10  }
0x37: {  	v10 =	vld [tilespmem:s19+$0x6820];
	_ =	sdelay $0x4  }
0x38: {  	v11 =	vshll.u32 v10, $0x4  }
0x39: {  	v11 =	vand.u32 $0x70, v11  }
0x3a: {  	v11 =	vor.u32 v3, v11;
	_ =	sdelay $0x4  }
0x3b: {  	v10 =	vshrl.u32 v10, $0x3;
	[tilespmem:v11+s13+$0x0] =	vst.idx.msk $0xffff, v1  }
0x3c: {  	[tilespmem:$0x8FA0] =	vst v10  }
0x3d: {  	v10 =	vld [tilespmem:s19+$0x6830];
	_ =	sdelay $0x4  }
0x3e: {  	v11 =	vshll.u32 v10, $0x4  }
0x3f: {  	v11 =	vand.u32 $0x70, v11  }
0x40: {  	v11 =	vor.u32 v4, v11;
	_ =	sdelay $0x4  }
0x41: {  	v10 =	vshrl.u32 v10, $0x3;
	[tilespmem:v11+s13+$0x0] =	vst.idx.msk $0xffff, v1  }
0x42: {  	[tilespmem:$0x8FB0] =	vst v10  }
0x43: {  	v10 =	vld [tilespmem:s19+$0x6840];
	_ =	sdelay $0x4  }
0x44: {  	v11 =	vshll.u32 v10, $0x4  }
0x45: {  	v11 =	vand.u32 $0x70, v11  }
0x46: {  	v11 =	vor.u32 v5, v11;
	_ =	sdelay $0x4  }
0x47: {  	v10 =	vshrl.u32 v10, $0x3;
	[tilespmem:v11+s13+$0x0] =	vst.idx.msk $0xffff, v1  }
0x48: {  	[tilespmem:$0x8FC0] =	vst v10  }
0x49: {  	v10 =	vld [tilespmem:s19+$0x6850];
	_ =	sdelay $0x4  }
0x4a: {  	v11 =	vshll.u32 v10, $0x4  }
0x4b: {  	v11 =	vand.u32 $0x70, v11  }
0x4c: {  	v11 =	vor.u32 v6, v11;
	_ =	sdelay $0x4  }
0x4d: {  	v10 =	vshrl.u32 v10, $0x3;
	[tilespmem:v11+s13+$0x0] =	vst.idx.msk $0xffff, v1  }
0x4e: {  	[tilespmem:$0x8FD0] =	vst v10  }
0x4f: {  	v10 =	vld [tilespmem:s19+$0x6860];
	_ =	sdelay $0x4  }
0x50: {  	v11 =	vshll.u32 v10, $0x4  }
0x51: {  	v11 =	vand.u32 $0x70, v11  }
0x52: {  	v11 =	vor.u32 v7, v11;
	_ =	sdelay $0x4  }
0x53: {  	v10 =	vshrl.u32 v10, $0x3;
	[tilespmem:v11+s13+$0x0] =	vst.idx.msk $0xffff, v1  }
0x54: {  	[tilespmem:$0x8FE0] =	vst v10  }
0x55: {  	v10 =	vld [tilespmem:s19+$0x6870];
	_ =	sdelay $0x4  }
0x56: {  	v11 =	vshll.u32 v10, $0x4  }
0x57: {  	v11 =	vand.u32 $0x70, v11  }
0x58: {  	v11 =	vor.u32 v8, v11;
	_ =	sdelay $0x4  }
0x59: {  	v10 =	vshrl.u32 v10, $0x3;
	[tilespmem:v11+s13+$0x0] =	vst.idx.msk $0xffff, v1  }
0x5a: {  	[tilespmem:$0x8FF0] =	vst v10  }
0x5b: {  	[spmem:s2] =	stream.indirect.scatter.add.f32 [tilespmem:s13], [sflag:$0x1], $0x80, s16, s15, $0xb8;
	[tilespmem:$0x9000] =	vst v63  }
0x5c: {  	_ =	swait.ge [sflag:s12], $0x4000  }
0x5d: {  	[sflag:s12] =	ssyncset.done $0x0  }
0x5e: {  	[sflag:s12] =	ssyncadd.s32 $0xFFFFC000  }
0x5f: {  	v10 =	vld [tilespmem:s19+$0x6800];
	_ =	sdelay $0x4  }
0x60: {  	v10 =	vshll.u32 v10, $0x4  }
0x61: {  	v10 =	vand.u32 $0x70, v10  }
0x62: {  	v10 =	vor.u32 v0, v10;
	_ =	sdelay $0x4  }
0x63: {  	[tilespmem:v10+s13+$0x0] =	vst.idx.msk $0xffff, v9  }
0x64: {  	v10 =	vld [tilespmem:s19+$0x6810];
	_ =	sdelay $0x4  }
0x65: {  	v10 =	vshll.u32 v10, $0x4  }
0x66: {  	v10 =	vand.u32 $0x70, v10  }
0x67: {  	v10 =	vor.u32 v2, v10;
	_ =	sdelay $0x4  }
0x68: {  	[tilespmem:v10+s13+$0x0] =	vst.idx.msk $0xffff, v9  }
0x69: {  	v10 =	vld [tilespmem:s19+$0x6820];
	_ =	sdelay $0x4  }
0x6a: {  	v10 =	vshll.u32 v10, $0x4  }
0x6b: {  	v10 =	vand.u32 $0x70, v10  }
0x6c: {  	v10 =	vor.u32 v3, v10;
	_ =	sdelay $0x4  }
0x6d: {  	[tilespmem:v10+s13+$0x0] =	vst.idx.msk $0xffff, v9  }
0x6e: {  	v10 =	vld [tilespmem:s19+$0x6830];
	_ =	sdelay $0x4  }
0x6f: {  	v10 =	vshll.u32 v10, $0x4  }
0x70: {  	v10 =	vand.u32 $0x70, v10  }
0x71: {  	v10 =	vor.u32 v4, v10;
	_ =	sdelay $0x4  }
0x72: {  	[tilespmem:v10+s13+$0x0] =	vst.idx.msk $0xffff, v9  }
0x73: {  	v10 =	vld [tilespmem:s19+$0x6840];
	_ =	sdelay $0x4  }
0x74: {  	v10 =	vshll.u32 v10, $0x4  }
0x75: {  	v10 =	vand.u32 $0x70, v10  }
0x76: {  	v10 =	vor.u32 v5, v10;
	_ =	sdelay $0x4  }
0x77: {  	[tilespmem:v10+s13+$0x0] =	vst.idx.msk $0xffff, v9  }
0x78: {  	v10 =	vld [tilespmem:s19+$0x6850];
	_ =	sdelay $0x4  }
0x79: {  	v10 =	vshll.u32 v10, $0x4  }
0x7a: {  	v10 =	vand.u32 $0x70, v10  }
0x7b: {  	v10 =	vor.u32 v6, v10;
	_ =	sdelay $0x4  }
0x7c: {  	[tilespmem:v10+s13+$0x0] =	vst.idx.msk $0xffff, v9  }
0x7d: {  	v10 =	vld [tilespmem:s19+$0x6860];
	_ =	sdelay $0x4  }
0x7e: {  	v10 =	vshll.u32 v10, $0x4  }
0x7f: {  	v10 =	vand.u32 $0x70, v10  }
0x80: {  	v10 =	vor.u32 v7, v10;
	_ =	sdelay $0x4  }
0x81: {  	[tilespmem:v10+s13+$0x0] =	vst.idx.msk $0xffff, v9  }
0x82: {  	v10 =	vld [tilespmem:s19+$0x6870];
	_ =	sdelay $0x4  }
0x83: {  	v10 =	vshll.u32 v10, $0x4  }
0x84: {  	v10 =	vand.u32 $0x70, v10  }
0x85: {  	p1 =	sne.s32 s18, $0x9A00;
	v10 =	vor.u32 v8, v10  }
.Ltmp2:
0x86: {  	_ = 	snop;
	(pc) =	sbr.rel @p1 .LBB2_2-.Ltmp2, $2  }
0x87: {  	_ =	sdelay $0x2  }
0x88: {  	s18 =	sadd.s32 $0x200, s18;
	[tilespmem:v10+s13+$0x0] =	vst.idx.msk $0xffff, v9  }
.Ltmp3:
0x89: {  	(pc) =	sbr.rel @p0 .LBB2_5-.Ltmp3, $1  }
0x8a: {  	_ =	sdelay $0x3  }
0x8b: {  	v10 =	vld [tilespmem:$0x8F00];
	_ =	sdelay $0x4  }
0x8c: {  	v11 =	vshll.u32 v10, $0x4  }
0x8d: {  	v11 =	vand.u32 $0x70, v11  }
0x8e: {  	v11 =	vor.u32 v0, v11;
	_ =	sdelay $0x4  }
0x8f: {  	[tilespmem:v11+s13+$0x0] =	vst.idx.msk $0xffff, v1  }
0x90: {  	v11 =	vld [tilespmem:$0x8F10];
	_ =	sdelay $0x4  }
0x91: {  	v12 =	vshll.u32 v11, $0x4  }
0x92: {  	v12 =	vand.u32 $0x70, v12  }
0x93: {  	v12 =	vor.u32 v2, v12;
	_ =	sdelay $0x2  }
0x94: {  	v10 =	vshrl.u32 v10, $0x3  }
0x95: {  	[tilespmem:$0x8F80] =	vst v10  }
0x96: {  	[tilespmem:v12+s13+$0x0] =	vst.idx.msk $0xffff, v1  }
0x97: {  	v10 =	vld [tilespmem:$0x8F20];
	_ =	sdelay $0x4  }
0x98: {  	v58 =	vshll.u32 v10, $0x4  }
0x99: {  	v12 =	vand.u32 $0x70, v58  }
0x9a: {  	v12 =	vor.u32 v3, v12;
	_ =	sdelay $0x2  }
0x9b: {  	v11 =	vshrl.u32 v11, $0x3  }
0x9c: {  	[tilespmem:$0x8F90] =	vst v11  }
0x9d: {  	[tilespmem:v12+s13+$0x0] =	vst.idx.msk $0xffff, v1  }
0x9e: {  	v11 =	vld [tilespmem:$0x8F30];
	_ =	sdelay $0x4  }
0x9f: {  	v59 =	vshll.u32 v11, $0x4  }
0xa0: {  	v12 =	vand.u32 $0x70, v59  }
0xa1: {  	v12 =	vor.u32 v4, v12;
	_ =	sdelay $0x2  }
0xa2: {  	v10 =	vshrl.u32 v10, $0x3  }
0xa3: {  	[tilespmem:$0x8FA0] =	vst v10  }
0xa4: {  	[tilespmem:v12+s13+$0x0] =	vst.idx.msk $0xffff, v1  }
0xa5: {  	v10 =	vld [tilespmem:$0x8F40];
	_ =	sdelay $0x4  }
0xa6: {  	v60 =	vshll.u32 v10, $0x4  }
0xa7: {  	v12 =	vand.u32 $0x70, v60  }
0xa8: {  	v12 =	vor.u32 v5, v12;
	_ =	sdelay $0x2  }
0xa9: {  	v11 =	vshrl.u32 v11, $0x3  }
0xaa: {  	[tilespmem:$0x8FB0] =	vst v11  }
0xab: {  	[tilespmem:v12+s13+$0x0] =	vst.idx.msk $0xffff, v1  }
0xac: {  	v11 =	vld [tilespmem:$0x8F50];
	_ =	sdelay $0x4  }
0xad: {  	v61 =	vshll.u32 v11, $0x4  }
0xae: {  	v12 =	vand.u32 $0x70, v61  }
0xaf: {  	v12 =	vor.u32 v6, v12;
	_ =	sdelay $0x2  }
0xb0: {  	v10 =	vshrl.u32 v10, $0x3  }
0xb1: {  	[tilespmem:$0x8FC0] =	vst v10  }
0xb2: {  	[tilespmem:v12+s13+$0x0] =	vst.idx.msk $0xffff, v1  }
0xb3: {  	v10 =	vld [tilespmem:$0x8F60];
	_ =	sdelay $0x4  }
0xb4: {  	v62 =	vshll.u32 v10, $0x4  }
0xb5: {  	v12 =	vand.u32 $0x70, v62  }
0xb6: {  	v12 =	vor.u32 v7, v12;
	_ =	sdelay $0x2  }
0xb7: {  	v11 =	vshrl.u32 v11, $0x3  }
0xb8: {  	[tilespmem:$0x8FD0] =	vst v11  }
0xb9: {  	[tilespmem:v12+s13+$0x0] =	vst.idx.msk $0xffff, v1  }
0xba: {  	v11 =	vld [tilespmem:$0x8F70];
	_ =	sdelay $0x4  }
0xbb: {  	v63 =	vshll.u32 v11, $0x4  }
0xbc: {  	v12 =	vand.u32 $0x70, v63  }
0xbd: {  	v12 =	vor.u32 v8, v12;
	_ =	sdelay $0x2  }
0xbe: {  	v10 =	vshrl.u32 v10, $0x3  }
0xbf: {  	[tilespmem:$0x8FE0] =	vst v10  }
0xc0: {  	v10 =	vshrl.u32 v11, $0x3;
	[tilespmem:v12+s13+$0x0] =	vst.idx.msk $0xffff, v1  }
0xc1: {  	[tilespmem:$0x8FF0] =	vst v10  }
0xc2: {  	[spmem:s2] =	stream.indirect.scatter.add.f32 [tilespmem:s13], [sflag:$0x1], $0x80, s16, s15, $0xb8;
	[tilespmem:$0x9000] =	vst v63  }
0xc3: {  	_ =	swait.ge [sflag:s12], $0x4000  }
0xc4: {  	[sflag:s12] =	ssyncset.done $0x0  }
0xc5: {  	[sflag:s12] =	ssyncadd.s32 $0xFFFFC000  }
0xc6: {  	v10 =	vld [tilespmem:$0x8F00];
	_ =	sdelay $0x4  }
0xc7: {  	v10 =	vshll.u32 v10, $0x4  }
0xc8: {  	v10 =	vand.u32 $0x70, v10  }
0xc9: {  	v10 =	vor.u32 v0, v10;
	_ =	sdelay $0x4  }
0xca: {  	[tilespmem:v10+s13+$0x0] =	vst.idx.msk $0xffff, v9  }
0xcb: {  	v10 =	vld [tilespmem:$0x8F10];
	_ =	sdelay $0x4  }
0xcc: {  	v10 =	vshll.u32 v10, $0x4  }
0xcd: {  	v10 =	vand.u32 $0x70, v10  }
0xce: {  	v10 =	vor.u32 v2, v10;
	_ =	sdelay $0x4  }
0xcf: {  	[tilespmem:v10+s13+$0x0] =	vst.idx.msk $0xffff, v9  }
0xd0: {  	v10 =	vld [tilespmem:$0x8F20];
	_ =	sdelay $0x4  }
0xd1: {  	v10 =	vshll.u32 v10, $0x4  }
0xd2: {  	v10 =	vand.u32 $0x70, v10  }
0xd3: {  	v10 =	vor.u32 v3, v10;
	_ =	sdelay $0x4  }
0xd4: {  	[tilespmem:v10+s13+$0x0] =	vst.idx.msk $0xffff, v9  }
0xd5: {  	v10 =	vld [tilespmem:$0x8F30];
	_ =	sdelay $0x4  }
0xd6: {  	v10 =	vshll.u32 v10, $0x4  }
0xd7: {  	v10 =	vand.u32 $0x70, v10  }
0xd8: {  	v10 =	vor.u32 v4, v10;
	_ =	sdelay $0x4  }
0xd9: {  	[tilespmem:v10+s13+$0x0] =	vst.idx.msk $0xffff, v9  }
0xda: {  	v10 =	vld [tilespmem:$0x8F40];
	_ =	sdelay $0x4  }
0xdb: {  	v10 =	vshll.u32 v10, $0x4  }
0xdc: {  	v10 =	vand.u32 $0x70, v10  }
0xdd: {  	v10 =	vor.u32 v5, v10;
	_ =	sdelay $0x4  }
0xde: {  	[tilespmem:v10+s13+$0x0] =	vst.idx.msk $0xffff, v9  }
0xdf: {  	v10 =	vld [tilespmem:$0x8F50];
	_ =	sdelay $0x4  }
0xe0: {  	v10 =	vshll.u32 v10, $0x4  }
0xe1: {  	v10 =	vand.u32 $0x70, v10  }
0xe2: {  	v10 =	vor.u32 v6, v10;
	_ =	sdelay $0x4  }
0xe3: {  	[tilespmem:v10+s13+$0x0] =	vst.idx.msk $0xffff, v9  }
0xe4: {  	v10 =	vld [tilespmem:$0x8F60];
	_ =	sdelay $0x4  }
0xe5: {  	v10 =	vshll.u32 v10, $0x4  }
0xe6: {  	v10 =	vand.u32 $0x70, v10  }
0xe7: {  	v10 =	vor.u32 v7, v10;
	_ =	sdelay $0x4  }
0xe8: {  	[tilespmem:v10+s13+$0x0] =	vst.idx.msk $0xffff, v9  }
0xe9: {  	v10 =	vld [tilespmem:$0x8F70];
	_ =	sdelay $0x4  }
0xea: {  	v10 =	vshll.u32 v10, $0x4  }
0xeb: {  	v10 =	vand.u32 $0x70, v10  }
0xec: {  	v10 =	vor.u32 v8, v10  }
.Ltmp4:
0xed: {  	_ = 	snop;
	(pc) =	sbr.rel .LBB2_5-.Ltmp4, $2  }
0xee: {  	_ =	sdelay $0x2  }
0xef: {  	[tilespmem:v10+s13+$0x0] =	vst.idx.msk $0xffff, v9  }
.LBB2_6:
0xf0: {  	_ =	sfence.sel $0x180000  }
0xf1: {  	[bflag:$0x0] =	sbarrier.arrive $0xFFFF  }
0xf2: {  	p0 =	sne.s32 s0, $0x0;
	_ =	strace $0x90000047  }
0xf3: {  	s0 =	sadd.s32 @!p0 $0x100000, s1;
	[bflag:$0x2] =	sbarrier.arrive $0xFFFF  }
0xf4: {  	[sflag:s0] =	ssyncadd.tile.s32 @!p0 $0x1;
	_ =	shalt  }
.Lfunc_end2:
_tile_overlayer_lowered:
.L_overlay_start_2:
0xf5: {  	(tag) =	ssettag $0x2  }
0xf6: {  	s0 =	rddreg [dreg:$0x0];
	s2 =	stileid.u32  }
0xf7: {  	s1 =	rddreg [dreg:$0x1];
	p0 =	sne.s32 s2, $0x0  }
0xf8: {  	s3 =	rddreg [dreg:$0x2];
	[bflag:$0x3] =	sbarrier.arrive $0xFFFF;
	s2 =	simm.s32 @!p0 $0x1C01  }
0xf9: {  	[timem:s3], [sflag:s2] =	dma.local @!p0 [hbm:s0], s1  }
0xfa: {  	s0 =	simm.s32 @!p0 $0x1  }
0xfb: {  	_ =	swait.ge @!p0 [sflag:s0], s1  }
0xfc: {  	s1 =	ssub.s32 @!p0 $0x0, s1;
	[sflag:s0] =	ssyncset.done @!p0 $0x0  }
0xfd: {  	[sflag:s0] =	ssyncadd.s32 @!p0 s1  }
0xfe: {  	[bflag:$0x3] =	sbarrier.arrive $0xFFFF  }
0xff: {  	_ =	shalt  }

// kernel: kernel.17.cloned.1.call-start
scs
__scs_entry_jumppad:
0x0: {  	(pc) =	sbr.rel $0x88, $3  }
0x1: {  	(tag) =	ssettag $0x0;
	lr =	simm.s32 $0x1  }
0x2: {  	[smem:$0x3F90] =	sst lr;
	_ =	strace $0xD0000000  }
0x3: {  	_ = 	snop  }
0x4: {  	_ = 	snop  }
0x5: {  	_ = 	snop  }
0x6: {  	_ = 	snop  }
0x7: {  	_ = 	snop  }
__scs_overlays_trampoline_lowered:
0x8: {  	[smem:$0x3F9F] =	sst s0  }
0x9: {  	[smem:$0x3FA0] =	sst s1  }
0xa: {  	[smem:$0x3FA1] =	sst s2  }
0xb: {  	[smem:$0x3FA2] =	sst s3  }
0xc: {  	[smem:$0x3FA3] =	sst s4  }
0xd: {  	[smem:$0x3FA4] =	sst s5  }
0xe: {  	[smem:$0x3FA5] =	sst s6  }
0xf: {  	[smem:$0x3FA6] =	sst s7  }
0x10: {  	[smem:$0x3FA7] =	sst s8  }
0x11: {  	[smem:$0x3FA8] =	sst s9;
	s0 =	simm.s32 @!p0 $0x0  }
0x12: {  	s1 =	sld [smem:$0x3F8E];
	s0 =	simm.s32 @p0 $0x1  }
0x13: {  	[smem:$0x3FA9] =	sst s0;
	s0 =	simm.s32 @!p1 $0x0  }
0x14: {  	s2 =	sld [smem:$0x3F8D];
	s0 =	simm.s32 @p1 $0x1  }
0x15: {  	[smem:$0x3FAA] =	sst s0;
	s0 =	simm.s32 @!p2 $0x0  }
0x16: {  	s3 =	sld [smem:$0x3FDB];
	s0 =	simm.s32 @p2 $0x1  }
0x17: {  	s4 =	simm.s32 $0x1BF5;
	[smem:$0x3FAC] =	sst s0  }
0x18: {  	s0 =	sld [smem:$0x3F8F];
	_ =	swait.ge [sflag:s4], $0x0  }
0x19: {  	s7 =	sld [smem:$0x3F90]  }
0x1a: {  	s8 =	sadd.s32 $0xFFFFE003, lr  }
0x1b: {  	s9 =	sadd.s32 $0xFFFFFEF7, lr;
	s5 =	simm.s32 $0xFFFFFFFF;
	p2 =	slt.u32 s8, $0xFFFFF086  }
0x1c: {  	p1 =	slt.u32 s9, $0xF7A;
	s5 =	simm.s32 @!p2 $0x0  }
0x1d: {  	s5 =	simm.s32 @p1 $0x1;
	p0 =	seq.s32 s7, s2  }
0x1e: {  	s7 =	smul.u32 @!p0 $0xF7A, s2;
	p2 =	seq.s32 @!p0 s5, $0x0  }
0x1f: {  	s9 =	smul.u32 $0xF7A, s1;
	s8 =	simm.s32 @!p0 $0x1BF5;
	p2 =	por !p2, p0  }
0x20: {  	[sflag:s8] =	ssyncset.s32 @!p0 $0xFFFFF086;
	s6 =	sadd.s32 @!p0 s3, s7;
	s7 =	simm.s32 @!p0 $0x108  }
0x21: {  	s3 =	sadd.s32 s3, s9;
	s6 =	sadd.s32 @!p0 $0x88, s6;
	s7 =	simm.s32 @p2 $0x1082  }
0x22: {  	[simem:s7], [sflag:s8] =	dma.local @!p0 [hbm:s6], $0xF7A  }
0x23: {  	s9 =	sor.u32 $0xD0000000, s2;
	s6 =	simm.s32 $0x108;
	_ =	swait.ge @!p0 [sflag:s8], $0x0  }
0x24: {  	s3 =	sadd.s32 $0x88, s3;
	s6 =	simm.s32 @!p1 $0x1082;
	[sflag:s4] =	ssyncset.s32 $0xFFFFF086  }
0x25: {  	[simem:s6], [sflag:s4] =	dma.local [hbm:s3], $0xF7A  }
0x26: {  	[smem:$0x3F90] =	sst s1;
	(tag) =	ssettag s2;
	_ =	strace s9  }
0x27: {  	s1 =	sld [smem:$0x3FA0]  }
0x28: {  	s2 =	sld [smem:$0x3FA1]  }
0x29: {  	s4 =	sld [smem:$0x3FA3]  }
0x2a: {  	p0 =	seq.s32 s5, $0x0;
	s5 =	sld [smem:$0x3FA4]  }
0x2b: {  	s6 =	sld [smem:$0x3FA5]  }
0x2c: {  	s7 =	sld [smem:$0x3FA6]  }
0x2d: {  	s3 =	simm.s32 $0x108;
	s8 =	sld [smem:$0x3FA7]  }
0x2e: {  	s3 =	simm.s32 @!p0 $0x1082;
	s9 =	sld [smem:$0x3FA8]  }
0x2f: {  	lr =	sadd.s32 s0, s3;
	s0 =	sld [smem:$0x3F9F]  }
0x30: {  	s3 =	sld [smem:$0x3FA2]  }
0x31: {  	[smem:$0x3FAB] =	sst s10  }
0x32: {  	s10 =	sld [smem:$0x3FA9];
	_ =	sdelay $0x3  }
0x33: {  	p0 =	seq.s32 s10, $0x1;
	s10 =	sld [smem:$0x3FAB];
	_ =	sdelay $0x3  }
0x34: {  	[smem:$0x3FAB] =	sst s10  }
0x35: {  	s10 =	sld [smem:$0x3FAA];
	_ =	sdelay $0x3  }
0x36: {  	p1 =	seq.s32 s10, $0x1;
	s10 =	sld [smem:$0x3FAB];
	_ =	sdelay $0x3  }
0x37: {  	[smem:$0x3FAB] =	sst s10  }
0x38: {  	s10 =	sld [smem:$0x3FAC]  }
0x39: {  	_ = 	snop;
	(pc) =	sbr.ind lr, $3  }
0x3a: {  	_ = 	snop  }
0x3b: {  	_ = 	snop  }
0x3c: {  	p2 =	seq.s32 s10, $0x1;
	s10 =	sld [smem:$0x3FAB]  }
0x3d: {  	_ =	shalt  }
0x3e: {  	_ =	shalt  }
0x3f: {  	_ =	shalt  }
0x40: {  	_ =	shalt  }
0x41: {  	_ =	shalt  }
0x42: {  	_ =	shalt  }
0x43: {  	_ =	shalt  }
0x44: {  	_ =	shalt  }
0x45: {  	_ =	shalt  }
0x46: {  	_ =	shalt  }
0x47: {  	_ =	shalt  }
0x48: {  	_ =	shalt  }
0x49: {  	_ =	shalt  }
0x4a: {  	_ =	shalt  }
0x4b: {  	_ =	shalt  }
0x4c: {  	_ =	shalt  }
0x4d: {  	_ =	shalt  }
0x4e: {  	_ =	shalt  }
0x4f: {  	_ =	shalt  }
0x50: {  	_ =	shalt  }
0x51: {  	_ =	shalt  }
0x52: {  	_ =	shalt  }
0x53: {  	_ =	shalt  }
0x54: {  	_ =	shalt  }
0x55: {  	_ =	shalt  }
0x56: {  	_ =	shalt  }
0x57: {  	_ =	shalt  }
0x58: {  	_ =	shalt  }
0x59: {  	_ =	shalt  }
0x5a: {  	_ =	shalt  }
0x5b: {  	_ =	shalt  }
0x5c: {  	_ =	shalt  }
0x5d: {  	_ =	shalt  }
0x5e: {  	_ =	shalt  }
0x5f: {  	_ =	shalt  }
0x60: {  	_ =	shalt  }
0x61: {  	_ =	shalt  }
0x62: {  	_ =	shalt  }
0x63: {  	_ =	shalt  }
0x64: {  	_ =	shalt  }
0x65: {  	_ =	shalt  }
0x66: {  	_ =	shalt  }
0x67: {  	_ =	shalt  }
0x68: {  	_ =	shalt  }
0x69: {  	_ =	shalt  }
0x6a: {  	_ =	shalt  }
0x6b: {  	_ =	shalt  }
0x6c: {  	_ =	shalt  }
0x6d: {  	_ =	shalt  }
0x6e: {  	_ =	shalt  }
0x6f: {  	_ =	shalt  }
0x70: {  	_ =	shalt  }
0x71: {  	_ =	shalt  }
0x72: {  	_ =	shalt  }
0x73: {  	_ =	shalt  }
0x74: {  	_ =	shalt  }
0x75: {  	_ =	shalt  }
0x76: {  	_ =	shalt  }
0x77: {  	_ =	shalt  }
0x78: {  	_ =	shalt  }
0x79: {  	_ =	shalt  }
0x7a: {  	_ =	shalt  }
0x7b: {  	_ =	shalt  }
0x7c: {  	_ =	shalt  }
0x7d: {  	_ =	shalt  }
0x7e: {  	_ =	shalt  }
0x7f: {  	_ =	shalt  }
0x80: {  	_ =	shalt  }
0x81: {  	_ =	shalt  }
0x82: {  	_ =	shalt  }
0x83: {  	_ =	shalt  }
0x84: {  	_ =	shalt  }
0x85: {  	_ =	shalt  }
0x86: {  	_ =	shalt  }
0x87: {  	_ =	shalt  }
.Lfunc_end0:
.L_simem_size_0:
called_computation.1_lowered:
.L_overlay_start_0:
0x88: {  	s2 =	sld [smem:$0x3FD9]  }
0x89: {  	s3 =	sld [smem:$0x3FFE];
	_ =	sdelay $0x1  }
0x8a: {  	s1 =	srdreg.scid  }
0x8b: {  	s0 =	sand.u32 $0x1, s1  }
0x8c: {  	s16 =	sshll.u32 s0, $0xA;
	s2 =	sadd.s32 s3, s2  }
0x8d: {  	s2 =	sadd.s32 s2, s16  }
0x8e: {  	[smem:$0x3FB7] =	sst s2  }
0x8f: {  	_ = 	snop  }
0x90: {  	(tm) =	ssettm $0x1  }
0x91: {  	s17 =	sld [smem:$0x3FFB];
	_ =	sdelay $0x3  }
0x92: {  	_ =	strace s17  }
0x93: {  	s2 =	sld [smem:$0x3FFC];
	_ =	sdelay $0x3  }
0x94: {  	_ =	strace s2  }
0x95: {  	s2 =	sld [smem:$0x3FFD];
	_ =	sdelay $0x3  }
0x96: {  	_ =	strace s2  }
0x97: {  	_ =	strace $0x8FFFFFFF  }
0x98: {  	s18 =	sld [smem:$0x3FDB];
	_ =	sdelay $0x1  }
0x99: {  	s19 =	simm.s32 $_scs_section_size  }
0x9a: {  	s4 =	simm.s32 $_size__tile_overlayer_lowered;
	s5 =	simm.s32 $_tile_overlayer_lowered  }
0x9b: {  	s22 =	simm.s32 $0x1BFF;
	s21 =	sshll.u32 s5, $0x1;
	s2 =	sadd.s32 s19, s18  }
0x9c: {  	s6 =	simm.s32 $0x0;
	s20 =	sshll.u32 s4, $0x1;
	s4 =	sadd.s32 s21, s2  }
0x9d: {  	[timem:s6], [sflag:s22] =	dma.local [hbm:s4], s20  }
0x9e: {  	_ =	swait.ge [sflag:s22], s20  }
0x9f: {  	s3 =	ssub.s32 $0x0, s20;
	[sflag:s22] =	ssyncset.done $0x0  }
0xa0: {  	[sflag:s22] =	ssyncadd.s32 s3;
	_ =	sdelay $0x1  }
0xa1: {  	s23 =	simm.s32 $0x1B8B  }
0xa2: {  	_ =	swait.ge [sflag:s23], $0x1  }
0xa3: {  	[sflag:s23] =	ssyncset.done $0x0  }
0xa4: {  	s25 =	simm.s32 $0x1B8E;
	s24 =	sld [smem:$0x3FFE];
	[sflag:s23] =	ssyncadd.s32 $0xFFFFFFFF  }
0xa5: {  	s26 =	simm.s32 $execute0_lowered;
	[smem:$0x3FD2] =	sst s25  }
0xa6: {  	s4 =	sshll.u32 s26, $0x1;
	_ =	strace $0x80000049;
	[dreg:$0x1] =	wrdreg $0xFFFFFFFF  }
0xa7: {  	s28 =	simm.s32 $_size_execute0_lowered;
	s2 =	sadd.s32 s2, s4;
	[dreg:$0x0] =	wrdreg $0x0  }
0xa8: {  	s4 =	sshll.u32 s28, $0x1;
	[dreg:$0x2] =	wrdreg s2  }
0xa9: {  	[dreg:$0x3] =	wrdreg s4  }
0xaa: {  	[dreg:$0x4] =	wrdreg $0xC0  }
0xab: {  	_ =	task [dreg:s6], $0x5FFFF  }
0xac: {  	[dreg:$0x1] =	wrdreg $0xFFFFFFFF  }
0xad: {  	[dreg:$0x0] =	wrdreg $0x60  }
0xae: {  	[dreg:$0x2] =	wrdreg s24  }
0xaf: {  	[dreg:$0x3] =	wrdreg $0x0  }
0xb0: {  	[dreg:$0x4] =	wrdreg $0x9  }
0xb1: {  	_ =	task.clear_ibuf [dreg:s6], $0x5FFFF;
	_ =	strace $0x90000049  }
0xb2: {  	s29 =	simm.s32 $0x9;
	_ =	strace $0x8000004B  }
0xb3: {  	_ =	swait.ge [sflag:s29], $0x1  }
0xb4: {  	[sflag:s29] =	ssyncadd.s32 $0xFFFFFFFF  }
0xb5: {  	_ =	strace $0x9000004B  }
0xb6: {  	_ =	sfence  }
0xb7: {  	s30 =	sld [smem:$0x0];
	_ =	sdelay $0x2  }
0xb8: {  	s31 =	sshll.u32 s1, $0xD;
	s1 =	sshrl.u32 s1, $0x2  }
0xb9: {  	s3 =	sand.u32 $0x4000, s31;
	s1 =	sadd.s32 s1, s30  }
0xba: {  	s0 =	sor.u32 s3, s0;
	s1 =	sshll.u32 s1, $0x11  }
0xbb: {  	s0 =	sor.u32 s1, s0  }
0xbc: {  	s0 =	sadd.s32 $0x8F2B, s0  }
0xbd: {  	[sflag:s0] =	ssyncadd.remote.s32 $0x1  }
0xbe: {  	_ =	sfence.sel $0xFFFF  }
0xbf: {  	[dreg:$0x0] =	wrdreg $0xFFFFFFFF;
	(pc) =	sbr.abs _section_cstart, $3  }
0xc0: {  	[dreg:$0x1] =	wrdreg $0xFFFFFFFF  }
0xc1: {  	_ =	task.clear_ibuf [dreg:s6], $0x2FFFF;
	_ =	strace $0x9FFFFFFF  }
0xc2: {  	(tm) =	ssettm $0x7FFFFFFF  }
0xc3: {  	_ =	shalt  }
tec
execute0_lowered:
.L_overlay_start_1:
0x0: {  	(tag) =	ssettag $0x1  }
0x1: {  	s0 =	rddreg [dreg:$0x0]  }
0x2: {  	s1 =	rddreg [dreg:$0x1];
	s2 =	simm.s32 $0x0  }
0x3: {  	s3 =	srdreg.scid;
	s26 =	stileid.u32;
	s28 =	simm.s32 $0x3  }
0x4: {  	s29 =	simm.s32 $0x2;
	s30 =	simm.s32 $0x4;
	[smem:$0x7FF] =	sst s2  }
0x5: {  	s4 =	sadd.s32 $0x70600, s0;
	s12 =	sadd.s32 $0x22200, s0;
	s6 =	smul.u32 $0x4E000, s26  }
0x6: {  	s5 =	sadd.s32 $0x18400, s0;
	s3 =	sand.u32 $0x1, s3;
	s10 =	smul.u32 $0x2700, s26  }
0x7: {  	s7 =	sadd.s32 $0xE600, s0;
	s0 =	sadd.s32 $0x97800, s0;
	s16 =	smul.u32 $0x13800, s26  }
0x8: {  	s17 =	smul.u32 $0x4E, s26;
	p1 =	seq.s32 s26, $0xF;
	p3 =	sne.s32 s26, $0xF  }
0x9: {  	_ =	strace $0x8000004A;
	s8 =	sshll.u32 s3, $0x4;
	s15 =	smul.u32 $0x138800, s3  }
0xa: {  	s9 =	ssub.s32 $0x2, s3;
	[dreg:$0x3] =	wrdreg s12;
	s24 =	smul.u32 $0x4E0, s3  }
0xb: {  	p0 =	sne.s32 s3, $0x0;
	s20 =	sor.u32 s26, s8;
	s18 =	sshrl.u32 s9, $0x1  }
0xc: {  	s6 =	sshrl.u32 s6, $0x2;
	s19 =	sadd.s32 s12, s10;
	s8 =	sadd.s32 $0x138000, s1  }
0xd: {  	s22 =	sadd.s32 s4, s10;
	s26 =	simm.s32 $0x1;
	s11 =	smul.u32 $0x4E, s20  }
0xe: {  	s9 =	ssub.s32 s9, s18;
	s14 =	smin.u32 s20, $0x4;
	[dreg:$0x5] =	wrdreg s19  }
0xf: {  	s6 =	sadd.s32 s6, s1;
	[dreg:$0x6] =	wrdreg s22;
	s16 =	sadd.s32 s16, s15  }
0x10: {  	s15 =	sshrl.u32 s15, $0x3;
	s19 =	simm.s32 $0x5;
	p2 =	sgt.u32 s20, $0x3  }
0x11: {  	s20 =	simm.s32 $0x1B880;
	s22 =	simm.s32 $0x80;
	[dreg:$0x4] =	wrdreg s6  }
0x12: {  	s25 =	sshrl.u32 s16, $0x3;
	s15 =	sadd.s32 s0, s15;
	s11 =	sadd.s32 s14, s11  }
0x13: {  	s16 =	smax.u32 s9, $0x1;
	s15 =	sadd.s32 $0x27000, s15;
	s21 =	sshll.u32 s11, $0x4  }
0x14: {  	s13 =	sadd.s32 $0x4E0, s21;
	s23 =	sadd.s32 s5, s21;
	s12 =	sadd.s32 s7, s21  }
0x15: {  	s21 =	simm.s32 $0x1E000;
	s11 =	sadd.s32 s5, s13;
	s5 =	sor.u32 s24, s14  }
0x16: {  	[dreg:$0x7] =	wrdreg s23;
	s13 =	sadd.s32 s7, s13;
	s5 =	sadd.s32 s17, s5  }
0x17: {  	s14 =	sadd.s32 s0, s25;
	s23 =	simm.s32 $0x13880;
	s31 =	sshll.u32 s5, $0x4  }
0x18: {  	s24 =	simm.s32 $0x1E080;
	s25 =	simm.s32 $0x17880;
	s0 =	sadd.s32 s31, s7  }
0x19: {  	s17 =	sadd.s32 $0x4D0, s12;
	s18 =	sadd.s32 $0x10, s0;
	s0 =	simm.s32 $0x0  }
.LBB2_1:
.Ltmp0:
0x1a: {  	(pc) =	sbr.rel @p0 .LBB2_3-.Ltmp0, $4  }
0x1b: {  	_ = 	snop  }
0x1c: {  	s3 =	stileid.u32  }
0x1d: {  	s31 =	rddreg [dreg:$0x4];
	s7 =	sshll.u32 s3, $0x6  }
0x1e: {  	s5 =	sshrl.u32 s31, $0x3;
	s9 =	sor.u32 $0x1C05, s7  }
0x1f: {  	s9 =	sor.u32 $0x1C05, s7;
	s3 =	rddreg [dreg:$0x6]  }
0x20: {  	[spmem:s5], [sflag:s9] =	dma.local [hbm:s3], $0x2700  }
.Ltmp1:
0x21: {  	_ = 	snop;
	(pc) =	sbr.rel @p1 .LBB2_4-.Ltmp1, $4  }
.Ltmp2:
0x22: {  	_ = 	snop;
	(pc) =	sbr.rel @!p1 .LBB2_5-.Ltmp2, $4  }
0x23: {  	_ =	swait.ge [sflag:s19], $0x2700  }
0x24: {  	[sflag:s19] =	ssyncset.done $0x0  }
0x25: {  	s3 =	smov.u32 s4;
	[sflag:s19] =	ssyncadd.s32 $0xFFFFD900  }
0x26: {  	_ = 	snop  }
.LBB2_3:
.Ltmp3:
0x27: {  	s3 =	rddreg [dreg:$0x5];
	(pc) =	sbr.rel @p3 .LBB2_5-.Ltmp3, $4  }
0x28: {  	[spmem:s5], [sflag:s9] =	dma.local [hbm:s3], $0x2700  }
0x29: {  	_ =	swait.ge [sflag:s19], $0x2700  }
0x2a: {  	[sflag:s19] =	ssyncset.done $0x0  }
0x2b: {  	s3 =	rddreg [dreg:$0x3];
	[sflag:s19] =	ssyncadd.s32 $0xFFFFD900  }
.LBB2_4:
0x2c: {  	s3 =	sadd.s32 $0x27000, s3;
	s31 =	sshrl.u32 s8, $0x3  }
0x2d: {  	[spmem:s31], [sflag:s9] =	dma.local [hbm:s3], $0x100  }
0x2e: {  	_ =	swait.ge [sflag:s19], $0x100  }
0x2f: {  	[sflag:s19] =	ssyncset.done $0x0  }
0x30: {  	[sflag:s19] =	ssyncadd.s32 $0xFFFFFF00  }
.LBB2_5:
0x31: {  	[bflag:$0x0] =	sbarrier.arrive $0xFFFF  }
0x32: {  	s3 =	rddreg [dreg:$0x7]  }
0x33: {  	[tilespmem:s20], [sflag:$0x5] =	stream.linear.gather [hbm4b:s3+s2], $0x2700, $0x38;
	[tilespmem:$0x1E100] =	vst v63  }
0x34: {  	_ =	swait.ge [sflag:s19], $0x2700  }
0x35: {  	[sflag:s19] =	ssyncset.done $0x0  }
0x36: {  	s9 =	simm.s32 @!p2 $0x1DF80;
	s3 =	simm.s32 @!p2 $0x0;
	[sflag:s19] =	ssyncadd.s32 $0xFFFFD900  }
0x37: {  	[tilespmem:s9], [sflag:$0x5] =	stream.linear.gather @!p2 [hbm4b:s11+s3], $0x80, $0x38;
	[tilespmem:$0x1E100] =	vst v63  }
0x38: {  	s3 =	simm.s32 @!p2 $0x5  }
0x39: {  	_ =	swait.ge @!p2 [sflag:s3], $0x80  }
0x3a: {  	[sflag:s3] =	ssyncset.done @!p2 $0x0  }
0x3b: {  	[sflag:s3] =	ssyncadd.s32 @!p2 $0xFFFFFF80  }
0x3c: {  	[tilespmem:s21], [sflag:$0x3] =	stream.linear.gather [hbm4b:s12+s2], $0x80, $0x38;
	[tilespmem:$0x1E100] =	vst v63  }
0x3d: {  	_ = 	snop  }
0x3e: {  	[tilespmem:s23], [sflag:$0x1] =	stream.indirect.gather [hbm4b:s4+s22], $0x80, s20, s22, $0xb8;
	[tilespmem:$0x1E100] =	vst v63  }
0x3f: {  	_ = 	snop  }
0x40: {  	[tilespmem:s24], [sflag:$0x4] =	stream.linear.gather [hbm4b:s18+s2], $0x80, $0x38;
	[tilespmem:$0x1E100] =	vst v63  }
0x41: {  	s9 =	simm.s32 $0x1B900  }
0x42: {  	[tilespmem:s25], [sflag:$0x2] =	stream.indirect.gather [hbm4b:s4+s22], $0x80, s9, s22, $0xb8;
	[tilespmem:$0x1E100] =	vst v63  }
0x43: {  	_ =	swait.ge [sflag:s26], $0x4000  }
0x44: {  	[sflag:s26] =	ssyncset.done $0x0  }
0x45: {  	[sflag:s26] =	ssyncadd.s32 $0xFFFFC000  }
0x46: {  	_ =	swait.ge [sflag:s28], $0x80  }
0x47: {  	[sflag:s28] =	ssyncset.done $0x0  }
0x48: {  	[sflag:s28] =	ssyncadd.s32 $0xFFFFFF80  }
0x49: {  	[spmem:s1] =	stream.indirect.scatter.add.f32 [tilespmem:s23], [sflag:$0x5], $0x80, s21, s22, $0xb8;
	[tilespmem:$0x1E100] =	vst v63  }
0x4a: {  	_ =	swait.ge [sflag:s19], $0x4000  }
0x4b: {  	[sflag:s19] =	ssyncset.done $0x0  }
0x4c: {  	s10 =	sadd.s32 $0x10, s18;
	[sflag:s19] =	ssyncadd.s32 $0xFFFFC000  }
0x4d: {  	[tilespmem:s21], [sflag:$0x3] =	stream.linear.gather [hbm4b:s10+s2], $0x80, $0x38;
	[tilespmem:$0x1E100] =	vst v63  }
0x4e: {  	s31 =	simm.s32 $0x1B980  }
0x4f: {  	[tilespmem:s23], [sflag:$0x1] =	stream.indirect.gather [hbm4b:s4+s22], $0x80, s31, s22, $0xb8;
	[tilespmem:$0x1E100] =	vst v63  }
0x50: {  	_ =	swait.ge [sflag:s29], $0x4000  }
0x51: {  	[sflag:s29] =	ssyncset.done $0x0  }
0x52: {  	[sflag:s29] =	ssyncadd.s32 $0xFFFFC000  }
0x53: {  	_ =	swait.ge [sflag:s30], $0x80  }
0x54: {  	[sflag:s30] =	ssyncset.done $0x0  }
0x55: {  	[sflag:s30] =	ssyncadd.s32 $0xFFFFFF80  }
0x56: {  	[spmem:s1] =	stream.indirect.scatter.add.f32 [tilespmem:s25], [sflag:$0x5], $0x80, s24, s22, $0xb8;
	[tilespmem:$0x1E100] =	vst v63  }
0x57: {  	_ =	swait.ge [sflag:s19], $0x4000  }
0x58: {  	s3 =	simm.s32 $0xFFFF6C00;
	s9 =	sadd.s32 $0x20, s18;
	[sflag:s19] =	ssyncset.done $0x0  }
.LBB2_6:
0x59: {  	s6 =	smov.u32 s3  }
0x5a: {  	s31 =	sshra.s32 s3, $0x2;
	[sflag:s19] =	ssyncadd.s32 $0xFFFFC000;
	s6 =	sadd.s32 $0x400, s3  }
0x5b: {  	[tilespmem:s24], [sflag:$0x4] =	stream.linear.gather [hbm4b:s9+s2], $0x80, $0x38;
	[tilespmem:$0x1E100] =	vst v63  }
0x5c: {  	p4 =	sne.s32 s3, $0xFFFFFC00;
	s10 =	sadd.s32 $0x1DF00, s31  }
0x5d: {  	[tilespmem:s25], [sflag:$0x2] =	stream.indirect.gather [hbm4b:s4+s22], $0x80, s10, s22, $0xb8;
	[tilespmem:$0x1E100] =	vst v63  }
0x5e: {  	_ =	swait.ge [sflag:s26], $0x4000  }
0x5f: {  	[sflag:s26] =	ssyncset.done $0x0  }
0x60: {  	[sflag:s26] =	ssyncadd.s32 $0xFFFFC000  }
0x61: {  	_ =	swait.ge [sflag:s28], $0x80  }
0x62: {  	[sflag:s28] =	ssyncset.done $0x0  }
0x63: {  	[sflag:s28] =	ssyncadd.s32 $0xFFFFFF80  }
0x64: {  	[spmem:s1] =	stream.indirect.scatter.add.f32 [tilespmem:s23], [sflag:$0x5], $0x80, s21, s22, $0xb8;
	[tilespmem:$0x1E100] =	vst v63  }
0x65: {  	_ =	swait.ge [sflag:s19], $0x4000  }
0x66: {  	[sflag:s19] =	ssyncset.done $0x0  }
0x67: {  	s3 =	sadd.s32 $0x10, s9;
	[sflag:s19] =	ssyncadd.s32 $0xFFFFC000  }
0x68: {  	[tilespmem:s21], [sflag:$0x3] =	stream.linear.gather [hbm4b:s3+s2], $0x80, $0x38;
	[tilespmem:$0x1E100] =	vst v63  }
0x69: {  	s3 =	sadd.s32 $0x1DF80, s31  }
0x6a: {  	[tilespmem:s23], [sflag:$0x1] =	stream.indirect.gather [hbm4b:s4+s22], $0x80, s3, s22, $0xb8;
	[tilespmem:$0x1E100] =	vst v63  }
0x6b: {  	_ =	swait.ge [sflag:s29], $0x4000  }
0x6c: {  	[sflag:s29] =	ssyncset.done $0x0  }
0x6d: {  	[sflag:s29] =	ssyncadd.s32 $0xFFFFC000  }
0x6e: {  	_ =	swait.ge [sflag:s30], $0x80  }
.Ltmp4:
0x6f: {  	[sflag:s30] =	ssyncset.done $0x0;
	(pc) =	sbr.rel @p4 .LBB2_6-.Ltmp4, $4  }
0x70: {  	[sflag:s30] =	ssyncadd.s32 $0xFFFFFF80  }
0x71: {  	[spmem:s1] =	stream.indirect.scatter.add.f32 [tilespmem:s25], [sflag:$0x5], $0x80, s24, s22, $0xb8;
	[tilespmem:$0x1E100] =	vst v63  }
0x72: {  	_ =	swait.ge [sflag:s19], $0x4000  }
0x73: {  	s9 =	sadd.s32 $0x20, s9;
	s3 =	smov.u32 s6;
	[sflag:s19] =	ssyncset.done $0x0  }
0x74: {  	[sflag:s19] =	ssyncadd.s32 $0xFFFFC000  }
0x75: {  	[tilespmem:s24], [sflag:$0x4] =	stream.linear.gather [hbm4b:s17+s2], $0x80, $0x38;
	[tilespmem:$0x1E100] =	vst v63  }
0x76: {  	s3 =	simm.s32 $0x1DF00  }
0x77: {  	[tilespmem:s25], [sflag:$0x2] =	stream.indirect.gather [hbm4b:s4+s22], $0x80, s3, s22, $0xb8;
	[tilespmem:$0x1E100] =	vst v63  }
0x78: {  	_ =	swait.ge [sflag:s26], $0x4000  }
0x79: {  	[sflag:s26] =	ssyncset.done $0x0  }
0x7a: {  	[sflag:s26] =	ssyncadd.s32 $0xFFFFC000  }
0x7b: {  	_ =	swait.ge [sflag:s28], $0x80  }
0x7c: {  	[sflag:s28] =	ssyncset.done $0x0  }
0x7d: {  	[sflag:s28] =	ssyncadd.s32 $0xFFFFFF80  }
0x7e: {  	[spmem:s1] =	stream.indirect.scatter.add.f32 [tilespmem:s23], [sflag:$0x5], $0x80, s21, s22, $0xb8;
	[tilespmem:$0x1E100] =	vst v63  }
0x7f: {  	_ =	swait.ge [sflag:s19], $0x4000  }
0x80: {  	[sflag:s19] =	ssyncset.done $0x0  }
0x81: {  	[sflag:s19] =	ssyncadd.s32 $0xFFFFC000  }
0x82: {  	_ =	swait.ge [sflag:s29], $0x4000  }
0x83: {  	[sflag:s29] =	ssyncset.done $0x0  }
0x84: {  	[sflag:s29] =	ssyncadd.s32 $0xFFFFC000  }
0x85: {  	_ =	swait.ge [sflag:s30], $0x80  }
0x86: {  	[sflag:s30] =	ssyncset.done $0x0  }
0x87: {  	[sflag:s30] =	ssyncadd.s32 $0xFFFFFF80  }
0x88: {  	[spmem:s1] =	stream.indirect.scatter.add.f32 [tilespmem:s25], [sflag:$0x5], $0x80, s24, s22, $0xb8;
	[tilespmem:$0x1E100] =	vst v63  }
0x89: {  	_ =	swait.ge [sflag:s19], $0x4000  }
0x8a: {  	[sflag:s19] =	ssyncset.done $0x0  }
0x8b: {  	s6 =	simm.s32 @!p2 $0x1E000;
	s3 =	simm.s32 @!p2 $0x0;
	[sflag:s19] =	ssyncadd.s32 $0xFFFFC000  }
0x8c: {  	[tilespmem:s6], [sflag:$0x5] =	stream.linear.gather @!p2 [hbm4b:s13+s3], $0x80, $0x38;
	[tilespmem:$0x1E100] =	vst v63  }
0x8d: {  	s3 =	simm.s32 @!p2 $0x5  }
0x8e: {  	_ =	swait.ge @!p2 [sflag:s3], $0x80  }
0x8f: {  	s9 =	simm.s32 @!p2 $0x80;
	[sflag:s3] =	ssyncset.done @!p2 $0x0  }
0x90: {  	s10 =	simm.s32 @!p2 $0x1DF80;
	s31 =	simm.s32 @!p2 $0x13880;
	[sflag:s3] =	ssyncadd.s32 @!p2 $0xFFFFFF80  }
0x91: {  	[tilespmem:s31], [sflag:$0x1] =	stream.indirect.gather @!p2 [hbm4b:s4+s9], $0x80, s10, s9, $0xb8;
	[tilespmem:$0x1E100] =	vst v63  }
0x92: {  	s10 =	simm.s32 @!p2 $0x1  }
0x93: {  	_ =	swait.ge @!p2 [sflag:s10], $0x4000  }
0x94: {  	[sflag:s10] =	ssyncset.done @!p2 $0x0  }
0x95: {  	[sflag:s10] =	ssyncadd.s32 @!p2 $0xFFFFC000  }
0x96: {  	[spmem:s1] =	stream.indirect.scatter.add.f32 @!p2 [tilespmem:s31], [sflag:$0x5], $0x80, s6, s9, $0xb8;
	[tilespmem:$0x1E100] =	vst v63  }
0x97: {  	_ =	swait.ge @!p2 [sflag:s3], $0x4000  }
0x98: {  	[sflag:s3] =	ssyncset.done @!p2 $0x0  }
0x99: {  	[sflag:s3] =	ssyncadd.s32 @!p2 $0xFFFFC000  }
0x9a: {  	s3 =	sor.u32 $0x1C05, s7;
	[bflag:$0x0] =	sbarrier.arrive $0xFFFF  }
0x9b: {  	[hbm:s14], [sflag:s3] =	dma.local [spmem:s5], $0x2700  }
0x9c: {  	_ =	swait.ge [sflag:s19], $0x2700  }
0x9d: {  	s0 =	sadd.s32 $0x1, s0;
	[sflag:s19] =	ssyncset.done $0x0  }
0x9e: {  	p4 =	sne.s32 s0, s16;
	s5 =	sshrl.u32 @!p3 s8, $0x3;
	[sflag:s19] =	ssyncadd.s32 $0xFFFFD900  }
0x9f: {  	[hbm:s15], [sflag:s3] =	dma.local @!p3 [spmem:s5], $0x100  }
.Ltmp5:
0xa0: {  	_ = 	snop;
	(pc) =	sbr.rel @p4 .LBB2_1-.Ltmp5, $4  }
0xa1: {  	s3 =	simm.s32 @!p3 $0x5  }
0xa2: {  	_ =	swait.ge @!p3 [sflag:s3], $0x100  }
0xa3: {  	[sflag:s3] =	ssyncset.done @!p3 $0x0  }
0xa4: {  	[sflag:s3] =	ssyncadd.s32 @!p3 $0xFFFFFF00  }
0xa5: {  	_ =	sfence.sel $0x180000  }
0xa6: {  	[bflag:$0x0] =	sbarrier.arrive $0xFFFF  }
0xa7: {  	_ =	strace $0x9000004A  }
0xa8: {  	s0 =	stileid.u32;
	[bflag:$0x2] =	sbarrier.arrive $0xFFFF  }
0xa9: {  	p0 =	sne.s32 s0, $0x0;
	s0 =	rddreg [dreg:$0x2]  }
0xaa: {  	s0 =	sadd.s32 @!p0 $0x100000, s0  }
0xab: {  	[sflag:s0] =	ssyncadd.tile.s32 @!p0 $0x1;
	_ =	shalt  }
.Lfunc_end2:
_tile_overlayer_lowered:
.L_overlay_start_2:
0xac: {  	(tag) =	ssettag $0x2  }
0xad: {  	s0 =	rddreg [dreg:$0x0];
	s2 =	stileid.u32  }
0xae: {  	s1 =	rddreg [dreg:$0x1];
	p0 =	sne.s32 s2, $0x0  }
0xaf: {  	s3 =	rddreg [dreg:$0x2];
	[bflag:$0x3] =	sbarrier.arrive $0xFFFF;
	s2 =	simm.s32 @!p0 $0x1C05  }
0xb0: {  	[timem:s3], [sflag:s2] =	dma.local @!p0 [hbm:s0], s1  }
0xb1: {  	s0 =	simm.s32 @!p0 $0x5  }
0xb2: {  	_ =	swait.ge @!p0 [sflag:s0], s1  }
0xb3: {  	s1 =	ssub.s32 @!p0 $0x0, s1;
	[sflag:s0] =	ssyncset.done @!p0 $0x0  }
0xb4: {  	[sflag:s0] =	ssyncadd.s32 @!p0 s1  }
0xb5: {  	[bflag:$0x3] =	sbarrier.arrive $0xFFFF  }
0xb6: {  	_ =	shalt  }

// kernel: kernel.20.cloned.1.call-start
scs
__scs_entry_jumppad:
0x0: {  	(pc) =	sbr.rel $0x88, $3  }
0x1: {  	(tag) =	ssettag $0x0;
	lr =	simm.s32 $0x1  }
0x2: {  	[smem:$0x3F90] =	sst lr;
	_ =	strace $0xD0000000  }
0x3: {  	_ = 	snop  }
0x4: {  	_ = 	snop  }
0x5: {  	_ = 	snop  }
0x6: {  	_ = 	snop  }
0x7: {  	_ = 	snop  }
__scs_overlays_trampoline_lowered:
0x8: {  	[smem:$0x3F9F] =	sst s0  }
0x9: {  	[smem:$0x3FA0] =	sst s1  }
0xa: {  	[smem:$0x3FA1] =	sst s2  }
0xb: {  	[smem:$0x3FA2] =	sst s3  }
0xc: {  	[smem:$0x3FA3] =	sst s4  }
0xd: {  	[smem:$0x3FA4] =	sst s5  }
0xe: {  	[smem:$0x3FA5] =	sst s6  }
0xf: {  	[smem:$0x3FA6] =	sst s7  }
0x10: {  	[smem:$0x3FA7] =	sst s8  }
0x11: {  	[smem:$0x3FA8] =	sst s9;
	s0 =	simm.s32 @!p0 $0x0  }
0x12: {  	s1 =	sld [smem:$0x3F8E];
	s0 =	simm.s32 @p0 $0x1  }
0x13: {  	[smem:$0x3FA9] =	sst s0;
	s0 =	simm.s32 @!p1 $0x0  }
0x14: {  	s2 =	sld [smem:$0x3F8D];
	s0 =	simm.s32 @p1 $0x1  }
0x15: {  	[smem:$0x3FAA] =	sst s0;
	s0 =	simm.s32 @!p2 $0x0  }
0x16: {  	s3 =	sld [smem:$0x3FDB];
	s0 =	simm.s32 @p2 $0x1  }
0x17: {  	s4 =	simm.s32 $0x1BF5;
	[smem:$0x3FAC] =	sst s0  }
0x18: {  	s0 =	sld [smem:$0x3F8F];
	_ =	swait.ge [sflag:s4], $0x0  }
0x19: {  	s7 =	sld [smem:$0x3F90]  }
0x1a: {  	s8 =	sadd.s32 $0xFFFFE003, lr  }
0x1b: {  	s9 =	sadd.s32 $0xFFFFFEF7, lr;
	s5 =	simm.s32 $0xFFFFFFFF;
	p2 =	slt.u32 s8, $0xFFFFF086  }
0x1c: {  	p1 =	slt.u32 s9, $0xF7A;
	s5 =	simm.s32 @!p2 $0x0  }
0x1d: {  	s5 =	simm.s32 @p1 $0x1;
	p0 =	seq.s32 s7, s2  }
0x1e: {  	s7 =	smul.u32 @!p0 $0xF7A, s2;
	p2 =	seq.s32 @!p0 s5, $0x0  }
0x1f: {  	s9 =	smul.u32 $0xF7A, s1;
	s8 =	simm.s32 @!p0 $0x1BF5;
	p2 =	por !p2, p0  }
0x20: {  	[sflag:s8] =	ssyncset.s32 @!p0 $0xFFFFF086;
	s6 =	sadd.s32 @!p0 s3, s7;
	s7 =	simm.s32 @!p0 $0x108  }
0x21: {  	s3 =	sadd.s32 s3, s9;
	s6 =	sadd.s32 @!p0 $0x88, s6;
	s7 =	simm.s32 @p2 $0x1082  }
0x22: {  	[simem:s7], [sflag:s8] =	dma.local @!p0 [hbm:s6], $0xF7A  }
0x23: {  	s9 =	sor.u32 $0xD0000000, s2;
	s6 =	simm.s32 $0x108;
	_ =	swait.ge @!p0 [sflag:s8], $0x0  }
0x24: {  	s3 =	sadd.s32 $0x88, s3;
	s6 =	simm.s32 @!p1 $0x1082;
	[sflag:s4] =	ssyncset.s32 $0xFFFFF086  }
0x25: {  	[simem:s6], [sflag:s4] =	dma.local [hbm:s3], $0xF7A  }
0x26: {  	[smem:$0x3F90] =	sst s1;
	(tag) =	ssettag s2;
	_ =	strace s9  }
0x27: {  	s1 =	sld [smem:$0x3FA0]  }
0x28: {  	s2 =	sld [smem:$0x3FA1]  }
0x29: {  	s4 =	sld [smem:$0x3FA3]  }
0x2a: {  	p0 =	seq.s32 s5, $0x0;
	s5 =	sld [smem:$0x3FA4]  }
0x2b: {  	s6 =	sld [smem:$0x3FA5]  }
0x2c: {  	s7 =	sld [smem:$0x3FA6]  }
0x2d: {  	s3 =	simm.s32 $0x108;
	s8 =	sld [smem:$0x3FA7]  }
0x2e: {  	s3 =	simm.s32 @!p0 $0x1082;
	s9 =	sld [smem:$0x3FA8]  }
0x2f: {  	lr =	sadd.s32 s0, s3;
	s0 =	sld [smem:$0x3F9F]  }
0x30: {  	s3 =	sld [smem:$0x3FA2]  }
0x31: {  	[smem:$0x3FAB] =	sst s10  }
0x32: {  	s10 =	sld [smem:$0x3FA9];
	_ =	sdelay $0x3  }
0x33: {  	p0 =	seq.s32 s10, $0x1;
	s10 =	sld [smem:$0x3FAB];
	_ =	sdelay $0x3  }
0x34: {  	[smem:$0x3FAB] =	sst s10  }
0x35: {  	s10 =	sld [smem:$0x3FAA];
	_ =	sdelay $0x3  }
0x36: {  	p1 =	seq.s32 s10, $0x1;
	s10 =	sld [smem:$0x3FAB];
	_ =	sdelay $0x3  }
0x37: {  	[smem:$0x3FAB] =	sst s10  }
0x38: {  	s10 =	sld [smem:$0x3FAC]  }
0x39: {  	_ = 	snop;
	(pc) =	sbr.ind lr, $3  }
0x3a: {  	_ = 	snop  }
0x3b: {  	_ = 	snop  }
0x3c: {  	p2 =	seq.s32 s10, $0x1;
	s10 =	sld [smem:$0x3FAB]  }
0x3d: {  	_ =	shalt  }
0x3e: {  	_ =	shalt  }
0x3f: {  	_ =	shalt  }
0x40: {  	_ =	shalt  }
0x41: {  	_ =	shalt  }
0x42: {  	_ =	shalt  }
0x43: {  	_ =	shalt  }
0x44: {  	_ =	shalt  }
0x45: {  	_ =	shalt  }
0x46: {  	_ =	shalt  }
0x47: {  	_ =	shalt  }
0x48: {  	_ =	shalt  }
0x49: {  	_ =	shalt  }
0x4a: {  	_ =	shalt  }
0x4b: {  	_ =	shalt  }
0x4c: {  	_ =	shalt  }
0x4d: {  	_ =	shalt  }
0x4e: {  	_ =	shalt  }
0x4f: {  	_ =	shalt  }
0x50: {  	_ =	shalt  }
0x51: {  	_ =	shalt  }
0x52: {  	_ =	shalt  }
0x53: {  	_ =	shalt  }
0x54: {  	_ =	shalt  }
0x55: {  	_ =	shalt  }
0x56: {  	_ =	shalt  }
0x57: {  	_ =	shalt  }
0x58: {  	_ =	shalt  }
0x59: {  	_ =	shalt  }
0x5a: {  	_ =	shalt  }
0x5b: {  	_ =	shalt  }
0x5c: {  	_ =	shalt  }
0x5d: {  	_ =	shalt  }
0x5e: {  	_ =	shalt  }
0x5f: {  	_ =	shalt  }
0x60: {  	_ =	shalt  }
0x61: {  	_ =	shalt  }
0x62: {  	_ =	shalt  }
0x63: {  	_ =	shalt  }
0x64: {  	_ =	shalt  }
0x65: {  	_ =	shalt  }
0x66: {  	_ =	shalt  }
0x67: {  	_ =	shalt  }
0x68: {  	_ =	shalt  }
0x69: {  	_ =	shalt  }
0x6a: {  	_ =	shalt  }
0x6b: {  	_ =	shalt  }
0x6c: {  	_ =	shalt  }
0x6d: {  	_ =	shalt  }
0x6e: {  	_ =	shalt  }
0x6f: {  	_ =	shalt  }
0x70: {  	_ =	shalt  }
0x71: {  	_ =	shalt  }
0x72: {  	_ =	shalt  }
0x73: {  	_ =	shalt  }
0x74: {  	_ =	shalt  }
0x75: {  	_ =	shalt  }
0x76: {  	_ =	shalt  }
0x77: {  	_ =	shalt  }
0x78: {  	_ =	shalt  }
0x79: {  	_ =	shalt  }
0x7a: {  	_ =	shalt  }
0x7b: {  	_ =	shalt  }
0x7c: {  	_ =	shalt  }
0x7d: {  	_ =	shalt  }
0x7e: {  	_ =	shalt  }
0x7f: {  	_ =	shalt  }
0x80: {  	_ =	shalt  }
0x81: {  	_ =	shalt  }
0x82: {  	_ =	shalt  }
0x83: {  	_ =	shalt  }
0x84: {  	_ =	shalt  }
0x85: {  	_ =	shalt  }
0x86: {  	_ =	shalt  }
0x87: {  	_ =	shalt  }
.Lfunc_end0:
.L_simem_size_0:
called_computation.2_lowered:
.L_overlay_start_0:
0x88: {  	s2 =	sld [smem:$0x3FD9]  }
0x89: {  	s3 =	sld [smem:$0x3FFE];
	_ =	sdelay $0x1  }
0x8a: {  	s1 =	srdreg.scid  }
0x8b: {  	s0 =	sand.u32 $0x1, s1  }
0x8c: {  	s16 =	sshll.u32 s0, $0xA;
	s2 =	sadd.s32 s3, s2  }
0x8d: {  	s2 =	sadd.s32 s2, s16  }
0x8e: {  	[smem:$0x3FB7] =	sst s2  }
0x8f: {  	_ = 	snop  }
0x90: {  	(tm) =	ssettm $0x1  }
0x91: {  	s17 =	sld [smem:$0x3FFB];
	_ =	sdelay $0x3  }
0x92: {  	_ =	strace s17  }
0x93: {  	s2 =	sld [smem:$0x3FFC];
	_ =	sdelay $0x3  }
0x94: {  	_ =	strace s2  }
0x95: {  	s2 =	sld [smem:$0x3FFD];
	_ =	sdelay $0x3  }
0x96: {  	_ =	strace s2  }
0x97: {  	_ =	strace $0x8FFFFFFF  }
0x98: {  	s18 =	sld [smem:$0x3FDB];
	_ =	sdelay $0x1  }
0x99: {  	s19 =	simm.s32 $_scs_section_size  }
0x9a: {  	s4 =	simm.s32 $_size__tile_overlayer_lowered;
	s5 =	simm.s32 $_tile_overlayer_lowered  }
0x9b: {  	s22 =	simm.s32 $0x1BFF;
	s21 =	sshll.u32 s5, $0x1;
	s2 =	sadd.s32 s19, s18  }
0x9c: {  	s6 =	simm.s32 $0x0;
	s20 =	sshll.u32 s4, $0x1;
	s4 =	sadd.s32 s21, s2  }
0x9d: {  	[timem:s6], [sflag:s22] =	dma.local [hbm:s4], s20  }
0x9e: {  	_ =	swait.ge [sflag:s22], s20  }
0x9f: {  	s3 =	ssub.s32 $0x0, s20;
	[sflag:s22] =	ssyncset.done $0x0  }
0xa0: {  	[sflag:s22] =	ssyncadd.s32 s3;
	_ =	sdelay $0x1  }
0xa1: {  	s23 =	simm.s32 $0x1B8B  }
0xa2: {  	_ =	swait.ge [sflag:s23], $0x1  }
0xa3: {  	[sflag:s23] =	ssyncset.done $0x0  }
0xa4: {  	s25 =	simm.s32 $0x1B8E;
	s24 =	sld [smem:$0x3FFE];
	[sflag:s23] =	ssyncadd.s32 $0xFFFFFFFF  }
0xa5: {  	s26 =	simm.s32 $execute0_lowered;
	[smem:$0x3FD2] =	sst s25  }
0xa6: {  	s4 =	sshll.u32 s26, $0x1;
	_ =	strace $0x8000004C;
	[dreg:$0x1] =	wrdreg $0xFFFFFFFF  }
0xa7: {  	s28 =	simm.s32 $_size_execute0_lowered;
	s2 =	sadd.s32 s2, s4;
	[dreg:$0x0] =	wrdreg $0x0  }
0xa8: {  	s4 =	sshll.u32 s28, $0x1;
	[dreg:$0x2] =	wrdreg s2  }
0xa9: {  	[dreg:$0x3] =	wrdreg s4  }
0xaa: {  	[dreg:$0x4] =	wrdreg $0xC0  }
0xab: {  	_ =	task [dreg:s6], $0x5FFFF  }
0xac: {  	[dreg:$0x1] =	wrdreg $0xFFFFFFFF  }
0xad: {  	[dreg:$0x0] =	wrdreg $0x60  }
0xae: {  	[dreg:$0x2] =	wrdreg s24  }
0xaf: {  	[dreg:$0x3] =	wrdreg $0x0  }
0xb0: {  	[dreg:$0x4] =	wrdreg $0x9  }
0xb1: {  	_ =	task.clear_ibuf [dreg:s6], $0x5FFFF;
	_ =	strace $0x9000004C  }
0xb2: {  	s29 =	simm.s32 $0x9;
	_ =	strace $0x8000004E  }
0xb3: {  	_ =	swait.ge [sflag:s29], $0x1  }
0xb4: {  	[sflag:s29] =	ssyncadd.s32 $0xFFFFFFFF  }
0xb5: {  	_ =	strace $0x9000004E  }
0xb6: {  	_ =	sfence  }
0xb7: {  	s30 =	sld [smem:$0x0];
	_ =	sdelay $0x2  }
0xb8: {  	s31 =	sshll.u32 s1, $0xD;
	s1 =	sshrl.u32 s1, $0x2  }
0xb9: {  	s3 =	sand.u32 $0x4000, s31;
	s1 =	sadd.s32 s1, s30  }
0xba: {  	s0 =	sor.u32 s3, s0;
	s1 =	sshll.u32 s1, $0x11  }
0xbb: {  	s0 =	sor.u32 s1, s0  }
0xbc: {  	s0 =	sadd.s32 $0x8F2B, s0  }
0xbd: {  	[sflag:s0] =	ssyncadd.remote.s32 $0x1  }
0xbe: {  	_ =	sfence.sel $0xFFFF  }
0xbf: {  	[dreg:$0x0] =	wrdreg $0xFFFFFFFF;
	(pc) =	sbr.abs _section_cstart, $3  }
0xc0: {  	[dreg:$0x1] =	wrdreg $0xFFFFFFFF  }
0xc1: {  	_ =	task.clear_ibuf [dreg:s6], $0x2FFFF;
	_ =	strace $0x9FFFFFFF  }
0xc2: {  	(tm) =	ssettm $0x7FFFFFFF  }
0xc3: {  	_ =	shalt  }
tec
execute0_lowered:
.L_overlay_start_1:
0x0: {  	(tag) =	ssettag $0x1  }
0x1: {  	s0 =	rddreg [dreg:$0x0]  }
0x2: {  	s1 =	rddreg [dreg:$0x1];
	s2 =	simm.s32 $0x0  }
0x3: {  	s3 =	srdreg.scid;
	s26 =	stileid.u32;
	s28 =	simm.s32 $0x3  }
0x4: {  	s29 =	simm.s32 $0x2;
	s30 =	simm.s32 $0x4;
	[smem:$0x7FF] =	sst s2  }
0x5: {  	s4 =	sadd.s32 $0x70600, s0;
	s12 =	sadd.s32 $0x22200, s0;
	s6 =	smul.u32 $0x4E000, s26  }
0x6: {  	s5 =	sadd.s32 $0x18400, s0;
	s3 =	sand.u32 $0x1, s3;
	s10 =	smul.u32 $0x2700, s26  }
0x7: {  	s7 =	sadd.s32 $0xE600, s0;
	s0 =	sadd.s32 $0x97800, s0;
	s16 =	smul.u32 $0x13800, s26  }
0x8: {  	s17 =	smul.u32 $0x4E, s26;
	p1 =	seq.s32 s26, $0xF;
	p3 =	sne.s32 s26, $0xF  }
0x9: {  	_ =	strace $0x8000004D;
	s8 =	sshll.u32 s3, $0x4;
	s15 =	smul.u32 $0x138800, s3  }
0xa: {  	s9 =	ssub.s32 $0x2, s3;
	[dreg:$0x3] =	wrdreg s12;
	s24 =	smul.u32 $0x4E0, s3  }
0xb: {  	p0 =	sne.s32 s3, $0x0;
	s20 =	sor.u32 s26, s8;
	s18 =	sshrl.u32 s9, $0x1  }
0xc: {  	s6 =	sshrl.u32 s6, $0x2;
	s19 =	sadd.s32 s12, s10;
	s8 =	sadd.s32 $0x138000, s1  }
0xd: {  	s22 =	sadd.s32 s4, s10;
	s26 =	simm.s32 $0x1;
	s11 =	smul.u32 $0x4E, s20  }
0xe: {  	s9 =	ssub.s32 s9, s18;
	s14 =	smin.u32 s20, $0x4;
	[dreg:$0x5] =	wrdreg s19  }
0xf: {  	s6 =	sadd.s32 s6, s1;
	[dreg:$0x6] =	wrdreg s22;
	s16 =	sadd.s32 s16, s15  }
0x10: {  	s15 =	sshrl.u32 s15, $0x3;
	s19 =	simm.s32 $0x5;
	p2 =	sgt.u32 s20, $0x3  }
0x11: {  	s20 =	simm.s32 $0x1B880;
	s22 =	simm.s32 $0x80;
	[dreg:$0x4] =	wrdreg s6  }
0x12: {  	s25 =	sshrl.u32 s16, $0x3;
	s15 =	sadd.s32 s0, s15;
	s11 =	sadd.s32 s14, s11  }
0x13: {  	s16 =	smax.u32 s9, $0x1;
	s15 =	sadd.s32 $0x27000, s15;
	s21 =	sshll.u32 s11, $0x4  }
0x14: {  	s13 =	sadd.s32 $0x4E0, s21;
	s23 =	sadd.s32 s5, s21;
	s12 =	sadd.s32 s7, s21  }
0x15: {  	s21 =	simm.s32 $0x1E000;
	s11 =	sadd.s32 s5, s13;
	s5 =	sor.u32 s24, s14  }
0x16: {  	[dreg:$0x7] =	wrdreg s23;
	s13 =	sadd.s32 s7, s13;
	s5 =	sadd.s32 s17, s5  }
0x17: {  	s14 =	sadd.s32 s0, s25;
	s23 =	simm.s32 $0x13880;
	s31 =	sshll.u32 s5, $0x4  }
0x18: {  	s24 =	simm.s32 $0x1E080;
	s25 =	simm.s32 $0x17880;
	s0 =	sadd.s32 s31, s7  }
0x19: {  	s17 =	sadd.s32 $0x4D0, s12;
	s18 =	sadd.s32 $0x10, s0;
	s0 =	simm.s32 $0x0  }
.LBB2_1:
.Ltmp0:
0x1a: {  	(pc) =	sbr.rel @p0 .LBB2_3-.Ltmp0, $4  }
0x1b: {  	_ = 	snop  }
0x1c: {  	s3 =	stileid.u32  }
0x1d: {  	s31 =	rddreg [dreg:$0x4];
	s7 =	sshll.u32 s3, $0x6  }
0x1e: {  	s5 =	sshrl.u32 s31, $0x3;
	s9 =	sor.u32 $0x1C05, s7  }
0x1f: {  	s9 =	sor.u32 $0x1C05, s7;
	s3 =	rddreg [dreg:$0x6]  }
0x20: {  	[spmem:s5], [sflag:s9] =	dma.local [hbm:s3], $0x2700  }
.Ltmp1:
0x21: {  	_ = 	snop;
	(pc) =	sbr.rel @p1 .LBB2_4-.Ltmp1, $4  }
.Ltmp2:
0x22: {  	_ = 	snop;
	(pc) =	sbr.rel @!p1 .LBB2_5-.Ltmp2, $4  }
0x23: {  	_ =	swait.ge [sflag:s19], $0x2700  }
0x24: {  	[sflag:s19] =	ssyncset.done $0x0  }
0x25: {  	s3 =	smov.u32 s4;
	[sflag:s19] =	ssyncadd.s32 $0xFFFFD900  }
0x26: {  	_ = 	snop  }
.LBB2_3:
.Ltmp3:
0x27: {  	s3 =	rddreg [dreg:$0x5];
	(pc) =	sbr.rel @p3 .LBB2_5-.Ltmp3, $4  }
0x28: {  	[spmem:s5], [sflag:s9] =	dma.local [hbm:s3], $0x2700  }
0x29: {  	_ =	swait.ge [sflag:s19], $0x2700  }
0x2a: {  	[sflag:s19] =	ssyncset.done $0x0  }
0x2b: {  	s3 =	rddreg [dreg:$0x3];
	[sflag:s19] =	ssyncadd.s32 $0xFFFFD900  }
.LBB2_4:
0x2c: {  	s3 =	sadd.s32 $0x27000, s3;
	s31 =	sshrl.u32 s8, $0x3  }
0x2d: {  	[spmem:s31], [sflag:s9] =	dma.local [hbm:s3], $0x100  }
0x2e: {  	_ =	swait.ge [sflag:s19], $0x100  }
0x2f: {  	[sflag:s19] =	ssyncset.done $0x0  }
0x30: {  	[sflag:s19] =	ssyncadd.s32 $0xFFFFFF00  }
.LBB2_5:
0x31: {  	[bflag:$0x0] =	sbarrier.arrive $0xFFFF  }
0x32: {  	s3 =	rddreg [dreg:$0x7]  }
0x33: {  	[tilespmem:s20], [sflag:$0x5] =	stream.linear.gather [hbm4b:s3+s2], $0x2700, $0x38;
	[tilespmem:$0x1E100] =	vst v63  }
0x34: {  	_ =	swait.ge [sflag:s19], $0x2700  }
0x35: {  	[sflag:s19] =	ssyncset.done $0x0  }
0x36: {  	s9 =	simm.s32 @!p2 $0x1DF80;
	s3 =	simm.s32 @!p2 $0x0;
	[sflag:s19] =	ssyncadd.s32 $0xFFFFD900  }
0x37: {  	[tilespmem:s9], [sflag:$0x5] =	stream.linear.gather @!p2 [hbm4b:s11+s3], $0x80, $0x38;
	[tilespmem:$0x1E100] =	vst v63  }
0x38: {  	s3 =	simm.s32 @!p2 $0x5  }
0x39: {  	_ =	swait.ge @!p2 [sflag:s3], $0x80  }
0x3a: {  	[sflag:s3] =	ssyncset.done @!p2 $0x0  }
0x3b: {  	[sflag:s3] =	ssyncadd.s32 @!p2 $0xFFFFFF80  }
0x3c: {  	[tilespmem:s21], [sflag:$0x3] =	stream.linear.gather [hbm4b:s12+s2], $0x80, $0x38;
	[tilespmem:$0x1E100] =	vst v63  }
0x3d: {  	_ = 	snop  }
0x3e: {  	[tilespmem:s23], [sflag:$0x1] =	stream.indirect.gather [hbm4b:s4+s22], $0x80, s20, s22, $0xb8;
	[tilespmem:$0x1E100] =	vst v63  }
0x3f: {  	_ = 	snop  }
0x40: {  	[tilespmem:s24], [sflag:$0x4] =	stream.linear.gather [hbm4b:s18+s2], $0x80, $0x38;
	[tilespmem:$0x1E100] =	vst v63  }
0x41: {  	s9 =	simm.s32 $0x1B900  }
0x42: {  	[tilespmem:s25], [sflag:$0x2] =	stream.indirect.gather [hbm4b:s4+s22], $0x80, s9, s22, $0xb8;
	[tilespmem:$0x1E100] =	vst v63  }
0x43: {  	_ =	swait.ge [sflag:s26], $0x4000  }
0x44: {  	[sflag:s26] =	ssyncset.done $0x0  }
0x45: {  	[sflag:s26] =	ssyncadd.s32 $0xFFFFC000  }
0x46: {  	_ =	swait.ge [sflag:s28], $0x80  }
0x47: {  	[sflag:s28] =	ssyncset.done $0x0  }
0x48: {  	[sflag:s28] =	ssyncadd.s32 $0xFFFFFF80  }
0x49: {  	[spmem:s1] =	stream.indirect.scatter.add.f32 [tilespmem:s23], [sflag:$0x5], $0x80, s21, s22, $0xb8;
	[tilespmem:$0x1E100] =	vst v63  }
0x4a: {  	_ =	swait.ge [sflag:s19], $0x4000  }
0x4b: {  	[sflag:s19] =	ssyncset.done $0x0  }
0x4c: {  	s10 =	sadd.s32 $0x10, s18;
	[sflag:s19] =	ssyncadd.s32 $0xFFFFC000  }
0x4d: {  	[tilespmem:s21], [sflag:$0x3] =	stream.linear.gather [hbm4b:s10+s2], $0x80, $0x38;
	[tilespmem:$0x1E100] =	vst v63  }
0x4e: {  	s31 =	simm.s32 $0x1B980  }
0x4f: {  	[tilespmem:s23], [sflag:$0x1] =	stream.indirect.gather [hbm4b:s4+s22], $0x80, s31, s22, $0xb8;
	[tilespmem:$0x1E100] =	vst v63  }
0x50: {  	_ =	swait.ge [sflag:s29], $0x4000  }
0x51: {  	[sflag:s29] =	ssyncset.done $0x0  }
0x52: {  	[sflag:s29] =	ssyncadd.s32 $0xFFFFC000  }
0x53: {  	_ =	swait.ge [sflag:s30], $0x80  }
0x54: {  	[sflag:s30] =	ssyncset.done $0x0  }
0x55: {  	[sflag:s30] =	ssyncadd.s32 $0xFFFFFF80  }
0x56: {  	[spmem:s1] =	stream.indirect.scatter.add.f32 [tilespmem:s25], [sflag:$0x5], $0x80, s24, s22, $0xb8;
	[tilespmem:$0x1E100] =	vst v63  }
0x57: {  	_ =	swait.ge [sflag:s19], $0x4000  }
0x58: {  	s3 =	simm.s32 $0xFFFF6C00;
	s9 =	sadd.s32 $0x20, s18;
	[sflag:s19] =	ssyncset.done $0x0  }
.LBB2_6:
0x59: {  	s6 =	smov.u32 s3  }
0x5a: {  	s31 =	sshra.s32 s3, $0x2;
	[sflag:s19] =	ssyncadd.s32 $0xFFFFC000;
	s6 =	sadd.s32 $0x400, s3  }
0x5b: {  	[tilespmem:s24], [sflag:$0x4] =	stream.linear.gather [hbm4b:s9+s2], $0x80, $0x38;
	[tilespmem:$0x1E100] =	vst v63  }
0x5c: {  	p4 =	sne.s32 s3, $0xFFFFFC00;
	s10 =	sadd.s32 $0x1DF00, s31  }
0x5d: {  	[tilespmem:s25], [sflag:$0x2] =	stream.indirect.gather [hbm4b:s4+s22], $0x80, s10, s22, $0xb8;
	[tilespmem:$0x1E100] =	vst v63  }
0x5e: {  	_ =	swait.ge [sflag:s26], $0x4000  }
0x5f: {  	[sflag:s26] =	ssyncset.done $0x0  }
0x60: {  	[sflag:s26] =	ssyncadd.s32 $0xFFFFC000  }
0x61: {  	_ =	swait.ge [sflag:s28], $0x80  }
0x62: {  	[sflag:s28] =	ssyncset.done $0x0  }
0x63: {  	[sflag:s28] =	ssyncadd.s32 $0xFFFFFF80  }
0x64: {  	[spmem:s1] =	stream.indirect.scatter.add.f32 [tilespmem:s23], [sflag:$0x5], $0x80, s21, s22, $0xb8;
	[tilespmem:$0x1E100] =	vst v63  }
0x65: {  	_ =	swait.ge [sflag:s19], $0x4000  }
0x66: {  	[sflag:s19] =	ssyncset.done $0x0  }
0x67: {  	s3 =	sadd.s32 $0x10, s9;
	[sflag:s19] =	ssyncadd.s32 $0xFFFFC000  }
0x68: {  	[tilespmem:s21], [sflag:$0x3] =	stream.linear.gather [hbm4b:s3+s2], $0x80, $0x38;
	[tilespmem:$0x1E100] =	vst v63  }
0x69: {  	s3 =	sadd.s32 $0x1DF80, s31  }
0x6a: {  	[tilespmem:s23], [sflag:$0x1] =	stream.indirect.gather [hbm4b:s4+s22], $0x80, s3, s22, $0xb8;
	[tilespmem:$0x1E100] =	vst v63  }
0x6b: {  	_ =	swait.ge [sflag:s29], $0x4000  }
0x6c: {  	[sflag:s29] =	ssyncset.done $0x0  }
0x6d: {  	[sflag:s29] =	ssyncadd.s32 $0xFFFFC000  }
0x6e: {  	_ =	swait.ge [sflag:s30], $0x80  }
.Ltmp4:
0x6f: {  	[sflag:s30] =	ssyncset.done $0x0;
	(pc) =	sbr.rel @p4 .LBB2_6-.Ltmp4, $4  }
0x70: {  	[sflag:s30] =	ssyncadd.s32 $0xFFFFFF80  }
0x71: {  	[spmem:s1] =	stream.indirect.scatter.add.f32 [tilespmem:s25], [sflag:$0x5], $0x80, s24, s22, $0xb8;
	[tilespmem:$0x1E100] =	vst v63  }
0x72: {  	_ =	swait.ge [sflag:s19], $0x4000  }
0x73: {  	s9 =	sadd.s32 $0x20, s9;
	s3 =	smov.u32 s6;
	[sflag:s19] =	ssyncset.done $0x0  }
0x74: {  	[sflag:s19] =	ssyncadd.s32 $0xFFFFC000  }
0x75: {  	[tilespmem:s24], [sflag:$0x4] =	stream.linear.gather [hbm4b:s17+s2], $0x80, $0x38;
	[tilespmem:$0x1E100] =	vst v63  }
0x76: {  	s3 =	simm.s32 $0x1DF00  }
0x77: {  	[tilespmem:s25], [sflag:$0x2] =	stream.indirect.gather [hbm4b:s4+s22], $0x80, s3, s22, $0xb8;
	[tilespmem:$0x1E100] =	vst v63  }
0x78: {  	_ =	swait.ge [sflag:s26], $0x4000  }
0x79: {  	[sflag:s26] =	ssyncset.done $0x0  }
0x7a: {  	[sflag:s26] =	ssyncadd.s32 $0xFFFFC000  }
0x7b: {  	_ =	swait.ge [sflag:s28], $0x80  }
0x7c: {  	[sflag:s28] =	ssyncset.done $0x0  }
0x7d: {  	[sflag:s28] =	ssyncadd.s32 $0xFFFFFF80  }
0x7e: {  	[spmem:s1] =	stream.indirect.scatter.add.f32 [tilespmem:s23], [sflag:$0x5], $0x80, s21, s22, $0xb8;
	[tilespmem:$0x1E100] =	vst v63  }
0x7f: {  	_ =	swait.ge [sflag:s19], $0x4000  }
0x80: {  	[sflag:s19] =	ssyncset.done $0x0  }
0x81: {  	[sflag:s19] =	ssyncadd.s32 $0xFFFFC000  }
0x82: {  	_ =	swait.ge [sflag:s29], $0x4000  }
0x83: {  	[sflag:s29] =	ssyncset.done $0x0  }
0x84: {  	[sflag:s29] =	ssyncadd.s32 $0xFFFFC000  }
0x85: {  	_ =	swait.ge [sflag:s30], $0x80  }
0x86: {  	[sflag:s30] =	ssyncset.done $0x0  }
0x87: {  	[sflag:s30] =	ssyncadd.s32 $0xFFFFFF80  }
0x88: {  	[spmem:s1] =	stream.indirect.scatter.add.f32 [tilespmem:s25], [sflag:$0x5], $0x80, s24, s22, $0xb8;
	[tilespmem:$0x1E100] =	vst v63  }
0x89: {  	_ =	swait.ge [sflag:s19], $0x4000  }
0x8a: {  	[sflag:s19] =	ssyncset.done $0x0  }
0x8b: {  	s6 =	simm.s32 @!p2 $0x1E000;
	s3 =	simm.s32 @!p2 $0x0;
	[sflag:s19] =	ssyncadd.s32 $0xFFFFC000  }
0x8c: {  	[tilespmem:s6], [sflag:$0x5] =	stream.linear.gather @!p2 [hbm4b:s13+s3], $0x80, $0x38;
	[tilespmem:$0x1E100] =	vst v63  }
0x8d: {  	s3 =	simm.s32 @!p2 $0x5  }
0x8e: {  	_ =	swait.ge @!p2 [sflag:s3], $0x80  }
0x8f: {  	s9 =	simm.s32 @!p2 $0x80;
	[sflag:s3] =	ssyncset.done @!p2 $0x0  }
0x90: {  	s10 =	simm.s32 @!p2 $0x1DF80;
	s31 =	simm.s32 @!p2 $0x13880;
	[sflag:s3] =	ssyncadd.s32 @!p2 $0xFFFFFF80  }
0x91: {  	[tilespmem:s31], [sflag:$0x1] =	stream.indirect.gather @!p2 [hbm4b:s4+s9], $0x80, s10, s9, $0xb8;
	[tilespmem:$0x1E100] =	vst v63  }
0x92: {  	s10 =	simm.s32 @!p2 $0x1  }
0x93: {  	_ =	swait.ge @!p2 [sflag:s10], $0x4000  }
0x94: {  	[sflag:s10] =	ssyncset.done @!p2 $0x0  }
0x95: {  	[sflag:s10] =	ssyncadd.s32 @!p2 $0xFFFFC000  }
0x96: {  	[spmem:s1] =	stream.indirect.scatter.add.f32 @!p2 [tilespmem:s31], [sflag:$0x5], $0x80, s6, s9, $0xb8;
	[tilespmem:$0x1E100] =	vst v63  }
0x97: {  	_ =	swait.ge @!p2 [sflag:s3], $0x4000  }
0x98: {  	[sflag:s3] =	ssyncset.done @!p2 $0x0  }
0x99: {  	[sflag:s3] =	ssyncadd.s32 @!p2 $0xFFFFC000  }
0x9a: {  	s3 =	sor.u32 $0x1C05, s7;
	[bflag:$0x0] =	sbarrier.arrive $0xFFFF  }
0x9b: {  	[hbm:s14], [sflag:s3] =	dma.local [spmem:s5], $0x2700  }
0x9c: {  	_ =	swait.ge [sflag:s19], $0x2700  }
0x9d: {  	s0 =	sadd.s32 $0x1, s0;
	[sflag:s19] =	ssyncset.done $0x0  }
0x9e: {  	p4 =	sne.s32 s0, s16;
	s5 =	sshrl.u32 @!p3 s8, $0x3;
	[sflag:s19] =	ssyncadd.s32 $0xFFFFD900  }
0x9f: {  	[hbm:s15], [sflag:s3] =	dma.local @!p3 [spmem:s5], $0x100  }
.Ltmp5:
0xa0: {  	_ = 	snop;
	(pc) =	sbr.rel @p4 .LBB2_1-.Ltmp5, $4  }
0xa1: {  	s3 =	simm.s32 @!p3 $0x5  }
0xa2: {  	_ =	swait.ge @!p3 [sflag:s3], $0x100  }
0xa3: {  	[sflag:s3] =	ssyncset.done @!p3 $0x0  }
0xa4: {  	[sflag:s3] =	ssyncadd.s32 @!p3 $0xFFFFFF00  }
0xa5: {  	_ =	sfence.sel $0x180000  }
0xa6: {  	[bflag:$0x0] =	sbarrier.arrive $0xFFFF  }
0xa7: {  	_ =	strace $0x9000004D  }
0xa8: {  	s0 =	stileid.u32;
	[bflag:$0x2] =	sbarrier.arrive $0xFFFF  }
0xa9: {  	p0 =	sne.s32 s0, $0x0;
	s0 =	rddreg [dreg:$0x2]  }
0xaa: {  	s0 =	sadd.s32 @!p0 $0x100000, s0  }
0xab: {  	[sflag:s0] =	ssyncadd.tile.s32 @!p0 $0x1;
	_ =	shalt  }
.Lfunc_end2:
_tile_overlayer_lowered:
.L_overlay_start_2:
0xac: {  	(tag) =	ssettag $0x2  }
0xad: {  	s0 =	rddreg [dreg:$0x0];
	s2 =	stileid.u32  }
0xae: {  	s1 =	rddreg [dreg:$0x1];
	p0 =	sne.s32 s2, $0x0  }
0xaf: {  	s3 =	rddreg [dreg:$0x2];
	[bflag:$0x3] =	sbarrier.arrive $0xFFFF;
	s2 =	simm.s32 @!p0 $0x1C05  }
0xb0: {  	[timem:s3], [sflag:s2] =	dma.local @!p0 [hbm:s0], s1  }
0xb1: {  	s0 =	simm.s32 @!p0 $0x5  }
0xb2: {  	_ =	swait.ge @!p0 [sflag:s0], s1  }
0xb3: {  	s1 =	ssub.s32 @!p0 $0x0, s1;
	[sflag:s0] =	ssyncset.done @!p0 $0x0  }
0xb4: {  	[sflag:s0] =	ssyncadd.s32 @!p0 s1  }
0xb5: {  	[bflag:$0x3] =	sbarrier.arrive $0xFFFF  }
0xb6: {  	_ =	shalt  }

// kernel: kernel.23.cloned.1.call-start
scs
__scs_entry_jumppad:
0x0: {  	(pc) =	sbr.rel $0x88, $3  }
0x1: {  	(tag) =	ssettag $0x0;
	lr =	simm.s32 $0x1  }
0x2: {  	[smem:$0x3F90] =	sst lr;
	_ =	strace $0xD0000000  }
0x3: {  	_ = 	snop  }
0x4: {  	_ = 	snop  }
0x5: {  	_ = 	snop  }
0x6: {  	_ = 	snop  }
0x7: {  	_ = 	snop  }
__scs_overlays_trampoline_lowered:
0x8: {  	[smem:$0x3F9F] =	sst s0  }
0x9: {  	[smem:$0x3FA0] =	sst s1  }
0xa: {  	[smem:$0x3FA1] =	sst s2  }
0xb: {  	[smem:$0x3FA2] =	sst s3  }
0xc: {  	[smem:$0x3FA3] =	sst s4  }
0xd: {  	[smem:$0x3FA4] =	sst s5  }
0xe: {  	[smem:$0x3FA5] =	sst s6  }
0xf: {  	[smem:$0x3FA6] =	sst s7  }
0x10: {  	[smem:$0x3FA7] =	sst s8  }
0x11: {  	[smem:$0x3FA8] =	sst s9;
	s0 =	simm.s32 @!p0 $0x0  }
0x12: {  	s1 =	sld [smem:$0x3F8E];
	s0 =	simm.s32 @p0 $0x1  }
0x13: {  	[smem:$0x3FA9] =	sst s0;
	s0 =	simm.s32 @!p1 $0x0  }
0x14: {  	s2 =	sld [smem:$0x3F8D];
	s0 =	simm.s32 @p1 $0x1  }
0x15: {  	[smem:$0x3FAA] =	sst s0;
	s0 =	simm.s32 @!p2 $0x0  }
0x16: {  	s3 =	sld [smem:$0x3FDB];
	s0 =	simm.s32 @p2 $0x1  }
0x17: {  	s4 =	simm.s32 $0x1BF5;
	[smem:$0x3FAC] =	sst s0  }
0x18: {  	s0 =	sld [smem:$0x3F8F];
	_ =	swait.ge [sflag:s4], $0x0  }
0x19: {  	s7 =	sld [smem:$0x3F90]  }
0x1a: {  	s8 =	sadd.s32 $0xFFFFE003, lr  }
0x1b: {  	s9 =	sadd.s32 $0xFFFFFEF7, lr;
	s5 =	simm.s32 $0xFFFFFFFF;
	p2 =	slt.u32 s8, $0xFFFFF086  }
0x1c: {  	p1 =	slt.u32 s9, $0xF7A;
	s5 =	simm.s32 @!p2 $0x0  }
0x1d: {  	s5 =	simm.s32 @p1 $0x1;
	p0 =	seq.s32 s7, s2  }
0x1e: {  	s7 =	smul.u32 @!p0 $0xF7A, s2;
	p2 =	seq.s32 @!p0 s5, $0x0  }
0x1f: {  	s9 =	smul.u32 $0xF7A, s1;
	s8 =	simm.s32 @!p0 $0x1BF5;
	p2 =	por !p2, p0  }
0x20: {  	[sflag:s8] =	ssyncset.s32 @!p0 $0xFFFFF086;
	s6 =	sadd.s32 @!p0 s3, s7;
	s7 =	simm.s32 @!p0 $0x108  }
0x21: {  	s3 =	sadd.s32 s3, s9;
	s6 =	sadd.s32 @!p0 $0x88, s6;
	s7 =	simm.s32 @p2 $0x1082  }
0x22: {  	[simem:s7], [sflag:s8] =	dma.local @!p0 [hbm:s6], $0xF7A  }
0x23: {  	s9 =	sor.u32 $0xD0000000, s2;
	s6 =	simm.s32 $0x108;
	_ =	swait.ge @!p0 [sflag:s8], $0x0  }
0x24: {  	s3 =	sadd.s32 $0x88, s3;
	s6 =	simm.s32 @!p1 $0x1082;
	[sflag:s4] =	ssyncset.s32 $0xFFFFF086  }
0x25: {  	[simem:s6], [sflag:s4] =	dma.local [hbm:s3], $0xF7A  }
0x26: {  	[smem:$0x3F90] =	sst s1;
	(tag) =	ssettag s2;
	_ =	strace s9  }
0x27: {  	s1 =	sld [smem:$0x3FA0]  }
0x28: {  	s2 =	sld [smem:$0x3FA1]  }
0x29: {  	s4 =	sld [smem:$0x3FA3]  }
0x2a: {  	p0 =	seq.s32 s5, $0x0;
	s5 =	sld [smem:$0x3FA4]  }
0x2b: {  	s6 =	sld [smem:$0x3FA5]  }
0x2c: {  	s7 =	sld [smem:$0x3FA6]  }
0x2d: {  	s3 =	simm.s32 $0x108;
	s8 =	sld [smem:$0x3FA7]  }
0x2e: {  	s3 =	simm.s32 @!p0 $0x1082;
	s9 =	sld [smem:$0x3FA8]  }
0x2f: {  	lr =	sadd.s32 s0, s3;
	s0 =	sld [smem:$0x3F9F]  }
0x30: {  	s3 =	sld [smem:$0x3FA2]  }
0x31: {  	[smem:$0x3FAB] =	sst s10  }
0x32: {  	s10 =	sld [smem:$0x3FA9];
	_ =	sdelay $0x3  }
0x33: {  	p0 =	seq.s32 s10, $0x1;
	s10 =	sld [smem:$0x3FAB];
	_ =	sdelay $0x3  }
0x34: {  	[smem:$0x3FAB] =	sst s10  }
0x35: {  	s10 =	sld [smem:$0x3FAA];
	_ =	sdelay $0x3  }
0x36: {  	p1 =	seq.s32 s10, $0x1;
	s10 =	sld [smem:$0x3FAB];
	_ =	sdelay $0x3  }
0x37: {  	[smem:$0x3FAB] =	sst s10  }
0x38: {  	s10 =	sld [smem:$0x3FAC]  }
0x39: {  	_ = 	snop;
	(pc) =	sbr.ind lr, $3  }
0x3a: {  	_ = 	snop  }
0x3b: {  	_ = 	snop  }
0x3c: {  	p2 =	seq.s32 s10, $0x1;
	s10 =	sld [smem:$0x3FAB]  }
0x3d: {  	_ =	shalt  }
0x3e: {  	_ =	shalt  }
0x3f: {  	_ =	shalt  }
0x40: {  	_ =	shalt  }
0x41: {  	_ =	shalt  }
0x42: {  	_ =	shalt  }
0x43: {  	_ =	shalt  }
0x44: {  	_ =	shalt  }
0x45: {  	_ =	shalt  }
0x46: {  	_ =	shalt  }
0x47: {  	_ =	shalt  }
0x48: {  	_ =	shalt  }
0x49: {  	_ =	shalt  }
0x4a: {  	_ =	shalt  }
0x4b: {  	_ =	shalt  }
0x4c: {  	_ =	shalt  }
0x4d: {  	_ =	shalt  }
0x4e: {  	_ =	shalt  }
0x4f: {  	_ =	shalt  }
0x50: {  	_ =	shalt  }
0x51: {  	_ =	shalt  }
0x52: {  	_ =	shalt  }
0x53: {  	_ =	shalt  }
0x54: {  	_ =	shalt  }
0x55: {  	_ =	shalt  }
0x56: {  	_ =	shalt  }
0x57: {  	_ =	shalt  }
0x58: {  	_ =	shalt  }
0x59: {  	_ =	shalt  }
0x5a: {  	_ =	shalt  }
0x5b: {  	_ =	shalt  }
0x5c: {  	_ =	shalt  }
0x5d: {  	_ =	shalt  }
0x5e: {  	_ =	shalt  }
0x5f: {  	_ =	shalt  }
0x60: {  	_ =	shalt  }
0x61: {  	_ =	shalt  }
0x62: {  	_ =	shalt  }
0x63: {  	_ =	shalt  }
0x64: {  	_ =	shalt  }
0x65: {  	_ =	shalt  }
0x66: {  	_ =	shalt  }
0x67: {  	_ =	shalt  }
0x68: {  	_ =	shalt  }
0x69: {  	_ =	shalt  }
0x6a: {  	_ =	shalt  }
0x6b: {  	_ =	shalt  }
0x6c: {  	_ =	shalt  }
0x6d: {  	_ =	shalt  }
0x6e: {  	_ =	shalt  }
0x6f: {  	_ =	shalt  }
0x70: {  	_ =	shalt  }
0x71: {  	_ =	shalt  }
0x72: {  	_ =	shalt  }
0x73: {  	_ =	shalt  }
0x74: {  	_ =	shalt  }
0x75: {  	_ =	shalt  }
0x76: {  	_ =	shalt  }
0x77: {  	_ =	shalt  }
0x78: {  	_ =	shalt  }
0x79: {  	_ =	shalt  }
0x7a: {  	_ =	shalt  }
0x7b: {  	_ =	shalt  }
0x7c: {  	_ =	shalt  }
0x7d: {  	_ =	shalt  }
0x7e: {  	_ =	shalt  }
0x7f: {  	_ =	shalt  }
0x80: {  	_ =	shalt  }
0x81: {  	_ =	shalt  }
0x82: {  	_ =	shalt  }
0x83: {  	_ =	shalt  }
0x84: {  	_ =	shalt  }
0x85: {  	_ =	shalt  }
0x86: {  	_ =	shalt  }
0x87: {  	_ =	shalt  }
.Lfunc_end0:
.L_simem_size_0:
called_computation.3_lowered:
.L_overlay_start_0:
0x88: {  	s2 =	sld [smem:$0x3FD9]  }
0x89: {  	s3 =	sld [smem:$0x3FFE];
	_ =	sdelay $0x1  }
0x8a: {  	s1 =	srdreg.scid  }
0x8b: {  	s0 =	sand.u32 $0x1, s1  }
0x8c: {  	s16 =	sshll.u32 s0, $0xA;
	s2 =	sadd.s32 s3, s2  }
0x8d: {  	s2 =	sadd.s32 s2, s16  }
0x8e: {  	[smem:$0x3FB7] =	sst s2  }
0x8f: {  	_ = 	snop  }
0x90: {  	(tm) =	ssettm $0x1  }
0x91: {  	s17 =	sld [smem:$0x3FFB];
	_ =	sdelay $0x3  }
0x92: {  	_ =	strace s17  }
0x93: {  	s2 =	sld [smem:$0x3FFC];
	_ =	sdelay $0x3  }
0x94: {  	_ =	strace s2  }
0x95: {  	s2 =	sld [smem:$0x3FFD];
	_ =	sdelay $0x3  }
0x96: {  	_ =	strace s2  }
0x97: {  	_ =	strace $0x8FFFFFFF  }
0x98: {  	s18 =	sld [smem:$0x3FDB];
	_ =	sdelay $0x1  }
0x99: {  	s19 =	simm.s32 $_scs_section_size  }
0x9a: {  	s4 =	simm.s32 $_size__tile_overlayer_lowered;
	s5 =	simm.s32 $_tile_overlayer_lowered  }
0x9b: {  	s22 =	simm.s32 $0x1BFF;
	s21 =	sshll.u32 s5, $0x1;
	s2 =	sadd.s32 s19, s18  }
0x9c: {  	s6 =	simm.s32 $0x0;
	s20 =	sshll.u32 s4, $0x1;
	s4 =	sadd.s32 s21, s2  }
0x9d: {  	[timem:s6], [sflag:s22] =	dma.local [hbm:s4], s20  }
0x9e: {  	_ =	swait.ge [sflag:s22], s20  }
0x9f: {  	s3 =	ssub.s32 $0x0, s20;
	[sflag:s22] =	ssyncset.done $0x0  }
0xa0: {  	[sflag:s22] =	ssyncadd.s32 s3;
	_ =	sdelay $0x1  }
0xa1: {  	s23 =	simm.s32 $0x1B8B  }
0xa2: {  	_ =	swait.ge [sflag:s23], $0x1  }
0xa3: {  	[sflag:s23] =	ssyncset.done $0x0  }
0xa4: {  	s25 =	simm.s32 $0x1B8E;
	s24 =	sld [smem:$0x3FFE];
	[sflag:s23] =	ssyncadd.s32 $0xFFFFFFFF  }
0xa5: {  	s26 =	simm.s32 $execute0_lowered;
	[smem:$0x3FD2] =	sst s25  }
0xa6: {  	s4 =	sshll.u32 s26, $0x1;
	_ =	strace $0x8000004F;
	[dreg:$0x1] =	wrdreg $0xFFFFFFFF  }
0xa7: {  	s28 =	simm.s32 $_size_execute0_lowered;
	s2 =	sadd.s32 s2, s4;
	[dreg:$0x0] =	wrdreg $0x0  }
0xa8: {  	s4 =	sshll.u32 s28, $0x1;
	[dreg:$0x2] =	wrdreg s2  }
0xa9: {  	[dreg:$0x3] =	wrdreg s4  }
0xaa: {  	[dreg:$0x4] =	wrdreg $0xC0  }
0xab: {  	_ =	task [dreg:s6], $0x5FFFF  }
0xac: {  	[dreg:$0x1] =	wrdreg $0xFFFFFFFF  }
0xad: {  	[dreg:$0x0] =	wrdreg $0x60  }
0xae: {  	[dreg:$0x2] =	wrdreg s24  }
0xaf: {  	[dreg:$0x3] =	wrdreg $0x0  }
0xb0: {  	[dreg:$0x4] =	wrdreg $0x9  }
0xb1: {  	_ =	task.clear_ibuf [dreg:s6], $0x5FFFF;
	_ =	strace $0x9000004F  }
0xb2: {  	s29 =	simm.s32 $0x9;
	_ =	strace $0x80000051  }
0xb3: {  	_ =	swait.ge [sflag:s29], $0x1  }
0xb4: {  	[sflag:s29] =	ssyncadd.s32 $0xFFFFFFFF  }
0xb5: {  	_ =	strace $0x90000051  }
0xb6: {  	_ =	sfence  }
0xb7: {  	s30 =	sld [smem:$0x0];
	_ =	sdelay $0x2  }
0xb8: {  	s31 =	sshll.u32 s1, $0xD;
	s1 =	sshrl.u32 s1, $0x2  }
0xb9: {  	s3 =	sand.u32 $0x4000, s31;
	s1 =	sadd.s32 s1, s30  }
0xba: {  	s0 =	sor.u32 s3, s0;
	s1 =	sshll.u32 s1, $0x11  }
0xbb: {  	s0 =	sor.u32 s1, s0  }
0xbc: {  	s0 =	sadd.s32 $0x8F2B, s0  }
0xbd: {  	[sflag:s0] =	ssyncadd.remote.s32 $0x1  }
0xbe: {  	_ =	sfence.sel $0xFFFF  }
0xbf: {  	[dreg:$0x0] =	wrdreg $0xFFFFFFFF;
	(pc) =	sbr.abs _section_cstart, $3  }
0xc0: {  	[dreg:$0x1] =	wrdreg $0xFFFFFFFF  }
0xc1: {  	_ =	task.clear_ibuf [dreg:s6], $0x2FFFF;
	_ =	strace $0x9FFFFFFF  }
0xc2: {  	(tm) =	ssettm $0x7FFFFFFF  }
0xc3: {  	_ =	shalt  }
tec
execute0_lowered:
.L_overlay_start_1:
0x0: {  	(tag) =	ssettag $0x1  }
0x1: {  	s0 =	rddreg [dreg:$0x0]  }
0x2: {  	s1 =	rddreg [dreg:$0x1];
	s2 =	simm.s32 $0x0  }
0x3: {  	s3 =	srdreg.scid;
	s26 =	stileid.u32;
	s28 =	simm.s32 $0x3  }
0x4: {  	s29 =	simm.s32 $0x2;
	s30 =	simm.s32 $0x4;
	[smem:$0x7FF] =	sst s2  }
0x5: {  	s4 =	sadd.s32 $0x70600, s0;
	s12 =	sadd.s32 $0x22200, s0;
	s6 =	smul.u32 $0x4E000, s26  }
0x6: {  	s5 =	sadd.s32 $0x18400, s0;
	s3 =	sand.u32 $0x1, s3;
	s10 =	smul.u32 $0x2700, s26  }
0x7: {  	s7 =	sadd.s32 $0xE600, s0;
	s0 =	sadd.s32 $0x97800, s0;
	s16 =	smul.u32 $0x13800, s26  }
0x8: {  	s17 =	smul.u32 $0x4E, s26;
	p1 =	seq.s32 s26, $0xF;
	p3 =	sne.s32 s26, $0xF  }
0x9: {  	_ =	strace $0x80000050;
	s8 =	sshll.u32 s3, $0x4;
	s15 =	smul.u32 $0x138800, s3  }
0xa: {  	s9 =	ssub.s32 $0x2, s3;
	[dreg:$0x3] =	wrdreg s12;
	s24 =	smul.u32 $0x4E0, s3  }
0xb: {  	p0 =	sne.s32 s3, $0x0;
	s20 =	sor.u32 s26, s8;
	s18 =	sshrl.u32 s9, $0x1  }
0xc: {  	s6 =	sshrl.u32 s6, $0x2;
	s19 =	sadd.s32 s12, s10;
	s8 =	sadd.s32 $0x138000, s1  }
0xd: {  	s22 =	sadd.s32 s4, s10;
	s26 =	simm.s32 $0x1;
	s11 =	smul.u32 $0x4E, s20  }
0xe: {  	s9 =	ssub.s32 s9, s18;
	s14 =	smin.u32 s20, $0x4;
	[dreg:$0x5] =	wrdreg s19  }
0xf: {  	s6 =	sadd.s32 s6, s1;
	[dreg:$0x6] =	wrdreg s22;
	s16 =	sadd.s32 s16, s15  }
0x10: {  	s15 =	sshrl.u32 s15, $0x3;
	s19 =	simm.s32 $0x5;
	p2 =	sgt.u32 s20, $0x3  }
0x11: {  	s20 =	simm.s32 $0x1B880;
	s22 =	simm.s32 $0x80;
	[dreg:$0x4] =	wrdreg s6  }
0x12: {  	s25 =	sshrl.u32 s16, $0x3;
	s15 =	sadd.s32 s0, s15;
	s11 =	sadd.s32 s14, s11  }
0x13: {  	s16 =	smax.u32 s9, $0x1;
	s15 =	sadd.s32 $0x27000, s15;
	s21 =	sshll.u32 s11, $0x4  }
0x14: {  	s13 =	sadd.s32 $0x4E0, s21;
	s23 =	sadd.s32 s5, s21;
	s12 =	sadd.s32 s7, s21  }
0x15: {  	s21 =	simm.s32 $0x1E000;
	s11 =	sadd.s32 s5, s13;
	s5 =	sor.u32 s24, s14  }
0x16: {  	[dreg:$0x7] =	wrdreg s23;
	s13 =	sadd.s32 s7, s13;
	s5 =	sadd.s32 s17, s5  }
0x17: {  	s14 =	sadd.s32 s0, s25;
	s23 =	simm.s32 $0x13880;
	s31 =	sshll.u32 s5, $0x4  }
0x18: {  	s24 =	simm.s32 $0x1E080;
	s25 =	simm.s32 $0x17880;
	s0 =	sadd.s32 s31, s7  }
0x19: {  	s17 =	sadd.s32 $0x4D0, s12;
	s18 =	sadd.s32 $0x10, s0;
	s0 =	simm.s32 $0x0  }
.LBB2_1:
.Ltmp0:
0x1a: {  	(pc) =	sbr.rel @p0 .LBB2_3-.Ltmp0, $4  }
0x1b: {  	_ = 	snop  }
0x1c: {  	s3 =	stileid.u32  }
0x1d: {  	s31 =	rddreg [dreg:$0x4];
	s7 =	sshll.u32 s3, $0x6  }
0x1e: {  	s5 =	sshrl.u32 s31, $0x3;
	s9 =	sor.u32 $0x1C05, s7  }
0x1f: {  	s9 =	sor.u32 $0x1C05, s7;
	s3 =	rddreg [dreg:$0x6]  }
0x20: {  	[spmem:s5], [sflag:s9] =	dma.local [hbm:s3], $0x2700  }
.Ltmp1:
0x21: {  	_ = 	snop;
	(pc) =	sbr.rel @p1 .LBB2_4-.Ltmp1, $4  }
.Ltmp2:
0x22: {  	_ = 	snop;
	(pc) =	sbr.rel @!p1 .LBB2_5-.Ltmp2, $4  }
0x23: {  	_ =	swait.ge [sflag:s19], $0x2700  }
0x24: {  	[sflag:s19] =	ssyncset.done $0x0  }
0x25: {  	s3 =	smov.u32 s4;
	[sflag:s19] =	ssyncadd.s32 $0xFFFFD900  }
0x26: {  	_ = 	snop  }
.LBB2_3:
.Ltmp3:
0x27: {  	s3 =	rddreg [dreg:$0x5];
	(pc) =	sbr.rel @p3 .LBB2_5-.Ltmp3, $4  }
0x28: {  	[spmem:s5], [sflag:s9] =	dma.local [hbm:s3], $0x2700  }
0x29: {  	_ =	swait.ge [sflag:s19], $0x2700  }
0x2a: {  	[sflag:s19] =	ssyncset.done $0x0  }
0x2b: {  	s3 =	rddreg [dreg:$0x3];
	[sflag:s19] =	ssyncadd.s32 $0xFFFFD900  }
.LBB2_4:
0x2c: {  	s3 =	sadd.s32 $0x27000, s3;
	s31 =	sshrl.u32 s8, $0x3  }
0x2d: {  	[spmem:s31], [sflag:s9] =	dma.local [hbm:s3], $0x100  }
0x2e: {  	_ =	swait.ge [sflag:s19], $0x100  }
0x2f: {  	[sflag:s19] =	ssyncset.done $0x0  }
0x30: {  	[sflag:s19] =	ssyncadd.s32 $0xFFFFFF00  }
.LBB2_5:
0x31: {  	[bflag:$0x0] =	sbarrier.arrive $0xFFFF  }
0x32: {  	s3 =	rddreg [dreg:$0x7]  }
0x33: {  	[tilespmem:s20], [sflag:$0x5] =	stream.linear.gather [hbm4b:s3+s2], $0x2700, $0x38;
	[tilespmem:$0x1E100] =	vst v63  }
0x34: {  	_ =	swait.ge [sflag:s19], $0x2700  }
0x35: {  	[sflag:s19] =	ssyncset.done $0x0  }
0x36: {  	s9 =	simm.s32 @!p2 $0x1DF80;
	s3 =	simm.s32 @!p2 $0x0;
	[sflag:s19] =	ssyncadd.s32 $0xFFFFD900  }
0x37: {  	[tilespmem:s9], [sflag:$0x5] =	stream.linear.gather @!p2 [hbm4b:s11+s3], $0x80, $0x38;
	[tilespmem:$0x1E100] =	vst v63  }
0x38: {  	s3 =	simm.s32 @!p2 $0x5  }
0x39: {  	_ =	swait.ge @!p2 [sflag:s3], $0x80  }
0x3a: {  	[sflag:s3] =	ssyncset.done @!p2 $0x0  }
0x3b: {  	[sflag:s3] =	ssyncadd.s32 @!p2 $0xFFFFFF80  }
0x3c: {  	[tilespmem:s21], [sflag:$0x3] =	stream.linear.gather [hbm4b:s12+s2], $0x80, $0x38;
	[tilespmem:$0x1E100] =	vst v63  }
0x3d: {  	_ = 	snop  }
0x3e: {  	[tilespmem:s23], [sflag:$0x1] =	stream.indirect.gather [hbm4b:s4+s22], $0x80, s20, s22, $0xb8;
	[tilespmem:$0x1E100] =	vst v63  }
0x3f: {  	_ = 	snop  }
0x40: {  	[tilespmem:s24], [sflag:$0x4] =	stream.linear.gather [hbm4b:s18+s2], $0x80, $0x38;
	[tilespmem:$0x1E100] =	vst v63  }
0x41: {  	s9 =	simm.s32 $0x1B900  }
0x42: {  	[tilespmem:s25], [sflag:$0x2] =	stream.indirect.gather [hbm4b:s4+s22], $0x80, s9, s22, $0xb8;
	[tilespmem:$0x1E100] =	vst v63  }
0x43: {  	_ =	swait.ge [sflag:s26], $0x4000  }
0x44: {  	[sflag:s26] =	ssyncset.done $0x0  }
0x45: {  	[sflag:s26] =	ssyncadd.s32 $0xFFFFC000  }
0x46: {  	_ =	swait.ge [sflag:s28], $0x80  }
0x47: {  	[sflag:s28] =	ssyncset.done $0x0  }
0x48: {  	[sflag:s28] =	ssyncadd.s32 $0xFFFFFF80  }
0x49: {  	[spmem:s1] =	stream.indirect.scatter.add.f32 [tilespmem:s23], [sflag:$0x5], $0x80, s21, s22, $0xb8;
	[tilespmem:$0x1E100] =	vst v63  }
0x4a: {  	_ =	swait.ge [sflag:s19], $0x4000  }
0x4b: {  	[sflag:s19] =	ssyncset.done $0x0  }
0x4c: {  	s10 =	sadd.s32 $0x10, s18;
	[sflag:s19] =	ssyncadd.s32 $0xFFFFC000  }
0x4d: {  	[tilespmem:s21], [sflag:$0x3] =	stream.linear.gather [hbm4b:s10+s2], $0x80, $0x38;
	[tilespmem:$0x1E100] =	vst v63  }
0x4e: {  	s31 =	simm.s32 $0x1B980  }
0x4f: {  	[tilespmem:s23], [sflag:$0x1] =	stream.indirect.gather [hbm4b:s4+s22], $0x80, s31, s22, $0xb8;
	[tilespmem:$0x1E100] =	vst v63  }
0x50: {  	_ =	swait.ge [sflag:s29], $0x4000  }
0x51: {  	[sflag:s29] =	ssyncset.done $0x0  }
0x52: {  	[sflag:s29] =	ssyncadd.s32 $0xFFFFC000  }
0x53: {  	_ =	swait.ge [sflag:s30], $0x80  }
0x54: {  	[sflag:s30] =	ssyncset.done $0x0  }
0x55: {  	[sflag:s30] =	ssyncadd.s32 $0xFFFFFF80  }
0x56: {  	[spmem:s1] =	stream.indirect.scatter.add.f32 [tilespmem:s25], [sflag:$0x5], $0x80, s24, s22, $0xb8;
	[tilespmem:$0x1E100] =	vst v63  }
0x57: {  	_ =	swait.ge [sflag:s19], $0x4000  }
0x58: {  	s3 =	simm.s32 $0xFFFF6C00;
	s9 =	sadd.s32 $0x20, s18;
	[sflag:s19] =	ssyncset.done $0x0  }
.LBB2_6:
0x59: {  	s6 =	smov.u32 s3  }
0x5a: {  	s31 =	sshra.s32 s3, $0x2;
	[sflag:s19] =	ssyncadd.s32 $0xFFFFC000;
	s6 =	sadd.s32 $0x400, s3  }
0x5b: {  	[tilespmem:s24], [sflag:$0x4] =	stream.linear.gather [hbm4b:s9+s2], $0x80, $0x38;
	[tilespmem:$0x1E100] =	vst v63  }
0x5c: {  	p4 =	sne.s32 s3, $0xFFFFFC00;
	s10 =	sadd.s32 $0x1DF00, s31  }
0x5d: {  	[tilespmem:s25], [sflag:$0x2] =	stream.indirect.gather [hbm4b:s4+s22], $0x80, s10, s22, $0xb8;
	[tilespmem:$0x1E100] =	vst v63  }
0x5e: {  	_ =	swait.ge [sflag:s26], $0x4000  }
0x5f: {  	[sflag:s26] =	ssyncset.done $0x0  }
0x60: {  	[sflag:s26] =	ssyncadd.s32 $0xFFFFC000  }
0x61: {  	_ =	swait.ge [sflag:s28], $0x80  }
0x62: {  	[sflag:s28] =	ssyncset.done $0x0  }
0x63: {  	[sflag:s28] =	ssyncadd.s32 $0xFFFFFF80  }
0x64: {  	[spmem:s1] =	stream.indirect.scatter.add.f32 [tilespmem:s23], [sflag:$0x5], $0x80, s21, s22, $0xb8;
	[tilespmem:$0x1E100] =	vst v63  }
0x65: {  	_ =	swait.ge [sflag:s19], $0x4000  }
0x66: {  	[sflag:s19] =	ssyncset.done $0x0  }
0x67: {  	s3 =	sadd.s32 $0x10, s9;
	[sflag:s19] =	ssyncadd.s32 $0xFFFFC000  }
0x68: {  	[tilespmem:s21], [sflag:$0x3] =	stream.linear.gather [hbm4b:s3+s2], $0x80, $0x38;
	[tilespmem:$0x1E100] =	vst v63  }
0x69: {  	s3 =	sadd.s32 $0x1DF80, s31  }
0x6a: {  	[tilespmem:s23], [sflag:$0x1] =	stream.indirect.gather [hbm4b:s4+s22], $0x80, s3, s22, $0xb8;
	[tilespmem:$0x1E100] =	vst v63  }
0x6b: {  	_ =	swait.ge [sflag:s29], $0x4000  }
0x6c: {  	[sflag:s29] =	ssyncset.done $0x0  }
0x6d: {  	[sflag:s29] =	ssyncadd.s32 $0xFFFFC000  }
0x6e: {  	_ =	swait.ge [sflag:s30], $0x80  }
.Ltmp4:
0x6f: {  	[sflag:s30] =	ssyncset.done $0x0;
	(pc) =	sbr.rel @p4 .LBB2_6-.Ltmp4, $4  }
0x70: {  	[sflag:s30] =	ssyncadd.s32 $0xFFFFFF80  }
0x71: {  	[spmem:s1] =	stream.indirect.scatter.add.f32 [tilespmem:s25], [sflag:$0x5], $0x80, s24, s22, $0xb8;
	[tilespmem:$0x1E100] =	vst v63  }
0x72: {  	_ =	swait.ge [sflag:s19], $0x4000  }
0x73: {  	s9 =	sadd.s32 $0x20, s9;
	s3 =	smov.u32 s6;
	[sflag:s19] =	ssyncset.done $0x0  }
0x74: {  	[sflag:s19] =	ssyncadd.s32 $0xFFFFC000  }
0x75: {  	[tilespmem:s24], [sflag:$0x4] =	stream.linear.gather [hbm4b:s17+s2], $0x80, $0x38;
	[tilespmem:$0x1E100] =	vst v63  }
0x76: {  	s3 =	simm.s32 $0x1DF00  }
0x77: {  	[tilespmem:s25], [sflag:$0x2] =	stream.indirect.gather [hbm4b:s4+s22], $0x80, s3, s22, $0xb8;
	[tilespmem:$0x1E100] =	vst v63  }
0x78: {  	_ =	swait.ge [sflag:s26], $0x4000  }
0x79: {  	[sflag:s26] =	ssyncset.done $0x0  }
0x7a: {  	[sflag:s26] =	ssyncadd.s32 $0xFFFFC000  }
0x7b: {  	_ =	swait.ge [sflag:s28], $0x80  }
0x7c: {  	[sflag:s28] =	ssyncset.done $0x0  }
0x7d: {  	[sflag:s28] =	ssyncadd.s32 $0xFFFFFF80  }
0x7e: {  	[spmem:s1] =	stream.indirect.scatter.add.f32 [tilespmem:s23], [sflag:$0x5], $0x80, s21, s22, $0xb8;
	[tilespmem:$0x1E100] =	vst v63  }
0x7f: {  	_ =	swait.ge [sflag:s19], $0x4000  }
0x80: {  	[sflag:s19] =	ssyncset.done $0x0  }
0x81: {  	[sflag:s19] =	ssyncadd.s32 $0xFFFFC000  }
0x82: {  	_ =	swait.ge [sflag:s29], $0x4000  }
0x83: {  	[sflag:s29] =	ssyncset.done $0x0  }
0x84: {  	[sflag:s29] =	ssyncadd.s32 $0xFFFFC000  }
0x85: {  	_ =	swait.ge [sflag:s30], $0x80  }
0x86: {  	[sflag:s30] =	ssyncset.done $0x0  }
0x87: {  	[sflag:s30] =	ssyncadd.s32 $0xFFFFFF80  }
0x88: {  	[spmem:s1] =	stream.indirect.scatter.add.f32 [tilespmem:s25], [sflag:$0x5], $0x80, s24, s22, $0xb8;
	[tilespmem:$0x1E100] =	vst v63  }
0x89: {  	_ =	swait.ge [sflag:s19], $0x4000  }
0x8a: {  	[sflag:s19] =	ssyncset.done $0x0  }
0x8b: {  	s6 =	simm.s32 @!p2 $0x1E000;
	s3 =	simm.s32 @!p2 $0x0;
	[sflag:s19] =	ssyncadd.s32 $0xFFFFC000  }
0x8c: {  	[tilespmem:s6], [sflag:$0x5] =	stream.linear.gather @!p2 [hbm4b:s13+s3], $0x80, $0x38;
	[tilespmem:$0x1E100] =	vst v63  }
0x8d: {  	s3 =	simm.s32 @!p2 $0x5  }
0x8e: {  	_ =	swait.ge @!p2 [sflag:s3], $0x80  }
0x8f: {  	s9 =	simm.s32 @!p2 $0x80;
	[sflag:s3] =	ssyncset.done @!p2 $0x0  }
0x90: {  	s10 =	simm.s32 @!p2 $0x1DF80;
	s31 =	simm.s32 @!p2 $0x13880;
	[sflag:s3] =	ssyncadd.s32 @!p2 $0xFFFFFF80  }
0x91: {  	[tilespmem:s31], [sflag:$0x1] =	stream.indirect.gather @!p2 [hbm4b:s4+s9], $0x80, s10, s9, $0xb8;
	[tilespmem:$0x1E100] =	vst v63  }
0x92: {  	s10 =	simm.s32 @!p2 $0x1  }
0x93: {  	_ =	swait.ge @!p2 [sflag:s10], $0x4000  }
0x94: {  	[sflag:s10] =	ssyncset.done @!p2 $0x0  }
0x95: {  	[sflag:s10] =	ssyncadd.s32 @!p2 $0xFFFFC000  }
0x96: {  	[spmem:s1] =	stream.indirect.scatter.add.f32 @!p2 [tilespmem:s31], [sflag:$0x5], $0x80, s6, s9, $0xb8;
	[tilespmem:$0x1E100] =	vst v63  }
0x97: {  	_ =	swait.ge @!p2 [sflag:s3], $0x4000  }
0x98: {  	[sflag:s3] =	ssyncset.done @!p2 $0x0  }
0x99: {  	[sflag:s3] =	ssyncadd.s32 @!p2 $0xFFFFC000  }
0x9a: {  	s3 =	sor.u32 $0x1C05, s7;
	[bflag:$0x0] =	sbarrier.arrive $0xFFFF  }
0x9b: {  	[hbm:s14], [sflag:s3] =	dma.local [spmem:s5], $0x2700  }
0x9c: {  	_ =	swait.ge [sflag:s19], $0x2700  }
0x9d: {  	s0 =	sadd.s32 $0x1, s0;
	[sflag:s19] =	ssyncset.done $0x0  }
0x9e: {  	p4 =	sne.s32 s0, s16;
	s5 =	sshrl.u32 @!p3 s8, $0x3;
	[sflag:s19] =	ssyncadd.s32 $0xFFFFD900  }
0x9f: {  	[hbm:s15], [sflag:s3] =	dma.local @!p3 [spmem:s5], $0x100  }
.Ltmp5:
0xa0: {  	_ = 	snop;
	(pc) =	sbr.rel @p4 .LBB2_1-.Ltmp5, $4  }
0xa1: {  	s3 =	simm.s32 @!p3 $0x5  }
0xa2: {  	_ =	swait.ge @!p3 [sflag:s3], $0x100  }
0xa3: {  	[sflag:s3] =	ssyncset.done @!p3 $0x0  }
0xa4: {  	[sflag:s3] =	ssyncadd.s32 @!p3 $0xFFFFFF00  }
0xa5: {  	_ =	sfence.sel $0x180000  }
0xa6: {  	[bflag:$0x0] =	sbarrier.arrive $0xFFFF  }
0xa7: {  	_ =	strace $0x90000050  }
0xa8: {  	s0 =	stileid.u32;
	[bflag:$0x2] =	sbarrier.arrive $0xFFFF  }
0xa9: {  	p0 =	sne.s32 s0, $0x0;
	s0 =	rddreg [dreg:$0x2]  }
0xaa: {  	s0 =	sadd.s32 @!p0 $0x100000, s0  }
0xab: {  	[sflag:s0] =	ssyncadd.tile.s32 @!p0 $0x1;
	_ =	shalt  }
.Lfunc_end2:
_tile_overlayer_lowered:
.L_overlay_start_2:
0xac: {  	(tag) =	ssettag $0x2  }
0xad: {  	s0 =	rddreg [dreg:$0x0];
	s2 =	stileid.u32  }
0xae: {  	s1 =	rddreg [dreg:$0x1];
	p0 =	sne.s32 s2, $0x0  }
0xaf: {  	s3 =	rddreg [dreg:$0x2];
	[bflag:$0x3] =	sbarrier.arrive $0xFFFF;
	s2 =	simm.s32 @!p0 $0x1C05  }
0xb0: {  	[timem:s3], [sflag:s2] =	dma.local @!p0 [hbm:s0], s1  }
0xb1: {  	s0 =	simm.s32 @!p0 $0x5  }
0xb2: {  	_ =	swait.ge @!p0 [sflag:s0], s1  }
0xb3: {  	s1 =	ssub.s32 @!p0 $0x0, s1;
	[sflag:s0] =	ssyncset.done @!p0 $0x0  }
0xb4: {  	[sflag:s0] =	ssyncadd.s32 @!p0 s1  }
0xb5: {  	[bflag:$0x3] =	sbarrier.arrive $0xFFFF  }
0xb6: {  	_ =	shalt  }

// kernel: kernel.26.cloned.1.call-start
scs
__scs_entry_jumppad:
0x0: {  	(pc) =	sbr.rel $0x88, $3  }
0x1: {  	(tag) =	ssettag $0x0;
	lr =	simm.s32 $0x1  }
0x2: {  	[smem:$0x3F90] =	sst lr;
	_ =	strace $0xD0000000  }
0x3: {  	_ = 	snop  }
0x4: {  	_ = 	snop  }
0x5: {  	_ = 	snop  }
0x6: {  	_ = 	snop  }
0x7: {  	_ = 	snop  }
__scs_overlays_trampoline_lowered:
0x8: {  	[smem:$0x3F9F] =	sst s0  }
0x9: {  	[smem:$0x3FA0] =	sst s1  }
0xa: {  	[smem:$0x3FA1] =	sst s2  }
0xb: {  	[smem:$0x3FA2] =	sst s3  }
0xc: {  	[smem:$0x3FA3] =	sst s4  }
0xd: {  	[smem:$0x3FA4] =	sst s5  }
0xe: {  	[smem:$0x3FA5] =	sst s6  }
0xf: {  	[smem:$0x3FA6] =	sst s7  }
0x10: {  	[smem:$0x3FA7] =	sst s8  }
0x11: {  	[smem:$0x3FA8] =	sst s9;
	s0 =	simm.s32 @!p0 $0x0  }
0x12: {  	s1 =	sld [smem:$0x3F8E];
	s0 =	simm.s32 @p0 $0x1  }
0x13: {  	[smem:$0x3FA9] =	sst s0;
	s0 =	simm.s32 @!p1 $0x0  }
0x14: {  	s2 =	sld [smem:$0x3F8D];
	s0 =	simm.s32 @p1 $0x1  }
0x15: {  	[smem:$0x3FAA] =	sst s0;
	s0 =	simm.s32 @!p2 $0x0  }
0x16: {  	s3 =	sld [smem:$0x3FDB];
	s0 =	simm.s32 @p2 $0x1  }
0x17: {  	s4 =	simm.s32 $0x1BF5;
	[smem:$0x3FAC] =	sst s0  }
0x18: {  	s0 =	sld [smem:$0x3F8F];
	_ =	swait.ge [sflag:s4], $0x0  }
0x19: {  	s7 =	sld [smem:$0x3F90]  }
0x1a: {  	s8 =	sadd.s32 $0xFFFFE003, lr  }
0x1b: {  	s9 =	sadd.s32 $0xFFFFFEF7, lr;
	s5 =	simm.s32 $0xFFFFFFFF;
	p2 =	slt.u32 s8, $0xFFFFF086  }
0x1c: {  	p1 =	slt.u32 s9, $0xF7A;
	s5 =	simm.s32 @!p2 $0x0  }
0x1d: {  	s5 =	simm.s32 @p1 $0x1;
	p0 =	seq.s32 s7, s2  }
0x1e: {  	s7 =	smul.u32 @!p0 $0xF7A, s2;
	p2 =	seq.s32 @!p0 s5, $0x0  }
0x1f: {  	s9 =	smul.u32 $0xF7A, s1;
	s8 =	simm.s32 @!p0 $0x1BF5;
	p2 =	por !p2, p0  }
0x20: {  	[sflag:s8] =	ssyncset.s32 @!p0 $0xFFFFF086;
	s6 =	sadd.s32 @!p0 s3, s7;
	s7 =	simm.s32 @!p0 $0x108  }
0x21: {  	s3 =	sadd.s32 s3, s9;
	s6 =	sadd.s32 @!p0 $0x88, s6;
	s7 =	simm.s32 @p2 $0x1082  }
0x22: {  	[simem:s7], [sflag:s8] =	dma.local @!p0 [hbm:s6], $0xF7A  }
0x23: {  	s9 =	sor.u32 $0xD0000000, s2;
	s6 =	simm.s32 $0x108;
	_ =	swait.ge @!p0 [sflag:s8], $0x0  }
0x24: {  	s3 =	sadd.s32 $0x88, s3;
	s6 =	simm.s32 @!p1 $0x1082;
	[sflag:s4] =	ssyncset.s32 $0xFFFFF086  }
0x25: {  	[simem:s6], [sflag:s4] =	dma.local [hbm:s3], $0xF7A  }
0x26: {  	[smem:$0x3F90] =	sst s1;
	(tag) =	ssettag s2;
	_ =	strace s9  }
0x27: {  	s1 =	sld [smem:$0x3FA0]  }
0x28: {  	s2 =	sld [smem:$0x3FA1]  }
0x29: {  	s4 =	sld [smem:$0x3FA3]  }
0x2a: {  	p0 =	seq.s32 s5, $0x0;
	s5 =	sld [smem:$0x3FA4]  }
0x2b: {  	s6 =	sld [smem:$0x3FA5]  }
0x2c: {  	s7 =	sld [smem:$0x3FA6]  }
0x2d: {  	s3 =	simm.s32 $0x108;
	s8 =	sld [smem:$0x3FA7]  }
0x2e: {  	s3 =	simm.s32 @!p0 $0x1082;
	s9 =	sld [smem:$0x3FA8]  }
0x2f: {  	lr =	sadd.s32 s0, s3;
	s0 =	sld [smem:$0x3F9F]  }
0x30: {  	s3 =	sld [smem:$0x3FA2]  }
0x31: {  	[smem:$0x3FAB] =	sst s10  }
0x32: {  	s10 =	sld [smem:$0x3FA9];
	_ =	sdelay $0x3  }
0x33: {  	p0 =	seq.s32 s10, $0x1;
	s10 =	sld [smem:$0x3FAB];
	_ =	sdelay $0x3  }
0x34: {  	[smem:$0x3FAB] =	sst s10  }
0x35: {  	s10 =	sld [smem:$0x3FAA];
	_ =	sdelay $0x3  }
0x36: {  	p1 =	seq.s32 s10, $0x1;
	s10 =	sld [smem:$0x3FAB];
	_ =	sdelay $0x3  }
0x37: {  	[smem:$0x3FAB] =	sst s10  }
0x38: {  	s10 =	sld [smem:$0x3FAC]  }
0x39: {  	_ = 	snop;
	(pc) =	sbr.ind lr, $3  }
0x3a: {  	_ = 	snop  }
0x3b: {  	_ = 	snop  }
0x3c: {  	p2 =	seq.s32 s10, $0x1;
	s10 =	sld [smem:$0x3FAB]  }
0x3d: {  	_ =	shalt  }
0x3e: {  	_ =	shalt  }
0x3f: {  	_ =	shalt  }
0x40: {  	_ =	shalt  }
0x41: {  	_ =	shalt  }
0x42: {  	_ =	shalt  }
0x43: {  	_ =	shalt  }
0x44: {  	_ =	shalt  }
0x45: {  	_ =	shalt  }
0x46: {  	_ =	shalt  }
0x47: {  	_ =	shalt  }
0x48: {  	_ =	shalt  }
0x49: {  	_ =	shalt  }
0x4a: {  	_ =	shalt  }
0x4b: {  	_ =	shalt  }
0x4c: {  	_ =	shalt  }
0x4d: {  	_ =	shalt  }
0x4e: {  	_ =	shalt  }
0x4f: {  	_ =	shalt  }
0x50: {  	_ =	shalt  }
0x51: {  	_ =	shalt  }
0x52: {  	_ =	shalt  }
0x53: {  	_ =	shalt  }
0x54: {  	_ =	shalt  }
0x55: {  	_ =	shalt  }
0x56: {  	_ =	shalt  }
0x57: {  	_ =	shalt  }
0x58: {  	_ =	shalt  }
0x59: {  	_ =	shalt  }
0x5a: {  	_ =	shalt  }
0x5b: {  	_ =	shalt  }
0x5c: {  	_ =	shalt  }
0x5d: {  	_ =	shalt  }
0x5e: {  	_ =	shalt  }
0x5f: {  	_ =	shalt  }
0x60: {  	_ =	shalt  }
0x61: {  	_ =	shalt  }
0x62: {  	_ =	shalt  }
0x63: {  	_ =	shalt  }
0x64: {  	_ =	shalt  }
0x65: {  	_ =	shalt  }
0x66: {  	_ =	shalt  }
0x67: {  	_ =	shalt  }
0x68: {  	_ =	shalt  }
0x69: {  	_ =	shalt  }
0x6a: {  	_ =	shalt  }
0x6b: {  	_ =	shalt  }
0x6c: {  	_ =	shalt  }
0x6d: {  	_ =	shalt  }
0x6e: {  	_ =	shalt  }
0x6f: {  	_ =	shalt  }
0x70: {  	_ =	shalt  }
0x71: {  	_ =	shalt  }
0x72: {  	_ =	shalt  }
0x73: {  	_ =	shalt  }
0x74: {  	_ =	shalt  }
0x75: {  	_ =	shalt  }
0x76: {  	_ =	shalt  }
0x77: {  	_ =	shalt  }
0x78: {  	_ =	shalt  }
0x79: {  	_ =	shalt  }
0x7a: {  	_ =	shalt  }
0x7b: {  	_ =	shalt  }
0x7c: {  	_ =	shalt  }
0x7d: {  	_ =	shalt  }
0x7e: {  	_ =	shalt  }
0x7f: {  	_ =	shalt  }
0x80: {  	_ =	shalt  }
0x81: {  	_ =	shalt  }
0x82: {  	_ =	shalt  }
0x83: {  	_ =	shalt  }
0x84: {  	_ =	shalt  }
0x85: {  	_ =	shalt  }
0x86: {  	_ =	shalt  }
0x87: {  	_ =	shalt  }
.Lfunc_end0:
.L_simem_size_0:
called_computation.4_lowered:
.L_overlay_start_0:
0x88: {  	s2 =	sld [smem:$0x3FD9]  }
0x89: {  	s3 =	sld [smem:$0x3FFE];
	_ =	sdelay $0x1  }
0x8a: {  	s1 =	srdreg.scid  }
0x8b: {  	s0 =	sand.u32 $0x1, s1  }
0x8c: {  	s14 =	sshll.u32 s0, $0xA;
	s2 =	sadd.s32 s3, s2  }
0x8d: {  	s2 =	sadd.s32 s2, s14  }
0x8e: {  	[smem:$0x3FB7] =	sst s2  }
0x8f: {  	_ = 	snop  }
0x90: {  	s2 =	sld [smem:$0x3FD0];
	_ =	sdelay $0x2  }
0x91: {  	s15 =	simm.s32 $0xA;
	s4 =	simm.s32 $0x10  }
0x92: {  	[smem:s4], [sflag:s15] =	dma.local [hbm:s2], $0x1  }
0x93: {  	_ =	swait.eq [sflag:s15], $0x1  }
0x94: {  	[sflag:s15] =	ssyncset.done $0x0  }
0x95: {  	[sflag:s15] =	ssyncadd.s32 $0xFFFFFFFF  }
0x96: {  	s16 =	sld [smem:$0x10];
	(tm) =	ssettm $0x1  }
0x97: {  	s17 =	sld [smem:$0x3FFB];
	_ =	sdelay $0x3  }
0x98: {  	_ =	strace s17  }
0x99: {  	s3 =	sld [smem:$0x3FFC];
	_ =	sdelay $0x3  }
0x9a: {  	_ =	strace s3  }
0x9b: {  	s3 =	sld [smem:$0x3FFD];
	_ =	sdelay $0x3  }
0x9c: {  	_ =	strace s3  }
0x9d: {  	_ =	strace $0x8FFFFFFF  }
0x9e: {  	s18 =	sld [smem:$0x3FDB];
	_ =	sdelay $0x1  }
0x9f: {  	s19 =	simm.s32 $_scs_section_size  }
0xa0: {  	s5 =	simm.s32 $_size__tile_overlayer_lowered;
	s6 =	simm.s32 $_tile_overlayer_lowered  }
0xa1: {  	s22 =	simm.s32 $0x1BFF;
	s21 =	sshll.u32 s6, $0x1;
	s3 =	sadd.s32 s19, s18  }
0xa2: {  	s7 =	simm.s32 $0x0;
	s20 =	sshll.u32 s5, $0x1;
	s5 =	sadd.s32 s21, s3  }
0xa3: {  	[timem:s7], [sflag:s22] =	dma.local [hbm:s5], s20  }
0xa4: {  	_ =	swait.ge [sflag:s22], s20  }
0xa5: {  	s4 =	ssub.s32 $0x0, s20;
	[sflag:s22] =	ssyncset.done $0x0  }
0xa6: {  	[sflag:s22] =	ssyncadd.s32 s4;
	_ =	sdelay $0x1  }
0xa7: {  	s23 =	simm.s32 $0x1B8B  }
0xa8: {  	_ =	swait.ge [sflag:s23], $0x1  }
0xa9: {  	[sflag:s23] =	ssyncset.done $0x0  }
0xaa: {  	s25 =	simm.s32 $0x1B8E;
	s24 =	sld [smem:$0x3FFE];
	[sflag:s23] =	ssyncadd.s32 $0xFFFFFFFF  }
0xab: {  	s26 =	simm.s32 $execute0_lowered;
	[smem:$0x3FD2] =	sst s25  }
0xac: {  	s5 =	sshll.u32 s26, $0x1;
	_ =	strace $0x80000052;
	[dreg:$0x1] =	wrdreg $0xFFFFFFFF  }
0xad: {  	s28 =	simm.s32 $_size_execute0_lowered;
	s3 =	sadd.s32 s3, s5;
	[dreg:$0x0] =	wrdreg $0x0  }
0xae: {  	s5 =	sshll.u32 s28, $0x1;
	[dreg:$0x2] =	wrdreg s3  }
0xaf: {  	[dreg:$0x3] =	wrdreg s5  }
0xb0: {  	[dreg:$0x4] =	wrdreg $0xC0  }
0xb1: {  	_ =	task [dreg:s7], $0x5FFFF  }
0xb2: {  	[dreg:$0x1] =	wrdreg $0xFFFFFFFF  }
0xb3: {  	[dreg:$0x0] =	wrdreg $0x60  }
0xb4: {  	[dreg:$0x2] =	wrdreg s24  }
0xb5: {  	[dreg:$0x3] =	wrdreg s16  }
0xb6: {  	[dreg:$0x4] =	wrdreg $0x9  }
0xb7: {  	_ =	task.clear_ibuf [dreg:s7], $0x5FFFF;
	_ =	strace $0x90000052  }
0xb8: {  	s29 =	simm.s32 $0x9;
	_ =	strace $0x80000054  }
0xb9: {  	_ =	swait.ge [sflag:s29], $0x1  }
0xba: {  	[sflag:s29] =	ssyncadd.s32 $0xFFFFFFFF  }
0xbb: {  	_ =	strace $0x90000054  }
0xbc: {  	_ =	sfence  }
0xbd: {  	s30 =	sld [smem:$0x0];
	_ =	sdelay $0x2  }
0xbe: {  	s31 =	sshll.u32 s1, $0xD;
	s1 =	sshrl.u32 s1, $0x2  }
0xbf: {  	s3 =	sand.u32 $0x4000, s31;
	s1 =	sadd.s32 s1, s30  }
0xc0: {  	s0 =	sor.u32 s3, s0;
	s1 =	sshll.u32 s1, $0x11  }
0xc1: {  	s0 =	sor.u32 s1, s0  }
0xc2: {  	s0 =	sadd.s32 $0x8F2B, s0  }
0xc3: {  	[sflag:s0] =	ssyncadd.remote.s32 $0x1  }
0xc4: {  	_ =	sfence.sel $0xFFFF  }
0xc5: {  	[dreg:$0x0] =	wrdreg $0xFFFFFFFF;
	(pc) =	sbr.abs _section_cstart, $3  }
0xc6: {  	[dreg:$0x1] =	wrdreg $0xFFFFFFFF  }
0xc7: {  	_ =	task.clear_ibuf [dreg:s7], $0x2FFFF;
	_ =	strace $0x9FFFFFFF  }
0xc8: {  	(tm) =	ssettm $0x7FFFFFFF  }
0xc9: {  	_ =	shalt  }
tec
execute0_lowered:
.L_overlay_start_1:
0x0: {  	(tag) =	ssettag $0x1  }
0x1: {  	s0 =	rddreg [dreg:$0x0]  }
0x2: {  	s1 =	rddreg [dreg:$0x1];
	s23 =	srdreg.scid;
	s2 =	simm.s32 $0x0  }
0x3: {  	s24 =	stileid.u32;
	s8 =	simm.s32 $0xC880;
	s9 =	simm.s32 $0x800  }
0x4: {  	s10 =	simm.s32 $0x1000;
	s11 =	simm.s32 $0x1800;
	s12 =	simm.s32 $0x2000  }
0x5: {  	s13 =	simm.s32 $0x2800;
	s14 =	simm.s32 $0x3000;
	s15 =	simm.s32 $0x3800  }
0x6: {  	s16 =	simm.s32 $0x4000;
	s17 =	simm.s32 $0x4800;
	s18 =	simm.s32 $0x5000  }
0x7: {  	s19 =	simm.s32 $0x5800;
	s20 =	simm.s32 $0x6000;
	s21 =	simm.s32 $0x6800  }
0x8: {  	s22 =	simm.s32 $0x7000;
	s28 =	simm.s32 $0xA000;
	s29 =	simm.s32 $0xA800  }
0x9: {  	s30 =	simm.s32 $0xB000;
	s31 =	simm.s32 $0xB800;
	[dreg:$0x3] =	wrdreg s1  }
0xa: {  	s3 =	sand.u32 $0x1, s23;
	[smem:$0x7FF] =	sst s2;
	s23 =	simm.s32 $0x7800  }
0xb: {  	s4 =	sshll.u32 s3, $0x4;
	_ =	strace $0x80000053;
	s3 =	ssub.s32 $0x2, s3  }
0xc: {  	s4 =	sor.u32 s24, s4;
	s7 =	sshrl.u32 s3, $0x1;
	s24 =	simm.s32 $0x8800  }
0xd: {  	s5 =	sshll.u32 s4, $0xC;
	s6 =	sshll.u32 s4, $0x4;
	s4 =	smul.u32 $0x9, s4  }
0xe: {  	s26 =	ssub.s32 s3, s7;
	s3 =	sadd.s32 $0x4C00, s0;
	s5 =	sadd.s32 s5, s0  }
0xf: {  	s7 =	simm.s32 $0x8000;
	s6 =	sadd.s32 s6, s0;
	s5 =	sadd.s32 $0x70600, s5  }
0x10: {  	s4 =	sadd.s32 s4, s0;
	s25 =	sadd.s32 $0x4800, s6;
	[dreg:$0x4] =	wrdreg s5  }
0x11: {  	v2 =	vlaneseq.u32;
	s6 =	simm.s32 $0xC800;
	s0 =	simm.s32 $0xC000;
	[dreg:$0x5] =	wrdreg s25  }
0x12: {  	vm0 =	vmmov $0xffff;
	v1 =	vshrl.u32 v2, $0x3;
	s4 =	sadd.s32 $0x4A00, s4;
	s5 =	simm.s32 $0x1;
	s25 =	simm.s32 $0x9000  }
0x13: {  	v0 =	vand.u32 $0x7, v2;
	v2 =	vor.u32 $0x8, v2;
	v1 =	vmul.u32 $0x8, v1;
	[dreg:$0x6] =	wrdreg s4;
	s4 =	smax.u32 s26, $0x1;
	s26 =	simm.s32 $0x9800  }
.LBB2_1:
0x14: {  	s1 =	rddreg [dreg:$0x4]  }
0x15: {  	[tilespmem:s2], [sflag:$0x1] =	stream.linear.gather [hbm4b:s1+s2], $0x8000, $0x38;
	[tilespmem:$0xC900] =	vst v63  }
0x16: {  	_ =	swait.ge [sflag:s5], $0x8000  }
0x17: {  	[sflag:s5] =	ssyncset.done $0x0  }
0x18: {  	s1 =	rddreg [dreg:$0x5];
	[sflag:s5] =	ssyncadd.s32 $0xFFFF8000  }
0x19: {  	[tilespmem:s6], [sflag:$0x1] =	stream.linear.gather [hbm4b:s1+s2], $0x80, $0x38;
	[tilespmem:$0xC900] =	vst v63  }
0x1a: {  	_ =	swait.ge [sflag:s5], $0x80  }
0x1b: {  	[sflag:s5] =	ssyncset.done $0x0  }
0x1c: {  	s1 =	rddreg [dreg:$0x3];
	[sflag:s5] =	ssyncadd.s32 $0xFFFFFF80  }
0x1d: {  	[tilespmem:s7], [sflag:$0x1] =	stream.linear.gather [hbm4b:s1+s2], $0x4800, $0x38;
	[tilespmem:$0xC900] =	vst v63  }
0x1e: {  	_ =	swait.ge [sflag:s5], $0x4800  }
0x1f: {  	[sflag:s5] =	ssyncset.done $0x0  }
0x20: {  	s1 =	rddreg [dreg:$0x6];
	[sflag:s5] =	ssyncadd.s32 $0xFFFFB800  }
0x21: {  	[tilespmem:s8], [sflag:$0x1] =	stream.linear.gather [hbm4b:s1+s2], $0x48, $0x38;
	[tilespmem:$0xC900] =	vst v63  }
0x22: {  	_ =	swait.ge [sflag:s5], $0x48  }
0x23: {  	[sflag:s5] =	ssyncset.done $0x0  }
0x24: {  	[sflag:s5] =	ssyncadd.s32 $0xFFFFFFB8  }
0x25: {  	v3 =	vld [tilespmem:$0xC800];
	_ =	sdelay $0x4  }
0x26: {  	v4 =	vshll.u32 v3, $0x1  }
0x27: {  	v3 =	vand.u32 $0x7, v3;
	v4 =	vand.u32 $0xFFFFFFF0, v4  }
0x28: {  	v3 =	vor.u32 v3, v4  }
0x29: {  	v4 =	vperm.xlane v3, v0;
	_ =	sdelay $0x1  }
0x2a: {  	v3 =	vperm.xlane v3, v2;
	v4 =	vadd.s32 v1, v4;
	_ =	sdelay $0x1  }
0x2b: {  	v3 =	vadd.s32 v1, v3;
	_ =	sdelay $0x2  }
0x2c: {  	[hbm4b:s3+s2] =	stream.indirect_vreg.scatter [tilespmem:s2], [sflag:$0x1], $0x80, v4, vm0, $0xb8;
	[tilespmem:$0xC900] =	vst v63  }
0x2d: {  	_ = 	snop  }
0x2e: {  	[hbm4b:s3+s2] =	stream.indirect_vreg.scatter [tilespmem:s9], [sflag:$0x1], $0x80, v3, vm0, $0xb8;
	[tilespmem:$0xC900] =	vst v63  }
0x2f: {  	v3 =	vld [tilespmem:$0xC810];
	_ =	sdelay $0x4  }
0x30: {  	v52 =	vshll.u32 v3, $0x1  }
0x31: {  	v3 =	vand.u32 $0x7, v3;
	v4 =	vand.u32 $0xFFFFFFF0, v52  }
0x32: {  	v3 =	vor.u32 v3, v4  }
0x33: {  	v4 =	vperm.xlane v3, v0;
	_ =	sdelay $0x1  }
0x34: {  	v3 =	vperm.xlane v3, v2;
	v4 =	vadd.s32 v1, v4;
	_ =	sdelay $0x1  }
0x35: {  	v3 =	vadd.s32 v1, v3;
	_ =	sdelay $0x2  }
0x36: {  	[hbm4b:s3+s2] =	stream.indirect_vreg.scatter [tilespmem:s10], [sflag:$0x1], $0x80, v4, vm0, $0xb8;
	[tilespmem:$0xC900] =	vst v63  }
0x37: {  	_ = 	snop  }
0x38: {  	[hbm4b:s3+s2] =	stream.indirect_vreg.scatter [tilespmem:s11], [sflag:$0x1], $0x80, v3, vm0, $0xb8;
	[tilespmem:$0xC900] =	vst v63  }
0x39: {  	v3 =	vld [tilespmem:$0xC820];
	_ =	sdelay $0x4  }
0x3a: {  	v53 =	vshll.u32 v3, $0x1  }
0x3b: {  	v3 =	vand.u32 $0x7, v3;
	v4 =	vand.u32 $0xFFFFFFF0, v53  }
0x3c: {  	v3 =	vor.u32 v3, v4  }
0x3d: {  	v4 =	vperm.xlane v3, v0;
	_ =	sdelay $0x1  }
0x3e: {  	v3 =	vperm.xlane v3, v2;
	v4 =	vadd.s32 v1, v4;
	_ =	sdelay $0x1  }
0x3f: {  	v3 =	vadd.s32 v1, v3;
	_ =	sdelay $0x2  }
0x40: {  	[hbm4b:s3+s2] =	stream.indirect_vreg.scatter [tilespmem:s12], [sflag:$0x1], $0x80, v4, vm0, $0xb8;
	[tilespmem:$0xC900] =	vst v63  }
0x41: {  	_ = 	snop  }
0x42: {  	[hbm4b:s3+s2] =	stream.indirect_vreg.scatter [tilespmem:s13], [sflag:$0x1], $0x80, v3, vm0, $0xb8;
	[tilespmem:$0xC900] =	vst v63  }
0x43: {  	v3 =	vld [tilespmem:$0xC830];
	_ =	sdelay $0x4  }
0x44: {  	v54 =	vshll.u32 v3, $0x1  }
0x45: {  	v3 =	vand.u32 $0x7, v3;
	v4 =	vand.u32 $0xFFFFFFF0, v54  }
0x46: {  	v3 =	vor.u32 v3, v4  }
0x47: {  	v4 =	vperm.xlane v3, v0;
	_ =	sdelay $0x1  }
0x48: {  	v3 =	vperm.xlane v3, v2;
	v4 =	vadd.s32 v1, v4;
	_ =	sdelay $0x1  }
0x49: {  	v3 =	vadd.s32 v1, v3;
	_ =	sdelay $0x2  }
0x4a: {  	[hbm4b:s3+s2] =	stream.indirect_vreg.scatter [tilespmem:s14], [sflag:$0x1], $0x80, v4, vm0, $0xb8;
	[tilespmem:$0xC900] =	vst v63  }
0x4b: {  	_ = 	snop  }
0x4c: {  	[hbm4b:s3+s2] =	stream.indirect_vreg.scatter [tilespmem:s15], [sflag:$0x1], $0x80, v3, vm0, $0xb8;
	[tilespmem:$0xC900] =	vst v63  }
0x4d: {  	v3 =	vld [tilespmem:$0xC840];
	_ =	sdelay $0x4  }
0x4e: {  	v55 =	vshll.u32 v3, $0x1  }
0x4f: {  	v3 =	vand.u32 $0x7, v3;
	v4 =	vand.u32 $0xFFFFFFF0, v55  }
0x50: {  	v3 =	vor.u32 v3, v4  }
0x51: {  	v4 =	vperm.xlane v3, v0;
	_ =	sdelay $0x1  }
0x52: {  	v3 =	vperm.xlane v3, v2;
	v4 =	vadd.s32 v1, v4;
	_ =	sdelay $0x1  }
0x53: {  	v3 =	vadd.s32 v1, v3;
	_ =	sdelay $0x2  }
0x54: {  	[hbm4b:s3+s2] =	stream.indirect_vreg.scatter [tilespmem:s16], [sflag:$0x1], $0x80, v4, vm0, $0xb8;
	[tilespmem:$0xC900] =	vst v63  }
0x55: {  	_ = 	snop  }
0x56: {  	[hbm4b:s3+s2] =	stream.indirect_vreg.scatter [tilespmem:s17], [sflag:$0x1], $0x80, v3, vm0, $0xb8;
	[tilespmem:$0xC900] =	vst v63  }
0x57: {  	v3 =	vld [tilespmem:$0xC850];
	_ =	sdelay $0x4  }
0x58: {  	v56 =	vshll.u32 v3, $0x1  }
0x59: {  	v3 =	vand.u32 $0x7, v3;
	v4 =	vand.u32 $0xFFFFFFF0, v56  }
0x5a: {  	v3 =	vor.u32 v3, v4  }
0x5b: {  	v4 =	vperm.xlane v3, v0;
	_ =	sdelay $0x1  }
0x5c: {  	v3 =	vperm.xlane v3, v2;
	v4 =	vadd.s32 v1, v4;
	_ =	sdelay $0x1  }
0x5d: {  	v3 =	vadd.s32 v1, v3;
	_ =	sdelay $0x2  }
0x5e: {  	[hbm4b:s3+s2] =	stream.indirect_vreg.scatter [tilespmem:s18], [sflag:$0x1], $0x80, v4, vm0, $0xb8;
	[tilespmem:$0xC900] =	vst v63  }
0x5f: {  	_ = 	snop  }
0x60: {  	[hbm4b:s3+s2] =	stream.indirect_vreg.scatter [tilespmem:s19], [sflag:$0x1], $0x80, v3, vm0, $0xb8;
	[tilespmem:$0xC900] =	vst v63  }
0x61: {  	v3 =	vld [tilespmem:$0xC860];
	_ =	sdelay $0x4  }
0x62: {  	v57 =	vshll.u32 v3, $0x1  }
0x63: {  	v3 =	vand.u32 $0x7, v3;
	v4 =	vand.u32 $0xFFFFFFF0, v57  }
0x64: {  	v3 =	vor.u32 v3, v4  }
0x65: {  	v4 =	vperm.xlane v3, v0;
	_ =	sdelay $0x1  }
0x66: {  	v3 =	vperm.xlane v3, v2;
	v4 =	vadd.s32 v1, v4;
	_ =	sdelay $0x1  }
0x67: {  	v3 =	vadd.s32 v1, v3;
	_ =	sdelay $0x2  }
0x68: {  	[hbm4b:s3+s2] =	stream.indirect_vreg.scatter [tilespmem:s20], [sflag:$0x1], $0x80, v4, vm0, $0xb8;
	[tilespmem:$0xC900] =	vst v63  }
0x69: {  	_ = 	snop  }
0x6a: {  	[hbm4b:s3+s2] =	stream.indirect_vreg.scatter [tilespmem:s21], [sflag:$0x1], $0x80, v3, vm0, $0xb8;
	[tilespmem:$0xC900] =	vst v63  }
0x6b: {  	v3 =	vld [tilespmem:$0xC870];
	_ =	sdelay $0x4  }
0x6c: {  	v58 =	vshll.u32 v3, $0x1  }
0x6d: {  	v3 =	vand.u32 $0x7, v3;
	v4 =	vand.u32 $0xFFFFFFF0, v58  }
0x6e: {  	v3 =	vor.u32 v3, v4  }
0x6f: {  	v4 =	vperm.xlane v3, v0;
	_ =	sdelay $0x1  }
0x70: {  	v3 =	vperm.xlane v3, v2;
	v4 =	vadd.s32 v1, v4;
	_ =	sdelay $0x1  }
0x71: {  	v3 =	vadd.s32 v1, v3;
	_ =	sdelay $0x2  }
0x72: {  	[hbm4b:s3+s2] =	stream.indirect_vreg.scatter [tilespmem:s22], [sflag:$0x1], $0x80, v4, vm0, $0xb8;
	[tilespmem:$0xC900] =	vst v63  }
0x73: {  	_ = 	snop  }
0x74: {  	[hbm4b:s3+s2] =	stream.indirect_vreg.scatter [tilespmem:s23], [sflag:$0x1], $0x80, v3, vm0, $0xb8;
	[tilespmem:$0xC900] =	vst v63  }
0x75: {  	_ =	swait.ge [sflag:s5], $0x8000  }
0x76: {  	[sflag:s5] =	ssyncset.done $0x0  }
0x77: {  	[sflag:s5] =	ssyncadd.s32 $0xFFFF8000  }
0x78: {  	v3 =	vld [tilespmem:$0xC880];
	_ =	sdelay $0x4  }
0x79: {  	v59 =	vshll.u32 v3, $0x1  }
0x7a: {  	v3 =	vand.u32 $0x7, v3;
	v4 =	vand.u32 $0xFFFFFFF0, v59  }
0x7b: {  	v3 =	vor.u32 v3, v4  }
0x7c: {  	v4 =	vperm.xlane v3, v0;
	_ =	sdelay $0x1  }
0x7d: {  	v3 =	vperm.xlane v3, v2;
	v4 =	vadd.s32 v1, v4;
	_ =	sdelay $0x1  }
0x7e: {  	v3 =	vadd.s32 v1, v3;
	_ =	sdelay $0x2  }
0x7f: {  	[hbm4b:s3+s2] =	stream.indirect_vreg.scatter [tilespmem:s7], [sflag:$0x1], $0x80, v4, vm0, $0xb8;
	[tilespmem:$0xC900] =	vst v63  }
0x80: {  	_ = 	snop  }
0x81: {  	[hbm4b:s3+s2] =	stream.indirect_vreg.scatter [tilespmem:s24], [sflag:$0x1], $0x80, v3, vm0, $0xb8;
	[tilespmem:$0xC900] =	vst v63  }
0x82: {  	v3 =	vld [tilespmem:$0xC890];
	_ =	sdelay $0x4  }
0x83: {  	v60 =	vshll.u32 v3, $0x1  }
0x84: {  	v3 =	vand.u32 $0x7, v3;
	v4 =	vand.u32 $0xFFFFFFF0, v60  }
0x85: {  	v3 =	vor.u32 v3, v4  }
0x86: {  	v4 =	vperm.xlane v3, v0;
	_ =	sdelay $0x1  }
0x87: {  	v3 =	vperm.xlane v3, v2;
	v4 =	vadd.s32 v1, v4;
	_ =	sdelay $0x1  }
0x88: {  	v3 =	vadd.s32 v1, v3;
	_ =	sdelay $0x2  }
0x89: {  	[hbm4b:s3+s2] =	stream.indirect_vreg.scatter [tilespmem:s25], [sflag:$0x1], $0x80, v4, vm0, $0xb8;
	[tilespmem:$0xC900] =	vst v63  }
0x8a: {  	_ = 	snop  }
0x8b: {  	[hbm4b:s3+s2] =	stream.indirect_vreg.scatter [tilespmem:s26], [sflag:$0x1], $0x80, v3, vm0, $0xb8;
	[tilespmem:$0xC900] =	vst v63  }
0x8c: {  	v3 =	vld [tilespmem:$0xC8A0];
	_ =	sdelay $0x4  }
0x8d: {  	v61 =	vshll.u32 v3, $0x1  }
0x8e: {  	v3 =	vand.u32 $0x7, v3;
	v4 =	vand.u32 $0xFFFFFFF0, v61  }
0x8f: {  	v3 =	vor.u32 v3, v4  }
0x90: {  	v4 =	vperm.xlane v3, v0;
	_ =	sdelay $0x1  }
0x91: {  	v3 =	vperm.xlane v3, v2;
	v4 =	vadd.s32 v1, v4;
	_ =	sdelay $0x1  }
0x92: {  	v3 =	vadd.s32 v1, v3;
	_ =	sdelay $0x2  }
0x93: {  	[hbm4b:s3+s2] =	stream.indirect_vreg.scatter [tilespmem:s28], [sflag:$0x1], $0x80, v4, vm0, $0xb8;
	[tilespmem:$0xC900] =	vst v63  }
0x94: {  	_ = 	snop  }
0x95: {  	[hbm4b:s3+s2] =	stream.indirect_vreg.scatter [tilespmem:s29], [sflag:$0x1], $0x80, v3, vm0, $0xb8;
	[tilespmem:$0xC900] =	vst v63  }
0x96: {  	v3 =	vld [tilespmem:$0xC8B0];
	_ =	sdelay $0x4  }
0x97: {  	v62 =	vshll.u32 v3, $0x1  }
0x98: {  	v3 =	vand.u32 $0x7, v3;
	v4 =	vand.u32 $0xFFFFFFF0, v62  }
0x99: {  	v3 =	vor.u32 v3, v4  }
0x9a: {  	v4 =	vperm.xlane v3, v0;
	_ =	sdelay $0x1  }
0x9b: {  	v3 =	vperm.xlane v3, v2;
	v4 =	vadd.s32 v1, v4;
	_ =	sdelay $0x1  }
0x9c: {  	v3 =	vadd.s32 v1, v3;
	_ =	sdelay $0x2  }
0x9d: {  	[hbm4b:s3+s2] =	stream.indirect_vreg.scatter [tilespmem:s30], [sflag:$0x1], $0x80, v4, vm0, $0xb8;
	[tilespmem:$0xC900] =	vst v63  }
0x9e: {  	_ = 	snop  }
0x9f: {  	[hbm4b:s3+s2] =	stream.indirect_vreg.scatter [tilespmem:s31], [sflag:$0x1], $0x80, v3, vm0, $0xb8;
	[tilespmem:$0xC900] =	vst v63  }
0xa0: {  	v3 =	vld.msk [tilespmem:$0xC8C0], $0xff;
	_ =	sdelay $0x4  }
0xa1: {  	v63 =	vshll.u32 v3, $0x1  }
0xa2: {  	v3 =	vand.u32 $0x7, v3;
	v4 =	vand.u32 $0xFFFFFFF0, v63  }
0xa3: {  	v3 =	vor.u32 v3, v4  }
0xa4: {  	v3 =	vperm.xlane v3, v0;
	_ =	sdelay $0x1  }
0xa5: {  	v3 =	vadd.s32 v1, v3;
	_ =	sdelay $0x2  }
0xa6: {  	p0 =	sne.s32 s4, $0x1  }
.Ltmp0:
0xa7: {  	_ = 	snop;
	(pc) =	sbr.rel @p0 .LBB2_1-.Ltmp0, $4  }
0xa8: {  	[hbm4b:s3+s2] =	stream.indirect_vreg.scatter [tilespmem:s0], [sflag:$0x1], $0x80, v3, vm0, $0xb8;
	[tilespmem:$0xC900] =	vst v63  }
0xa9: {  	_ =	swait.ge [sflag:s5], $0x4800  }
0xaa: {  	[sflag:s5] =	ssyncset.done $0x0  }
0xab: {  	s4 =	sadd.s32 $0xFFFFFFFF, s4;
	[sflag:s5] =	ssyncadd.s32 $0xFFFFB800  }
0xac: {  	_ =	sfence.sel $0x180000  }
0xad: {  	[bflag:$0x0] =	sbarrier.arrive $0xFFFF  }
0xae: {  	_ =	strace $0x90000053  }
0xaf: {  	s0 =	stileid.u32;
	[bflag:$0x2] =	sbarrier.arrive $0xFFFF  }
0xb0: {  	p0 =	sne.s32 s0, $0x0;
	s0 =	rddreg [dreg:$0x2]  }
0xb1: {  	s0 =	sadd.s32 @!p0 $0x100000, s0  }
0xb2: {  	[sflag:s0] =	ssyncadd.tile.s32 @!p0 $0x1;
	_ =	shalt  }
.Lfunc_end2:
_tile_overlayer_lowered:
.L_overlay_start_2:
0xb3: {  	(tag) =	ssettag $0x2  }
0xb4: {  	s0 =	rddreg [dreg:$0x0];
	s2 =	stileid.u32  }
0xb5: {  	s1 =	rddreg [dreg:$0x1];
	p0 =	sne.s32 s2, $0x0  }
0xb6: {  	s3 =	rddreg [dreg:$0x2];
	[bflag:$0x3] =	sbarrier.arrive $0xFFFF;
	s2 =	simm.s32 @!p0 $0x1C01  }
0xb7: {  	[timem:s3], [sflag:s2] =	dma.local @!p0 [hbm:s0], s1  }
0xb8: {  	s0 =	simm.s32 @!p0 $0x1  }
0xb9: {  	_ =	swait.ge @!p0 [sflag:s0], s1  }
0xba: {  	s1 =	ssub.s32 @!p0 $0x0, s1;
	[sflag:s0] =	ssyncset.done @!p0 $0x0  }
0xbb: {  	[sflag:s0] =	ssyncadd.s32 @!p0 s1  }
0xbc: {  	[bflag:$0x3] =	sbarrier.arrive $0xFFFF  }
0xbd: {  	_ =	shalt  }

</sc_bundles>
